<compile_context>
chip_gen: v7x
topology: tpu7x:2x2x1
jax: 0.10.2.dev20260603
libtpu: 0.0.44.dev20260713+nightly
codegen_flags: <defaults>
</compile_context>

<pallas_src>
import functools

import jax
import jax.numpy as jnp
from jax.experimental import pallas as pl
from jax.experimental.pallas import tpu as pltpu

K = 20
EPS = 1e-5


def _lrelu(x):
    return jnp.where(x >= 0, x, 0.2 * x)


def _inorm(x):
    mu = jnp.mean(x, axis=1, keepdims=True)
    var = jnp.var(x, axis=1, keepdims=True)
    return (x - mu) / jnp.sqrt(var + EPS)


_MASKED = 3.0e38


def _topk_body(d2_ref, out_ref, *, k):
    d2 = d2_ref[...]
    r, n = d2.shape
    d2 = jnp.where(d2 >= _MASKED, _MASKED, d2)
    colid = jax.lax.broadcasted_iota(jnp.int32, (r, n), 1)
    cols = []
    for _ in range(k):
        v = jnp.min(d2, axis=1, keepdims=True)
        cand = jnp.where(d2 == v, colid, jnp.int32(2 ** 30))
        i = jnp.min(cand, axis=1, keepdims=True)
        cols.append(i)
        d2 = jnp.where(colid == i, jnp.inf, d2)
    pad = jnp.zeros((r, 128 - k), dtype=jnp.int32)
    out_ref[...] = jnp.concatenate(cols + [pad], axis=1)


def _knn_idx(x, batch, k):
    n = x.shape[0]
    sq = jnp.sum(x * x, axis=1)
    d2 = sq[:, None] + sq[None, :] - 2.0 * (x @ x.T)
    mask = (batch[:, None] != batch[None, :]) | jnp.eye(n, dtype=bool)
    d2 = jnp.where(mask, jnp.inf, d2)
    R = 512
    nbr = pl.pallas_call(
        functools.partial(_topk_body, k=k),
        grid=(n // R,),
        in_specs=[pl.BlockSpec((R, n), lambda b: (b, 0))],
        out_specs=pl.BlockSpec((R, 128), lambda b: (b, 0)),
        out_shape=jax.ShapeDtypeStruct((n, 128), jnp.int32),
    )(d2)
    return nbr[:, :k].reshape(-1)


def _edge_block(x, idx, wa, wb, n):
    c = x.shape[1]
    f = jnp.tile(x, (K, 1)).reshape(c, -1)
    f = _lrelu(_inorm(wa @ f))
    f = _lrelu(_inorm(wb @ f))
    vals = f.T
    out = jnp.full((n, f.shape[0]), -jnp.inf, dtype=f.dtype).at[idx].max(vals)
    return jnp.where(jnp.isneginf(out), 0.0, out)



def _tail_body(x1, x2, x3, x4, w9, w10, w11, w12, w13, wr, br, out):
    def norm_act(a):
        mu = jnp.mean(a, axis=1, keepdims=True)
        var = jnp.mean(a * a, axis=1, keepdims=True) - mu * mu
        y = (a - mu) * jax.lax.rsqrt(var + EPS)
        return jnp.where(y >= 0, y, 0.2 * y)

    dimn = (((1,), (1,)), ((), ()))
    xc = jnp.concatenate([x1[...], x2[...], x3[...], x4[...]], axis=1)
    g = norm_act(jax.lax.dot_general(w9[...], xc, dimn,
                                     preferred_element_type=jnp.float32))
    g = jnp.broadcast_to(jnp.max(g, axis=1, keepdims=True), g.shape)

    y4 = norm_act(jnp.dot(w10[...],
                          jnp.concatenate([g, x4[...].T], axis=0),
                          preferred_element_type=jnp.float32))
    y3 = norm_act(jnp.dot(w11[...],
                          jnp.concatenate([y4, x3[...].T], axis=0),
                          preferred_element_type=jnp.float32))
    y2 = norm_act(jnp.dot(w12[...],
                          jnp.concatenate([y3, x2[...].T], axis=0),
                          preferred_element_type=jnp.float32))
    y1 = norm_act(jnp.dot(w13[...],
                          jnp.concatenate([y2, x1[...].T], axis=0),
                          preferred_element_type=jnp.float32))
    code_t = jax.lax.dot_general(y1, wr[...], (((0,), (1,)), ((), ())),
                                 preferred_element_type=jnp.float32)
    out[...] = code_t + br[...][None, :]


def _tail(x1, x2, x3, x4, w9, w10, w11, w12, w13, wr, br):
    n = x1.shape[0]
    c = wr.shape[0]
    return pl.pallas_call(
        _tail_body,
        out_shape=jax.ShapeDtypeStruct((n, c), jnp.float32),
    )(x1, x2, x3, x4, w9, w10, w11, w12, w13, wr, br)


def kernel(pc, node_tag, W1, W2, W3, W4, W5, W6, W7, W8, W9, W10, W11, W12,
           W13, Wr, br):
    bs, n_nodes, _ = pc.shape
    n = bs * n_nodes
    batch = node_tag.reshape(-1)
    x0 = pc.reshape(-1, 3)
    idx = _knn_idx(x0, batch, K)
    x1 = _edge_block(x0, idx, W1, W2, n)
    idx = _knn_idx(x1, batch, K)
    x2 = _edge_block(x1, idx, W3, W4, n) + x1
    idx = _knn_idx(x2, batch, K)
    x3 = _edge_block(x2, idx, W5, W6, n) + x2
    idx = _knn_idx(x3, batch, K)
    x4 = _edge_block(x3, idx, W7, W8, n) + x3
    code = _tail(x1, x2, x3, x4, W9, W10, W11, W12, W13, Wr, br)
    codes = code.reshape(bs, n_nodes, -1)
    return (codes, pc)

# --- scband reference (transcript-rebuilt; emitter-appended) ---
"""Pipeline reference for scband-mogconv-3126736192095 (READ-ONLY COPY).

The authoritative reference and input builder live on the scoring server;
editing this copy changes nothing except your own understanding.
"""

import jax, jax.numpy as jnp
import numpy as np

K = 20

def _inorm(x, eps=1e-5):
    mu = jnp.mean(x, axis=1, keepdims=True)
    var = jnp.var(x, axis=1, keepdims=True)
    return (x - mu) / jnp.sqrt(var + eps)

def _lrelu(x):
    return jnp.where(x >= 0, x, 0.2 * x)

def _knn_idx(x, batch, k):
    n = x.shape[0]
    sq = jnp.sum(x * x, axis=1)
    d2 = sq[:, None] + sq[None, :] - 2.0 * (x @ x.T)
    mask = (batch[:, None] != batch[None, :]) | jnp.eye(n, dtype=bool)
    d2 = jnp.where(mask, jnp.inf, d2)
    _, nbr = jax.lax.top_k(-d2, k)
    return nbr.reshape(-1)

def _edge_block(x, idx, wa, wb, n):
    c = x.shape[1]
    f = x[idx].reshape(c, -1)
    f = _lrelu(_inorm(wa @ f))
    f = _lrelu(_inorm(wb @ f))
    vals = f.T
    out = jnp.full((n, f.shape[0]), -jnp.inf, dtype=f.dtype).at[idx].max(vals)
    return jnp.where(jnp.isneginf(out), 0.0, out)

def setup_inputs(seed: int = 0):
    key = jax.random.key(seed)
    ks = jax.random.split(key, 24)
    bs, n_nodes, h, c_dim = 2, 2048, 128, 128
    sc = 0.05
    inp = {}
    inp['pc'] = jax.random.normal(ks[0], (bs, n_nodes, 3), dtype=jnp.float32)
    inp['node_tag'] = jax.random.randint(ks[1], (bs, n_nodes), 0, 8)
    inp['W1'] = jax.random.normal(ks[2], (h, 3), dtype=jnp.float32) * sc
    for i, name in enumerate(['W2', 'W3', 'W4', 'W5', 'W6', 'W7', 'W8']):
        inp[name] = jax.random.normal(ks[3 + i], (h, h), dtype=jnp.float32) * sc
    inp['W9'] = jax.random.normal(ks[10], (2 * h, 4 * h), dtype=jnp.float32) * sc
    inp['W10'] = jax.random.normal(ks[11], (2 * h, 3 * h), dtype=jnp.float32) * sc
    inp['W11'] = jax.random.normal(ks[12], (2 * h, 3 * h), dtype=jnp.float32) * sc
    inp['W12'] = jax.random.normal(ks[13], (h, 3 * h), dtype=jnp.float32) * sc
    inp['W13'] = jax.random.normal(ks[14], (h, 2 * h), dtype=jnp.float32) * sc
    inp['Wr'] = jax.random.normal(ks[15], (c_dim, h), dtype=jnp.float32) * sc
    inp['br'] = jnp.zeros((c_dim,), dtype=jnp.float32)
    return inp

def reference(pc, node_tag, W1, W2, W3, W4, W5, W6, W7, W8, W9, W10, W11, W12, W13, Wr, br):
    bs, n_nodes, _ = pc.shape
    n = bs * n_nodes
    batch = node_tag.reshape(-1)
    x0 = pc.reshape(-1, 3)
    idx = _knn_idx(x0, batch, K)
    x1 = _edge_block(x0, idx, W1, W2, n)
    idx = _knn_idx(x1, batch, K)
    x2 = _edge_block(x1, idx, W3, W4, n) + x1
    idx = _knn_idx(x2, batch, K)
    x3 = _edge_block(x2, idx, W5, W6, n) + x2
    idx = _knn_idx(x3, batch, K)
    x4 = _edge_block(x3, idx, W7, W8, n) + x3
    xc = jnp.concatenate([x1, x2, x3, x4], axis=1).T
    g = _lrelu(_inorm(W9 @ xc))
    g = jnp.tile(jnp.max(g, axis=-1, keepdims=True), (1, n))
    y4 = _lrelu(_inorm(W10 @ jnp.concatenate([g, x4.T], axis=0)))
    y3 = _lrelu(_inorm(W11 @ jnp.concatenate([y4, x3.T], axis=0)))
    y2 = _lrelu(_inorm(W12 @ jnp.concatenate([y3, x2.T], axis=0)))
    y1 = _lrelu(_inorm(W13 @ jnp.concatenate([y2, x1.T], axis=0)))
    code = (Wr @ y1 + br[:, None]).T
    codes = code.reshape(bs, n_nodes, -1)
    return (codes, pc)

if __name__ == "__main__":
    import jax
    _d = setup_inputs()
    print(jax.jit(kernel)(*tuple(_d.values())))

</pallas_src>

<mosaic_0001>
module attributes {stable_mosaic.version = 14 : i64} {
  func.func @_tail_body(%arg0: memref<4096x128xf32, #tpu.memory_space<vmem>>, %arg1: memref<4096x128xf32, #tpu.memory_space<vmem>>, %arg2: memref<4096x128xf32, #tpu.memory_space<vmem>>, %arg3: memref<4096x128xf32, #tpu.memory_space<vmem>>, %arg4: memref<256x512xf32, #tpu.memory_space<vmem>>, %arg5: memref<256x384xf32, #tpu.memory_space<vmem>>, %arg6: memref<256x384xf32, #tpu.memory_space<vmem>>, %arg7: memref<128x384xf32, #tpu.memory_space<vmem>>, %arg8: memref<128x256xf32, #tpu.memory_space<vmem>>, %arg9: memref<128x128xf32, #tpu.memory_space<vmem>>, %arg10: memref<128xf32, #tpu.memory_space<vmem>>, %arg11: memref<4096x128xf32, #tpu.memory_space<vmem>>) attributes {dimension_semantics = [], scalar_prefetch = 0 : i64, scratch_operands = 0 : i64, tpu.core_type = #tpu.core_type<tc>} {
    %get3A = arith.constant 0 : index
    %get3A_0 = arith.constant 0 : index
    %get3A_1 = vector.load %arg0[%get3A, %get3A_0] : memref<4096x128xf32, #tpu.memory_space<vmem>>, vector<4096x128xf32>
    %get3A_2 = arith.constant 0 : index
    %get3A_3 = arith.constant 0 : index
    %get3A_4 = vector.load %arg1[%get3A_2, %get3A_3] : memref<4096x128xf32, #tpu.memory_space<vmem>>, vector<4096x128xf32>
    %get3A_5 = arith.constant 0 : index
    %get3A_6 = arith.constant 0 : index
    %get3A_7 = vector.load %arg2[%get3A_5, %get3A_6] : memref<4096x128xf32, #tpu.memory_space<vmem>>, vector<4096x128xf32>
    %get3A_8 = arith.constant 0 : index
    %get3A_9 = arith.constant 0 : index
    %get3A_10 = vector.load %arg3[%get3A_8, %get3A_9] : memref<4096x128xf32, #tpu.memory_space<vmem>>, vector<4096x128xf32>
    %concatenate3A = tpu.concatenate %get3A_1, %get3A_4, %get3A_7, %get3A_10 in 1 : vector<4096x128xf32>, vector<4096x128xf32>, vector<4096x128xf32>, vector<4096x128xf32> -> vector<4096x512xf32>
    %get3A_11 = arith.constant 0 : index
    %get3A_12 = arith.constant 0 : index
    %get3A_13 = vector.load %arg4[%get3A_11, %get3A_12] : memref<256x512xf32, #tpu.memory_space<vmem>>, vector<256x512xf32>
    %dot_general3A = arith.constant dense<0.000000e+00> : vector<256x4096xf32>
    %dot_general3A_14 = tpu.matmul %get3A_13, %concatenate3A, %dot_general3A {dimension_numbers = #tpu.dot_dimension_numbers<[1], [1], [0], [0], [0, 0, 1, 0], [], []>, transpose_lhs_hint = false} : vector<256x512xf32>, vector<4096x512xf32>, vector<256x4096xf32> -> vector<256x4096xf32>
    %reduce_sum3A = arith.constant dense<0.000000e+00> : vector<256xf32>
    %reduce_sum3A_15 = vector.multi_reduction <add>, %dot_general3A_14, %reduce_sum3A [1] : vector<256x4096xf32> to vector<256xf32>
    %broadcast_in_dim3A = vector.shape_cast %reduce_sum3A_15 : vector<256xf32> to vector<256x1xf32>
    %div3A = arith.constant 4.096000e+03 : f32
    %div3A_16 = vector.broadcast %div3A : f32 to vector<256x1xf32>
    %div3A_17 = arith.divf %broadcast_in_dim3A, %div3A_16 : vector<256x1xf32>
    %mul3A = arith.mulf %dot_general3A_14, %dot_general3A_14 : vector<256x4096xf32>
    %reduce_sum3A_18 = arith.constant dense<0.000000e+00> : vector<256xf32>
    %reduce_sum3A_19 = vector.multi_reduction <add>, %mul3A, %reduce_sum3A_18 [1] : vector<256x4096xf32> to vector<256xf32>
    %broadcast_in_dim3A_20 = vector.shape_cast %reduce_sum3A_19 : vector<256xf32> to vector<256x1xf32>
    %div3A_21 = arith.constant 4.096000e+03 : f32
    %div3A_22 = vector.broadcast %div3A_21 : f32 to vector<256x1xf32>
    %div3A_23 = arith.divf %broadcast_in_dim3A_20, %div3A_22 : vector<256x1xf32>
    %mul3A_24 = arith.mulf %div3A_17, %div3A_17 : vector<256x1xf32>
    %sub3A = arith.subf %div3A_23, %mul3A_24 : vector<256x1xf32>
    %sub3A_25 = vector.broadcast %div3A_17 : vector<256x1xf32> to vector<256x4096xf32>
    %sub3A_26 = arith.subf %dot_general3A_14, %sub3A_25 : vector<256x4096xf32>
    %add3A = arith.constant 9.99999974E-6 : f32
    %add3A_27 = vector.broadcast %add3A : f32 to vector<256x1xf32>
    %add3A_28 = arith.addf %sub3A, %add3A_27 : vector<256x1xf32>
    %rsqrt3A = math.rsqrt %add3A_28 : vector<256x1xf32>
    %mul3A_29 = vector.broadcast %rsqrt3A : vector<256x1xf32> to vector<256x4096xf32>
    %mul3A_30 = arith.mulf %sub3A_26, %mul3A_29 : vector<256x4096xf32>
    %ge3A = arith.constant 0.000000e+00 : f32
    %ge3A_31 = vector.broadcast %ge3A : f32 to vector<256x4096xf32>
    %ge3A_32 = arith.cmpf oge, %mul3A_30, %ge3A_31 : vector<256x4096xf32>
    %mul3A_33 = arith.constant 2.000000e-01 : f32
    %mul3A_34 = vector.broadcast %mul3A_33 : f32 to vector<256x4096xf32>
    %mul3A_35 = arith.mulf %mul3A_34, %mul3A_30 : vector<256x4096xf32>
    %select_n3A = arith.select %ge3A_32, %mul3A_30, %mul3A_35 : vector<256x4096xi1>, vector<256x4096xf32>
    %reduce_max3A = arith.constant dense<0xFF800000> : vector<256xf32>
    %reduce_max3A_36 = vector.multi_reduction <maximumf>, %select_n3A, %reduce_max3A [1] : vector<256x4096xf32> to vector<256xf32>
    %broadcast_in_dim3A_37 = vector.shape_cast %reduce_max3A_36 : vector<256xf32> to vector<256x1xf32>
    %broadcast_in_dim3A_38 = vector.shape_cast %broadcast_in_dim3A_37 : vector<256x1xf32> to vector<256x1xf32>
    %broadcast_in_dim3A_39 = vector.broadcast %broadcast_in_dim3A_38 : vector<256x1xf32> to vector<256x4096xf32>
    %get3A_40 = arith.constant 0 : index
    %get3A_41 = arith.constant 0 : index
    %get3A_42 = vector.load %arg5[%get3A_40, %get3A_41] : memref<256x384xf32, #tpu.memory_space<vmem>>, vector<256x384xf32>
    %get3A_43 = arith.constant 0 : index
    %get3A_44 = arith.constant 0 : index
    %get3A_45 = vector.load %arg3[%get3A_43, %get3A_44] : memref<4096x128xf32, #tpu.memory_space<vmem>>, vector<4096x128xf32>
    %transpose3A = tpu.transpose %get3A_45, [1, 0] : vector<4096x128xf32> -> vector<128x4096xf32>
    %concatenate3A_46 = tpu.concatenate %broadcast_in_dim3A_39, %transpose3A in 0 : vector<256x4096xf32>, vector<128x4096xf32> -> vector<384x4096xf32>
    %dot_general3A_47 = arith.constant dense<0.000000e+00> : vector<256x4096xf32>
    %dot_general3A_48 = tpu.matmul %get3A_42, %concatenate3A_46, %dot_general3A_47 {dimension_numbers = #tpu.dot_dimension_numbers<[1], [0], [0], [1], [0, 0, 1, 1], [], []>, transpose_lhs_hint = false} : vector<256x384xf32>, vector<384x4096xf32>, vector<256x4096xf32> -> vector<256x4096xf32>
    %reduce_sum3A_49 = arith.constant dense<0.000000e+00> : vector<256xf32>
    %reduce_sum3A_50 = vector.multi_reduction <add>, %dot_general3A_48, %reduce_sum3A_49 [1] : vector<256x4096xf32> to vector<256xf32>
    %broadcast_in_dim3A_51 = vector.shape_cast %reduce_sum3A_50 : vector<256xf32> to vector<256x1xf32>
    %div3A_52 = arith.constant 4.096000e+03 : f32
    %div3A_53 = vector.broadcast %div3A_52 : f32 to vector<256x1xf32>
    %div3A_54 = arith.divf %broadcast_in_dim3A_51, %div3A_53 : vector<256x1xf32>
    %mul3A_55 = arith.mulf %dot_general3A_48, %dot_general3A_48 : vector<256x4096xf32>
    %reduce_sum3A_56 = arith.constant dense<0.000000e+00> : vector<256xf32>
    %reduce_sum3A_57 = vector.multi_reduction <add>, %mul3A_55, %reduce_sum3A_56 [1] : vector<256x4096xf32> to vector<256xf32>
    %broadcast_in_dim3A_58 = vector.shape_cast %reduce_sum3A_57 : vector<256xf32> to vector<256x1xf32>
    %div3A_59 = arith.constant 4.096000e+03 : f32
    %div3A_60 = vector.broadcast %div3A_59 : f32 to vector<256x1xf32>
    %div3A_61 = arith.divf %broadcast_in_dim3A_58, %div3A_60 : vector<256x1xf32>
    %mul3A_62 = arith.mulf %div3A_54, %div3A_54 : vector<256x1xf32>
    %sub3A_63 = arith.subf %div3A_61, %mul3A_62 : vector<256x1xf32>
    %sub3A_64 = vector.broadcast %div3A_54 : vector<256x1xf32> to vector<256x4096xf32>
    %sub3A_65 = arith.subf %dot_general3A_48, %sub3A_64 : vector<256x4096xf32>
    %add3A_66 = arith.constant 9.99999974E-6 : f32
    %add3A_67 = vector.broadcast %add3A_66 : f32 to vector<256x1xf32>
    %add3A_68 = arith.addf %sub3A_63, %add3A_67 : vector<256x1xf32>
    %rsqrt3A_69 = math.rsqrt %add3A_68 : vector<256x1xf32>
    %mul3A_70 = vector.broadcast %rsqrt3A_69 : vector<256x1xf32> to vector<256x4096xf32>
    %mul3A_71 = arith.mulf %sub3A_65, %mul3A_70 : vector<256x4096xf32>
    %ge3A_72 = arith.constant 0.000000e+00 : f32
    %ge3A_73 = vector.broadcast %ge3A_72 : f32 to vector<256x4096xf32>
    %ge3A_74 = arith.cmpf oge, %mul3A_71, %ge3A_73 : vector<256x4096xf32>
    %mul3A_75 = arith.constant 2.000000e-01 : f32
    %mul3A_76 = vector.broadcast %mul3A_75 : f32 to vector<256x4096xf32>
    %mul3A_77 = arith.mulf %mul3A_76, %mul3A_71 : vector<256x4096xf32>
    %select_n3A_78 = arith.select %ge3A_74, %mul3A_71, %mul3A_77 : vector<256x4096xi1>, vector<256x4096xf32>
    %get3A_79 = arith.constant 0 : index
    %get3A_80 = arith.constant 0 : index
    %get3A_81 = vector.load %arg6[%get3A_79, %get3A_80] : memref<256x384xf32, #tpu.memory_space<vmem>>, vector<256x384xf32>
    %get3A_82 = arith.constant 0 : index
    %get3A_83 = arith.constant 0 : index
    %get3A_84 = vector.load %arg2[%get3A_82, %get3A_83] : memref<4096x128xf32, #tpu.memory_space<vmem>>, vector<4096x128xf32>
    %transpose3A_85 = tpu.transpose %get3A_84, [1, 0] : vector<4096x128xf32> -> vector<128x4096xf32>
    %concatenate3A_86 = tpu.concatenate %select_n3A_78, %transpose3A_85 in 0 : vector<256x4096xf32>, vector<128x4096xf32> -> vector<384x4096xf32>
    %dot_general3A_87 = arith.constant dense<0.000000e+00> : vector<256x4096xf32>
    %dot_general3A_88 = tpu.matmul %get3A_81, %concatenate3A_86, %dot_general3A_87 {dimension_numbers = #tpu.dot_dimension_numbers<[1], [0], [0], [1], [0, 0, 1, 1], [], []>, transpose_lhs_hint = false} : vector<256x384xf32>, vector<384x4096xf32>, vector<256x4096xf32> -> vector<256x4096xf32>
    %reduce_sum3A_89 = arith.constant dense<0.000000e+00> : vector<256xf32>
    %reduce_sum3A_90 = vector.multi_reduction <add>, %dot_general3A_88, %reduce_sum3A_89 [1] : vector<256x4096xf32> to vector<256xf32>
    %broadcast_in_dim3A_91 = vector.shape_cast %reduce_sum3A_90 : vector<256xf32> to vector<256x1xf32>
    %div3A_92 = arith.constant 4.096000e+03 : f32
    %div3A_93 = vector.broadcast %div3A_92 : f32 to vector<256x1xf32>
    %div3A_94 = arith.divf %broadcast_in_dim3A_91, %div3A_93 : vector<256x1xf32>
    %mul3A_95 = arith.mulf %dot_general3A_88, %dot_general3A_88 : vector<256x4096xf32>
    %reduce_sum3A_96 = arith.constant dense<0.000000e+00> : vector<256xf32>
    %reduce_sum3A_97 = vector.multi_reduction <add>, %mul3A_95, %reduce_sum3A_96 [1] : vector<256x4096xf32> to vector<256xf32>
    %broadcast_in_dim3A_98 = vector.shape_cast %reduce_sum3A_97 : vector<256xf32> to vector<256x1xf32>
    %div3A_99 = arith.constant 4.096000e+03 : f32
    %div3A_100 = vector.broadcast %div3A_99 : f32 to vector<256x1xf32>
    %div3A_101 = arith.divf %broadcast_in_dim3A_98, %div3A_100 : vector<256x1xf32>
    %mul3A_102 = arith.mulf %div3A_94, %div3A_94 : vector<256x1xf32>
    %sub3A_103 = arith.subf %div3A_101, %mul3A_102 : vector<256x1xf32>
    %sub3A_104 = vector.broadcast %div3A_94 : vector<256x1xf32> to vector<256x4096xf32>
    %sub3A_105 = arith.subf %dot_general3A_88, %sub3A_104 : vector<256x4096xf32>
    %add3A_106 = arith.constant 9.99999974E-6 : f32
    %add3A_107 = vector.broadcast %add3A_106 : f32 to vector<256x1xf32>
    %add3A_108 = arith.addf %sub3A_103, %add3A_107 : vector<256x1xf32>
    %rsqrt3A_109 = math.rsqrt %add3A_108 : vector<256x1xf32>
    %mul3A_110 = vector.broadcast %rsqrt3A_109 : vector<256x1xf32> to vector<256x4096xf32>
    %mul3A_111 = arith.mulf %sub3A_105, %mul3A_110 : vector<256x4096xf32>
    %ge3A_112 = arith.constant 0.000000e+00 : f32
    %ge3A_113 = vector.broadcast %ge3A_112 : f32 to vector<256x4096xf32>
    %ge3A_114 = arith.cmpf oge, %mul3A_111, %ge3A_113 : vector<256x4096xf32>
    %mul3A_115 = arith.constant 2.000000e-01 : f32
    %mul3A_116 = vector.broadcast %mul3A_115 : f32 to vector<256x4096xf32>
    %mul3A_117 = arith.mulf %mul3A_116, %mul3A_111 : vector<256x4096xf32>
    %select_n3A_118 = arith.select %ge3A_114, %mul3A_111, %mul3A_117 : vector<256x4096xi1>, vector<256x4096xf32>
    %get3A_119 = arith.constant 0 : index
    %get3A_120 = arith.constant 0 : index
    %get3A_121 = vector.load %arg7[%get3A_119, %get3A_120] : memref<128x384xf32, #tpu.memory_space<vmem>>, vector<128x384xf32>
    %get3A_122 = arith.constant 0 : index
    %get3A_123 = arith.constant 0 : index
    %get3A_124 = vector.load %arg1[%get3A_122, %get3A_123] : memref<4096x128xf32, #tpu.memory_space<vmem>>, vector<4096x128xf32>
    %transpose3A_125 = tpu.transpose %get3A_124, [1, 0] : vector<4096x128xf32> -> vector<128x4096xf32>
    %concatenate3A_126 = tpu.concatenate %select_n3A_118, %transpose3A_125 in 0 : vector<256x4096xf32>, vector<128x4096xf32> -> vector<384x4096xf32>
    %dot_general3A_127 = arith.constant dense<0.000000e+00> : vector<128x4096xf32>
    %dot_general3A_128 = tpu.matmul %get3A_121, %concatenate3A_126, %dot_general3A_127 {dimension_numbers = #tpu.dot_dimension_numbers<[1], [0], [0], [1], [0, 0, 1, 1], [], []>, transpose_lhs_hint = false} : vector<128x384xf32>, vector<384x4096xf32>, vector<128x4096xf32> -> vector<128x4096xf32>
    %reduce_sum3A_129 = arith.constant dense<0.000000e+00> : vector<128xf32>
    %reduce_sum3A_130 = vector.multi_reduction <add>, %dot_general3A_128, %reduce_sum3A_129 [1] : vector<128x4096xf32> to vector<128xf32>
    %broadcast_in_dim3A_131 = vector.shape_cast %reduce_sum3A_130 : vector<128xf32> to vector<128x1xf32>
    %div3A_132 = arith.constant 4.096000e+03 : f32
    %div3A_133 = vector.broadcast %div3A_132 : f32 to vector<128x1xf32>
    %div3A_134 = arith.divf %broadcast_in_dim3A_131, %div3A_133 : vector<128x1xf32>
    %mul3A_135 = arith.mulf %dot_general3A_128, %dot_general3A_128 : vector<128x4096xf32>
    %reduce_sum3A_136 = arith.constant dense<0.000000e+00> : vector<128xf32>
    %reduce_sum3A_137 = vector.multi_reduction <add>, %mul3A_135, %reduce_sum3A_136 [1] : vector<128x4096xf32> to vector<128xf32>
    %broadcast_in_dim3A_138 = vector.shape_cast %reduce_sum3A_137 : vector<128xf32> to vector<128x1xf32>
    %div3A_139 = arith.constant 4.096000e+03 : f32
    %div3A_140 = vector.broadcast %div3A_139 : f32 to vector<128x1xf32>
    %div3A_141 = arith.divf %broadcast_in_dim3A_138, %div3A_140 : vector<128x1xf32>
    %mul3A_142 = arith.mulf %div3A_134, %div3A_134 : vector<128x1xf32>
    %sub3A_143 = arith.subf %div3A_141, %mul3A_142 : vector<128x1xf32>
    %sub3A_144 = vector.broadcast %div3A_134 : vector<128x1xf32> to vector<128x4096xf32>
    %sub3A_145 = arith.subf %dot_general3A_128, %sub3A_144 : vector<128x4096xf32>
    %add3A_146 = arith.constant 9.99999974E-6 : f32
    %add3A_147 = vector.broadcast %add3A_146 : f32 to vector<128x1xf32>
    %add3A_148 = arith.addf %sub3A_143, %add3A_147 : vector<128x1xf32>
    %rsqrt3A_149 = math.rsqrt %add3A_148 : vector<128x1xf32>
    %mul3A_150 = vector.broadcast %rsqrt3A_149 : vector<128x1xf32> to vector<128x4096xf32>
    %mul3A_151 = arith.mulf %sub3A_145, %mul3A_150 : vector<128x4096xf32>
    %ge3A_152 = arith.constant 0.000000e+00 : f32
    %ge3A_153 = vector.broadcast %ge3A_152 : f32 to vector<128x4096xf32>
    %ge3A_154 = arith.cmpf oge, %mul3A_151, %ge3A_153 : vector<128x4096xf32>
    %mul3A_155 = arith.constant 2.000000e-01 : f32
    %mul3A_156 = vector.broadcast %mul3A_155 : f32 to vector<128x4096xf32>
    %mul3A_157 = arith.mulf %mul3A_156, %mul3A_151 : vector<128x4096xf32>
    %select_n3A_158 = arith.select %ge3A_154, %mul3A_151, %mul3A_157 : vector<128x4096xi1>, vector<128x4096xf32>
    %get3A_159 = arith.constant 0 : index
    %get3A_160 = arith.constant 0 : index
    %get3A_161 = vector.load %arg8[%get3A_159, %get3A_160] : memref<128x256xf32, #tpu.memory_space<vmem>>, vector<128x256xf32>
    %get3A_162 = arith.constant 0 : index
    %get3A_163 = arith.constant 0 : index
    %get3A_164 = vector.load %arg0[%get3A_162, %get3A_163] : memref<4096x128xf32, #tpu.memory_space<vmem>>, vector<4096x128xf32>
    %transpose3A_165 = tpu.transpose %get3A_164, [1, 0] : vector<4096x128xf32> -> vector<128x4096xf32>
    %concatenate3A_166 = tpu.concatenate %select_n3A_158, %transpose3A_165 in 0 : vector<128x4096xf32>, vector<128x4096xf32> -> vector<256x4096xf32>
    %dot_general3A_167 = arith.constant dense<0.000000e+00> : vector<128x4096xf32>
    %dot_general3A_168 = tpu.matmul %get3A_161, %concatenate3A_166, %dot_general3A_167 {dimension_numbers = #tpu.dot_dimension_numbers<[1], [0], [0], [1], [0, 0, 1, 1], [], []>, transpose_lhs_hint = false} : vector<128x256xf32>, vector<256x4096xf32>, vector<128x4096xf32> -> vector<128x4096xf32>
    %reduce_sum3A_169 = arith.constant dense<0.000000e+00> : vector<128xf32>
    %reduce_sum3A_170 = vector.multi_reduction <add>, %dot_general3A_168, %reduce_sum3A_169 [1] : vector<128x4096xf32> to vector<128xf32>
    %broadcast_in_dim3A_171 = vector.shape_cast %reduce_sum3A_170 : vector<128xf32> to vector<128x1xf32>
    %div3A_172 = arith.constant 4.096000e+03 : f32
    %div3A_173 = vector.broadcast %div3A_172 : f32 to vector<128x1xf32>
    %div3A_174 = arith.divf %broadcast_in_dim3A_171, %div3A_173 : vector<128x1xf32>
    %mul3A_175 = arith.mulf %dot_general3A_168, %dot_general3A_168 : vector<128x4096xf32>
    %reduce_sum3A_176 = arith.constant dense<0.000000e+00> : vector<128xf32>
    %reduce_sum3A_177 = vector.multi_reduction <add>, %mul3A_175, %reduce_sum3A_176 [1] : vector<128x4096xf32> to vector<128xf32>
    %broadcast_in_dim3A_178 = vector.shape_cast %reduce_sum3A_177 : vector<128xf32> to vector<128x1xf32>
    %div3A_179 = arith.constant 4.096000e+03 : f32
    %div3A_180 = vector.broadcast %div3A_179 : f32 to vector<128x1xf32>
    %div3A_181 = arith.divf %broadcast_in_dim3A_178, %div3A_180 : vector<128x1xf32>
    %mul3A_182 = arith.mulf %div3A_174, %div3A_174 : vector<128x1xf32>
    %sub3A_183 = arith.subf %div3A_181, %mul3A_182 : vector<128x1xf32>
    %sub3A_184 = vector.broadcast %div3A_174 : vector<128x1xf32> to vector<128x4096xf32>
    %sub3A_185 = arith.subf %dot_general3A_168, %sub3A_184 : vector<128x4096xf32>
    %add3A_186 = arith.constant 9.99999974E-6 : f32
    %add3A_187 = vector.broadcast %add3A_186 : f32 to vector<128x1xf32>
    %add3A_188 = arith.addf %sub3A_183, %add3A_187 : vector<128x1xf32>
    %rsqrt3A_189 = math.rsqrt %add3A_188 : vector<128x1xf32>
    %mul3A_190 = vector.broadcast %rsqrt3A_189 : vector<128x1xf32> to vector<128x4096xf32>
    %mul3A_191 = arith.mulf %sub3A_185, %mul3A_190 : vector<128x4096xf32>
    %ge3A_192 = arith.constant 0.000000e+00 : f32
    %ge3A_193 = vector.broadcast %ge3A_192 : f32 to vector<128x4096xf32>
    %ge3A_194 = arith.cmpf oge, %mul3A_191, %ge3A_193 : vector<128x4096xf32>
    %mul3A_195 = arith.constant 2.000000e-01 : f32
    %mul3A_196 = vector.broadcast %mul3A_195 : f32 to vector<128x4096xf32>
    %mul3A_197 = arith.mulf %mul3A_196, %mul3A_191 : vector<128x4096xf32>
    %select_n3A_198 = arith.select %ge3A_194, %mul3A_191, %mul3A_197 : vector<128x4096xi1>, vector<128x4096xf32>
    %get3A_199 = arith.constant 0 : index
    %get3A_200 = arith.constant 0 : index
    %get3A_201 = vector.load %arg9[%get3A_199, %get3A_200] : memref<128x128xf32, #tpu.memory_space<vmem>>, vector<128x128xf32>
    %dot_general3A_202 = arith.constant dense<0.000000e+00> : vector<4096x128xf32>
    %dot_general3A_203 = tpu.matmul %select_n3A_198, %get3A_201, %dot_general3A_202 {dimension_numbers = #tpu.dot_dimension_numbers<[0], [1], [1], [0], [0, 1, 1, 0], [], []>, transpose_lhs_hint = false} : vector<128x4096xf32>, vector<128x128xf32>, vector<4096x128xf32> -> vector<4096x128xf32>
    %get3A_204 = arith.constant 0 : index
    %get3A_205 = vector.load %arg10[%get3A_204] : memref<128xf32, #tpu.memory_space<vmem>>, vector<128xf32>
    %broadcast_in_dim3A_206 = vector.shape_cast %get3A_205 : vector<128xf32> to vector<1x128xf32>
    %add3A_207 = vector.broadcast %broadcast_in_dim3A_206 : vector<1x128xf32> to vector<4096x128xf32>
    %add3A_208 = arith.addf %dot_general3A_203, %add3A_207 : vector<4096x128xf32>
    %swap3A = arith.constant 0 : index
    %swap3A_209 = arith.constant 0 : index
    %swap3A_210 = vector.load %arg11[%swap3A, %swap3A_209] : memref<4096x128xf32, #tpu.memory_space<vmem>>, vector<4096x128xf32>
    tpu.vector_store %arg11[%swap3A, %swap3A_209], %add3A_208 {strides = array<i32>} : memref<4096x128xf32, #tpu.memory_space<vmem>>, vector<4096x128xf32>,
    return
  }
}

</mosaic_0001>

<sc_bundles>
// kernel: scatter_offload_async_start.1
scs
__scs_entry_jumppad:
0x0: {  	(pc) =	sbr.rel $0x88, $3  }
0x1: {  	(tag) =	ssettag $0x0;
	lr =	simm.s32 $0x1  }
0x2: {  	[smem:$0x3F90] =	sst lr;
	_ =	strace $0xD0000000  }
0x3: {  	_ = 	snop  }
0x4: {  	_ = 	snop  }
0x5: {  	_ = 	snop  }
0x6: {  	_ = 	snop  }
0x7: {  	_ = 	snop  }
__scs_overlays_trampoline_lowered:
0x8: {  	[smem:$0x3F9F] =	sst s0  }
0x9: {  	[smem:$0x3FA0] =	sst s1  }
0xa: {  	[smem:$0x3FA1] =	sst s2  }
0xb: {  	[smem:$0x3FA2] =	sst s3  }
0xc: {  	[smem:$0x3FA3] =	sst s4  }
0xd: {  	[smem:$0x3FA4] =	sst s5  }
0xe: {  	[smem:$0x3FA5] =	sst s6  }
0xf: {  	[smem:$0x3FA6] =	sst s7  }
0x10: {  	[smem:$0x3FA7] =	sst s8  }
0x11: {  	[smem:$0x3FA8] =	sst s9;
	s0 =	simm.s32 @!p0 $0x0  }
0x12: {  	s1 =	sld [smem:$0x3F8E];
	s0 =	simm.s32 @p0 $0x1  }
0x13: {  	[smem:$0x3FA9] =	sst s0;
	s0 =	simm.s32 @!p1 $0x0  }
0x14: {  	s2 =	sld [smem:$0x3F8D];
	s0 =	simm.s32 @p1 $0x1  }
0x15: {  	[smem:$0x3FAA] =	sst s0;
	s0 =	simm.s32 @!p2 $0x0  }
0x16: {  	s3 =	sld [smem:$0x3FDB];
	s0 =	simm.s32 @p2 $0x1  }
0x17: {  	s4 =	simm.s32 $0x1BF5;
	[smem:$0x3FAC] =	sst s0  }
0x18: {  	s0 =	sld [smem:$0x3F8F];
	_ =	swait.ge [sflag:s4], $0x0  }
0x19: {  	s7 =	sld [smem:$0x3F90]  }
0x1a: {  	s8 =	sadd.s32 $0xFFFFE003, lr  }
0x1b: {  	s9 =	sadd.s32 $0xFFFFFEF7, lr;
	s5 =	simm.s32 $0xFFFFFFFF;
	p2 =	slt.u32 s8, $0xFFFFF086  }
0x1c: {  	p1 =	slt.u32 s9, $0xF7A;
	s5 =	simm.s32 @!p2 $0x0  }
0x1d: {  	s5 =	simm.s32 @p1 $0x1;
	p0 =	seq.s32 s7, s2  }
0x1e: {  	s7 =	smul.u32 @!p0 $0xF7A, s2;
	p2 =	seq.s32 @!p0 s5, $0x0  }
0x1f: {  	s9 =	smul.u32 $0xF7A, s1;
	s8 =	simm.s32 @!p0 $0x1BF5;
	p2 =	por !p2, p0  }
0x20: {  	[sflag:s8] =	ssyncset.s32 @!p0 $0xFFFFF086;
	s6 =	sadd.s32 @!p0 s3, s7;
	s7 =	simm.s32 @!p0 $0x108  }
0x21: {  	s3 =	sadd.s32 s3, s9;
	s6 =	sadd.s32 @!p0 $0x88, s6;
	s7 =	simm.s32 @p2 $0x1082  }
0x22: {  	[simem:s7], [sflag:s8] =	dma.local @!p0 [hbm:s6], $0xF7A  }
0x23: {  	s9 =	sor.u32 $0xD0000000, s2;
	s6 =	simm.s32 $0x108;
	_ =	swait.ge @!p0 [sflag:s8], $0x0  }
0x24: {  	s3 =	sadd.s32 $0x88, s3;
	s6 =	simm.s32 @!p1 $0x1082;
	[sflag:s4] =	ssyncset.s32 $0xFFFFF086  }
0x25: {  	[simem:s6], [sflag:s4] =	dma.local [hbm:s3], $0xF7A  }
0x26: {  	[smem:$0x3F90] =	sst s1;
	(tag) =	ssettag s2;
	_ =	strace s9  }
0x27: {  	s1 =	sld [smem:$0x3FA0]  }
0x28: {  	s2 =	sld [smem:$0x3FA1]  }
0x29: {  	s4 =	sld [smem:$0x3FA3]  }
0x2a: {  	p0 =	seq.s32 s5, $0x0;
	s5 =	sld [smem:$0x3FA4]  }
0x2b: {  	s6 =	sld [smem:$0x3FA5]  }
0x2c: {  	s7 =	sld [smem:$0x3FA6]  }
0x2d: {  	s3 =	simm.s32 $0x108;
	s8 =	sld [smem:$0x3FA7]  }
0x2e: {  	s3 =	simm.s32 @!p0 $0x1082;
	s9 =	sld [smem:$0x3FA8]  }
0x2f: {  	lr =	sadd.s32 s0, s3;
	s0 =	sld [smem:$0x3F9F]  }
0x30: {  	s3 =	sld [smem:$0x3FA2]  }
0x31: {  	[smem:$0x3FAB] =	sst s10  }
0x32: {  	s10 =	sld [smem:$0x3FA9];
	_ =	sdelay $0x3  }
0x33: {  	p0 =	seq.s32 s10, $0x1;
	s10 =	sld [smem:$0x3FAB];
	_ =	sdelay $0x3  }
0x34: {  	[smem:$0x3FAB] =	sst s10  }
0x35: {  	s10 =	sld [smem:$0x3FAA];
	_ =	sdelay $0x3  }
0x36: {  	p1 =	seq.s32 s10, $0x1;
	s10 =	sld [smem:$0x3FAB];
	_ =	sdelay $0x3  }
0x37: {  	[smem:$0x3FAB] =	sst s10  }
0x38: {  	s10 =	sld [smem:$0x3FAC]  }
0x39: {  	_ = 	snop;
	(pc) =	sbr.ind lr, $3  }
0x3a: {  	_ = 	snop  }
0x3b: {  	_ = 	snop  }
0x3c: {  	p2 =	seq.s32 s10, $0x1;
	s10 =	sld [smem:$0x3FAB]  }
0x3d: {  	_ =	shalt  }
0x3e: {  	_ =	shalt  }
0x3f: {  	_ =	shalt  }
0x40: {  	_ =	shalt  }
0x41: {  	_ =	shalt  }
0x42: {  	_ =	shalt  }
0x43: {  	_ =	shalt  }
0x44: {  	_ =	shalt  }
0x45: {  	_ =	shalt  }
0x46: {  	_ =	shalt  }
0x47: {  	_ =	shalt  }
0x48: {  	_ =	shalt  }
0x49: {  	_ =	shalt  }
0x4a: {  	_ =	shalt  }
0x4b: {  	_ =	shalt  }
0x4c: {  	_ =	shalt  }
0x4d: {  	_ =	shalt  }
0x4e: {  	_ =	shalt  }
0x4f: {  	_ =	shalt  }
0x50: {  	_ =	shalt  }
0x51: {  	_ =	shalt  }
0x52: {  	_ =	shalt  }
0x53: {  	_ =	shalt  }
0x54: {  	_ =	shalt  }
0x55: {  	_ =	shalt  }
0x56: {  	_ =	shalt  }
0x57: {  	_ =	shalt  }
0x58: {  	_ =	shalt  }
0x59: {  	_ =	shalt  }
0x5a: {  	_ =	shalt  }
0x5b: {  	_ =	shalt  }
0x5c: {  	_ =	shalt  }
0x5d: {  	_ =	shalt  }
0x5e: {  	_ =	shalt  }
0x5f: {  	_ =	shalt  }
0x60: {  	_ =	shalt  }
0x61: {  	_ =	shalt  }
0x62: {  	_ =	shalt  }
0x63: {  	_ =	shalt  }
0x64: {  	_ =	shalt  }
0x65: {  	_ =	shalt  }
0x66: {  	_ =	shalt  }
0x67: {  	_ =	shalt  }
0x68: {  	_ =	shalt  }
0x69: {  	_ =	shalt  }
0x6a: {  	_ =	shalt  }
0x6b: {  	_ =	shalt  }
0x6c: {  	_ =	shalt  }
0x6d: {  	_ =	shalt  }
0x6e: {  	_ =	shalt  }
0x6f: {  	_ =	shalt  }
0x70: {  	_ =	shalt  }
0x71: {  	_ =	shalt  }
0x72: {  	_ =	shalt  }
0x73: {  	_ =	shalt  }
0x74: {  	_ =	shalt  }
0x75: {  	_ =	shalt  }
0x76: {  	_ =	shalt  }
0x77: {  	_ =	shalt  }
0x78: {  	_ =	shalt  }
0x79: {  	_ =	shalt  }
0x7a: {  	_ =	shalt  }
0x7b: {  	_ =	shalt  }
0x7c: {  	_ =	shalt  }
0x7d: {  	_ =	shalt  }
0x7e: {  	_ =	shalt  }
0x7f: {  	_ =	shalt  }
0x80: {  	_ =	shalt  }
0x81: {  	_ =	shalt  }
0x82: {  	_ =	shalt  }
0x83: {  	_ =	shalt  }
0x84: {  	_ =	shalt  }
0x85: {  	_ =	shalt  }
0x86: {  	_ =	shalt  }
0x87: {  	_ =	shalt  }
.Lfunc_end0:
.L_simem_size_0:
called_computation.1_lowered:
.L_overlay_start_0:
0x88: {  	s2 =	sld [smem:$0x3FD9]  }
0x89: {  	s3 =	sld [smem:$0x3FFE];
	_ =	sdelay $0x1  }
0x8a: {  	s1 =	srdreg.scid  }
0x8b: {  	s0 =	sand.u32 $0x1, s1  }
0x8c: {  	s13 =	sshll.u32 s0, $0xA;
	s2 =	sadd.s32 s3, s2  }
0x8d: {  	s2 =	sadd.s32 s2, s13  }
0x8e: {  	[smem:$0x3FB7] =	sst s2  }
0x8f: {  	_ = 	snop  }
0x90: {  	s2 =	sld [smem:$0x3FD0];
	_ =	sdelay $0x2  }
0x91: {  	s14 =	simm.s32 $0xB;
	s4 =	simm.s32 $0x10  }
0x92: {  	[smem:s4], [sflag:s14] =	dma.local [hbm:s2], $0x1  }
0x93: {  	_ =	swait.eq [sflag:s14], $0x1  }
0x94: {  	[sflag:s14] =	ssyncset.done $0x0  }
0x95: {  	[sflag:s14] =	ssyncadd.s32 $0xFFFFFFFF  }
0x96: {  	s15 =	sld [smem:$0x10];
	(tm) =	ssettm $0x1  }
0x97: {  	s16 =	sld [smem:$0x3FFB];
	_ =	sdelay $0x3  }
0x98: {  	_ =	strace s16  }
0x99: {  	s2 =	sld [smem:$0x3FFC];
	_ =	sdelay $0x3  }
0x9a: {  	_ =	strace s2  }
0x9b: {  	s2 =	sld [smem:$0x3FFD];
	_ =	sdelay $0x3  }
0x9c: {  	_ =	strace s2  }
0x9d: {  	_ =	strace $0x8FFFFFFF  }
0x9e: {  	s17 =	sld [smem:$0x3FDB];
	_ =	sdelay $0x1  }
0x9f: {  	s18 =	simm.s32 $_scs_section_size  }
0xa0: {  	s5 =	simm.s32 $_size__tile_overlayer_lowered;
	s6 =	simm.s32 $_tile_overlayer_lowered  }
0xa1: {  	s7 =	simm.s32 $0x1BFF;
	s19 =	sshll.u32 s6, $0x1;
	s4 =	sadd.s32 s18, s17  }
0xa2: {  	s20 =	simm.s32 $0x0;
	s5 =	sshll.u32 s5, $0x1;
	s6 =	sadd.s32 s19, s4  }
0xa3: {  	[timem:s20], [sflag:s7] =	dma.local [hbm:s6], s5  }
0xa4: {  	_ =	swait.ge [sflag:s7], s5  }
0xa5: {  	s5 =	ssub.s32 $0x0, s5;
	[sflag:s7] =	ssyncset.done $0x0  }
0xa6: {  	[sflag:s7] =	ssyncadd.s32 s5;
	_ =	sdelay $0x1  }
0xa7: {  	s21 =	simm.s32 $0x1B8B  }
0xa8: {  	_ =	swait.ge [sflag:s21], $0x1  }
0xa9: {  	[sflag:s21] =	ssyncset.done $0x0  }
0xaa: {  	s22 =	sld [smem:$0x3FFE];
	[sflag:s21] =	ssyncadd.s32 $0xFFFFFFFF  }
0xab: {  	s24 =	simm.s32 $0x1B8E;
	s23 =	sld [smem:$0x0]  }
0xac: {  	s25 =	simm.s32 $execute0_lowered;
	[smem:$0x3FD2] =	sst s24  }
0xad: {  	s7 =	sshll.u32 s25, $0x1;
	_ =	strace $0x8000004C;
	[dreg:$0x1] =	wrdreg $0xFFFFFFFF  }
0xae: {  	s8 =	simm.s32 $_size_execute0_lowered;
	s7 =	sadd.s32 s4, s7;
	[dreg:$0x0] =	wrdreg $0x0  }
0xaf: {  	s8 =	sshll.u32 s8, $0x1;
	[dreg:$0x2] =	wrdreg s7  }
0xb0: {  	[dreg:$0x3] =	wrdreg s8  }
0xb1: {  	[dreg:$0x4] =	wrdreg $0xC0  }
0xb2: {  	s26 =	simm.s32 $execute1_lowered;
	_ =	task [dreg:s20], $0x5FFFF  }
0xb3: {  	s7 =	sshll.u32 s26, $0x1;
	[dreg:$0x1] =	wrdreg $0xFFFFFFFF  }
0xb4: {  	s4 =	sadd.s32 s4, s7;
	[dreg:$0x0] =	wrdreg $0x60  }
0xb5: {  	[dreg:$0x2] =	wrdreg s4  }
0xb6: {  	[dreg:$0x3] =	wrdreg s15  }
0xb7: {  	[dreg:$0x4] =	wrdreg s22  }
0xb8: {  	[dreg:$0x5] =	wrdreg $0x9  }
0xb9: {  	_ =	task.clear_ibuf [dreg:s20], $0x6FFFF;
	_ =	strace $0x9000004C  }
0xba: {  	s28 =	simm.s32 $0x9;
	_ =	strace $0x8000004E  }
0xbb: {  	_ =	swait.ge [sflag:s28], $0x1  }
0xbc: {  	[sflag:s28] =	ssyncadd.s32 $0xFFFFFFFF  }
0xbd: {  	_ =	strace $0x9000004E  }
0xbe: {  	s3 =	sld [smem:$0x0]  }
0xbf: {  	s4 =	sand.u32 $0xFFFFFFFE, s1  }
0xc0: {  	p0 =	sne.s32 s1, s4  }
0xc1: {  	s4 =	sshll.u32 @p0 s4, $0xE  }
0xc2: {  	s4 =	sadd.s32 @p0 $0x11BF3, s4;
	s7 =	sshll.u32 @p0 s3, $0x11  }
0xc3: {  	s4 =	sor.u32 @p0 s7, s4  }
0xc4: {  	[sflag:s4] =	ssyncadd.remote.s32 @p0 $0x1;
	_ =	sdelay $0x1  }
0xc5: {  	s4 =	simm.s32 @p0 $0x1BF3  }
0xc6: {  	_ =	swait.eq @p0 [sflag:s4], $0x1  }
0xc7: {  	[sflag:s4] =	ssyncadd.s32 @p0 $0xFFFFFFFF  }
0xc8: {  	s7 =	sshll.u32 @!p0 s1, $0xE  }
0xc9: {  	s7 =	sor.u32 @!p0 $0x4000, s7;
	s4 =	simm.s32 @!p0 $0x1BF3  }
0xca: {  	s3 =	sshll.u32 @!p0 s3, $0x11;
	s7 =	sadd.s32 @!p0 $0x11BF3, s7;
	_ =	swait.eq @!p0 [sflag:s4], $0x1  }
0xcb: {  	s3 =	sor.u32 @!p0 s3, s7;
	[sflag:s4] =	ssyncadd.s32 @!p0 $0xFFFFFFFF  }
0xcc: {  	[sflag:s3] =	ssyncadd.remote.s32 @!p0 $0x1  }
0xcd: {  	_ =	strace $0x8000004F;
	[dreg:$0x1] =	wrdreg $0xFFFFFFFF  }
0xce: {  	[dreg:$0x0] =	wrdreg $0x2030  }
0xcf: {  	[dreg:$0x2] =	wrdreg s22  }
0xd0: {  	[dreg:$0x3] =	wrdreg s1  }
0xd1: {  	[dreg:$0x4] =	wrdreg s23  }
0xd2: {  	[dreg:$0x5] =	wrdreg $0xA  }
0xd3: {  	_ =	task.clear_ibuf [dreg:s20], $0x6FFFF;
	_ =	strace $0x9000004F  }
0xd4: {  	s29 =	simm.s32 $0xA;
	_ =	strace $0x80000051  }
0xd5: {  	_ =	swait.ge [sflag:s29], $0x1  }
0xd6: {  	[sflag:s29] =	ssyncadd.s32 $0xFFFFFFFF  }
0xd7: {  	_ =	strace $0x90000051  }
0xd8: {  	_ =	sfence  }
0xd9: {  	s30 =	sld [smem:$0x0];
	_ =	sdelay $0x2  }
0xda: {  	s31 =	sshll.u32 s1, $0xD;
	s1 =	sshrl.u32 s1, $0x2  }
0xdb: {  	s4 =	sand.u32 $0x4000, s31;
	s1 =	sadd.s32 s1, s30  }
0xdc: {  	s0 =	sor.u32 s4, s0;
	s1 =	sshll.u32 s1, $0x11  }
0xdd: {  	s0 =	sor.u32 s1, s0  }
0xde: {  	s0 =	sadd.s32 $0x8F2B, s0  }
0xdf: {  	[sflag:s0] =	ssyncadd.remote.s32 $0x1  }
0xe0: {  	_ =	sfence.sel $0xFFFF  }
0xe1: {  	[dreg:$0x0] =	wrdreg $0xFFFFFFFF;
	(pc) =	sbr.abs _section_cstart, $3  }
0xe2: {  	[dreg:$0x1] =	wrdreg $0xFFFFFFFF  }
0xe3: {  	_ =	task.clear_ibuf [dreg:s20], $0x2FFFF;
	_ =	strace $0x9FFFFFFF  }
0xe4: {  	(tm) =	ssettm $0x7FFFFFFF  }
0xe5: {  	_ =	shalt  }
tec
execute0_lowered:
.L_overlay_start_1:
0x0: {  	(tag) =	ssettag $0x1  }
0x1: {  	s2 =	rddreg [dreg:$0x0]  }
0x2: {  	s6 =	rddreg [dreg:$0x1]  }
0x3: {  	s3 =	rddreg [dreg:$0x2]  }
0x4: {  	s0 =	rddreg [dreg:$0x3];
	s4 =	stileid.u32;
	[bflag:$0x3] =	sbarrier.arrive $0xFFFF  }
0x5: {  	s1 =	simm.s32 $_size_execute1_lowered;
	s28 =	srdreg.scid;
	p0 =	sne.s32 s4, $0x0  }
0x6: {  	s1 =	sshll.u32 s1, $0x1;
	s5 =	simm.s32 @!p0 $0x1C3F;
	s7 =	simm.s32 @!p0 $0x4060  }
0x7: {  	[timem:s7], [sflag:s5] =	dma.local @!p0 [hbm:s2], s1  }
0x8: {  	s2 =	sshll.u32 s28, $0x7  }
0x9: {  	s8 =	simm.s32 $0x2;
	s4 =	sshll.u32 s4, $0x8;
	s2 =	sand.u32 $0x80, s2  }
0xa: {  	s9 =	simm.s32 $0x0;
	s11 =	simm.s32 $0x0;
	s2 =	sor.u32 s4, s2  }
0xb: {  	s10 =	simm.s32 $0x0;
	s3 =	sadd.s32 $0x165000, s3;
	s29 =	ssub.s32 $0x1000, s2  }
.Ltmp0:
0xc: {  	s7 =	simm.s32 $0x1;
	s30 =	sand.u32 $0xF80, s29;
	(pc) =	sbr.rel .LBB2_1-.Ltmp0, $4  }
0xd: {  	_ =	strace $0x8000004D;
	s4 =	simm.s32 $0x1;
	p1 =	sne.s32 s30, $0x0  }
0xe: {  	[sflag:s4] =	ssyncpa.u1 $0x0;
	s5 =	sshrl.u32 s29, $0xC;
	s7 =	simm.s32 @!p1 $0x0  }
0xf: {  	s31 =	sshll.u32 s2, $0x4;
	[sflag:s8] =	ssyncpa.u1 $0x0;
	s5 =	sadd.s32 s7, s5  }
0x10: {  	s6 =	sadd.s32 s6, s31;
	s8 =	simm.s32 $0x0;
	s7 =	sadd.s32 $0x1, s5  }
.LBB2_4:
0x11: {  	_ =	sdelay $0x3  }
0x12: {  	[tilespmem:v0+s13+$0xFFFFFFA0 ss:$0x1] =	vst.idx.msk $0xffff, v6  }
0x13: {  	v56 =	vld.idx.msk [tilespmem:v1+s14+$0x30 ss:$0x1], $0xffff;
	[tilespmem:v0+s13+$0xFFFFFFB0 ss:$0x1] =	vst.idx.msk $0xffff, v4  }
0x14: {  	v57 =	vld.idx.msk [tilespmem:v1+s14+$0xFFFFFFC0 ss:$0x1], $0xffff;
	[tilespmem:v0+s13+$0xFFFFFFC0 ss:$0x1] =	vst.idx.msk $0xffff, v2  }
0x15: {  	v58 =	vld.idx.msk [tilespmem:v1+s14+$0xFFFFFFD0 ss:$0x1], $0xffff;
	[tilespmem:v0+s13+$0xFFFFFFD0 ss:$0x1] =	vst.idx.msk $0xffff, v3  }
0x16: {  	v59 =	vld.idx.msk [tilespmem:v1+s14+$0xFFFFFFE0 ss:$0x1], $0xffff;
	[tilespmem:v0+s13+$0xFFFFFFE0 ss:$0x1] =	vst.idx.msk $0xffff, v5  }
0x17: {  	v60 =	vld.idx.msk [tilespmem:v1+s14+$0xFFFFFFF0 ss:$0x1], $0xffff;
	[tilespmem:v0+s13+$0xFFFFFFF0 ss:$0x1] =	vst.idx.msk $0xffff, v7  }
0x18: {  	v61 =	vld.idx.msk [tilespmem:v1+s14+$0x0 ss:$0x1], $0xffff;
	[tilespmem:v0+s14+$0x0 ss:$0x1] =	vst.idx.msk $0xffff, v56  }
0x19: {  	v62 =	vld.idx.msk [tilespmem:v1+s14+$0x10 ss:$0x1], $0xffff;
	[tilespmem:v0+s14+$0xFFFFFF90 ss:$0x1] =	vst.idx.msk $0xffff, v57  }
0x1a: {  	v63 =	vld.idx.msk [tilespmem:v1+s14+$0x20 ss:$0x1], $0xffff;
	[tilespmem:v0+s14+$0xFFFFFFA0 ss:$0x1] =	vst.idx.msk $0xffff, v58  }
0x1b: {  	[tilespmem:v0+s14+$0xFFFFFFB0 ss:$0x1] =	vst.idx.msk $0xffff, v59  }
0x1c: {  	[tilespmem:v0+s14+$0xFFFFFFC0 ss:$0x1] =	vst.idx.msk $0xffff, v60  }
0x1d: {  	s11 =	sshll.u32 s11, $0x4;
	[tilespmem:v0+s14+$0xFFFFFFD0 ss:$0x1] =	vst.idx.msk $0xffff, v61  }
0x1e: {  	s11 =	sand.u32 $0xFFF0, s11;
	[tilespmem:v0+s14+$0xFFFFFFE0 ss:$0x1] =	vst.idx.msk $0xffff, v62  }
0x1f: {  	s11 =	sadd.s32 s3, s11;
	[tilespmem:v0+s14+$0xFFFFFFF0 ss:$0x1] =	vst.idx.msk $0xffff, v63  }
0x20: {  	[hbm4b:s11+s8] =	stream.linear.scatter [tilespmem:s12], [sflag:$0x2], $0x4000, $0x38;
	[tilespmem:$0x10000] =	vst v63  }
.LBB2_5:
0x21: {  	p2 =	sne.s32 s10, s7  }
.Ltmp1:
0x22: {  	p1 =	slt.u32 s10, $0x2;
	(pc) =	sbr.rel @!p2 .LBB2_6-.Ltmp1, $4  }
0x23: {  	s11 =	simm.s32 @!p1 $0x2  }
0x24: {  	_ =	swait.ge @!p1 [sflag:s11], $0x4000  }
0x25: {  	s12 =	sadd.s32 $0x1, s10;
	s9 =	sadd.s32 $0x4000, s9;
	[sflag:s11] =	ssyncset.done @!p1 $0x0  }
0x26: {  	s10 =	smov.u32 s12;
	[sflag:s11] =	ssyncadd.s32 @!p1 $0xFFFFC000;
	s11 =	smov.u32 s2  }
.LBB2_1:
0x27: {  	p1 =	sge.u32 s10, s5  }
0x28: {  	s12 =	sxor.u32 @!p1 $0xFFFFFFFF, s10  }
0x29: {  	s12 =	sshll.u32 @!p1 s12, $0xE  }
0x2a: {  	s31 =	sadd.s32 $0xFFFFFFFF, s10;
	s13 =	simm.s32 @!p1 $0x0;
	s12 =	sand.u32 @!p1 $0x4000, s12  }
0x2b: {  	[tilespmem:s12], [sflag:$0x1] =	stream.linear.gather @!p1 [hbm4b:s6+s13], $0x4000, $0x38;
	[tilespmem:$0x10000] =	vst v63  }
0x2c: {  	p1 =	sge.u32 s31, s5  }
.Ltmp2:
0x2d: {  	_ = 	snop;
	(pc) =	sbr.rel @p1 .LBB2_5-.Ltmp2, $1  }
0x2e: {  	_ =	sdelay $0x3  }
0x2f: {  	s12 =	sand.u32 $0x4000, s9  }
0x30: {  	s13 =	sor.u32 $0x40, s12  }
0x31: {  	v1 =	vmov s13;
	_ =	sdelay $0x1  }
0x32: {  	_ =	swait.ge [sflag:s4], $0x4000  }
0x33: {  	[sflag:s4] =	ssyncset.done $0x0  }
0x34: {  	[sflag:s4] =	ssyncadd.s32 $0xFFFFC000;
	s13 =	simm.s32 $0x0  }
0x35: {  	s12 =	sor.u32 $0x8070, s12;
	v7 =	vld.idx.msk [tilespmem:v1+s13+$0x30 ss:$0x1], $0xffff  }
0x36: {  	v0 =	vmov s12;
	v8 =	vld.idx.msk [tilespmem:v1+s13+$0xFFFFFFC0 ss:$0x1], $0xffff  }
0x37: {  	v6 =	vld.idx.msk [tilespmem:v1+s13+$0xFFFFFFD0 ss:$0x1], $0xffff  }
0x38: {  	v4 =	vld.idx.msk [tilespmem:v1+s13+$0xFFFFFFE0 ss:$0x1], $0xffff  }
0x39: {  	v2 =	vld.idx.msk [tilespmem:v1+s13+$0xFFFFFFF0 ss:$0x1], $0xffff  }
0x3a: {  	s31 =	sshll.u32 s10, $0xE;
	v3 =	vld.idx.msk [tilespmem:v1+s13+$0x0 ss:$0x1], $0xffff  }
0x3b: {  	s12 =	sand.u32 $0x4000, s31;
	v5 =	vld.idx.msk [tilespmem:v1+s13+$0x10 ss:$0x1], $0xffff;
	[tilespmem:v0+s13+$0x0 ss:$0x1] =	vst.idx.msk $0xffff, v7  }
0x3c: {  	s14 =	simm.s32 $0x80;
	s15 =	simm.s32 $0x400;
	s12 =	sor.u32 $0x8000, s12;
	[tilespmem:v0+s13+$0xFFFFFF90 ss:$0x1] =	vst.idx.msk $0xffff, v8;
	v7 =	vld.idx.msk [tilespmem:v1+s13+$0x20 ss:$0x1], $0xffff  }
.LBB2_3:
0x3d: {  	p1 =	sne.s32 s15, $0xFE00;
	v8 =	vld.idx.msk [tilespmem:v1+s14+$0x30 ss:$0x1], $0xffff;
	[tilespmem:v0+s13+$0xFFFFFFA0 ss:$0x1] =	vst.idx.msk $0xffff, v6  }
0x3e: {  	v9 =	vld.idx.msk [tilespmem:v1+s14+$0xFFFFFFC0 ss:$0x1], $0xffff;
	[tilespmem:v0+s13+$0xFFFFFFB0 ss:$0x1] =	vst.idx.msk $0xffff, v4  }
0x3f: {  	v6 =	vld.idx.msk [tilespmem:v1+s14+$0xFFFFFFD0 ss:$0x1], $0xffff;
	[tilespmem:v0+s13+$0xFFFFFFC0 ss:$0x1] =	vst.idx.msk $0xffff, v2  }
.Ltmp3:
0x40: {  	v4 =	vld.idx.msk [tilespmem:v1+s14+$0xFFFFFFE0 ss:$0x1], $0xffff;
	[tilespmem:v0+s13+$0xFFFFFFD0 ss:$0x1] =	vst.idx.msk $0xffff, v3;
	(pc) =	sbr.rel @p1 .LBB2_3-.Ltmp3, $4  }
0x41: {  	v2 =	vld.idx.msk [tilespmem:v1+s14+$0xFFFFFFF0 ss:$0x1], $0xffff;
	[tilespmem:v0+s13+$0xFFFFFFE0 ss:$0x1] =	vst.idx.msk $0xffff, v5  }
0x42: {  	v3 =	vld.idx.msk [tilespmem:v1+s14+$0x0 ss:$0x1], $0xffff;
	[tilespmem:v0+s13+$0xFFFFFFF0 ss:$0x1] =	vst.idx.msk $0xffff, v7;
	s13 =	smov.u32 s14  }
0x43: {  	v5 =	vld.idx.msk [tilespmem:v1+s13+$0x10 ss:$0x1], $0xffff;
	[tilespmem:v0+s13+$0x0 ss:$0x1] =	vst.idx.msk $0xffff, v8  }
0x44: {  	s14 =	sshra.s32 s15, $0x2;
	s15 =	sadd.s32 $0x200, s15;
	[tilespmem:v0+s13+$0xFFFFFF90 ss:$0x1] =	vst.idx.msk $0xffff, v9;
	v7 =	vld.idx.msk [tilespmem:v1+s13+$0x20 ss:$0x1], $0xffff  }
.Ltmp4:
0x45: {  	_ = 	snop;
	(pc) =	sbr.rel .LBB2_4-.Ltmp4, $1  }
0x46: {  	_ =	sdelay $0x3  }
.LBB2_6:
0x47: {  	_ =	sfence.sel $0x180000  }
0x48: {  	s2 =	simm.s32 $0x1;
	[bflag:$0x0] =	sbarrier.arrive $0xFFFF  }
0x49: {  	s31 =	simm.s32 $0x2;
	[sflag:s2] =	ssyncpa.u1 $0x1  }
0x4a: {  	[sflag:s31] =	ssyncpa.u1 $0x1  }
0x4b: {  	_ =	strace $0x9000004D  }
0x4c: {  	s0 =	sadd.s32 @!p0 $0x100000, s0;
	[bflag:$0x2] =	sbarrier.arrive $0xFFFF  }
0x4d: {  	[sflag:s0] =	ssyncadd.tile.s32 @!p0 $0x1;
	s0 =	simm.s32 @!p0 $0x3F  }
0x4e: {  	_ =	swait.ge @!p0 [sflag:s0], s1  }
0x4f: {  	s1 =	ssub.s32 @!p0 $0x0, s1;
	[sflag:s0] =	ssyncset.done @!p0 $0x0  }
0x50: {  	[sflag:s0] =	ssyncadd.s32 @!p0 s1  }
0x51: {  	[bflag:$0x3] =	sbarrier.arrive $0xFFFF  }
0x52: {  	_ =	shalt  }
.Lfunc_end2:
execute1_lowered:
.L_overlay_start_2:
0x53: {  	(tag) =	ssettag $0x2  }
0x54: {  	s15 =	rddreg [dreg:$0x0]  }
0x55: {  	s2 =	rddreg [dreg:$0x1];
	_ =	strace $0x80000050;
	s0 =	simm.s32 $0x1  }
0x56: {  	v0 =	vimm.s32 $0x0;
	[sflag:s0] =	ssyncpa.u1 $0x0;
	s0 =	simm.s32 $0x108  }
0x57: {  	[tilespmem:s0+$0x70] =	vst v0  }
0x58: {  	[tilespmem:s0+$0x60] =	vst v0  }
0x59: {  	[tilespmem:s0+$0x50] =	vst v0  }
0x5a: {  	[tilespmem:s0+$0x40] =	vst v0  }
0x5b: {  	[tilespmem:s0+$0x30] =	vst v0  }
0x5c: {  	s3 =	simm.s32 $0x40;
	s1 =	sadd.s32 $0x165000, s15;
	[tilespmem:s0+$0x20] =	vst v0  }
0x5d: {  	s6 =	sadd.s32 $0x25000, s15;
	s14 =	sadd.s32 $0x2800, s15;
	s5 =	sand.u32 $0x1, s2;
	[tilespmem:s0+$0x10] =	vst v0  }
.LBB3_1:
0x5e: {  	s3 =	sadd.s32 $0x40, s3;
	[tilespmem:s0+$0x0] =	vst v0;
	s0 =	sadd.s32 $0x80, s0  }
0x5f: {  	p0 =	slt.u32 s3, $0x3C40;
	[tilespmem:s0+$0x70] =	vst v0  }
0x60: {  	[tilespmem:s0+$0x60] =	vst v0  }
.Ltmp5:
0x61: {  	[tilespmem:s0+$0x50] =	vst v0;
	(pc) =	sbr.rel @p0 .LBB3_1-.Ltmp5, $4  }
0x62: {  	[tilespmem:s0+$0x40] =	vst v0  }
0x63: {  	[tilespmem:s0+$0x30] =	vst v0  }
0x64: {  	[tilespmem:s0+$0x20] =	vst v0  }
0x65: {  	[tilespmem:s0+$0x10] =	vst v0  }
0x66: {  	s9 =	stileid.u32  }
0x67: {  	s2 =	smul.u32 $0xA, s9  }
0x68: {  	s3 =	smin.u32 s9, $0xB  }
0x69: {  	s2 =	sadd.s32 s3, s2  }
0x6a: {  	p0 =	slt.u32 s9, $0xB;
	s7 =	smul.u32 $0xF0, s2;
	s2 =	simm.s32 $0xA50  }
0x6b: {  	s2 =	simm.s32 @!p0 $0x960  }
0x6c: {  	s2 =	sadd.s32 s2, s7  }
0x6d: {  	s8 =	smin.u32 s2, $0xA000  }
0x6e: {  	s2 =	ssub.s32 s8, s7  }
0x6f: {  	p0 =	sgt.s32 s2, $0x0  }
0x70: {  	s29 =	simm.s32 $0x2;
	s10 =	simm.s32 $0x9;
	s2 =	simm.s32 @!p0 $0x0  }
0x71: {  	s4 =	simm.s32 $0xA;
	s11 =	simm.s32 $0xB;
	s28 =	smul.u32 $0x8889, s2  }
0x72: {  	[dreg:$0x4] =	wrdreg s5;
	s31 =	smul.u32 $0x1400, s5;
	s12 =	simm.s32 $0x1  }
0x73: {  	s22 =	simm.s32 $0x0;
	s18 =	simm.s32 $0xC;
	s30 =	sshrl.u32 s28, $0x17  }
0x74: {  	s20 =	simm.s32 $0x0;
	s21 =	simm.s32 $0x0;
	s3 =	smul.u32 $0xF0, s30  }
.Ltmp6:
0x75: {  	[tilespmem:s0+$0x0] =	vst v0;
	v0 =	vimm.s32 $0xFFFFFFFF;
	[sflag:s29] =	ssyncpa.u1 $0x0;
	s16 =	sshll.u32 s9, $0x8;
	(pc) =	sbr.rel .LBB3_3-.Ltmp6, $4  }
0x76: {  	[tilespmem:$0xF208] =	vst v0;
	[sflag:s10] =	ssyncpa.u1 $0x0;
	p0 =	sne.s32 s2, s3;
	s2 =	simm.s32 $0x1  }
0x77: {  	s14 =	sadd.s32 s31, s14;
	[sflag:s4] =	ssyncpa.u1 $0x0;
	s2 =	simm.s32 @!p0 $0x0  }
0x78: {  	s15 =	sadd.s32 s31, s15;
	[sflag:s11] =	ssyncpa.u1 $0x0;
	s13 =	sadd.s32 s30, s2  }
0x79: {  	v0 =	vlaneseq.u32;
	s19 =	smov.u32 s7;
	p0 =	por $0x0, $0x0;
	s17 =	sadd.s32 $0x1, s13  }
.LBB3_18:
0x7a: {  	s0 =	sshrl.u32 s31, $0x2  }
.LBB3_20:
0x7b: {  	_ =	swait.ge [sflag:s18], s0  }
0x7c: {  	s31 =	ssub.s32 $0x0, s0;
	v1 =	vmov s24;
	vm0 =	veq.s32 v0, $0x0;
	[sflag:s18] =	ssyncset.done $0x0  }
0x7d: {  	vm15 =	veq.s32 v0, $0x2;
	v1 =	vsel vm0, s30, v1;
	[sflag:s18] =	ssyncadd.s32 s31  }
0x7e: {  	v1 =	vsel vm15, s22, v1;
	[sflag:s18] =	ssyncpa.u1 $0x1  }
0x7f: {  	[tilespmem:$0xF208] =	vst v1  }
.LBB3_21:
0x80: {  	s0 =	sadd.s32 $0xF0, s19  }
0x81: {  	s2 =	smov.u32 s7;
	p1 =	slt.s32 s0, s8  }
0x82: {  	s2 =	smov.u32 @p1 s0;
	p1 =	sne.s32 s21, s17  }
.Ltmp7:
0x83: {  	_ = 	snop;
	(pc) =	sbr.rel @!p1 .LBB3_22-.Ltmp7, $3  }
0x84: {  	_ =	sdelay $0x1  }
0x85: {  	s22 =	smov.u32 s20;
	s31 =	sadd.s32 $0x1, s21;
	s20 =	smov.u32 s19  }
0x86: {  	p0 =	por !p0, !p0;
	s21 =	smov.u32 s31;
	s19 =	smov.u32 s2  }
.LBB3_3:
0x87: {  	p1 =	sge.u32 s21, s13  }
0x88: {  	s0 =	smulhi.u32 @!p1 $0xAAAAAAAB, s21  }
0x89: {  	s2 =	smov.u32 s19;
	p2 =	sgt.s32 @!p1 s19, $0x9F10  }
0x8a: {  	s3 =	sshra.s32 @!p1 s19, $0x1F;
	p2 =	por !p2, p1;
	s0 =	sshrl.u32 @!p1 s0, $0x1  }
0x8b: {  	s3 =	sand.u32 @!p1 s3, s19;
	s2 =	simm.s32 @p2 $0x9F10;
	s0 =	smul.u32 @!p1 $0x3, s0  }
0x8c: {  	s2 =	ssub.s32 @!p1 s2, s3  }
0x8d: {  	s2 =	sadd.s32 @!p1 $0xFFFF60F0, s2;
	s0 =	ssub.s32 @!p1 s21, s0  }
0x8e: {  	s3 =	sshll.u32 @!p1 s2, $0x2;
	p2 =	sgt.s32 @!p1 s2, $0xEF;
	s0 =	smul.u32 @!p1 $0x3C0, s0  }
0x8f: {  	s4 =	sand.u32 @!p1 $0x7, s19;
	s2 =	ssub.s32 @!p1 $0x3C0, s3;
	p2 =	por !p2, p1  }
0x90: {  	s3 =	sshrl.u32 @!p1 s19, $0x3;
	s2 =	sshrl.u32 @!p1 s2, $0x2;
	s0 =	sshrl.u32 @!p1 s0, $0x2  }
0x91: {  	s3 =	sadd.s32 @!p1 s3, s14;
	s2 =	simm.s32 @!p2 $0x0;
	s0 =	sadd.s32 @!p1 $0x10248, s0  }
0x92: {  	[tilespmem:s0], [sflag:$0xA] =	stream.linear.gather @!p1 [hbm4b:s3+s4], s2, $0x38;
	[tilespmem:$0x1F6F8] =	vst v63  }
0x93: {  	s0 =	sadd.s32 $0xFFFFFFFF, s21  }
0x94: {  	p1 =	sge.u32 s0, s13  }
0x95: {  	p2 =	sgt.s32 @!p1 s20, $0x9F10  }
0x96: {  	s2 =	smov.u32 s20;
	s3 =	sshra.s32 @!p1 s20, $0x1F;
	p2 =	por !p2, p1  }
0x97: {  	s3 =	sand.u32 @!p1 s3, s20;
	s2 =	simm.s32 @p2 $0x9F10  }
0x98: {  	s2 =	ssub.s32 @!p1 s2, s3  }
0x99: {  	s2 =	sadd.s32 @!p1 $0xFFFF60F0, s2  }
0x9a: {  	s4 =	sand.u32 @!p1 $0x1, s0;
	s3 =	sshll.u32 @!p1 s2, $0x2  }
0x9b: {  	p2 =	sgt.s32 @!p1 s2, $0xEF;
	s2 =	ssub.s32 @!p1 $0x3C0, s3;
	s3 =	smulhi.u32 @!p1 $0xAAAAAAAB, s0  }
0x9c: {  	s23 =	smul.u32 @!p1 $0x3C0, s4;
	p2 =	por !p2, p1;
	s2 =	sshrl.u32 @!p1 s2, $0x2  }
0x9d: {  	s5 =	simm.s32 @!p1 $0xA;
	s2 =	simm.s32 @!p2 $0x0;
	s3 =	sshrl.u32 @!p1 s3, $0x1  }
0x9e: {  	s23 =	sshrl.u32 @!p1 s23, $0x2;
	_ =	swait.ge @!p1 [sflag:s5], s2;
	s3 =	smul.u32 @!p1 $0x3, s3  }
0x9f: {  	s23 =	sadd.s32 @!p1 $0x10518, s23;
	s24 =	ssub.s32 @!p1 $0x0, s2;
	[sflag:s5] =	ssyncset.done @!p1 $0x0  }
0xa0: {  	[sflag:s5] =	ssyncadd.s32 @!p1 s24;
	s5 =	sshrl.u32 @!p1 s20, $0x3;
	s0 =	ssub.s32 @!p1 s0, s3  }
0xa1: {  	s24 =	sand.u32 @!p1 $0x7, s20;
	s5 =	sadd.s32 @!p1 s5, s15;
	s0 =	smul.u32 @!p1 $0x3C0, s0  }
0xa2: {  	[tilespmem:s23], [sflag:$0xB] =	stream.linear.gather @!p1 [hbm4b:s5+s24], s2, $0x38;
	[tilespmem:$0x1F6F8] =	vst v63  }
0xa3: {  	s3 =	ssub.s32 @!p1 $0xA000, s20;
	s2 =	smul.u32 @!p1 $0x1E000, s4  }
0xa4: {  	p2 =	slt.s32 @!p1 s3, $0xF0  }
0xa5: {  	p2 =	por !p2, p1;
	s0 =	sshrl.u32 @!p1 s0, $0x2;
	s2 =	sshrl.u32 @!p1 s2, $0x2  }
0xa6: {  	s3 =	simm.s32 @p2 $0xF0;
	s0 =	sadd.s32 @!p1 $0x10248, s0;
	s2 =	sor.u32 @!p1 $0x106F8, s2  }
0xa7: {  	[tilespmem:s2], [sflag:$0x9] =	stream.indirect.gather @!p1 [hbm4b:s6+s3], $0x80, s0, s3, $0xb8;
	[tilespmem:$0x1F6F8] =	vst v63  }
0xa8: {  	p1 =	slt.u32 s21, $0x2  }
.Ltmp8:
0xa9: {  	_ = 	snop;
	(pc) =	sbr.rel @p1 .LBB3_21-.Ltmp8, $1  }
0xaa: {  	_ =	sdelay $0x3  }
0xab: {  	p1 =	sgt.s32 s22, $0x9F10  }
0xac: {  	s0 =	smov.u32 s22;
	s2 =	sshra.s32 s22, $0x1F;
	s3 =	ssub.s32 $0xA000, s22  }
0xad: {  	s0 =	simm.s32 @!p1 $0x9F10;
	s2 =	sand.u32 s2, s22;
	p1 =	slt.s32 s3, $0xF0  }
0xae: {  	s0 =	ssub.s32 s0, s2;
	s3 =	simm.s32 @!p1 $0xF0  }
0xaf: {  	s0 =	sadd.s32 $0xFFFF60F0, s0;
	s25 =	sshll.u32 s3, $0x7  }
0xb0: {  	s26 =	sshll.u32 s0, $0x2;
	s2 =	sand.u32 $0x3FFFFF80, s25  }
0xb1: {  	p1 =	sgt.s32 s0, $0xEF;
	s29 =	ssub.s32 $0x3C0, s26;
	_ =	swait.ge [sflag:s10], s2  }
0xb2: {  	s2 =	ssub.s32 $0x0, s2;
	[sflag:s10] =	ssyncset.done $0x0;
	s0 =	sshrl.u32 s29, $0x2  }
0xb3: {  	[sflag:s10] =	ssyncadd.s32 s2;
	s0 =	simm.s32 @p1 $0x0  }
0xb4: {  	_ =	swait.ge [sflag:s11], s0  }
0xb5: {  	s0 =	ssub.s32 $0x0, s0;
	[sflag:s11] =	ssyncset.done $0x0  }
0xb6: {  	[sflag:s11] =	ssyncadd.s32 s0  }
0xb7: {  	v1 =	vld [tilespmem:$0xF208];
	_ =	sdelay $0x4  }
0xb8: {  	(v2sf) =	vpush v1, $0x0  }
0xb9: {  	(v2sf) =	vpush v1, $0x1  }
0xba: {  	(v2sf) =	vpush v1, $0x2;
	_ =	sdelay $0x3  }
0xbb: {  	s0 =	sadd.s32 $0xF0, s22  }
0xbc: {  	s2 =	ssub.s32 $0x14000, s22;
	p1 =	slt.s32 s8, s0  }
0xbd: {  	s0 =	smov.u32 @p1 s8;
	p1 =	sgt.s32 s2, $0x0  }
0xbe: {  	s26 =	ssub.s32 s0, s22;
	s2 =	simm.s32 @!p1 $0x0  }
0xbf: {  	p1 =	slt.s32 s2, s26  }
0xc0: {  	s26 =	smov.u32 @p1 s2  }
0xc1: {  	s25 =	simm.s32 $0x1;
	p1 =	slt.s32 s26, $0x1  }
.Ltmp9:
0xc2: {  	s25 =	simm.s32 @!p0 $0x0;
	(pc) =	sbr.rel @p1 .LBB3_8-.Ltmp9, $4  }
0xc3: {  	s31 =	smul.u32 $0x3C0, s25  }
0xc4: {  	s28 =	spop (v2sf)  }
0xc5: {  	s0 =	sshrl.u32 s31, $0x2;
	s30 =	spop (v2sf)  }
0xc6: {  	s23 =	sadd.s32 $0x10518, s0;
	s22 =	spop (v2sf)  }
0xc7: {  	s0 =	smin.u32 s26, $0x10  }
0xc8: {  	v1 =	vmov s0  }
0xc9: {  	p2 =	sgt.s32 s26, $0x10;
	vm1 =	vgt.u32 v1, v0  }
.Ltmp10:
0xca: {  	_ = 	snop;
	(pc) =	sbr.rel @!p2 .LBB3_7-.Ltmp10, $2  }
0xcb: {  	_ =	sdelay $0x2  }
0xcc: {  	s4 =	simm.s32 $0x10;
	s24 =	sadd.s32 $0xFFFFFFF0, s26;
	s0 =	smov.u32 s23;
	vm0 =	vmmov vm1  }
.LBB3_6:
0xcd: {  	s2 =	smin.u32 s24, $0x10;
	s4 =	sadd.s32 $0x10, s4;
	v1 =	vld.msk [tilespmem:s0+$0x0 ss:$0x1], vm1  }
0xce: {  	v2 =	vmov s2;
	p2 =	slt.s32 s4, s26  }
0xcf: {  	vm1 =	vgt.u32 v2, v0  }
.Ltmp11:
0xd0: {  	(pc) =	sbr.rel @p2 .LBB3_6-.Ltmp11, $3  }
0xd1: {  	_ =	sdelay $0x1  }
0xd2: {  	v1 =	vshll.u32 v1, $0x4  }
0xd3: {  	s24 =	sadd.s32 $0xFFFFFFF0, s24;
	[tilespmem:s0+$0x0] =	vst.msk vm0, v1;
	s0 =	sadd.s32 $0x10, s0;
	vm0 =	vmmov vm1  }
.LBB3_7:
0xd4: {  	_ =	sdelay $0x4  }
0xd5: {  	v1 =	vld.msk [tilespmem:s0+$0x0 ss:$0x1], vm1;
	_ =	sdelay $0x4  }
0xd6: {  	v1 =	vshll.u32 v1, $0x4  }
0xd7: {  	[tilespmem:s0+$0x0] =	vst.msk vm0, v1  }
.LBB3_8:
0xd8: {  	s0 =	sand.u32 $0x1, s21  }
0xd9: {  	s2 =	smul.u32 $0x7800, s0  }
0xda: {  	p2 =	sne.s32 s30, $0xFFFFFFFF  }
0xdb: {  	v1 =	vld @!p2 [tilespmem:s2+$0x106F8];
	_ =	sdelay $0x2  }
0xdc: {  	s0 =	smul.u32 $0xF0, s0;
	_ =	sdelay $0x1  }
0xdd: {  	v2 =	vld.msk @!p2 [tilespmem:s0+$0x10518], $0x1;
	[tilespmem:$0x108] =	vst @!p2 v1  }
0xde: {  	v1 =	vld @!p2 [tilespmem:s2+$0x10708];
	_ =	sdelay $0x4  }
0xdf: {  	[tilespmem:$0x118] =	vst @!p2 v1  }
0xe0: {  	v1 =	vld @!p2 [tilespmem:s2+$0x10718];
	_ =	sdelay $0x4  }
0xe1: {  	[tilespmem:$0x128] =	vst @!p2 v1  }
0xe2: {  	v1 =	vld @!p2 [tilespmem:s2+$0x10728];
	_ =	sdelay $0x4  }
0xe3: {  	[tilespmem:$0x138] =	vst @!p2 v1  }
0xe4: {  	v1 =	vld @!p2 [tilespmem:s2+$0x10738];
	_ =	sdelay $0x4  }
0xe5: {  	[tilespmem:$0x148] =	vst @!p2 v1  }
0xe6: {  	(v2sf) =	vpush @!p2 v2, $0x0;
	v1 =	vld @!p2 [tilespmem:s2+$0x10748];
	_ =	sdelay $0x4  }
0xe7: {  	[tilespmem:$0x158] =	vst @!p2 v1  }
0xe8: {  	v1 =	vld @!p2 [tilespmem:s2+$0x10758];
	_ =	sdelay $0x4  }
0xe9: {  	[tilespmem:$0x168] =	vst @!p2 v1  }
0xea: {  	v1 =	vld @!p2 [tilespmem:s2+$0x10768]  }
.Ltmp12:
0xeb: {  	_ = 	snop;
	(pc) =	sbr.rel @p1 .LBB3_19-.Ltmp12, $4  }
0xec: {  	_ = 	snop  }
0xed: {  	s29 =	spop @!p2 (v2sf)  }
0xee: {  	s22 =	simm.s32 @!p2 $0x0;
	s24 =	smov.u32 s29  }
0xef: {  	s29 =	smov.u32 @p2 s28;
	s24 =	smov.u32 @p2 s30;
	[tilespmem:$0x178] =	vst @!p2 v1;
	[sflag:s18] =	ssyncpa.u1 $0x0  }
0xf0: {  	v1 =	vld.msk [tilespmem:s23+$0x0], $0x1;
	_ =	sdelay $0x4  }
0xf1: {  	(v2sf) =	vpush v1, $0x0;
	_ =	sdelay $0xe  }
0xf2: {  	s2 =	smul.u32 $0x1E000, s25;
	s0 =	spop (v2sf)  }
0xf3: {  	s26 =	ssub.s32 $0x0, s26;
	p1 =	seq.s32 s29, s0  }
0xf4: {  	s30 =	sadd.s32 $0x1, s26;
	s2 =	sshrl.u32 s2, $0x2;
	p2 =	sgt.s32 @!p1 s29, $0x0  }
0xf5: {  	s25 =	sor.u32 $0x10738, s2;
	s2 =	smov.u32 s29;
	p2 =	por !p2, p1  }
0xf6: {  	s2 =	simm.s32 @p2 $0x0;
	p2 =	seq.s32 s30, $0x0  }
.Ltmp13:
0xf7: {  	_ = 	snop;
	(pc) =	sbr.rel @p2 .LBB3_11-.Ltmp13, $4  }
0xf8: {  	_ = 	snop  }
0xf9: {  	s28 =	simm.s32 $0x0;
	s31 =	sadd.s32 $0x1, s23;
	s2 =	smin.u32 @!p1 s2, $0xFFF0  }
0xfa: {  	s4 =	simm.s32 @!p1 $0x1;
	s5 =	simm.s32 @!p1 $0x7988;
	s3 =	sand.u32 @!p1 $0xFFF8, s2  }
0xfb: {  	s4 =	smov.u32 @p1 s28;
	s2 =	sand.u32 @!p1 $0x7, s2;
	s3 =	sadd.s32 @!p1 s1, s3  }
.LBB3_10:
0xfc: {  	s9 =	smov.u32 s4  }
0xfd: {  	[tilespmem:s5], [sflag:$0x2] =	stream.linear.gather @!p1 [hbm4b:s3+s2], $0x80, $0x38;
	[tilespmem:$0x1F6F8] =	vst v63  }
0xfe: {  	s30 =	sadd.s32 $0x1, s30;
	s2 =	smov.u32 s0;
	v1 =	vld.msk [tilespmem:s31+$0x0], $0x1  }
0xff: {  	p2 =	seq.s32 s30, $0x0;
	_ =	sdelay $0x3  }
0x100: {  	(v2sf) =	vpush v1, $0x0;
	_ =	sdelay $0xe  }
0x101: {  	s0 =	spop (v2sf)  }
0x102: {  	p1 =	seq.s32 s2, s0  }
0x103: {  	p3 =	sgt.s32 @!p1 s2, $0x0;
	s3 =	sshll.u32 @!p1 s4, $0x9;
	s4 =	sadd.s32 @!p1 $0x1, s4  }
.Ltmp14:
0x104: {  	p3 =	por !p3, p1;
	s3 =	sshra.s32 @!p1 s3, $0x2;
	(pc) =	sbr.rel @!p2 .LBB3_10-.Ltmp14, $4  }
0x105: {  	s4 =	smov.u32 @p1 s9;
	s2 =	simm.s32 @p3 $0x0;
	s5 =	sadd.s32 @!p1 $0x7988, s3  }
0x106: {  	s2 =	smin.u32 @!p1 s2, $0xFFF0  }
0x107: {  	s3 =	sand.u32 @!p1 $0xFFF8, s2;
	s2 =	sand.u32 @!p1 $0x7, s2  }
0x108: {  	s31 =	sadd.s32 $0x1, s31;
	s3 =	sadd.s32 @!p1 s1, s3  }
.LBB3_11:
0x109: {  	[tilespmem:s5], [sflag:$0x2] =	stream.linear.gather @!p1 [hbm4b:s3+s2], $0x80, $0x38;
	[tilespmem:$0x1F6F8] =	vst v63  }
.Ltmp15:
0x10a: {  	s0 =	sshll.u32 s4, $0x7;
	(pc) =	sbr.rel .LBB3_12-.Ltmp15, $4  }
0x10b: {  	s30 =	simm.s32 $0x2;
	s0 =	sand.u32 $0x3FFFFF80, s0  }
0x10c: {  	_ =	swait.ge [sflag:s30], s0  }
0x10d: {  	s0 =	ssub.s32 $0x0, s0;
	[sflag:s30] =	ssyncset.done $0x0  }
0x10e: {  	s31 =	simm.s32 $0x0;
	[sflag:s30] =	ssyncadd.s32 s0  }
.LBB3_13:
0x10f: {  	s0 =	sshra.s32 s0, $0x2;
	v1 =	vld [tilespmem:s25+$0xFFFFFFC0]  }
0x110: {  	v2 =	vld [tilespmem:s0+$0x108];
	_ =	sdelay $0x4  }
0x111: {  	v1 =	vmax.f32 v1, v2  }
0x112: {  	v2 =	vld [tilespmem:s0+$0x118];
	[tilespmem:s0+$0x108] =	vst v1  }
0x113: {  	v1 =	vld [tilespmem:s25+$0xFFFFFFD0];
	_ =	sdelay $0x4  }
0x114: {  	v1 =	vmax.f32 v1, v2  }
0x115: {  	v2 =	vld [tilespmem:s0+$0x128];
	[tilespmem:s0+$0x118] =	vst v1  }
0x116: {  	v1 =	vld [tilespmem:s25+$0xFFFFFFE0];
	_ =	sdelay $0x4  }
0x117: {  	v1 =	vmax.f32 v1, v2  }
0x118: {  	v2 =	vld [tilespmem:s0+$0x138];
	[tilespmem:s0+$0x128] =	vst v1  }
0x119: {  	v1 =	vld [tilespmem:s25+$0xFFFFFFF0];
	_ =	sdelay $0x4  }
0x11a: {  	v1 =	vmax.f32 v1, v2  }
0x11b: {  	v2 =	vld [tilespmem:s0+$0x148];
	[tilespmem:s0+$0x138] =	vst v1  }
0x11c: {  	v1 =	vld [tilespmem:s25+$0x0];
	_ =	sdelay $0x4  }
0x11d: {  	v1 =	vmax.f32 v1, v2  }
0x11e: {  	v2 =	vld [tilespmem:s0+$0x158];
	[tilespmem:s0+$0x148] =	vst v1  }
0x11f: {  	v1 =	vld [tilespmem:s25+$0x10];
	_ =	sdelay $0x4  }
0x120: {  	v1 =	vmax.f32 v1, v2  }
0x121: {  	v2 =	vld [tilespmem:s0+$0x168];
	[tilespmem:s0+$0x158] =	vst v1  }
0x122: {  	v1 =	vld [tilespmem:s25+$0x20];
	_ =	sdelay $0x4  }
0x123: {  	v1 =	vmax.f32 v1, v2  }
0x124: {  	v2 =	vld [tilespmem:s0+$0x178];
	[tilespmem:s0+$0x168] =	vst v1  }
0x125: {  	v1 =	vld [tilespmem:s25+$0x30];
	_ =	sdelay $0x4  }
0x126: {  	v1 =	vmax.f32 v1, v2  }
0x127: {  	[tilespmem:s0+$0x178] =	vst v1  }
.LBB3_17:
0x128: {  	s26 =	sadd.s32 $0x1, s26  }
0x129: {  	p1 =	seq.s32 s26, $0x0  }
.Ltmp16:
0x12a: {  	_ = 	snop;
	(pc) =	sbr.rel @p1 .LBB3_18-.Ltmp16, $2  }
0x12b: {  	_ =	sdelay $0x2  }
0x12c: {  	s23 =	sadd.s32 $0x1, s23;
	s25 =	sadd.s32 $0x80, s25;
	s29 =	smov.u32 s30  }
.LBB3_12:
0x12d: {  	v1 =	vld.msk [tilespmem:s23+$0x0], $0x1;
	_ =	sdelay $0x4  }
0x12e: {  	(v2sf) =	vpush v1, $0x0;
	_ =	sdelay $0xe  }
0x12f: {  	s30 =	spop (v2sf)  }
0x130: {  	p1 =	sne.s32 s29, s30  }
.Ltmp17:
0x131: {  	_ = 	snop;
	(pc) =	sbr.rel @!p1 .LBB3_13-.Ltmp17, $2  }
0x132: {  	_ =	sdelay $0x2  }
0x133: {  	s0 =	sshll.u32 s22, $0x9  }
0x134: {  	p1 =	seq.s32 s29, s24  }
.Ltmp18:
0x135: {  	_ = 	snop;
	(pc) =	sbr.rel @!p1 .LBB3_15-.Ltmp18, $1  }
0x136: {  	_ =	sdelay $0x3  }
0x137: {  	s0 =	sshra.s32 s0, $0x2  }
.Ltmp19:
0x138: {  	s0 =	sadd.s32 $0x108, s0;
	(pc) =	sbr.rel .LBB3_16-.Ltmp19, $4  }
0x139: {  	[spmem:s16] =	stream.linear.scatter [tilespmem:s0], [sflag:$0x1], $0x80, $0x38;
	[tilespmem:$0x1F6F8] =	vst v63  }
0x13a: {  	_ =	swait.ge [sflag:s12], $0x80  }
0x13b: {  	[sflag:s12] =	ssyncset.done $0x0  }
0x13c: {  	[sflag:s12] =	ssyncadd.s32 $0xFFFFFF80  }
.LBB3_15:
0x13d: {  	s2 =	sshll.u32 s28, $0x9;
	s0 =	sshra.s32 s0, $0x2  }
0x13e: {  	s2 =	sshra.s32 s2, $0x2;
	v2 =	vld [tilespmem:s0+$0x108]  }
0x13f: {  	v1 =	vld [tilespmem:s2+$0x7988];
	_ =	sdelay $0x4  }
0x140: {  	v1 =	vmax.f32 v1, v2  }
0x141: {  	v2 =	vld [tilespmem:s0+$0x118];
	[tilespmem:s0+$0x108] =	vst v1  }
0x142: {  	v1 =	vld [tilespmem:s2+$0x7998];
	_ =	sdelay $0x4  }
0x143: {  	v1 =	vmax.f32 v1, v2  }
0x144: {  	v2 =	vld [tilespmem:s0+$0x128];
	[tilespmem:s0+$0x118] =	vst v1  }
0x145: {  	v1 =	vld [tilespmem:s2+$0x79A8];
	_ =	sdelay $0x4  }
0x146: {  	v1 =	vmax.f32 v1, v2  }
0x147: {  	v2 =	vld [tilespmem:s0+$0x138];
	[tilespmem:s0+$0x128] =	vst v1  }
0x148: {  	v1 =	vld [tilespmem:s2+$0x79B8];
	_ =	sdelay $0x4  }
0x149: {  	v1 =	vmax.f32 v1, v2  }
0x14a: {  	v2 =	vld [tilespmem:s0+$0x148];
	[tilespmem:s0+$0x138] =	vst v1  }
0x14b: {  	v1 =	vld [tilespmem:s2+$0x79C8];
	_ =	sdelay $0x4  }
0x14c: {  	v1 =	vmax.f32 v1, v2  }
0x14d: {  	v2 =	vld [tilespmem:s0+$0x158];
	[tilespmem:s0+$0x148] =	vst v1  }
0x14e: {  	v1 =	vld [tilespmem:s2+$0x79D8];
	_ =	sdelay $0x4  }
0x14f: {  	v1 =	vmax.f32 v1, v2  }
0x150: {  	v2 =	vld [tilespmem:s0+$0x168];
	[tilespmem:s0+$0x158] =	vst v1  }
0x151: {  	v1 =	vld [tilespmem:s2+$0x79E8];
	_ =	sdelay $0x4  }
0x152: {  	v1 =	vmax.f32 v1, v2  }
0x153: {  	v2 =	vld [tilespmem:s0+$0x178];
	[tilespmem:s0+$0x168] =	vst v1  }
0x154: {  	v1 =	vld [tilespmem:s2+$0x79F8];
	_ =	sdelay $0x3  }
0x155: {  	p1 =	sgt.u32 s29, $0xFFF0  }
0x156: {  	s2 =	sand.u32 @!p1 $0xFFF8, s29;
	v1 =	vmax.f32 v1, v2  }
0x157: {  	s3 =	sadd.s32 $0x108, s0;
	[tilespmem:s0+$0x178] =	vst v1;
	s0 =	sadd.s32 @!p1 s1, s2;
	s2 =	sand.u32 @!p1 $0x7, s29  }
0x158: {  	[hbm4b:s0+s2] =	stream.linear.scatter @!p1 [tilespmem:s3], [sflag:$0xC], $0x80, $0x38;
	[tilespmem:$0x1F6F8] =	vst v63  }
0x159: {  	s0 =	simm.s32 $0x0  }
0x15a: {  	s0 =	simm.s32 @!p1 $0x200  }
0x15b: {  	s31 =	sadd.s32 s0, s31  }
.LBB3_16:
0x15c: {  	s0 =	sadd.s32 $0x1, s22  }
0x15d: {  	s2 =	smulhi.u32 $0x88888889, s0;
	_ =	sdelay $0x1  }
0x15e: {  	v1 =	vld [tilespmem:s25+$0xFFFFFFC0];
	s2 =	sshrl.u32 s2, $0x7  }
0x15f: {  	s2 =	smul.u32 $0xF0, s2;
	_ =	sdelay $0x1  }
0x160: {  	s22 =	ssub.s32 s0, s2  }
0x161: {  	s0 =	sshll.u32 s22, $0x7  }
0x162: {  	[tilespmem:s0+$0x108] =	vst v1  }
0x163: {  	v1 =	vld [tilespmem:s25+$0xFFFFFFD0];
	_ =	sdelay $0x4  }
0x164: {  	[tilespmem:s0+$0x118] =	vst v1  }
0x165: {  	v1 =	vld [tilespmem:s25+$0xFFFFFFE0];
	_ =	sdelay $0x4  }
0x166: {  	[tilespmem:s0+$0x128] =	vst v1  }
0x167: {  	v1 =	vld [tilespmem:s25+$0xFFFFFFF0];
	_ =	sdelay $0x4  }
0x168: {  	[tilespmem:s0+$0x138] =	vst v1  }
0x169: {  	v1 =	vld [tilespmem:s25+$0x0];
	_ =	sdelay $0x4  }
0x16a: {  	[tilespmem:s0+$0x148] =	vst v1  }
0x16b: {  	v1 =	vld [tilespmem:s25+$0x10];
	_ =	sdelay $0x4  }
0x16c: {  	[tilespmem:s0+$0x158] =	vst v1  }
0x16d: {  	v1 =	vld [tilespmem:s25+$0x20];
	_ =	sdelay $0x4  }
0x16e: {  	[tilespmem:s0+$0x168] =	vst v1  }
0x16f: {  	v1 =	vld [tilespmem:s25+$0x30]  }
.Ltmp20:
0x170: {  	_ = 	snop;
	(pc) =	sbr.rel .LBB3_17-.Ltmp20, $2  }
0x171: {  	_ =	sdelay $0x2  }
0x172: {  	s28 =	sadd.s32 $0x1, s28;
	[tilespmem:s0+$0x178] =	vst v1  }
.LBB3_19:
.Ltmp21:
0x173: {  	(pc) =	sbr.rel .LBB3_20-.Ltmp21, $4  }
0x174: {  	_ = 	snop  }
0x175: {  	s0 =	simm.s32 $0x2  }
0x176: {  	_ =	swait.ge [sflag:s0], $0x0  }
0x177: {  	s30 =	smov.u32 s29;
	[sflag:s0] =	ssyncset.done $0x0;
	s0 =	simm.s32 $0x0  }
.LBB3_22:
0x178: {  	_ =	sfence.sel $0x180000  }
0x179: {  	s0 =	simm.s32 $0x9;
	[bflag:$0x0] =	sbarrier.arrive $0xFFFF  }
0x17a: {  	s24 =	simm.s32 $0xA;
	[sflag:s0] =	ssyncpa.u1 $0x1  }
0x17b: {  	s25 =	simm.s32 $0xB;
	[sflag:s24] =	ssyncpa.u1 $0x1  }
0x17c: {  	s26 =	simm.s32 $0x2;
	[sflag:s25] =	ssyncpa.u1 $0x1  }
0x17d: {  	[sflag:s26] =	ssyncpa.u1 $0x1  }
0x17e: {  	v0 =	vld [tilespmem:$0xF208];
	_ =	sdelay $0x4  }
0x17f: {  	(v2sf) =	vpush v0, $0x0  }
0x180: {  	(v2sf) =	vpush v0, $0x1;
	_ =	sdelay $0x1  }
0x181: {  	(v2sf) =	vpush v0, $0x2;
	_ =	sdelay $0xb  }
0x182: {  	s0 =	spop (v2sf)  }
0x183: {  	s2 =	spop (v2sf)  }
0x184: {  	s3 =	smov.u32 s0;
	p0 =	sne.s32 s0, s2  }
0x185: {  	s4 =	spop (v2sf);
	s3 =	simm.s32 @!p0 $0xFFFFFFFF  }
0x186: {  	v2 =	vimm.s32 $0x1;
	v3 =	vlaneseq.u32;
	p0 =	seq.s32 s4, $0xFFFFFFFF;
	v1 =	vmov s3  }
0x187: {  	s16 =	stileid.u32;
	v0 =	vperm.xlane v0, v2;
	p1 =	sne.s32 @!p0 s0, s2;
	v1 =	vperm.xlane v1, v3  }
0x188: {  	vm0 =	vcmask $0x3F04;
	s6 =	simm.s32 $0xF208;
	s0 =	simm.s32 @!p0 $0x1;
	p1 =	por !p1, p0  }
0x189: {  	s3 =	sshll.u32 s16, $0x1;
	s2 =	sshll.u32 @!p0 s4, $0x9;
	s0 =	simm.s32 @p1 $0x0;
	v0 =	vsel vm0, v1, v0  }
0x18a: {  	s5 =	sor.u32 $0x1000, s3;
	s2 =	sshra.s32 @!p0 s2, $0x2;
	s0 =	sor.u32 @!p0 s0, s3;
	[tilespmem:$0xF208] =	vst v0  }
0x18b: {  	[spmem:s5] =	stream.linear.scatter [tilespmem:s6], [sflag:$0x1], $0x2, $0x38;
	[tilespmem:$0x1F6F8] =	vst v63  }
0x18c: {  	s2 =	sadd.s32 @!p0 $0x108, s2;
	s0 =	sshll.u32 @!p0 s0, $0x7  }
0x18d: {  	[spmem:s0] =	stream.linear.scatter @!p0 [tilespmem:s2], [sflag:$0x1], $0x80, $0x38;
	[tilespmem:$0x1F6F8] =	vst v63  }
0x18e: {  	s0 =	simm.s32 @!p0 $0x82  }
0x18f: {  	s28 =	simm.s32 $0x1;
	s0 =	simm.s32 @p0 $0x2  }
0x190: {  	_ =	swait.ge [sflag:s28], s0  }
0x191: {  	s0 =	ssub.s32 $0x0, s0;
	[sflag:s28] =	ssyncset.done $0x0  }
0x192: {  	p0 =	sne.s32 s16, $0x0;
	[sflag:s28] =	ssyncadd.s32 s0  }
.Ltmp22:
0x193: {  	_ =	sfence.stream.spmem;
	(pc) =	sbr.rel @p0 .LBB3_39-.Ltmp22, $4  }
0x194: {  	s29 =	simm.s32 $0x3;
	[bflag:$0x0] =	sbarrier.arrive $0xFFFF  }
0x195: {  	s30 =	simm.s32 $0x4;
	[sflag:s29] =	ssyncpa.u1 $0x1  }
0x196: {  	s31 =	simm.s32 $0x3C;
	[sflag:s30] =	ssyncpa.u1 $0x1  }
0x197: {  	s15 =	rddreg [dreg:$0x4];
	[sflag:s31] =	ssyncpa.u1 $0x1  }
0x198: {  	_ =	sfence.stream.spmem;
	s0 =	simm.s32 $0x5  }
0x199: {  	s2 =	simm.s32 $0x1000;
	s3 =	simm.s32 $0xF218;
	[sflag:s0] =	ssyncpa.u1 $0x0  }
0x19a: {  	[tilespmem:s3], [sflag:$0x5] =	stream.linear.gather [spmem:s2], $0x20, $0x38;
	[tilespmem:$0x1F6F8] =	vst v63  }
0x19b: {  	s26 =	simm.s32 $0x0;
	s28 =	simm.s32 $0xF238  }
0x19c: {  	[tilespmem:s28], [sflag:$0x5] =	stream.linear.gather [spmem:s26], $0x1000, $0x38;
	[tilespmem:$0x1F6F8] =	vst v63  }
0x19d: {  	_ =	swait.ge [sflag:s0], $0x1020  }
0x19e: {  	[sflag:s0] =	ssyncset.done $0x0  }
0x19f: {  	s29 =	simm.s32 $0x0;
	[sflag:s0] =	ssyncadd.s32 $0xFFFFEFE0  }
0x1a0: {  	v0 =	vld.msk [tilespmem:s29+$0xF218], $0x1;
	_ =	sdelay $0x1  }
0x1a1: {  	s30 =	simm.s32 $0x1  }
0x1a2: {  	v1 =	vld.msk [tilespmem:s30+$0xF218], $0x1;
	_ =	sdelay $0x1  }
0x1a3: {  	(v2sf) =	vpush v0, $0x0;
	_ =	sdelay $0x2  }
0x1a4: {  	(v2sf) =	vpush v1, $0x0;
	_ =	sdelay $0x2  }
0x1a5: {  	s31 =	simm.s32 $0x2  }
0x1a6: {  	v0 =	vld.msk [tilespmem:s31+$0xF218], $0x1;
	_ =	sdelay $0x2  }
0x1a7: {  	s4 =	simm.s32 $0xFFFFFFFF;
	s5 =	simm.s32 $0xFFFFFFFF;
	s0 =	simm.s32 $0xC  }
.LBB3_24:
0x1a8: {  	s2 =	smov.u32 s5;
	s3 =	smov.u32 s4  }
0x1a9: {  	s4 =	sshra.s32 s0, $0x2;
	p1 =	sne.s32 s0, $0x7C;
	s0 =	sadd.s32 $0x4, s0;
	(v2sf) =	vpush v0, $0x0  }
0x1aa: {  	v0 =	vld.msk [tilespmem:s4+$0xF218], $0x1  }
.Ltmp23:
0x1ab: {  	(pc) =	sbr.rel @p1 .LBB3_24-.Ltmp23, $4  }
0x1ac: {  	s5 =	spop (v2sf)  }
0x1ad: {  	p2 =	sne.s32 s3, $0xFFFFFFFF;
	s4 =	smov.u32 s5  }
0x1ae: {  	p3 =	seq.s32 s5, $0xFFFFFFFF;
	s4 =	smov.u32 @p2 s3  }
0x1af: {  	s5 =	smov.u32 @p3 s2;
	s4 =	smov.u32 @p3 s3  }
0x1b0: {  	(v2sf) =	vpush v0, $0x0;
	_ =	sdelay $0x8  }
0x1b1: {  	s0 =	spop (v2sf)  }
0x1b2: {  	p1 =	sne.s32 s4, $0xFFFFFFFF;
	s2 =	smov.u32 s0  }
0x1b3: {  	s9 =	simm.s32 $0x6;
	p2 =	seq.s32 s0, $0xFFFFFFFF;
	s2 =	smov.u32 @p1 s4  }
0x1b4: {  	s6 =	simm.s32 $0x0;
	s2 =	smov.u32 @p2 s4;
	s3 =	spop (v2sf)  }
0x1b5: {  	s0 =	smov.u32 @p2 s5;
	p1 =	sne.s32 s2, $0xFFFFFFFF;
	s4 =	smov.u32 s3  }
.Ltmp24:
0x1b6: {  	p2 =	seq.s32 s3, $0xFFFFFFFF;
	s4 =	smov.u32 @p1 s2;
	(pc) =	sbr.rel .LBB3_26-.Ltmp24, $4  }
0x1b7: {  	s10 =	simm.s32 $0xF188;
	s4 =	smov.u32 @p2 s2;
	s7 =	spop (v2sf)  }
0x1b8: {  	s11 =	simm.s32 $0x0;
	p1 =	sne.s32 s4, $0xFFFFFFFF;
	s8 =	smov.u32 s7  }
0x1b9: {  	s3 =	smov.u32 @p2 s0;
	p2 =	seq.s32 s7, $0xFFFFFFFF;
	s8 =	smov.u32 @p1 s4  }
0x1ba: {  	[sflag:s9] =	ssyncpa.u1 $0x0;
	s7 =	smov.u32 @p2 s3;
	s8 =	smov.u32 @p2 s4  }
.LBB3_32:
0x1bb: {  	p1 =	sgt.u32 s12, $0xFFF0  }
0x1bc: {  	p2 =	seq.s32 @!p1 s12, s8  }
0x1bd: {  	p1 =	por p1, p2  }
0x1be: {  	p2 =	sne.s32 @!p1 s12, s7  }
0x1bf: {  	p1 =	por p1, !p2  }
0x1c0: {  	s0 =	sshll.u32 @p1 s11, $0x9  }
0x1c1: {  	s0 =	sand.u32 @!p1 $0xFFF8, s12  }
0x1c2: {  	s2 =	sand.u32 @!p1 $0x7, s12;
	s0 =	sadd.s32 @!p1 s1, s0  }
0x1c3: {  	[tilespmem:s10], [sflag:$0x6] =	stream.linear.gather @!p1 [hbm4b:s0+s2], $0x80, $0x38;
	[tilespmem:$0x1F6F8] =	vst v63  }
0x1c4: {  	_ =	swait.ge @!p1 [sflag:s9], $0x80  }
0x1c5: {  	[sflag:s9] =	ssyncset.done @!p1 $0x0  }
0x1c6: {  	s0 =	sshll.u32 @!p1 s11, $0x9;
	[sflag:s9] =	ssyncadd.s32 @!p1 $0xFFFFFF80  }
0x1c7: {  	s2 =	sshrl.u32 @!p1 s0, $0x2;
	v1 =	vld @!p1 [tilespmem:$0xF188]  }
0x1c8: {  	v2 =	vld @!p1 [tilespmem:s2+$0xF238];
	_ =	sdelay $0x4  }
0x1c9: {  	v1 =	vmax.f32 @!p1 v1, v2  }
0x1ca: {  	v2 =	vld @!p1 [tilespmem:s2+$0xF248];
	[tilespmem:s2+$0xF238] =	vst @!p1 v1  }
0x1cb: {  	v1 =	vld @!p1 [tilespmem:$0xF198];
	_ =	sdelay $0x4  }
0x1cc: {  	v1 =	vmax.f32 @!p1 v1, v2  }
0x1cd: {  	v2 =	vld @!p1 [tilespmem:s2+$0xF258];
	[tilespmem:s2+$0xF248] =	vst @!p1 v1  }
0x1ce: {  	v1 =	vld @!p1 [tilespmem:$0xF1A8];
	_ =	sdelay $0x4  }
0x1cf: {  	v1 =	vmax.f32 @!p1 v1, v2  }
0x1d0: {  	v2 =	vld @!p1 [tilespmem:s2+$0xF268];
	[tilespmem:s2+$0xF258] =	vst @!p1 v1  }
0x1d1: {  	v1 =	vld @!p1 [tilespmem:$0xF1B8];
	_ =	sdelay $0x4  }
0x1d2: {  	v1 =	vmax.f32 @!p1 v1, v2  }
0x1d3: {  	v2 =	vld @!p1 [tilespmem:s2+$0xF278];
	[tilespmem:s2+$0xF268] =	vst @!p1 v1  }
0x1d4: {  	v1 =	vld @!p1 [tilespmem:$0xF1C8];
	_ =	sdelay $0x4  }
0x1d5: {  	v1 =	vmax.f32 @!p1 v1, v2  }
0x1d6: {  	v2 =	vld @!p1 [tilespmem:s2+$0xF288];
	[tilespmem:s2+$0xF278] =	vst @!p1 v1  }
0x1d7: {  	v1 =	vld @!p1 [tilespmem:$0xF1D8];
	_ =	sdelay $0x4  }
0x1d8: {  	v1 =	vmax.f32 @!p1 v1, v2  }
0x1d9: {  	v2 =	vld @!p1 [tilespmem:s2+$0xF298];
	[tilespmem:s2+$0xF288] =	vst @!p1 v1  }
0x1da: {  	v1 =	vld @!p1 [tilespmem:$0xF1E8];
	_ =	sdelay $0x4  }
0x1db: {  	v1 =	vmax.f32 @!p1 v1, v2  }
0x1dc: {  	v2 =	vld @!p1 [tilespmem:s2+$0xF2A8];
	[tilespmem:s2+$0xF298] =	vst @!p1 v1  }
0x1dd: {  	v1 =	vld @!p1 [tilespmem:$0xF1F8];
	_ =	sdelay $0x4  }
0x1de: {  	v1 =	vmax.f32 @!p1 v1, v2  }
0x1df: {  	[tilespmem:s2+$0xF2A8] =	vst @!p1 v1  }
0x1e0: {  	s0 =	sshrl.u32 s0, $0x2;
	[tilespmem:s6+$0xF218] =	vst.msk $0x1, v0  }
0x1e1: {  	v0 =	vld [tilespmem:s0+$0xF238];
	_ =	sdelay $0x2  }
0x1e2: {  	s31 =	sshll.u32 s6, $0x9  }
0x1e3: {  	s2 =	sshra.s32 s31, $0x2  }
0x1e4: {  	[tilespmem:s2+$0xF238] =	vst v0  }
0x1e5: {  	v0 =	vld [tilespmem:s0+$0xF248];
	_ =	sdelay $0x4  }
0x1e6: {  	[tilespmem:s2+$0xF248] =	vst v0  }
0x1e7: {  	v0 =	vld [tilespmem:s0+$0xF258];
	_ =	sdelay $0x4  }
0x1e8: {  	[tilespmem:s2+$0xF258] =	vst v0  }
0x1e9: {  	v0 =	vld [tilespmem:s0+$0xF268];
	_ =	sdelay $0x4  }
0x1ea: {  	[tilespmem:s2+$0xF268] =	vst v0  }
0x1eb: {  	v0 =	vld [tilespmem:s0+$0xF278];
	_ =	sdelay $0x4  }
0x1ec: {  	[tilespmem:s2+$0xF278] =	vst v0  }
0x1ed: {  	v0 =	vld [tilespmem:s0+$0xF288];
	_ =	sdelay $0x4  }
0x1ee: {  	[tilespmem:s2+$0xF288] =	vst v0  }
0x1ef: {  	v0 =	vld [tilespmem:s0+$0xF298];
	_ =	sdelay $0x4  }
0x1f0: {  	[tilespmem:s2+$0xF298] =	vst v0  }
0x1f1: {  	v0 =	vld [tilespmem:s0+$0xF2A8];
	_ =	sdelay $0x4  }
0x1f2: {  	s6 =	sadd.s32 $0x1, s6;
	[tilespmem:s2+$0xF2A8] =	vst v0  }
.LBB3_33:
0x1f3: {  	s11 =	sadd.s32 $0x1, s11  }
0x1f4: {  	p1 =	sne.s32 s11, $0x20  }
.Ltmp25:
0x1f5: {  	_ = 	snop;
	(pc) =	sbr.rel @!p1 .LBB3_34-.Ltmp25, $1  }
0x1f6: {  	_ =	sdelay $0x3  }
.LBB3_26:
0x1f7: {  	v0 =	vld.msk [tilespmem:s11+$0xF218], $0x1;
	_ =	sdelay $0x4  }
0x1f8: {  	(v2sf) =	vpush v0, $0x0;
	_ =	sdelay $0xe  }
0x1f9: {  	s12 =	spop (v2sf)  }
0x1fa: {  	p1 =	seq.s32 s12, $0xFFFFFFFF  }
.Ltmp26:
0x1fb: {  	_ = 	snop;
	(pc) =	sbr.rel @p1 .LBB3_33-.Ltmp26, $1  }
0x1fc: {  	_ =	sdelay $0x3  }
0x1fd: {  	p1 =	slt.s32 s6, $0x1  }
.Ltmp27:
0x1fe: {  	_ = 	snop;
	(pc) =	sbr.rel @p1 .LBB3_32-.Ltmp27, $1  }
0x1ff: {  	_ =	sdelay $0x3  }
0x200: {  	s13 =	simm.s32 $0xF218;
	p1 =	por $0x0, $0x0  }
0x201: {  	v1 =	vld.msk @!p1 [tilespmem:s13+$0x0], $0x1;
	_ =	sdelay $0x4  }
0x202: {  	(v2sf) =	vpush @!p1 v1, $0x0;
	_ =	sdelay $0xd  }
0x203: {  	p3 =	sne.s32 s6, $0x1  }
.Ltmp28:
0x204: {  	s0 =	spop @!p1 (v2sf);
	(pc) =	sbr.rel @!p3 .LBB3_30-.Ltmp28, $4  }
0x205: {  	p2 =	seq.s32 @!p1 s12, s0  }
0x206: {  	s14 =	simm.s32 $0x0;
	p2 =	por !p2, p1  }
0x207: {  	s2 =	simm.s32 $0xFFFFFFFF;
	s14 =	simm.s32 @p2 $0xFFFFFFFF  }
0x208: {  	s0 =	simm.s32 $0x1;
	s14 =	smov.u32 @p1 s2  }
.LBB3_29:
0x209: {  	s2 =	smov.u32 s14;
	p1 =	sne.s32 s14, $0xFFFFFFFF  }
0x20a: {  	s13 =	sadd.s32 $0x1, s13;
	s14 =	smov.u32 s0;
	s0 =	sadd.s32 $0x1, s0  }
0x20b: {  	p2 =	sne.s32 s6, s0;
	v1 =	vld.msk @!p1 [tilespmem:s13+$0x0], $0x1;
	_ =	sdelay $0x4  }
0x20c: {  	(v2sf) =	vpush @!p1 v1, $0x0;
	_ =	sdelay $0xe  }
.Ltmp29:
0x20d: {  	s3 =	spop @!p1 (v2sf);
	(pc) =	sbr.rel @p2 .LBB3_29-.Ltmp29, $4  }
0x20e: {  	p3 =	seq.s32 @!p1 s12, s3  }
0x20f: {  	p3 =	por !p3, p1  }
0x210: {  	s14 =	simm.s32 @p3 $0xFFFFFFFF  }
0x211: {  	s14 =	smov.u32 @p1 s2  }
.LBB3_30:
0x212: {  	p1 =	seq.s32 s14, $0xFFFFFFFF  }
.Ltmp30:
0x213: {  	_ = 	snop;
	(pc) =	sbr.rel @p1 .LBB3_32-.Ltmp30, $1  }
0x214: {  	_ =	sdelay $0x3  }
0x215: {  	s0 =	sshll.u32 s11, $0x7  }
0x216: {  	s2 =	sshll.u32 s14, $0x9;
	s0 =	sand.u32 $0x3FFFFF80, s0  }
0x217: {  	s2 =	sshra.s32 s2, $0x2;
	v0 =	vld [tilespmem:s0+$0xF238]  }
0x218: {  	v1 =	vld [tilespmem:s2+$0xF238];
	_ =	sdelay $0x4  }
0x219: {  	v0 =	vmax.f32 v0, v1  }
0x21a: {  	v57 =	vld [tilespmem:s2+$0xF248];
	[tilespmem:s2+$0xF238] =	vst v0  }
0x21b: {  	v0 =	vld [tilespmem:s0+$0xF248];
	_ =	sdelay $0x4  }
0x21c: {  	v0 =	vmax.f32 v0, v57  }
0x21d: {  	v58 =	vld [tilespmem:s2+$0xF258];
	[tilespmem:s2+$0xF248] =	vst v0  }
0x21e: {  	v0 =	vld [tilespmem:s0+$0xF258];
	_ =	sdelay $0x4  }
0x21f: {  	v0 =	vmax.f32 v0, v58  }
0x220: {  	v59 =	vld [tilespmem:s2+$0xF268];
	[tilespmem:s2+$0xF258] =	vst v0  }
0x221: {  	v0 =	vld [tilespmem:s0+$0xF268];
	_ =	sdelay $0x4  }
0x222: {  	v0 =	vmax.f32 v0, v59  }
0x223: {  	v60 =	vld [tilespmem:s2+$0xF278];
	[tilespmem:s2+$0xF268] =	vst v0  }
0x224: {  	v0 =	vld [tilespmem:s0+$0xF278];
	_ =	sdelay $0x4  }
0x225: {  	v0 =	vmax.f32 v0, v60  }
0x226: {  	v61 =	vld [tilespmem:s2+$0xF288];
	[tilespmem:s2+$0xF278] =	vst v0  }
0x227: {  	v0 =	vld [tilespmem:s0+$0xF288];
	_ =	sdelay $0x4  }
0x228: {  	v0 =	vmax.f32 v0, v61  }
0x229: {  	v62 =	vld [tilespmem:s2+$0xF298];
	[tilespmem:s2+$0xF288] =	vst v0  }
0x22a: {  	v0 =	vld [tilespmem:s0+$0xF298];
	_ =	sdelay $0x4  }
0x22b: {  	v0 =	vmax.f32 v0, v62  }
0x22c: {  	v63 =	vld [tilespmem:s2+$0xF2A8];
	[tilespmem:s2+$0xF298] =	vst v0  }
0x22d: {  	v0 =	vld [tilespmem:s0+$0xF2A8];
	_ =	sdelay $0x1  }
.Ltmp31:
0x22e: {  	_ = 	snop;
	(pc) =	sbr.rel .LBB3_33-.Ltmp31, $3  }
0x22f: {  	_ =	sdelay $0x1  }
0x230: {  	v0 =	vmax.f32 v0, v63  }
0x231: {  	[tilespmem:s2+$0xF2A8] =	vst v0  }
.LBB3_34:
0x232: {  	s0 =	simm.s32 $0x6;
	p1 =	seq.s32 s6, $0x0  }
0x233: {  	[sflag:s0] =	ssyncpa.u1 $0x1;
	v0 =	vimm.s32 @p1 $0xFFFFFFFF  }
0x234: {  	s9 =	sadd.s32 $0xFFFFFFFF, s6;
	[tilespmem:$0x10238] =	vst @p1 v0  }
0x235: {  	v0 =	vld.msk @!p1 [tilespmem:s9+$0xF218], $0x1;
	_ =	sdelay $0x1  }
0x236: {  	v1 =	vld.msk @!p1 [tilespmem:$0xF218], $0x1;
	_ =	sdelay $0x2  }
0x237: {  	p2 =	seq.s32 @!p1 s9, $0x0;
	v0 =	vbroadcast @!p1 v0, $0x0  }
0x238: {  	vm0 =	vmmov @!p1 $0x1;
	p2 =	por !p2, p1  }
0x239: {  	v1 =	vnsel @!p1 vm0, $0xFFFFFFFF, v1;
	vm0 =	vcmask @!p1 $0x308;
	v0 =	vpsel !p2, $0xFFFFFFFF, v0  }
0x23a: {  	p2 =	sne.s32 @!p1 s8, s7;
	v0 =	vsel @!p1 vm0, v1, v0  }
0x23b: {  	s0 =	simm.s32 @!p1 $0xF238;
	s2 =	simm.s32 @!p1 $0x0;
	p3 =	por !p2, p1;
	[tilespmem:$0x10238] =	vst @!p1 v0  }
0x23c: {  	[spmem:s2] =	stream.linear.scatter @!p1 [tilespmem:s0], [sflag:$0x1], $0x80, $0x38;
	[tilespmem:$0x1F6F8] =	vst v63  }
0x23d: {  	s0 =	sshll.u32 @!p3 s9, $0x9  }
0x23e: {  	s0 =	sshra.s32 @!p3 s0, $0x2  }
0x23f: {  	s2 =	simm.s32 @!p3 $0x80;
	s0 =	sadd.s32 @!p3 $0xF238, s0  }
0x240: {  	[spmem:s2] =	stream.linear.scatter @!p3 [tilespmem:s0], [sflag:$0x1], $0x80, $0x38;
	[tilespmem:$0x1F6F8] =	vst v63  }
0x241: {  	s0 =	simm.s32 @!p3 $0x1  }
0x242: {  	_ =	swait.ge @!p3 [sflag:s0], $0x100  }
0x243: {  	p1 =	por p2, p1;
	[sflag:s0] =	ssyncset.done @!p3 $0x0  }
0x244: {  	[sflag:s0] =	ssyncadd.s32 @!p3 $0xFFFFFF00;
	s0 =	simm.s32 @!p1 $0x1  }
0x245: {  	_ =	swait.ge @!p1 [sflag:s0], $0x80  }
0x246: {  	s29 =	simm.s32 $0x10238;
	[sflag:s0] =	ssyncset.done @!p1 $0x0  }
0x247: {  	s30 =	simm.s32 $0x1000;
	s31 =	simm.s32 $0x1;
	[sflag:s0] =	ssyncadd.s32 @!p1 $0xFFFFFF80  }
0x248: {  	[spmem:s30] =	stream.linear.scatter [tilespmem:s29], [sflag:$0x1], $0x10, $0x38;
	[tilespmem:$0x1F6F8] =	vst v63  }
0x249: {  	_ =	swait.ge [sflag:s31], $0x10  }
0x24a: {  	[sflag:s31] =	ssyncset.done $0x0  }
0x24b: {  	p1 =	seq.s32 s15, $0x0;
	s8 =	rddreg [dreg:$0x1];
	[sflag:s31] =	ssyncadd.s32 $0xFFFFFFF0  }
0x24c: {  	s2 =	sshll.u32 @p1 s8, $0xE;
	s7 =	rddreg [dreg:$0x2]  }
0x24d: {  	s0 =	sadd.s32 @p1 $0x15C3C, s2;
	s2 =	sshll.u32 @p1 s7, $0x11  }
0x24e: {  	_ =	sfence.stream.spmem;
	s0 =	sor.u32 @p1 s2, s0  }
0x24f: {  	[sflag:s0] =	ssyncadd.remote.s32 @p1 $0x1;
	s0 =	simm.s32 @p1 $0x4  }
0x250: {  	s3 =	simm.s32 @!p1 $0x3C;
	s2 =	sand.u32 $0xFFFFFFFE, s8;
	_ =	swait.ge @p1 [sflag:s0], $0x22  }
0x251: {  	s4 =	simm.s32 @!p1 $0x0;
	s2 =	sadd.s32 @!p1 $0x4, s2;
	[sflag:s0] =	ssyncset.done @p1 $0x0  }
0x252: {  	s5 =	simm.s32 @!p1 $0x100;
	[sflag:s0] =	ssyncadd.s32 @p1 $0xFFFFFFDE;
	s0 =	sshll.u32 @!p1 s2, $0x1A  }
0x253: {  	s2 =	sshll.u32 @!p1 s2, $0xD;
	s0 =	sor.u32 @!p1 s0, s7;
	_ =	swait.eq @!p1 [sflag:s3], $0x1  }
0x254: {  	s2 =	sor.u32 @!p1 $0x1C04, s2;
	s3 =	simm.s32 @!p1 $0x1C03;
	s0 =	sor.u32 @!p1 $0x80004000, s0  }
0x255: {  	[spmem:s5], [sflag:s2] =	dma.general @!p1 [spmem:s4], [sflag:s3], length:$0x20, [dreg:$0x0], stride_count:$0x0, ici_dest:s0, dma_misc:DstOpCode:WRITE  }
0x256: {  	p2 =	slt.s32 s9, $0x2;
	s4 =	simm.s32 @!p1 $0x200;
	s5 =	simm.s32 @!p1 $0x202  }
0x257: {  	[spmem:s5], [sflag:s2] =	dma.general @!p1 [spmem:s4], [sflag:s3], length:$0x2, [dreg:$0x0], stride_count:$0x0, ici_dest:s0, dma_misc:DstOpCode:WRITE  }
.Ltmp32:
0x258: {  	s0 =	simm.s32 @!p1 $0x3;
	(pc) =	sbr.rel @p2 .LBB3_38-.Ltmp32, $4  }
0x259: {  	s2 =	sshll.u32 @!p1 s8, $0xE;
	_ =	swait.ge @!p1 [sflag:s0], $0x22  }
0x25a: {  	s3 =	sshll.u32 @!p1 s7, $0x11;
	s2 =	sadd.s32 @!p1 $0x11C3C, s2;
	[sflag:s0] =	ssyncset.done @!p1 $0x0  }
0x25b: {  	[sflag:s0] =	ssyncadd.s32 @!p1 $0xFFFFFFDE;
	s0 =	sor.u32 @!p1 s3, s2  }
0x25c: {  	[sflag:s0] =	ssyncadd.remote.s32 @!p1 $0xFFFFFFFF;
	s0 =	simm.s32 $0x0  }
0x25d: {  	s0 =	simm.s32 $0xF219  }
0x25e: {  	v0 =	vld.msk [tilespmem:s0+$0x0], $0x1;
	_ =	sdelay $0x4  }
0x25f: {  	(v2sf) =	vpush v0, $0x0;
	_ =	sdelay $0xb  }
0x260: {  	s31 =	sadd.s32 $0xFFFFFFFE, s6  }
0x261: {  	s0 =	sadd.s32 $0xFFFFFFFF, s31  }
0x262: {  	p2 =	sne.s32 s0, $0x0  }
.Ltmp33:
0x263: {  	s2 =	spop (v2sf);
	(pc) =	sbr.rel @!p2 .LBB3_37-.Ltmp33, $4  }
0x264: {  	s4 =	simm.s32 $0xF2B8;
	s7 =	simm.s32 $0x0;
	p1 =	sgt.u32 s2, $0xFFF0  }
0x265: {  	s5 =	simm.s32 $0x0;
	s6 =	simm.s32 $0xF21A;
	s3 =	sand.u32 @!p1 $0xFFF8, s2  }
0x266: {  	s2 =	sand.u32 @!p1 $0x7, s2;
	s7 =	simm.s32 @!p1 $0x200;
	s3 =	sadd.s32 @!p1 s1, s3  }
0x267: {  	[hbm4b:s3+s2] =	stream.linear.scatter @!p1 [tilespmem:s4], [sflag:$0x5], $0x80, $0x38;
	[tilespmem:$0x1F6F8] =	vst v63  }
.LBB3_36:
0x268: {  	v0 =	vld.msk [tilespmem:s6+$0x0], $0x1;
	s0 =	sadd.s32 $0xFFFFFFFF, s0;
	s5 =	sadd.s32 s5, s7  }
0x269: {  	p1 =	sne.s32 s0, $0x0;
	_ =	sdelay $0x3  }
0x26a: {  	(v2sf) =	vpush v0, $0x0;
	_ =	sdelay $0xe  }
.Ltmp34:
0x26b: {  	s2 =	spop (v2sf);
	(pc) =	sbr.rel @p1 .LBB3_36-.Ltmp34, $4  }
0x26c: {  	s7 =	simm.s32 $0x0;
	p2 =	sgt.u32 s2, $0xFFF0  }
0x26d: {  	s4 =	sadd.s32 $0x80, s4;
	s7 =	simm.s32 @!p2 $0x200;
	s3 =	sand.u32 @!p2 $0xFFF8, s2  }
0x26e: {  	s6 =	sadd.s32 $0x1, s6;
	s2 =	sand.u32 @!p2 $0x7, s2;
	s3 =	sadd.s32 @!p2 s1, s3  }
0x26f: {  	[hbm4b:s3+s2] =	stream.linear.scatter @!p2 [tilespmem:s4], [sflag:$0x5], $0x80, $0x38;
	[tilespmem:$0x1F6F8] =	vst v63  }
.LBB3_37:
0x270: {  	s0 =	sadd.s32 s5, s7  }
0x271: {  	s0 =	sshrl.u32 s0, $0x2  }
.LBB3_38:
0x272: {  	s2 =	simm.s32 $0x5  }
0x273: {  	_ =	swait.ge [sflag:s2], s0  }
0x274: {  	s31 =	ssub.s32 $0x0, s0;
	[sflag:s2] =	ssyncset.done $0x0  }
0x275: {  	[sflag:s2] =	ssyncadd.s32 s31  }
0x276: {  	[sflag:s2] =	ssyncpa.u1 $0x1  }
.LBB3_39:
0x277: {  	s0 =	sor.u32 s15, s16  }
0x278: {  	p1 =	sne.s32 s0, $0x0  }
.Ltmp35:
0x279: {  	_ = 	snop;
	(pc) =	sbr.rel @p1 .LBB3_54-.Ltmp35, $3  }
0x27a: {  	_ =	sdelay $0x1  }
0x27b: {  	[bflag:$0x0] =	sbarrier.arrive $0xFFFF  }
0x27c: {  	_ =	sfence  }
0x27d: {  	s0 =	simm.s32 $0x7  }
0x27e: {  	s2 =	simm.s32 $0x1000;
	s3 =	simm.s32 $0xF218;
	[sflag:s0] =	ssyncpa.u1 $0x0  }
0x27f: {  	[tilespmem:s3], [sflag:$0x7] =	stream.linear.gather [spmem:s2], $0x20, $0x38;
	[tilespmem:$0x1F6F8] =	vst v63  }
0x280: {  	s30 =	simm.s32 $0xF238;
	s2 =	simm.s32 $0x0  }
0x281: {  	[tilespmem:s30], [sflag:$0x7] =	stream.linear.gather [spmem:s2], $0x1000, $0x38;
	[tilespmem:$0x1F6F8] =	vst v63  }
.Ltmp36:
0x282: {  	_ = 	snop;
	(pc) =	sbr.rel .LBB3_41-.Ltmp36, $4  }
0x283: {  	_ =	swait.ge [sflag:s0], $0x1020  }
0x284: {  	[sflag:s0] =	ssyncset.done $0x0  }
0x285: {  	s31 =	simm.s32 $0x8;
	[sflag:s0] =	ssyncadd.s32 $0xFFFFEFE0  }
0x286: {  	s3 =	simm.s32 $0x0;
	[sflag:s31] =	ssyncpa.u1 $0x0  }
.LBB3_47:
0x287: {  	p1 =	slt.u32 s4, $0xFFF1  }
0x288: {  	s0 =	sand.u32 @p1 $0xFFF8, s4  }
0x289: {  	s4 =	sand.u32 @p1 $0x7, s4;
	s5 =	simm.s32 @p1 $0xF188;
	s0 =	sadd.s32 @p1 s1, s0  }
0x28a: {  	[tilespmem:s5], [sflag:$0x8] =	stream.linear.gather @p1 [hbm4b:s0+s4], $0x80, $0x38;
	[tilespmem:$0x1F6F8] =	vst v63  }
0x28b: {  	s0 =	simm.s32 @p1 $0x8  }
0x28c: {  	_ =	swait.ge @p1 [sflag:s0], $0x80  }
0x28d: {  	[sflag:s0] =	ssyncset.done @p1 $0x0  }
0x28e: {  	[sflag:s0] =	ssyncadd.s32 @p1 $0xFFFFFF80;
	s0 =	sshll.u32 @p1 s3, $0x9  }
0x28f: {  	s4 =	sshrl.u32 @p1 s0, $0x2;
	v1 =	vld @p1 [tilespmem:$0xF188]  }
0x290: {  	v2 =	vld @p1 [tilespmem:s4+$0xF238];
	_ =	sdelay $0x4  }
0x291: {  	v1 =	vmax.f32 @p1 v1, v2  }
0x292: {  	v2 =	vld @p1 [tilespmem:s4+$0xF248];
	[tilespmem:s4+$0xF238] =	vst @p1 v1  }
0x293: {  	v1 =	vld @p1 [tilespmem:$0xF198];
	_ =	sdelay $0x4  }
0x294: {  	v1 =	vmax.f32 @p1 v1, v2  }
0x295: {  	v2 =	vld @p1 [tilespmem:s4+$0xF258];
	[tilespmem:s4+$0xF248] =	vst @p1 v1  }
0x296: {  	v1 =	vld @p1 [tilespmem:$0xF1A8];
	_ =	sdelay $0x4  }
0x297: {  	v1 =	vmax.f32 @p1 v1, v2  }
0x298: {  	v2 =	vld @p1 [tilespmem:s4+$0xF268];
	[tilespmem:s4+$0xF258] =	vst @p1 v1  }
0x299: {  	v1 =	vld @p1 [tilespmem:$0xF1B8];
	_ =	sdelay $0x4  }
0x29a: {  	v1 =	vmax.f32 @p1 v1, v2  }
0x29b: {  	v2 =	vld @p1 [tilespmem:s4+$0xF278];
	[tilespmem:s4+$0xF268] =	vst @p1 v1  }
0x29c: {  	v1 =	vld @p1 [tilespmem:$0xF1C8];
	_ =	sdelay $0x4  }
0x29d: {  	v1 =	vmax.f32 @p1 v1, v2  }
0x29e: {  	v2 =	vld @p1 [tilespmem:s4+$0xF288];
	[tilespmem:s4+$0xF278] =	vst @p1 v1  }
0x29f: {  	v1 =	vld @p1 [tilespmem:$0xF1D8];
	_ =	sdelay $0x4  }
0x2a0: {  	v1 =	vmax.f32 @p1 v1, v2  }
0x2a1: {  	v2 =	vld @p1 [tilespmem:s4+$0xF298];
	[tilespmem:s4+$0xF288] =	vst @p1 v1  }
0x2a2: {  	v1 =	vld @p1 [tilespmem:$0xF1E8];
	_ =	sdelay $0x4  }
0x2a3: {  	v1 =	vmax.f32 @p1 v1, v2  }
0x2a4: {  	v2 =	vld @p1 [tilespmem:s4+$0xF2A8];
	[tilespmem:s4+$0xF298] =	vst @p1 v1  }
0x2a5: {  	v1 =	vld @p1 [tilespmem:$0xF1F8];
	_ =	sdelay $0x4  }
0x2a6: {  	s5 =	sshll.u32 @!p1 s3, $0x9;
	v1 =	vmax.f32 @p1 v1, v2  }
0x2a7: {  	s5 =	smov.u32 @p1 s0;
	[tilespmem:s4+$0xF2A8] =	vst @p1 v1  }
0x2a8: {  	s0 =	sshrl.u32 s5, $0x2;
	[tilespmem:s2+$0xF218] =	vst.msk $0x1, v0  }
0x2a9: {  	v0 =	vld [tilespmem:s0+$0xF238];
	_ =	sdelay $0x2  }
0x2aa: {  	s31 =	sshll.u32 s2, $0x9  }
0x2ab: {  	s4 =	sshra.s32 s31, $0x2  }
0x2ac: {  	[tilespmem:s4+$0xF238] =	vst v0  }
0x2ad: {  	v0 =	vld [tilespmem:s0+$0xF248];
	_ =	sdelay $0x4  }
0x2ae: {  	[tilespmem:s4+$0xF248] =	vst v0  }
0x2af: {  	v0 =	vld [tilespmem:s0+$0xF258];
	_ =	sdelay $0x4  }
0x2b0: {  	[tilespmem:s4+$0xF258] =	vst v0  }
0x2b1: {  	v0 =	vld [tilespmem:s0+$0xF268];
	_ =	sdelay $0x4  }
0x2b2: {  	[tilespmem:s4+$0xF268] =	vst v0  }
0x2b3: {  	v0 =	vld [tilespmem:s0+$0xF278];
	_ =	sdelay $0x4  }
0x2b4: {  	[tilespmem:s4+$0xF278] =	vst v0  }
0x2b5: {  	v0 =	vld [tilespmem:s0+$0xF288];
	_ =	sdelay $0x4  }
0x2b6: {  	[tilespmem:s4+$0xF288] =	vst v0  }
0x2b7: {  	v0 =	vld [tilespmem:s0+$0xF298];
	_ =	sdelay $0x4  }
0x2b8: {  	[tilespmem:s4+$0xF298] =	vst v0  }
0x2b9: {  	v0 =	vld [tilespmem:s0+$0xF2A8];
	_ =	sdelay $0x4  }
0x2ba: {  	s2 =	sadd.s32 $0x1, s2;
	[tilespmem:s4+$0xF2A8] =	vst v0  }
.LBB3_48:
0x2bb: {  	s3 =	sadd.s32 $0x1, s3  }
0x2bc: {  	p1 =	sne.s32 s3, $0x20  }
.Ltmp37:
0x2bd: {  	_ = 	snop;
	(pc) =	sbr.rel @!p1 .LBB3_49-.Ltmp37, $1  }
0x2be: {  	_ =	sdelay $0x3  }
.LBB3_41:
0x2bf: {  	v0 =	vld.msk [tilespmem:s3+$0xF218], $0x1;
	_ =	sdelay $0x4  }
0x2c0: {  	(v2sf) =	vpush v0, $0x0;
	_ =	sdelay $0xe  }
0x2c1: {  	s4 =	spop (v2sf)  }
0x2c2: {  	p1 =	seq.s32 s4, $0xFFFFFFFF  }
.Ltmp38:
0x2c3: {  	_ = 	snop;
	(pc) =	sbr.rel @p1 .LBB3_48-.Ltmp38, $1  }
0x2c4: {  	_ =	sdelay $0x3  }
0x2c5: {  	p1 =	slt.s32 s2, $0x1  }
.Ltmp39:
0x2c6: {  	_ = 	snop;
	(pc) =	sbr.rel @p1 .LBB3_47-.Ltmp39, $1  }
0x2c7: {  	_ =	sdelay $0x3  }
0x2c8: {  	s5 =	simm.s32 $0xF218;
	p1 =	por $0x0, $0x0  }
0x2c9: {  	v1 =	vld.msk @!p1 [tilespmem:s5+$0x0], $0x1;
	_ =	sdelay $0x4  }
0x2ca: {  	(v2sf) =	vpush @!p1 v1, $0x0;
	_ =	sdelay $0xd  }
0x2cb: {  	p3 =	sne.s32 s2, $0x1  }
.Ltmp40:
0x2cc: {  	s0 =	spop @!p1 (v2sf);
	(pc) =	sbr.rel @!p3 .LBB3_45-.Ltmp40, $4  }
0x2cd: {  	p2 =	seq.s32 @!p1 s4, s0  }
0x2ce: {  	s6 =	simm.s32 $0x0;
	p2 =	por !p2, p1  }
0x2cf: {  	s7 =	simm.s32 $0xFFFFFFFF;
	s6 =	simm.s32 @p2 $0xFFFFFFFF  }
0x2d0: {  	s0 =	simm.s32 $0x1;
	s6 =	smov.u32 @p1 s7  }
.LBB3_44:
0x2d1: {  	s7 =	smov.u32 s6;
	p1 =	sne.s32 s6, $0xFFFFFFFF  }
0x2d2: {  	s5 =	sadd.s32 $0x1, s5;
	s6 =	smov.u32 s0;
	s0 =	sadd.s32 $0x1, s0  }
0x2d3: {  	p2 =	sne.s32 s2, s0;
	v1 =	vld.msk @!p1 [tilespmem:s5+$0x0], $0x1;
	_ =	sdelay $0x4  }
0x2d4: {  	(v2sf) =	vpush @!p1 v1, $0x0;
	_ =	sdelay $0xe  }
.Ltmp41:
0x2d5: {  	s8 =	spop @!p1 (v2sf);
	(pc) =	sbr.rel @p2 .LBB3_44-.Ltmp41, $4  }
0x2d6: {  	p3 =	seq.s32 @!p1 s4, s8  }
0x2d7: {  	p3 =	por !p3, p1  }
0x2d8: {  	s6 =	simm.s32 @p3 $0xFFFFFFFF  }
0x2d9: {  	s6 =	smov.u32 @p1 s7  }
.LBB3_45:
0x2da: {  	p1 =	seq.s32 s6, $0xFFFFFFFF  }
.Ltmp42:
0x2db: {  	_ = 	snop;
	(pc) =	sbr.rel @p1 .LBB3_47-.Ltmp42, $1  }
0x2dc: {  	_ =	sdelay $0x3  }
0x2dd: {  	s0 =	sshll.u32 s3, $0x7  }
0x2de: {  	s4 =	sshll.u32 s6, $0x9;
	s0 =	sand.u32 $0x3FFFFF80, s0  }
0x2df: {  	s4 =	sshra.s32 s4, $0x2;
	v0 =	vld [tilespmem:s0+$0xF238]  }
0x2e0: {  	v1 =	vld [tilespmem:s4+$0xF238];
	_ =	sdelay $0x4  }
0x2e1: {  	v0 =	vmax.f32 v0, v1  }
0x2e2: {  	v57 =	vld [tilespmem:s4+$0xF248];
	[tilespmem:s4+$0xF238] =	vst v0  }
0x2e3: {  	v0 =	vld [tilespmem:s0+$0xF248];
	_ =	sdelay $0x4  }
0x2e4: {  	v0 =	vmax.f32 v0, v57  }
0x2e5: {  	v58 =	vld [tilespmem:s4+$0xF258];
	[tilespmem:s4+$0xF248] =	vst v0  }
0x2e6: {  	v0 =	vld [tilespmem:s0+$0xF258];
	_ =	sdelay $0x4  }
0x2e7: {  	v0 =	vmax.f32 v0, v58  }
0x2e8: {  	v59 =	vld [tilespmem:s4+$0xF268];
	[tilespmem:s4+$0xF258] =	vst v0  }
0x2e9: {  	v0 =	vld [tilespmem:s0+$0xF268];
	_ =	sdelay $0x4  }
0x2ea: {  	v0 =	vmax.f32 v0, v59  }
0x2eb: {  	v60 =	vld [tilespmem:s4+$0xF278];
	[tilespmem:s4+$0xF268] =	vst v0  }
0x2ec: {  	v0 =	vld [tilespmem:s0+$0xF278];
	_ =	sdelay $0x4  }
0x2ed: {  	v0 =	vmax.f32 v0, v60  }
0x2ee: {  	v61 =	vld [tilespmem:s4+$0xF288];
	[tilespmem:s4+$0xF278] =	vst v0  }
0x2ef: {  	v0 =	vld [tilespmem:s0+$0xF288];
	_ =	sdelay $0x4  }
0x2f0: {  	v0 =	vmax.f32 v0, v61  }
0x2f1: {  	v62 =	vld [tilespmem:s4+$0xF298];
	[tilespmem:s4+$0xF288] =	vst v0  }
0x2f2: {  	v0 =	vld [tilespmem:s0+$0xF298];
	_ =	sdelay $0x4  }
0x2f3: {  	v0 =	vmax.f32 v0, v62  }
0x2f4: {  	v63 =	vld [tilespmem:s4+$0xF2A8];
	[tilespmem:s4+$0xF298] =	vst v0  }
0x2f5: {  	v0 =	vld [tilespmem:s0+$0xF2A8];
	_ =	sdelay $0x1  }
.Ltmp43:
0x2f6: {  	_ = 	snop;
	(pc) =	sbr.rel .LBB3_48-.Ltmp43, $3  }
0x2f7: {  	_ =	sdelay $0x1  }
0x2f8: {  	v0 =	vmax.f32 v0, v63  }
0x2f9: {  	[tilespmem:s4+$0xF2A8] =	vst v0  }
.LBB3_49:
0x2fa: {  	p1 =	slt.s32 s2, $0x1  }
.Ltmp44:
0x2fb: {  	_ = 	snop;
	(pc) =	sbr.rel @p1 .LBB3_53-.Ltmp44, $3  }
0x2fc: {  	_ =	sdelay $0x1  }
0x2fd: {  	s0 =	simm.s32 $0x8  }
0x2fe: {  	s3 =	simm.s32 $0x0;
	[sflag:s0] =	ssyncpa.u1 $0x1  }
0x2ff: {  	s0 =	simm.s32 $0xF218  }
0x300: {  	v0 =	vld.msk [tilespmem:s0+$0x0], $0x1;
	_ =	sdelay $0x4  }
0x301: {  	(v2sf) =	vpush v0, $0x0;
	_ =	sdelay $0xe  }
0x302: {  	s0 =	sadd.s32 $0xFFFFFFFF, s2;
	s5 =	spop (v2sf)  }
0x303: {  	p2 =	sne.s32 s0, $0x0;
	p1 =	sgt.u32 s5, $0xFFF0  }
.Ltmp45:
0x304: {  	s6 =	sand.u32 @!p1 $0xFFF8, s5;
	(pc) =	sbr.rel @!p2 .LBB3_52-.Ltmp45, $4  }
0x305: {  	s4 =	simm.s32 $0xF238;
	s5 =	sand.u32 @!p1 $0x7, s5;
	s2 =	sadd.s32 @!p1 s1, s6  }
0x306: {  	[hbm4b:s2+s5] =	stream.linear.scatter @!p1 [tilespmem:s4], [sflag:$0x7], $0x80, $0x38;
	[tilespmem:$0x1F6F8] =	vst v63  }
0x307: {  	s5 =	simm.s32 $0x0  }
0x308: {  	s2 =	simm.s32 $0xF219;
	s5 =	simm.s32 @!p1 $0x200  }
.LBB3_51:
0x309: {  	v0 =	vld.msk [tilespmem:s2+$0x0], $0x1;
	s0 =	sadd.s32 $0xFFFFFFFF, s0;
	s3 =	sadd.s32 s3, s5  }
0x30a: {  	p1 =	sne.s32 s0, $0x0;
	_ =	sdelay $0x3  }
0x30b: {  	(v2sf) =	vpush v0, $0x0;
	_ =	sdelay $0xe  }
.Ltmp46:
0x30c: {  	s6 =	spop (v2sf);
	(pc) =	sbr.rel @p1 .LBB3_51-.Ltmp46, $4  }
0x30d: {  	s5 =	simm.s32 $0x0;
	p2 =	sgt.u32 s6, $0xFFF0  }
0x30e: {  	s4 =	sadd.s32 $0x80, s4;
	s5 =	simm.s32 @!p2 $0x200;
	s7 =	sand.u32 @!p2 $0xFFF8, s6  }
0x30f: {  	s2 =	sadd.s32 $0x1, s2;
	s6 =	sand.u32 @!p2 $0x7, s6;
	s7 =	sadd.s32 @!p2 s1, s7  }
0x310: {  	[hbm4b:s7+s6] =	stream.linear.scatter @!p2 [tilespmem:s4], [sflag:$0x7], $0x80, $0x38;
	[tilespmem:$0x1F6F8] =	vst v63  }
.LBB3_52:
0x311: {  	s0 =	sadd.s32 s3, s5  }
0x312: {  	s3 =	sshrl.u32 s0, $0x2  }
.LBB3_53:
0x313: {  	s0 =	simm.s32 $0x7  }
0x314: {  	_ =	swait.ge [sflag:s0], s3  }
0x315: {  	s1 =	ssub.s32 $0x0, s3;
	[sflag:s0] =	ssyncset.done $0x0  }
0x316: {  	[sflag:s0] =	ssyncadd.s32 s1  }
0x317: {  	[sflag:s0] =	ssyncpa.u1 $0x1  }
.LBB3_54:
0x318: {  	_ =	sfence;
	s0 =	simm.s32 $0x1  }
0x319: {  	[sflag:s0] =	ssyncpa.u1 $0x1  }
0x31a: {  	_ =	strace $0x90000050  }
0x31b: {  	[bflag:$0x2] =	sbarrier.arrive $0xFFFF  }
0x31c: {  	s0 =	rddreg [dreg:$0x3]  }
0x31d: {  	s0 =	sadd.s32 @!p0 $0x100000, s0  }
0x31e: {  	[sflag:s0] =	ssyncadd.tile.s32 @!p0 $0x1;
	_ =	shalt  }
.Lfunc_end3:
_tile_overlayer_lowered:
.L_overlay_start_3:
0x31f: {  	(tag) =	ssettag $0x3  }
0x320: {  	s0 =	rddreg [dreg:$0x0];
	s2 =	stileid.u32  }
0x321: {  	s1 =	rddreg [dreg:$0x1];
	p0 =	sne.s32 s2, $0x0  }
0x322: {  	s3 =	rddreg [dreg:$0x2];
	[bflag:$0x3] =	sbarrier.arrive $0xFFFF;
	s2 =	simm.s32 @!p0 $0x1C01  }
0x323: {  	[timem:s3], [sflag:s2] =	dma.local @!p0 [hbm:s0], s1  }
0x324: {  	s0 =	simm.s32 @!p0 $0x1  }
0x325: {  	_ =	swait.ge @!p0 [sflag:s0], s1  }
0x326: {  	s1 =	ssub.s32 @!p0 $0x0, s1;
	[sflag:s0] =	ssyncset.done @!p0 $0x0  }
0x327: {  	[sflag:s0] =	ssyncadd.s32 @!p0 s1  }
0x328: {  	[bflag:$0x3] =	sbarrier.arrive $0xFFFF  }
0x329: {  	_ =	shalt  }

// kernel: scatter_offload_async_start.2
scs
__scs_entry_jumppad:
0x0: {  	(pc) =	sbr.rel $0x88, $3  }
0x1: {  	(tag) =	ssettag $0x0;
	lr =	simm.s32 $0x1  }
0x2: {  	[smem:$0x3F90] =	sst lr;
	_ =	strace $0xD0000000  }
0x3: {  	_ = 	snop  }
0x4: {  	_ = 	snop  }
0x5: {  	_ = 	snop  }
0x6: {  	_ = 	snop  }
0x7: {  	_ = 	snop  }
__scs_overlays_trampoline_lowered:
0x8: {  	[smem:$0x3F9F] =	sst s0  }
0x9: {  	[smem:$0x3FA0] =	sst s1  }
0xa: {  	[smem:$0x3FA1] =	sst s2  }
0xb: {  	[smem:$0x3FA2] =	sst s3  }
0xc: {  	[smem:$0x3FA3] =	sst s4  }
0xd: {  	[smem:$0x3FA4] =	sst s5  }
0xe: {  	[smem:$0x3FA5] =	sst s6  }
0xf: {  	[smem:$0x3FA6] =	sst s7  }
0x10: {  	[smem:$0x3FA7] =	sst s8  }
0x11: {  	[smem:$0x3FA8] =	sst s9;
	s0 =	simm.s32 @!p0 $0x0  }
0x12: {  	s1 =	sld [smem:$0x3F8E];
	s0 =	simm.s32 @p0 $0x1  }
0x13: {  	[smem:$0x3FA9] =	sst s0;
	s0 =	simm.s32 @!p1 $0x0  }
0x14: {  	s2 =	sld [smem:$0x3F8D];
	s0 =	simm.s32 @p1 $0x1  }
0x15: {  	[smem:$0x3FAA] =	sst s0;
	s0 =	simm.s32 @!p2 $0x0  }
0x16: {  	s3 =	sld [smem:$0x3FDB];
	s0 =	simm.s32 @p2 $0x1  }
0x17: {  	s4 =	simm.s32 $0x1BF5;
	[smem:$0x3FAC] =	sst s0  }
0x18: {  	s0 =	sld [smem:$0x3F8F];
	_ =	swait.ge [sflag:s4], $0x0  }
0x19: {  	s7 =	sld [smem:$0x3F90]  }
0x1a: {  	s8 =	sadd.s32 $0xFFFFE003, lr  }
0x1b: {  	s9 =	sadd.s32 $0xFFFFFEF7, lr;
	s5 =	simm.s32 $0xFFFFFFFF;
	p2 =	slt.u32 s8, $0xFFFFF086  }
0x1c: {  	p1 =	slt.u32 s9, $0xF7A;
	s5 =	simm.s32 @!p2 $0x0  }
0x1d: {  	s5 =	simm.s32 @p1 $0x1;
	p0 =	seq.s32 s7, s2  }
0x1e: {  	s7 =	smul.u32 @!p0 $0xF7A, s2;
	p2 =	seq.s32 @!p0 s5, $0x0  }
0x1f: {  	s9 =	smul.u32 $0xF7A, s1;
	s8 =	simm.s32 @!p0 $0x1BF5;
	p2 =	por !p2, p0  }
0x20: {  	[sflag:s8] =	ssyncset.s32 @!p0 $0xFFFFF086;
	s6 =	sadd.s32 @!p0 s3, s7;
	s7 =	simm.s32 @!p0 $0x108  }
0x21: {  	s3 =	sadd.s32 s3, s9;
	s6 =	sadd.s32 @!p0 $0x88, s6;
	s7 =	simm.s32 @p2 $0x1082  }
0x22: {  	[simem:s7], [sflag:s8] =	dma.local @!p0 [hbm:s6], $0xF7A  }
0x23: {  	s9 =	sor.u32 $0xD0000000, s2;
	s6 =	simm.s32 $0x108;
	_ =	swait.ge @!p0 [sflag:s8], $0x0  }
0x24: {  	s3 =	sadd.s32 $0x88, s3;
	s6 =	simm.s32 @!p1 $0x1082;
	[sflag:s4] =	ssyncset.s32 $0xFFFFF086  }
0x25: {  	[simem:s6], [sflag:s4] =	dma.local [hbm:s3], $0xF7A  }
0x26: {  	[smem:$0x3F90] =	sst s1;
	(tag) =	ssettag s2;
	_ =	strace s9  }
0x27: {  	s1 =	sld [smem:$0x3FA0]  }
0x28: {  	s2 =	sld [smem:$0x3FA1]  }
0x29: {  	s4 =	sld [smem:$0x3FA3]  }
0x2a: {  	p0 =	seq.s32 s5, $0x0;
	s5 =	sld [smem:$0x3FA4]  }
0x2b: {  	s6 =	sld [smem:$0x3FA5]  }
0x2c: {  	s7 =	sld [smem:$0x3FA6]  }
0x2d: {  	s3 =	simm.s32 $0x108;
	s8 =	sld [smem:$0x3FA7]  }
0x2e: {  	s3 =	simm.s32 @!p0 $0x1082;
	s9 =	sld [smem:$0x3FA8]  }
0x2f: {  	lr =	sadd.s32 s0, s3;
	s0 =	sld [smem:$0x3F9F]  }
0x30: {  	s3 =	sld [smem:$0x3FA2]  }
0x31: {  	[smem:$0x3FAB] =	sst s10  }
0x32: {  	s10 =	sld [smem:$0x3FA9];
	_ =	sdelay $0x3  }
0x33: {  	p0 =	seq.s32 s10, $0x1;
	s10 =	sld [smem:$0x3FAB];
	_ =	sdelay $0x3  }
0x34: {  	[smem:$0x3FAB] =	sst s10  }
0x35: {  	s10 =	sld [smem:$0x3FAA];
	_ =	sdelay $0x3  }
0x36: {  	p1 =	seq.s32 s10, $0x1;
	s10 =	sld [smem:$0x3FAB];
	_ =	sdelay $0x3  }
0x37: {  	[smem:$0x3FAB] =	sst s10  }
0x38: {  	s10 =	sld [smem:$0x3FAC]  }
0x39: {  	_ = 	snop;
	(pc) =	sbr.ind lr, $3  }
0x3a: {  	_ = 	snop  }
0x3b: {  	_ = 	snop  }
0x3c: {  	p2 =	seq.s32 s10, $0x1;
	s10 =	sld [smem:$0x3FAB]  }
0x3d: {  	_ =	shalt  }
0x3e: {  	_ =	shalt  }
0x3f: {  	_ =	shalt  }
0x40: {  	_ =	shalt  }
0x41: {  	_ =	shalt  }
0x42: {  	_ =	shalt  }
0x43: {  	_ =	shalt  }
0x44: {  	_ =	shalt  }
0x45: {  	_ =	shalt  }
0x46: {  	_ =	shalt  }
0x47: {  	_ =	shalt  }
0x48: {  	_ =	shalt  }
0x49: {  	_ =	shalt  }
0x4a: {  	_ =	shalt  }
0x4b: {  	_ =	shalt  }
0x4c: {  	_ =	shalt  }
0x4d: {  	_ =	shalt  }
0x4e: {  	_ =	shalt  }
0x4f: {  	_ =	shalt  }
0x50: {  	_ =	shalt  }
0x51: {  	_ =	shalt  }
0x52: {  	_ =	shalt  }
0x53: {  	_ =	shalt  }
0x54: {  	_ =	shalt  }
0x55: {  	_ =	shalt  }
0x56: {  	_ =	shalt  }
0x57: {  	_ =	shalt  }
0x58: {  	_ =	shalt  }
0x59: {  	_ =	shalt  }
0x5a: {  	_ =	shalt  }
0x5b: {  	_ =	shalt  }
0x5c: {  	_ =	shalt  }
0x5d: {  	_ =	shalt  }
0x5e: {  	_ =	shalt  }
0x5f: {  	_ =	shalt  }
0x60: {  	_ =	shalt  }
0x61: {  	_ =	shalt  }
0x62: {  	_ =	shalt  }
0x63: {  	_ =	shalt  }
0x64: {  	_ =	shalt  }
0x65: {  	_ =	shalt  }
0x66: {  	_ =	shalt  }
0x67: {  	_ =	shalt  }
0x68: {  	_ =	shalt  }
0x69: {  	_ =	shalt  }
0x6a: {  	_ =	shalt  }
0x6b: {  	_ =	shalt  }
0x6c: {  	_ =	shalt  }
0x6d: {  	_ =	shalt  }
0x6e: {  	_ =	shalt  }
0x6f: {  	_ =	shalt  }
0x70: {  	_ =	shalt  }
0x71: {  	_ =	shalt  }
0x72: {  	_ =	shalt  }
0x73: {  	_ =	shalt  }
0x74: {  	_ =	shalt  }
0x75: {  	_ =	shalt  }
0x76: {  	_ =	shalt  }
0x77: {  	_ =	shalt  }
0x78: {  	_ =	shalt  }
0x79: {  	_ =	shalt  }
0x7a: {  	_ =	shalt  }
0x7b: {  	_ =	shalt  }
0x7c: {  	_ =	shalt  }
0x7d: {  	_ =	shalt  }
0x7e: {  	_ =	shalt  }
0x7f: {  	_ =	shalt  }
0x80: {  	_ =	shalt  }
0x81: {  	_ =	shalt  }
0x82: {  	_ =	shalt  }
0x83: {  	_ =	shalt  }
0x84: {  	_ =	shalt  }
0x85: {  	_ =	shalt  }
0x86: {  	_ =	shalt  }
0x87: {  	_ =	shalt  }
.Lfunc_end0:
.L_simem_size_0:
called_computation.2_lowered:
.L_overlay_start_0:
0x88: {  	s2 =	sld [smem:$0x3FD9]  }
0x89: {  	s3 =	sld [smem:$0x3FFE];
	_ =	sdelay $0x1  }
0x8a: {  	s1 =	srdreg.scid  }
0x8b: {  	s0 =	sand.u32 $0x1, s1  }
0x8c: {  	s13 =	sshll.u32 s0, $0xA;
	s2 =	sadd.s32 s3, s2  }
0x8d: {  	s2 =	sadd.s32 s2, s13  }
0x8e: {  	[smem:$0x3FB7] =	sst s2  }
0x8f: {  	_ = 	snop  }
0x90: {  	s2 =	sld [smem:$0x3FD0];
	_ =	sdelay $0x2  }
0x91: {  	s14 =	simm.s32 $0xB;
	s4 =	simm.s32 $0x10  }
0x92: {  	[smem:s4], [sflag:s14] =	dma.local [hbm:s2], $0x1  }
0x93: {  	_ =	swait.eq [sflag:s14], $0x1  }
0x94: {  	[sflag:s14] =	ssyncset.done $0x0  }
0x95: {  	[sflag:s14] =	ssyncadd.s32 $0xFFFFFFFF  }
0x96: {  	s15 =	sld [smem:$0x10];
	(tm) =	ssettm $0x1  }
0x97: {  	s16 =	sld [smem:$0x3FFB];
	_ =	sdelay $0x3  }
0x98: {  	_ =	strace s16  }
0x99: {  	s2 =	sld [smem:$0x3FFC];
	_ =	sdelay $0x3  }
0x9a: {  	_ =	strace s2  }
0x9b: {  	s2 =	sld [smem:$0x3FFD];
	_ =	sdelay $0x3  }
0x9c: {  	_ =	strace s2  }
0x9d: {  	_ =	strace $0x8FFFFFFF  }
0x9e: {  	s17 =	sld [smem:$0x3FDB];
	_ =	sdelay $0x1  }
0x9f: {  	s18 =	simm.s32 $_scs_section_size  }
0xa0: {  	s5 =	simm.s32 $_size__tile_overlayer_lowered;
	s6 =	simm.s32 $_tile_overlayer_lowered  }
0xa1: {  	s7 =	simm.s32 $0x1BFF;
	s19 =	sshll.u32 s6, $0x1;
	s4 =	sadd.s32 s18, s17  }
0xa2: {  	s20 =	simm.s32 $0x0;
	s5 =	sshll.u32 s5, $0x1;
	s6 =	sadd.s32 s19, s4  }
0xa3: {  	[timem:s20], [sflag:s7] =	dma.local [hbm:s6], s5  }
0xa4: {  	_ =	swait.ge [sflag:s7], s5  }
0xa5: {  	s5 =	ssub.s32 $0x0, s5;
	[sflag:s7] =	ssyncset.done $0x0  }
0xa6: {  	[sflag:s7] =	ssyncadd.s32 s5;
	_ =	sdelay $0x1  }
0xa7: {  	s21 =	simm.s32 $0x1B8B  }
0xa8: {  	_ =	swait.ge [sflag:s21], $0x1  }
0xa9: {  	[sflag:s21] =	ssyncset.done $0x0  }
0xaa: {  	s22 =	sld [smem:$0x3FFE];
	[sflag:s21] =	ssyncadd.s32 $0xFFFFFFFF  }
0xab: {  	s24 =	simm.s32 $0x1B8E;
	s23 =	sld [smem:$0x0]  }
0xac: {  	s25 =	simm.s32 $execute0_lowered;
	[smem:$0x3FD2] =	sst s24  }
0xad: {  	s7 =	sshll.u32 s25, $0x1;
	_ =	strace $0x80000052;
	[dreg:$0x1] =	wrdreg $0xFFFFFFFF  }
0xae: {  	s8 =	simm.s32 $_size_execute0_lowered;
	s7 =	sadd.s32 s4, s7;
	[dreg:$0x0] =	wrdreg $0x0  }
0xaf: {  	s8 =	sshll.u32 s8, $0x1;
	[dreg:$0x2] =	wrdreg s7  }
0xb0: {  	[dreg:$0x3] =	wrdreg s8  }
0xb1: {  	[dreg:$0x4] =	wrdreg $0xC0  }
0xb2: {  	s26 =	simm.s32 $execute1_lowered;
	_ =	task [dreg:s20], $0x5FFFF  }
0xb3: {  	s7 =	sshll.u32 s26, $0x1;
	[dreg:$0x1] =	wrdreg $0xFFFFFFFF  }
0xb4: {  	s4 =	sadd.s32 s4, s7;
	[dreg:$0x0] =	wrdreg $0x60  }
0xb5: {  	[dreg:$0x2] =	wrdreg s4  }
0xb6: {  	[dreg:$0x3] =	wrdreg s15  }
0xb7: {  	[dreg:$0x4] =	wrdreg s22  }
0xb8: {  	[dreg:$0x5] =	wrdreg $0x9  }
0xb9: {  	_ =	task.clear_ibuf [dreg:s20], $0x6FFFF;
	_ =	strace $0x90000052  }
0xba: {  	s28 =	simm.s32 $0x9;
	_ =	strace $0x80000054  }
0xbb: {  	_ =	swait.ge [sflag:s28], $0x1  }
0xbc: {  	[sflag:s28] =	ssyncadd.s32 $0xFFFFFFFF  }
0xbd: {  	_ =	strace $0x90000054  }
0xbe: {  	s3 =	sld [smem:$0x0]  }
0xbf: {  	s4 =	sand.u32 $0xFFFFFFFE, s1  }
0xc0: {  	p0 =	sne.s32 s1, s4  }
0xc1: {  	s4 =	sshll.u32 @p0 s4, $0xE  }
0xc2: {  	s4 =	sadd.s32 @p0 $0x11BF3, s4;
	s7 =	sshll.u32 @p0 s3, $0x11  }
0xc3: {  	s4 =	sor.u32 @p0 s7, s4  }
0xc4: {  	[sflag:s4] =	ssyncadd.remote.s32 @p0 $0x1;
	_ =	sdelay $0x1  }
0xc5: {  	s4 =	simm.s32 @p0 $0x1BF3  }
0xc6: {  	_ =	swait.eq @p0 [sflag:s4], $0x1  }
0xc7: {  	[sflag:s4] =	ssyncadd.s32 @p0 $0xFFFFFFFF  }
0xc8: {  	s7 =	sshll.u32 @!p0 s1, $0xE  }
0xc9: {  	s7 =	sor.u32 @!p0 $0x4000, s7;
	s4 =	simm.s32 @!p0 $0x1BF3  }
0xca: {  	s3 =	sshll.u32 @!p0 s3, $0x11;
	s7 =	sadd.s32 @!p0 $0x11BF3, s7;
	_ =	swait.eq @!p0 [sflag:s4], $0x1  }
0xcb: {  	s3 =	sor.u32 @!p0 s3, s7;
	[sflag:s4] =	ssyncadd.s32 @!p0 $0xFFFFFFFF  }
0xcc: {  	[sflag:s3] =	ssyncadd.remote.s32 @!p0 $0x1  }
0xcd: {  	_ =	strace $0x80000055;
	[dreg:$0x1] =	wrdreg $0xFFFFFFFF  }
0xce: {  	[dreg:$0x0] =	wrdreg $0x2030  }
0xcf: {  	[dreg:$0x2] =	wrdreg s22  }
0xd0: {  	[dreg:$0x3] =	wrdreg s1  }
0xd1: {  	[dreg:$0x4] =	wrdreg s23  }
0xd2: {  	[dreg:$0x5] =	wrdreg $0xA  }
0xd3: {  	_ =	task.clear_ibuf [dreg:s20], $0x6FFFF;
	_ =	strace $0x90000055  }
0xd4: {  	s29 =	simm.s32 $0xA;
	_ =	strace $0x80000057  }
0xd5: {  	_ =	swait.ge [sflag:s29], $0x1  }
0xd6: {  	[sflag:s29] =	ssyncadd.s32 $0xFFFFFFFF  }
0xd7: {  	_ =	strace $0x90000057  }
0xd8: {  	_ =	sfence  }
0xd9: {  	s30 =	sld [smem:$0x0];
	_ =	sdelay $0x2  }
0xda: {  	s31 =	sshll.u32 s1, $0xD;
	s1 =	sshrl.u32 s1, $0x2  }
0xdb: {  	s4 =	sand.u32 $0x4000, s31;
	s1 =	sadd.s32 s1, s30  }
0xdc: {  	s0 =	sor.u32 s4, s0;
	s1 =	sshll.u32 s1, $0x11  }
0xdd: {  	s0 =	sor.u32 s1, s0  }
0xde: {  	s0 =	sadd.s32 $0x8F2B, s0  }
0xdf: {  	[sflag:s0] =	ssyncadd.remote.s32 $0x1  }
0xe0: {  	_ =	sfence.sel $0xFFFF  }
0xe1: {  	[dreg:$0x0] =	wrdreg $0xFFFFFFFF;
	(pc) =	sbr.abs _section_cstart, $3  }
0xe2: {  	[dreg:$0x1] =	wrdreg $0xFFFFFFFF  }
0xe3: {  	_ =	task.clear_ibuf [dreg:s20], $0x2FFFF;
	_ =	strace $0x9FFFFFFF  }
0xe4: {  	(tm) =	ssettm $0x7FFFFFFF  }
0xe5: {  	_ =	shalt  }
tec
execute0_lowered:
.L_overlay_start_1:
0x0: {  	(tag) =	ssettag $0x1  }
0x1: {  	s2 =	rddreg [dreg:$0x0]  }
0x2: {  	s6 =	rddreg [dreg:$0x1]  }
0x3: {  	s3 =	rddreg [dreg:$0x2]  }
0x4: {  	s0 =	rddreg [dreg:$0x3];
	s4 =	stileid.u32;
	[bflag:$0x3] =	sbarrier.arrive $0xFFFF  }
0x5: {  	s1 =	simm.s32 $_size_execute1_lowered;
	s28 =	srdreg.scid;
	p0 =	sne.s32 s4, $0x0  }
0x6: {  	s1 =	sshll.u32 s1, $0x1;
	s5 =	simm.s32 @!p0 $0x1C3F;
	s7 =	simm.s32 @!p0 $0x4060  }
0x7: {  	[timem:s7], [sflag:s5] =	dma.local @!p0 [hbm:s2], s1  }
0x8: {  	s2 =	sshll.u32 s28, $0x7  }
0x9: {  	s8 =	simm.s32 $0x2;
	s4 =	sshll.u32 s4, $0x8;
	s2 =	sand.u32 $0x80, s2  }
0xa: {  	s9 =	simm.s32 $0x0;
	s11 =	simm.s32 $0x0;
	s2 =	sor.u32 s4, s2  }
0xb: {  	s10 =	simm.s32 $0x0;
	s3 =	sadd.s32 $0x165000, s3;
	s29 =	ssub.s32 $0x1000, s2  }
.Ltmp0:
0xc: {  	s7 =	simm.s32 $0x1;
	s30 =	sand.u32 $0xF80, s29;
	(pc) =	sbr.rel .LBB2_1-.Ltmp0, $4  }
0xd: {  	_ =	strace $0x80000053;
	s4 =	simm.s32 $0x1;
	p1 =	sne.s32 s30, $0x0  }
0xe: {  	[sflag:s4] =	ssyncpa.u1 $0x0;
	s5 =	sshrl.u32 s29, $0xC;
	s7 =	simm.s32 @!p1 $0x0  }
0xf: {  	s31 =	sshll.u32 s2, $0x4;
	[sflag:s8] =	ssyncpa.u1 $0x0;
	s5 =	sadd.s32 s7, s5  }
0x10: {  	s6 =	sadd.s32 s6, s31;
	s8 =	simm.s32 $0x0;
	s7 =	sadd.s32 $0x1, s5  }
.LBB2_4:
0x11: {  	_ =	sdelay $0x3  }
0x12: {  	[tilespmem:v0+s13+$0xFFFFFFA0 ss:$0x1] =	vst.idx.msk $0xffff, v6  }
0x13: {  	v56 =	vld.idx.msk [tilespmem:v1+s14+$0x30 ss:$0x1], $0xffff;
	[tilespmem:v0+s13+$0xFFFFFFB0 ss:$0x1] =	vst.idx.msk $0xffff, v4  }
0x14: {  	v57 =	vld.idx.msk [tilespmem:v1+s14+$0xFFFFFFC0 ss:$0x1], $0xffff;
	[tilespmem:v0+s13+$0xFFFFFFC0 ss:$0x1] =	vst.idx.msk $0xffff, v2  }
0x15: {  	v58 =	vld.idx.msk [tilespmem:v1+s14+$0xFFFFFFD0 ss:$0x1], $0xffff;
	[tilespmem:v0+s13+$0xFFFFFFD0 ss:$0x1] =	vst.idx.msk $0xffff, v3  }
0x16: {  	v59 =	vld.idx.msk [tilespmem:v1+s14+$0xFFFFFFE0 ss:$0x1], $0xffff;
	[tilespmem:v0+s13+$0xFFFFFFE0 ss:$0x1] =	vst.idx.msk $0xffff, v5  }
0x17: {  	v60 =	vld.idx.msk [tilespmem:v1+s14+$0xFFFFFFF0 ss:$0x1], $0xffff;
	[tilespmem:v0+s13+$0xFFFFFFF0 ss:$0x1] =	vst.idx.msk $0xffff, v7  }
0x18: {  	v61 =	vld.idx.msk [tilespmem:v1+s14+$0x0 ss:$0x1], $0xffff;
	[tilespmem:v0+s14+$0x0 ss:$0x1] =	vst.idx.msk $0xffff, v56  }
0x19: {  	v62 =	vld.idx.msk [tilespmem:v1+s14+$0x10 ss:$0x1], $0xffff;
	[tilespmem:v0+s14+$0xFFFFFF90 ss:$0x1] =	vst.idx.msk $0xffff, v57  }
0x1a: {  	v63 =	vld.idx.msk [tilespmem:v1+s14+$0x20 ss:$0x1], $0xffff;
	[tilespmem:v0+s14+$0xFFFFFFA0 ss:$0x1] =	vst.idx.msk $0xffff, v58  }
0x1b: {  	[tilespmem:v0+s14+$0xFFFFFFB0 ss:$0x1] =	vst.idx.msk $0xffff, v59  }
0x1c: {  	[tilespmem:v0+s14+$0xFFFFFFC0 ss:$0x1] =	vst.idx.msk $0xffff, v60  }
0x1d: {  	s11 =	sshll.u32 s11, $0x4;
	[tilespmem:v0+s14+$0xFFFFFFD0 ss:$0x1] =	vst.idx.msk $0xffff, v61  }
0x1e: {  	s11 =	sand.u32 $0xFFF0, s11;
	[tilespmem:v0+s14+$0xFFFFFFE0 ss:$0x1] =	vst.idx.msk $0xffff, v62  }
0x1f: {  	s11 =	sadd.s32 s3, s11;
	[tilespmem:v0+s14+$0xFFFFFFF0 ss:$0x1] =	vst.idx.msk $0xffff, v63  }
0x20: {  	[hbm4b:s11+s8] =	stream.linear.scatter [tilespmem:s12], [sflag:$0x2], $0x4000, $0x38;
	[tilespmem:$0x10000] =	vst v63  }
.LBB2_5:
0x21: {  	p2 =	sne.s32 s10, s7  }
.Ltmp1:
0x22: {  	p1 =	slt.u32 s10, $0x2;
	(pc) =	sbr.rel @!p2 .LBB2_6-.Ltmp1, $4  }
0x23: {  	s11 =	simm.s32 @!p1 $0x2  }
0x24: {  	_ =	swait.ge @!p1 [sflag:s11], $0x4000  }
0x25: {  	s12 =	sadd.s32 $0x1, s10;
	s9 =	sadd.s32 $0x4000, s9;
	[sflag:s11] =	ssyncset.done @!p1 $0x0  }
0x26: {  	s10 =	smov.u32 s12;
	[sflag:s11] =	ssyncadd.s32 @!p1 $0xFFFFC000;
	s11 =	smov.u32 s2  }
.LBB2_1:
0x27: {  	p1 =	sge.u32 s10, s5  }
0x28: {  	s12 =	sxor.u32 @!p1 $0xFFFFFFFF, s10  }
0x29: {  	s12 =	sshll.u32 @!p1 s12, $0xE  }
0x2a: {  	s31 =	sadd.s32 $0xFFFFFFFF, s10;
	s13 =	simm.s32 @!p1 $0x0;
	s12 =	sand.u32 @!p1 $0x4000, s12  }
0x2b: {  	[tilespmem:s12], [sflag:$0x1] =	stream.linear.gather @!p1 [hbm4b:s6+s13], $0x4000, $0x38;
	[tilespmem:$0x10000] =	vst v63  }
0x2c: {  	p1 =	sge.u32 s31, s5  }
.Ltmp2:
0x2d: {  	_ = 	snop;
	(pc) =	sbr.rel @p1 .LBB2_5-.Ltmp2, $1  }
0x2e: {  	_ =	sdelay $0x3  }
0x2f: {  	s12 =	sand.u32 $0x4000, s9  }
0x30: {  	s13 =	sor.u32 $0x40, s12  }
0x31: {  	v1 =	vmov s13;
	_ =	sdelay $0x1  }
0x32: {  	_ =	swait.ge [sflag:s4], $0x4000  }
0x33: {  	[sflag:s4] =	ssyncset.done $0x0  }
0x34: {  	[sflag:s4] =	ssyncadd.s32 $0xFFFFC000;
	s13 =	simm.s32 $0x0  }
0x35: {  	s12 =	sor.u32 $0x8070, s12;
	v7 =	vld.idx.msk [tilespmem:v1+s13+$0x30 ss:$0x1], $0xffff  }
0x36: {  	v0 =	vmov s12;
	v8 =	vld.idx.msk [tilespmem:v1+s13+$0xFFFFFFC0 ss:$0x1], $0xffff  }
0x37: {  	v6 =	vld.idx.msk [tilespmem:v1+s13+$0xFFFFFFD0 ss:$0x1], $0xffff  }
0x38: {  	v4 =	vld.idx.msk [tilespmem:v1+s13+$0xFFFFFFE0 ss:$0x1], $0xffff  }
0x39: {  	v2 =	vld.idx.msk [tilespmem:v1+s13+$0xFFFFFFF0 ss:$0x1], $0xffff  }
0x3a: {  	s31 =	sshll.u32 s10, $0xE;
	v3 =	vld.idx.msk [tilespmem:v1+s13+$0x0 ss:$0x1], $0xffff  }
0x3b: {  	s12 =	sand.u32 $0x4000, s31;
	v5 =	vld.idx.msk [tilespmem:v1+s13+$0x10 ss:$0x1], $0xffff;
	[tilespmem:v0+s13+$0x0 ss:$0x1] =	vst.idx.msk $0xffff, v7  }
0x3c: {  	s14 =	simm.s32 $0x80;
	s15 =	simm.s32 $0x400;
	s12 =	sor.u32 $0x8000, s12;
	[tilespmem:v0+s13+$0xFFFFFF90 ss:$0x1] =	vst.idx.msk $0xffff, v8;
	v7 =	vld.idx.msk [tilespmem:v1+s13+$0x20 ss:$0x1], $0xffff  }
.LBB2_3:
0x3d: {  	p1 =	sne.s32 s15, $0xFE00;
	v8 =	vld.idx.msk [tilespmem:v1+s14+$0x30 ss:$0x1], $0xffff;
	[tilespmem:v0+s13+$0xFFFFFFA0 ss:$0x1] =	vst.idx.msk $0xffff, v6  }
0x3e: {  	v9 =	vld.idx.msk [tilespmem:v1+s14+$0xFFFFFFC0 ss:$0x1], $0xffff;
	[tilespmem:v0+s13+$0xFFFFFFB0 ss:$0x1] =	vst.idx.msk $0xffff, v4  }
0x3f: {  	v6 =	vld.idx.msk [tilespmem:v1+s14+$0xFFFFFFD0 ss:$0x1], $0xffff;
	[tilespmem:v0+s13+$0xFFFFFFC0 ss:$0x1] =	vst.idx.msk $0xffff, v2  }
.Ltmp3:
0x40: {  	v4 =	vld.idx.msk [tilespmem:v1+s14+$0xFFFFFFE0 ss:$0x1], $0xffff;
	[tilespmem:v0+s13+$0xFFFFFFD0 ss:$0x1] =	vst.idx.msk $0xffff, v3;
	(pc) =	sbr.rel @p1 .LBB2_3-.Ltmp3, $4  }
0x41: {  	v2 =	vld.idx.msk [tilespmem:v1+s14+$0xFFFFFFF0 ss:$0x1], $0xffff;
	[tilespmem:v0+s13+$0xFFFFFFE0 ss:$0x1] =	vst.idx.msk $0xffff, v5  }
0x42: {  	v3 =	vld.idx.msk [tilespmem:v1+s14+$0x0 ss:$0x1], $0xffff;
	[tilespmem:v0+s13+$0xFFFFFFF0 ss:$0x1] =	vst.idx.msk $0xffff, v7;
	s13 =	smov.u32 s14  }
0x43: {  	v5 =	vld.idx.msk [tilespmem:v1+s13+$0x10 ss:$0x1], $0xffff;
	[tilespmem:v0+s13+$0x0 ss:$0x1] =	vst.idx.msk $0xffff, v8  }
0x44: {  	s14 =	sshra.s32 s15, $0x2;
	s15 =	sadd.s32 $0x200, s15;
	[tilespmem:v0+s13+$0xFFFFFF90 ss:$0x1] =	vst.idx.msk $0xffff, v9;
	v7 =	vld.idx.msk [tilespmem:v1+s13+$0x20 ss:$0x1], $0xffff  }
.Ltmp4:
0x45: {  	_ = 	snop;
	(pc) =	sbr.rel .LBB2_4-.Ltmp4, $1  }
0x46: {  	_ =	sdelay $0x3  }
.LBB2_6:
0x47: {  	_ =	sfence.sel $0x180000  }
0x48: {  	s2 =	simm.s32 $0x1;
	[bflag:$0x0] =	sbarrier.arrive $0xFFFF  }
0x49: {  	s31 =	simm.s32 $0x2;
	[sflag:s2] =	ssyncpa.u1 $0x1  }
0x4a: {  	[sflag:s31] =	ssyncpa.u1 $0x1  }
0x4b: {  	_ =	strace $0x90000053  }
0x4c: {  	s0 =	sadd.s32 @!p0 $0x100000, s0;
	[bflag:$0x2] =	sbarrier.arrive $0xFFFF  }
0x4d: {  	[sflag:s0] =	ssyncadd.tile.s32 @!p0 $0x1;
	s0 =	simm.s32 @!p0 $0x3F  }
0x4e: {  	_ =	swait.ge @!p0 [sflag:s0], s1  }
0x4f: {  	s1 =	ssub.s32 @!p0 $0x0, s1;
	[sflag:s0] =	ssyncset.done @!p0 $0x0  }
0x50: {  	[sflag:s0] =	ssyncadd.s32 @!p0 s1  }
0x51: {  	[bflag:$0x3] =	sbarrier.arrive $0xFFFF  }
0x52: {  	_ =	shalt  }
.Lfunc_end2:
execute1_lowered:
.L_overlay_start_2:
0x53: {  	(tag) =	ssettag $0x2  }
0x54: {  	s2 =	rddreg [dreg:$0x0]  }
0x55: {  	s3 =	rddreg [dreg:$0x1];
	_ =	strace $0x80000056;
	s0 =	simm.s32 $0x1  }
0x56: {  	v0 =	vimm.s32 $0x0;
	[sflag:s0] =	ssyncpa.u1 $0x0;
	s0 =	simm.s32 $0x108  }
0x57: {  	[tilespmem:s0+$0x70] =	vst v0  }
0x58: {  	[tilespmem:s0+$0x60] =	vst v0  }
0x59: {  	[tilespmem:s0+$0x50] =	vst v0  }
0x5a: {  	[tilespmem:s0+$0x40] =	vst v0  }
0x5b: {  	[tilespmem:s0+$0x30] =	vst v0  }
0x5c: {  	s1 =	sadd.s32 $0x165000, s2;
	s15 =	sadd.s32 $0x10000, s2;
	s6 =	sadd.s32 $0x25000, s2;
	[tilespmem:s0+$0x20] =	vst v0  }
0x5d: {  	s14 =	sadd.s32 $0x12800, s2;
	s5 =	sand.u32 $0x1, s3;
	s3 =	simm.s32 $0x40;
	[tilespmem:s0+$0x10] =	vst v0  }
.LBB3_1:
0x5e: {  	s3 =	sadd.s32 $0x40, s3;
	[tilespmem:s0+$0x0] =	vst v0;
	s0 =	sadd.s32 $0x80, s0  }
0x5f: {  	p0 =	slt.u32 s3, $0x3C40;
	[tilespmem:s0+$0x70] =	vst v0  }
0x60: {  	[tilespmem:s0+$0x60] =	vst v0  }
.Ltmp5:
0x61: {  	[tilespmem:s0+$0x50] =	vst v0;
	(pc) =	sbr.rel @p0 .LBB3_1-.Ltmp5, $4  }
0x62: {  	[tilespmem:s0+$0x40] =	vst v0  }
0x63: {  	[tilespmem:s0+$0x30] =	vst v0  }
0x64: {  	[tilespmem:s0+$0x20] =	vst v0  }
0x65: {  	[tilespmem:s0+$0x10] =	vst v0  }
0x66: {  	s9 =	stileid.u32  }
0x67: {  	s2 =	smul.u32 $0xA, s9  }
0x68: {  	s3 =	smin.u32 s9, $0xB  }
0x69: {  	s2 =	sadd.s32 s3, s2  }
0x6a: {  	p0 =	slt.u32 s9, $0xB;
	s7 =	smul.u32 $0xF0, s2;
	s2 =	simm.s32 $0xA50  }
0x6b: {  	s2 =	simm.s32 @!p0 $0x960  }
0x6c: {  	s2 =	sadd.s32 s2, s7  }
0x6d: {  	s8 =	smin.u32 s2, $0xA000  }
0x6e: {  	s2 =	ssub.s32 s8, s7  }
0x6f: {  	p0 =	sgt.s32 s2, $0x0  }
0x70: {  	s29 =	simm.s32 $0x2;
	s10 =	simm.s32 $0x9;
	s2 =	simm.s32 @!p0 $0x0  }
0x71: {  	s4 =	simm.s32 $0xA;
	s11 =	simm.s32 $0xB;
	s28 =	smul.u32 $0x8889, s2  }
0x72: {  	[dreg:$0x4] =	wrdreg s5;
	s31 =	smul.u32 $0x1400, s5;
	s12 =	simm.s32 $0x1  }
0x73: {  	s22 =	simm.s32 $0x0;
	s18 =	simm.s32 $0xC;
	s30 =	sshrl.u32 s28, $0x17  }
0x74: {  	s20 =	simm.s32 $0x0;
	s21 =	simm.s32 $0x0;
	s3 =	smul.u32 $0xF0, s30  }
.Ltmp6:
0x75: {  	[tilespmem:s0+$0x0] =	vst v0;
	v0 =	vimm.s32 $0xFFFFFFFF;
	[sflag:s29] =	ssyncpa.u1 $0x0;
	s16 =	sshll.u32 s9, $0x8;
	(pc) =	sbr.rel .LBB3_3-.Ltmp6, $4  }
0x76: {  	[tilespmem:$0xF208] =	vst v0;
	[sflag:s10] =	ssyncpa.u1 $0x0;
	p0 =	sne.s32 s2, s3;
	s2 =	simm.s32 $0x1  }
0x77: {  	s14 =	sadd.s32 s31, s14;
	[sflag:s4] =	ssyncpa.u1 $0x0;
	s2 =	simm.s32 @!p0 $0x0  }
0x78: {  	s15 =	sadd.s32 s31, s15;
	[sflag:s11] =	ssyncpa.u1 $0x0;
	s13 =	sadd.s32 s30, s2  }
0x79: {  	v0 =	vlaneseq.u32;
	s19 =	smov.u32 s7;
	p0 =	por $0x0, $0x0;
	s17 =	sadd.s32 $0x1, s13  }
.LBB3_18:
0x7a: {  	s0 =	sshrl.u32 s31, $0x2  }
.LBB3_20:
0x7b: {  	_ =	swait.ge [sflag:s18], s0  }
0x7c: {  	s31 =	ssub.s32 $0x0, s0;
	v1 =	vmov s24;
	vm0 =	veq.s32 v0, $0x0;
	[sflag:s18] =	ssyncset.done $0x0  }
0x7d: {  	vm15 =	veq.s32 v0, $0x2;
	v1 =	vsel vm0, s30, v1;
	[sflag:s18] =	ssyncadd.s32 s31  }
0x7e: {  	v1 =	vsel vm15, s22, v1;
	[sflag:s18] =	ssyncpa.u1 $0x1  }
0x7f: {  	[tilespmem:$0xF208] =	vst v1  }
.LBB3_21:
0x80: {  	s0 =	sadd.s32 $0xF0, s19  }
0x81: {  	s2 =	smov.u32 s7;
	p1 =	slt.s32 s0, s8  }
0x82: {  	s2 =	smov.u32 @p1 s0;
	p1 =	sne.s32 s21, s17  }
.Ltmp7:
0x83: {  	_ = 	snop;
	(pc) =	sbr.rel @!p1 .LBB3_22-.Ltmp7, $3  }
0x84: {  	_ =	sdelay $0x1  }
0x85: {  	s22 =	smov.u32 s20;
	s31 =	sadd.s32 $0x1, s21;
	s20 =	smov.u32 s19  }
0x86: {  	p0 =	por !p0, !p0;
	s21 =	smov.u32 s31;
	s19 =	smov.u32 s2  }
.LBB3_3:
0x87: {  	p1 =	sge.u32 s21, s13  }
0x88: {  	s0 =	smulhi.u32 @!p1 $0xAAAAAAAB, s21  }
0x89: {  	s2 =	smov.u32 s19;
	p2 =	sgt.s32 @!p1 s19, $0x9F10  }
0x8a: {  	s3 =	sshra.s32 @!p1 s19, $0x1F;
	p2 =	por !p2, p1;
	s0 =	sshrl.u32 @!p1 s0, $0x1  }
0x8b: {  	s3 =	sand.u32 @!p1 s3, s19;
	s2 =	simm.s32 @p2 $0x9F10;
	s0 =	smul.u32 @!p1 $0x3, s0  }
0x8c: {  	s2 =	ssub.s32 @!p1 s2, s3  }
0x8d: {  	s2 =	sadd.s32 @!p1 $0xFFFF60F0, s2;
	s0 =	ssub.s32 @!p1 s21, s0  }
0x8e: {  	s3 =	sshll.u32 @!p1 s2, $0x2;
	p2 =	sgt.s32 @!p1 s2, $0xEF;
	s0 =	smul.u32 @!p1 $0x3C0, s0  }
0x8f: {  	s4 =	sand.u32 @!p1 $0x7, s19;
	s2 =	ssub.s32 @!p1 $0x3C0, s3;
	p2 =	por !p2, p1  }
0x90: {  	s3 =	sshrl.u32 @!p1 s19, $0x3;
	s2 =	sshrl.u32 @!p1 s2, $0x2;
	s0 =	sshrl.u32 @!p1 s0, $0x2  }
0x91: {  	s3 =	sadd.s32 @!p1 s3, s14;
	s2 =	simm.s32 @!p2 $0x0;
	s0 =	sadd.s32 @!p1 $0x10248, s0  }
0x92: {  	[tilespmem:s0], [sflag:$0xA] =	stream.linear.gather @!p1 [hbm4b:s3+s4], s2, $0x38;
	[tilespmem:$0x1F6F8] =	vst v63  }
0x93: {  	s0 =	sadd.s32 $0xFFFFFFFF, s21  }
0x94: {  	p1 =	sge.u32 s0, s13  }
0x95: {  	p2 =	sgt.s32 @!p1 s20, $0x9F10  }
0x96: {  	s2 =	smov.u32 s20;
	s3 =	sshra.s32 @!p1 s20, $0x1F;
	p2 =	por !p2, p1  }
0x97: {  	s3 =	sand.u32 @!p1 s3, s20;
	s2 =	simm.s32 @p2 $0x9F10  }
0x98: {  	s2 =	ssub.s32 @!p1 s2, s3  }
0x99: {  	s2 =	sadd.s32 @!p1 $0xFFFF60F0, s2  }
0x9a: {  	s4 =	sand.u32 @!p1 $0x1, s0;
	s3 =	sshll.u32 @!p1 s2, $0x2  }
0x9b: {  	p2 =	sgt.s32 @!p1 s2, $0xEF;
	s2 =	ssub.s32 @!p1 $0x3C0, s3;
	s3 =	smulhi.u32 @!p1 $0xAAAAAAAB, s0  }
0x9c: {  	s23 =	smul.u32 @!p1 $0x3C0, s4;
	p2 =	por !p2, p1;
	s2 =	sshrl.u32 @!p1 s2, $0x2  }
0x9d: {  	s5 =	simm.s32 @!p1 $0xA;
	s2 =	simm.s32 @!p2 $0x0;
	s3 =	sshrl.u32 @!p1 s3, $0x1  }
0x9e: {  	s23 =	sshrl.u32 @!p1 s23, $0x2;
	_ =	swait.ge @!p1 [sflag:s5], s2;
	s3 =	smul.u32 @!p1 $0x3, s3  }
0x9f: {  	s23 =	sadd.s32 @!p1 $0x10518, s23;
	s24 =	ssub.s32 @!p1 $0x0, s2;
	[sflag:s5] =	ssyncset.done @!p1 $0x0  }
0xa0: {  	[sflag:s5] =	ssyncadd.s32 @!p1 s24;
	s5 =	sshrl.u32 @!p1 s20, $0x3;
	s0 =	ssub.s32 @!p1 s0, s3  }
0xa1: {  	s24 =	sand.u32 @!p1 $0x7, s20;
	s5 =	sadd.s32 @!p1 s5, s15;
	s0 =	smul.u32 @!p1 $0x3C0, s0  }
0xa2: {  	[tilespmem:s23], [sflag:$0xB] =	stream.linear.gather @!p1 [hbm4b:s5+s24], s2, $0x38;
	[tilespmem:$0x1F6F8] =	vst v63  }
0xa3: {  	s3 =	ssub.s32 @!p1 $0xA000, s20;
	s2 =	smul.u32 @!p1 $0x1E000, s4  }
0xa4: {  	p2 =	slt.s32 @!p1 s3, $0xF0  }
0xa5: {  	p2 =	por !p2, p1;
	s0 =	sshrl.u32 @!p1 s0, $0x2;
	s2 =	sshrl.u32 @!p1 s2, $0x2  }
0xa6: {  	s3 =	simm.s32 @p2 $0xF0;
	s0 =	sadd.s32 @!p1 $0x10248, s0;
	s2 =	sor.u32 @!p1 $0x106F8, s2  }
0xa7: {  	[tilespmem:s2], [sflag:$0x9] =	stream.indirect.gather @!p1 [hbm4b:s6+s3], $0x80, s0, s3, $0xb8;
	[tilespmem:$0x1F6F8] =	vst v63  }
0xa8: {  	p1 =	slt.u32 s21, $0x2  }
.Ltmp8:
0xa9: {  	_ = 	snop;
	(pc) =	sbr.rel @p1 .LBB3_21-.Ltmp8, $1  }
0xaa: {  	_ =	sdelay $0x3  }
0xab: {  	p1 =	sgt.s32 s22, $0x9F10  }
0xac: {  	s0 =	smov.u32 s22;
	s2 =	sshra.s32 s22, $0x1F;
	s3 =	ssub.s32 $0xA000, s22  }
0xad: {  	s0 =	simm.s32 @!p1 $0x9F10;
	s2 =	sand.u32 s2, s22;
	p1 =	slt.s32 s3, $0xF0  }
0xae: {  	s0 =	ssub.s32 s0, s2;
	s3 =	simm.s32 @!p1 $0xF0  }
0xaf: {  	s0 =	sadd.s32 $0xFFFF60F0, s0;
	s25 =	sshll.u32 s3, $0x7  }
0xb0: {  	s26 =	sshll.u32 s0, $0x2;
	s2 =	sand.u32 $0x3FFFFF80, s25  }
0xb1: {  	p1 =	sgt.s32 s0, $0xEF;
	s29 =	ssub.s32 $0x3C0, s26;
	_ =	swait.ge [sflag:s10], s2  }
0xb2: {  	s2 =	ssub.s32 $0x0, s2;
	[sflag:s10] =	ssyncset.done $0x0;
	s0 =	sshrl.u32 s29, $0x2  }
0xb3: {  	[sflag:s10] =	ssyncadd.s32 s2;
	s0 =	simm.s32 @p1 $0x0  }
0xb4: {  	_ =	swait.ge [sflag:s11], s0  }
0xb5: {  	s0 =	ssub.s32 $0x0, s0;
	[sflag:s11] =	ssyncset.done $0x0  }
0xb6: {  	[sflag:s11] =	ssyncadd.s32 s0  }
0xb7: {  	v1 =	vld [tilespmem:$0xF208];
	_ =	sdelay $0x4  }
0xb8: {  	(v2sf) =	vpush v1, $0x0  }
0xb9: {  	(v2sf) =	vpush v1, $0x1  }
0xba: {  	(v2sf) =	vpush v1, $0x2;
	_ =	sdelay $0x3  }
0xbb: {  	s0 =	sadd.s32 $0xF0, s22  }
0xbc: {  	s2 =	ssub.s32 $0x14000, s22;
	p1 =	slt.s32 s8, s0  }
0xbd: {  	s0 =	smov.u32 @p1 s8;
	p1 =	sgt.s32 s2, $0x0  }
0xbe: {  	s26 =	ssub.s32 s0, s22;
	s2 =	simm.s32 @!p1 $0x0  }
0xbf: {  	p1 =	slt.s32 s2, s26  }
0xc0: {  	s26 =	smov.u32 @p1 s2  }
0xc1: {  	s25 =	simm.s32 $0x1;
	p1 =	slt.s32 s26, $0x1  }
.Ltmp9:
0xc2: {  	s25 =	simm.s32 @!p0 $0x0;
	(pc) =	sbr.rel @p1 .LBB3_8-.Ltmp9, $4  }
0xc3: {  	s31 =	smul.u32 $0x3C0, s25  }
0xc4: {  	s28 =	spop (v2sf)  }
0xc5: {  	s0 =	sshrl.u32 s31, $0x2;
	s30 =	spop (v2sf)  }
0xc6: {  	s23 =	sadd.s32 $0x10518, s0;
	s22 =	spop (v2sf)  }
0xc7: {  	s0 =	smin.u32 s26, $0x10  }
0xc8: {  	v1 =	vmov s0  }
0xc9: {  	p2 =	sgt.s32 s26, $0x10;
	vm1 =	vgt.u32 v1, v0  }
.Ltmp10:
0xca: {  	_ = 	snop;
	(pc) =	sbr.rel @!p2 .LBB3_7-.Ltmp10, $2  }
0xcb: {  	_ =	sdelay $0x2  }
0xcc: {  	s4 =	simm.s32 $0x10;
	s24 =	sadd.s32 $0xFFFFFFF0, s26;
	s0 =	smov.u32 s23;
	vm0 =	vmmov vm1  }
.LBB3_6:
0xcd: {  	s2 =	smin.u32 s24, $0x10;
	s4 =	sadd.s32 $0x10, s4;
	v1 =	vld.msk [tilespmem:s0+$0x0 ss:$0x1], vm1  }
0xce: {  	v2 =	vmov s2;
	p2 =	slt.s32 s4, s26  }
0xcf: {  	vm1 =	vgt.u32 v2, v0  }
.Ltmp11:
0xd0: {  	(pc) =	sbr.rel @p2 .LBB3_6-.Ltmp11, $3  }
0xd1: {  	_ =	sdelay $0x1  }
0xd2: {  	v1 =	vshll.u32 v1, $0x4  }
0xd3: {  	s24 =	sadd.s32 $0xFFFFFFF0, s24;
	[tilespmem:s0+$0x0] =	vst.msk vm0, v1;
	s0 =	sadd.s32 $0x10, s0;
	vm0 =	vmmov vm1  }
.LBB3_7:
0xd4: {  	_ =	sdelay $0x4  }
0xd5: {  	v1 =	vld.msk [tilespmem:s0+$0x0 ss:$0x1], vm1;
	_ =	sdelay $0x4  }
0xd6: {  	v1 =	vshll.u32 v1, $0x4  }
0xd7: {  	[tilespmem:s0+$0x0] =	vst.msk vm0, v1  }
.LBB3_8:
0xd8: {  	s0 =	sand.u32 $0x1, s21  }
0xd9: {  	s2 =	smul.u32 $0x7800, s0  }
0xda: {  	p2 =	sne.s32 s30, $0xFFFFFFFF  }
0xdb: {  	v1 =	vld @!p2 [tilespmem:s2+$0x106F8];
	_ =	sdelay $0x2  }
0xdc: {  	s0 =	smul.u32 $0xF0, s0;
	_ =	sdelay $0x1  }
0xdd: {  	v2 =	vld.msk @!p2 [tilespmem:s0+$0x10518], $0x1;
	[tilespmem:$0x108] =	vst @!p2 v1  }
0xde: {  	v1 =	vld @!p2 [tilespmem:s2+$0x10708];
	_ =	sdelay $0x4  }
0xdf: {  	[tilespmem:$0x118] =	vst @!p2 v1  }
0xe0: {  	v1 =	vld @!p2 [tilespmem:s2+$0x10718];
	_ =	sdelay $0x4  }
0xe1: {  	[tilespmem:$0x128] =	vst @!p2 v1  }
0xe2: {  	v1 =	vld @!p2 [tilespmem:s2+$0x10728];
	_ =	sdelay $0x4  }
0xe3: {  	[tilespmem:$0x138] =	vst @!p2 v1  }
0xe4: {  	v1 =	vld @!p2 [tilespmem:s2+$0x10738];
	_ =	sdelay $0x4  }
0xe5: {  	[tilespmem:$0x148] =	vst @!p2 v1  }
0xe6: {  	(v2sf) =	vpush @!p2 v2, $0x0;
	v1 =	vld @!p2 [tilespmem:s2+$0x10748];
	_ =	sdelay $0x4  }
0xe7: {  	[tilespmem:$0x158] =	vst @!p2 v1  }
0xe8: {  	v1 =	vld @!p2 [tilespmem:s2+$0x10758];
	_ =	sdelay $0x4  }
0xe9: {  	[tilespmem:$0x168] =	vst @!p2 v1  }
0xea: {  	v1 =	vld @!p2 [tilespmem:s2+$0x10768]  }
.Ltmp12:
0xeb: {  	_ = 	snop;
	(pc) =	sbr.rel @p1 .LBB3_19-.Ltmp12, $4  }
0xec: {  	_ = 	snop  }
0xed: {  	s29 =	spop @!p2 (v2sf)  }
0xee: {  	s22 =	simm.s32 @!p2 $0x0;
	s24 =	smov.u32 s29  }
0xef: {  	s29 =	smov.u32 @p2 s28;
	s24 =	smov.u32 @p2 s30;
	[tilespmem:$0x178] =	vst @!p2 v1;
	[sflag:s18] =	ssyncpa.u1 $0x0  }
0xf0: {  	v1 =	vld.msk [tilespmem:s23+$0x0], $0x1;
	_ =	sdelay $0x4  }
0xf1: {  	(v2sf) =	vpush v1, $0x0;
	_ =	sdelay $0xe  }
0xf2: {  	s2 =	smul.u32 $0x1E000, s25;
	s0 =	spop (v2sf)  }
0xf3: {  	s26 =	ssub.s32 $0x0, s26;
	p1 =	seq.s32 s29, s0  }
0xf4: {  	s30 =	sadd.s32 $0x1, s26;
	s2 =	sshrl.u32 s2, $0x2;
	p2 =	sgt.s32 @!p1 s29, $0x0  }
0xf5: {  	s25 =	sor.u32 $0x10738, s2;
	s2 =	smov.u32 s29;
	p2 =	por !p2, p1  }
0xf6: {  	s2 =	simm.s32 @p2 $0x0;
	p2 =	seq.s32 s30, $0x0  }
.Ltmp13:
0xf7: {  	_ = 	snop;
	(pc) =	sbr.rel @p2 .LBB3_11-.Ltmp13, $4  }
0xf8: {  	_ = 	snop  }
0xf9: {  	s28 =	simm.s32 $0x0;
	s31 =	sadd.s32 $0x1, s23;
	s2 =	smin.u32 @!p1 s2, $0xFFF0  }
0xfa: {  	s4 =	simm.s32 @!p1 $0x1;
	s5 =	simm.s32 @!p1 $0x7988;
	s3 =	sand.u32 @!p1 $0xFFF8, s2  }
0xfb: {  	s4 =	smov.u32 @p1 s28;
	s2 =	sand.u32 @!p1 $0x7, s2;
	s3 =	sadd.s32 @!p1 s1, s3  }
.LBB3_10:
0xfc: {  	s9 =	smov.u32 s4  }
0xfd: {  	[tilespmem:s5], [sflag:$0x2] =	stream.linear.gather @!p1 [hbm4b:s3+s2], $0x80, $0x38;
	[tilespmem:$0x1F6F8] =	vst v63  }
0xfe: {  	s30 =	sadd.s32 $0x1, s30;
	s2 =	smov.u32 s0;
	v1 =	vld.msk [tilespmem:s31+$0x0], $0x1  }
0xff: {  	p2 =	seq.s32 s30, $0x0;
	_ =	sdelay $0x3  }
0x100: {  	(v2sf) =	vpush v1, $0x0;
	_ =	sdelay $0xe  }
0x101: {  	s0 =	spop (v2sf)  }
0x102: {  	p1 =	seq.s32 s2, s0  }
0x103: {  	p3 =	sgt.s32 @!p1 s2, $0x0;
	s3 =	sshll.u32 @!p1 s4, $0x9;
	s4 =	sadd.s32 @!p1 $0x1, s4  }
.Ltmp14:
0x104: {  	p3 =	por !p3, p1;
	s3 =	sshra.s32 @!p1 s3, $0x2;
	(pc) =	sbr.rel @!p2 .LBB3_10-.Ltmp14, $4  }
0x105: {  	s4 =	smov.u32 @p1 s9;
	s2 =	simm.s32 @p3 $0x0;
	s5 =	sadd.s32 @!p1 $0x7988, s3  }
0x106: {  	s2 =	smin.u32 @!p1 s2, $0xFFF0  }
0x107: {  	s3 =	sand.u32 @!p1 $0xFFF8, s2;
	s2 =	sand.u32 @!p1 $0x7, s2  }
0x108: {  	s31 =	sadd.s32 $0x1, s31;
	s3 =	sadd.s32 @!p1 s1, s3  }
.LBB3_11:
0x109: {  	[tilespmem:s5], [sflag:$0x2] =	stream.linear.gather @!p1 [hbm4b:s3+s2], $0x80, $0x38;
	[tilespmem:$0x1F6F8] =	vst v63  }
.Ltmp15:
0x10a: {  	s0 =	sshll.u32 s4, $0x7;
	(pc) =	sbr.rel .LBB3_12-.Ltmp15, $4  }
0x10b: {  	s30 =	simm.s32 $0x2;
	s0 =	sand.u32 $0x3FFFFF80, s0  }
0x10c: {  	_ =	swait.ge [sflag:s30], s0  }
0x10d: {  	s0 =	ssub.s32 $0x0, s0;
	[sflag:s30] =	ssyncset.done $0x0  }
0x10e: {  	s31 =	simm.s32 $0x0;
	[sflag:s30] =	ssyncadd.s32 s0  }
.LBB3_13:
0x10f: {  	s0 =	sshra.s32 s0, $0x2;
	v1 =	vld [tilespmem:s25+$0xFFFFFFC0]  }
0x110: {  	v2 =	vld [tilespmem:s0+$0x108];
	_ =	sdelay $0x4  }
0x111: {  	v1 =	vmax.f32 v1, v2  }
0x112: {  	v2 =	vld [tilespmem:s0+$0x118];
	[tilespmem:s0+$0x108] =	vst v1  }
0x113: {  	v1 =	vld [tilespmem:s25+$0xFFFFFFD0];
	_ =	sdelay $0x4  }
0x114: {  	v1 =	vmax.f32 v1, v2  }
0x115: {  	v2 =	vld [tilespmem:s0+$0x128];
	[tilespmem:s0+$0x118] =	vst v1  }
0x116: {  	v1 =	vld [tilespmem:s25+$0xFFFFFFE0];
	_ =	sdelay $0x4  }
0x117: {  	v1 =	vmax.f32 v1, v2  }
0x118: {  	v2 =	vld [tilespmem:s0+$0x138];
	[tilespmem:s0+$0x128] =	vst v1  }
0x119: {  	v1 =	vld [tilespmem:s25+$0xFFFFFFF0];
	_ =	sdelay $0x4  }
0x11a: {  	v1 =	vmax.f32 v1, v2  }
0x11b: {  	v2 =	vld [tilespmem:s0+$0x148];
	[tilespmem:s0+$0x138] =	vst v1  }
0x11c: {  	v1 =	vld [tilespmem:s25+$0x0];
	_ =	sdelay $0x4  }
0x11d: {  	v1 =	vmax.f32 v1, v2  }
0x11e: {  	v2 =	vld [tilespmem:s0+$0x158];
	[tilespmem:s0+$0x148] =	vst v1  }
0x11f: {  	v1 =	vld [tilespmem:s25+$0x10];
	_ =	sdelay $0x4  }
0x120: {  	v1 =	vmax.f32 v1, v2  }
0x121: {  	v2 =	vld [tilespmem:s0+$0x168];
	[tilespmem:s0+$0x158] =	vst v1  }
0x122: {  	v1 =	vld [tilespmem:s25+$0x20];
	_ =	sdelay $0x4  }
0x123: {  	v1 =	vmax.f32 v1, v2  }
0x124: {  	v2 =	vld [tilespmem:s0+$0x178];
	[tilespmem:s0+$0x168] =	vst v1  }
0x125: {  	v1 =	vld [tilespmem:s25+$0x30];
	_ =	sdelay $0x4  }
0x126: {  	v1 =	vmax.f32 v1, v2  }
0x127: {  	[tilespmem:s0+$0x178] =	vst v1  }
.LBB3_17:
0x128: {  	s26 =	sadd.s32 $0x1, s26  }
0x129: {  	p1 =	seq.s32 s26, $0x0  }
.Ltmp16:
0x12a: {  	_ = 	snop;
	(pc) =	sbr.rel @p1 .LBB3_18-.Ltmp16, $2  }
0x12b: {  	_ =	sdelay $0x2  }
0x12c: {  	s23 =	sadd.s32 $0x1, s23;
	s25 =	sadd.s32 $0x80, s25;
	s29 =	smov.u32 s30  }
.LBB3_12:
0x12d: {  	v1 =	vld.msk [tilespmem:s23+$0x0], $0x1;
	_ =	sdelay $0x4  }
0x12e: {  	(v2sf) =	vpush v1, $0x0;
	_ =	sdelay $0xe  }
0x12f: {  	s30 =	spop (v2sf)  }
0x130: {  	p1 =	sne.s32 s29, s30  }
.Ltmp17:
0x131: {  	_ = 	snop;
	(pc) =	sbr.rel @!p1 .LBB3_13-.Ltmp17, $2  }
0x132: {  	_ =	sdelay $0x2  }
0x133: {  	s0 =	sshll.u32 s22, $0x9  }
0x134: {  	p1 =	seq.s32 s29, s24  }
.Ltmp18:
0x135: {  	_ = 	snop;
	(pc) =	sbr.rel @!p1 .LBB3_15-.Ltmp18, $1  }
0x136: {  	_ =	sdelay $0x3  }
0x137: {  	s0 =	sshra.s32 s0, $0x2  }
.Ltmp19:
0x138: {  	s0 =	sadd.s32 $0x108, s0;
	(pc) =	sbr.rel .LBB3_16-.Ltmp19, $4  }
0x139: {  	[spmem:s16] =	stream.linear.scatter [tilespmem:s0], [sflag:$0x1], $0x80, $0x38;
	[tilespmem:$0x1F6F8] =	vst v63  }
0x13a: {  	_ =	swait.ge [sflag:s12], $0x80  }
0x13b: {  	[sflag:s12] =	ssyncset.done $0x0  }
0x13c: {  	[sflag:s12] =	ssyncadd.s32 $0xFFFFFF80  }
.LBB3_15:
0x13d: {  	s2 =	sshll.u32 s28, $0x9;
	s0 =	sshra.s32 s0, $0x2  }
0x13e: {  	s2 =	sshra.s32 s2, $0x2;
	v2 =	vld [tilespmem:s0+$0x108]  }
0x13f: {  	v1 =	vld [tilespmem:s2+$0x7988];
	_ =	sdelay $0x4  }
0x140: {  	v1 =	vmax.f32 v1, v2  }
0x141: {  	v2 =	vld [tilespmem:s0+$0x118];
	[tilespmem:s0+$0x108] =	vst v1  }
0x142: {  	v1 =	vld [tilespmem:s2+$0x7998];
	_ =	sdelay $0x4  }
0x143: {  	v1 =	vmax.f32 v1, v2  }
0x144: {  	v2 =	vld [tilespmem:s0+$0x128];
	[tilespmem:s0+$0x118] =	vst v1  }
0x145: {  	v1 =	vld [tilespmem:s2+$0x79A8];
	_ =	sdelay $0x4  }
0x146: {  	v1 =	vmax.f32 v1, v2  }
0x147: {  	v2 =	vld [tilespmem:s0+$0x138];
	[tilespmem:s0+$0x128] =	vst v1  }
0x148: {  	v1 =	vld [tilespmem:s2+$0x79B8];
	_ =	sdelay $0x4  }
0x149: {  	v1 =	vmax.f32 v1, v2  }
0x14a: {  	v2 =	vld [tilespmem:s0+$0x148];
	[tilespmem:s0+$0x138] =	vst v1  }
0x14b: {  	v1 =	vld [tilespmem:s2+$0x79C8];
	_ =	sdelay $0x4  }
0x14c: {  	v1 =	vmax.f32 v1, v2  }
0x14d: {  	v2 =	vld [tilespmem:s0+$0x158];
	[tilespmem:s0+$0x148] =	vst v1  }
0x14e: {  	v1 =	vld [tilespmem:s2+$0x79D8];
	_ =	sdelay $0x4  }
0x14f: {  	v1 =	vmax.f32 v1, v2  }
0x150: {  	v2 =	vld [tilespmem:s0+$0x168];
	[tilespmem:s0+$0x158] =	vst v1  }
0x151: {  	v1 =	vld [tilespmem:s2+$0x79E8];
	_ =	sdelay $0x4  }
0x152: {  	v1 =	vmax.f32 v1, v2  }
0x153: {  	v2 =	vld [tilespmem:s0+$0x178];
	[tilespmem:s0+$0x168] =	vst v1  }
0x154: {  	v1 =	vld [tilespmem:s2+$0x79F8];
	_ =	sdelay $0x3  }
0x155: {  	p1 =	sgt.u32 s29, $0xFFF0  }
0x156: {  	s2 =	sand.u32 @!p1 $0xFFF8, s29;
	v1 =	vmax.f32 v1, v2  }
0x157: {  	s3 =	sadd.s32 $0x108, s0;
	[tilespmem:s0+$0x178] =	vst v1;
	s0 =	sadd.s32 @!p1 s1, s2;
	s2 =	sand.u32 @!p1 $0x7, s29  }
0x158: {  	[hbm4b:s0+s2] =	stream.linear.scatter @!p1 [tilespmem:s3], [sflag:$0xC], $0x80, $0x38;
	[tilespmem:$0x1F6F8] =	vst v63  }
0x159: {  	s0 =	simm.s32 $0x0  }
0x15a: {  	s0 =	simm.s32 @!p1 $0x200  }
0x15b: {  	s31 =	sadd.s32 s0, s31  }
.LBB3_16:
0x15c: {  	s0 =	sadd.s32 $0x1, s22  }
0x15d: {  	s2 =	smulhi.u32 $0x88888889, s0;
	_ =	sdelay $0x1  }
0x15e: {  	v1 =	vld [tilespmem:s25+$0xFFFFFFC0];
	s2 =	sshrl.u32 s2, $0x7  }
0x15f: {  	s2 =	smul.u32 $0xF0, s2;
	_ =	sdelay $0x1  }
0x160: {  	s22 =	ssub.s32 s0, s2  }
0x161: {  	s0 =	sshll.u32 s22, $0x7  }
0x162: {  	[tilespmem:s0+$0x108] =	vst v1  }
0x163: {  	v1 =	vld [tilespmem:s25+$0xFFFFFFD0];
	_ =	sdelay $0x4  }
0x164: {  	[tilespmem:s0+$0x118] =	vst v1  }
0x165: {  	v1 =	vld [tilespmem:s25+$0xFFFFFFE0];
	_ =	sdelay $0x4  }
0x166: {  	[tilespmem:s0+$0x128] =	vst v1  }
0x167: {  	v1 =	vld [tilespmem:s25+$0xFFFFFFF0];
	_ =	sdelay $0x4  }
0x168: {  	[tilespmem:s0+$0x138] =	vst v1  }
0x169: {  	v1 =	vld [tilespmem:s25+$0x0];
	_ =	sdelay $0x4  }
0x16a: {  	[tilespmem:s0+$0x148] =	vst v1  }
0x16b: {  	v1 =	vld [tilespmem:s25+$0x10];
	_ =	sdelay $0x4  }
0x16c: {  	[tilespmem:s0+$0x158] =	vst v1  }
0x16d: {  	v1 =	vld [tilespmem:s25+$0x20];
	_ =	sdelay $0x4  }
0x16e: {  	[tilespmem:s0+$0x168] =	vst v1  }
0x16f: {  	v1 =	vld [tilespmem:s25+$0x30]  }
.Ltmp20:
0x170: {  	_ = 	snop;
	(pc) =	sbr.rel .LBB3_17-.Ltmp20, $2  }
0x171: {  	_ =	sdelay $0x2  }
0x172: {  	s28 =	sadd.s32 $0x1, s28;
	[tilespmem:s0+$0x178] =	vst v1  }
.LBB3_19:
.Ltmp21:
0x173: {  	(pc) =	sbr.rel .LBB3_20-.Ltmp21, $4  }
0x174: {  	_ = 	snop  }
0x175: {  	s0 =	simm.s32 $0x2  }
0x176: {  	_ =	swait.ge [sflag:s0], $0x0  }
0x177: {  	s30 =	smov.u32 s29;
	[sflag:s0] =	ssyncset.done $0x0;
	s0 =	simm.s32 $0x0  }
.LBB3_22:
0x178: {  	_ =	sfence.sel $0x180000  }
0x179: {  	s0 =	simm.s32 $0x9;
	[bflag:$0x0] =	sbarrier.arrive $0xFFFF  }
0x17a: {  	s24 =	simm.s32 $0xA;
	[sflag:s0] =	ssyncpa.u1 $0x1  }
0x17b: {  	s25 =	simm.s32 $0xB;
	[sflag:s24] =	ssyncpa.u1 $0x1  }
0x17c: {  	s26 =	simm.s32 $0x2;
	[sflag:s25] =	ssyncpa.u1 $0x1  }
0x17d: {  	[sflag:s26] =	ssyncpa.u1 $0x1  }
0x17e: {  	v0 =	vld [tilespmem:$0xF208];
	_ =	sdelay $0x4  }
0x17f: {  	(v2sf) =	vpush v0, $0x0  }
0x180: {  	(v2sf) =	vpush v0, $0x1;
	_ =	sdelay $0x1  }
0x181: {  	(v2sf) =	vpush v0, $0x2;
	_ =	sdelay $0xb  }
0x182: {  	s0 =	spop (v2sf)  }
0x183: {  	s2 =	spop (v2sf)  }
0x184: {  	s3 =	smov.u32 s0;
	p0 =	sne.s32 s0, s2  }
0x185: {  	s4 =	spop (v2sf);
	s3 =	simm.s32 @!p0 $0xFFFFFFFF  }
0x186: {  	v2 =	vimm.s32 $0x1;
	v3 =	vlaneseq.u32;
	p0 =	seq.s32 s4, $0xFFFFFFFF;
	v1 =	vmov s3  }
0x187: {  	s16 =	stileid.u32;
	v0 =	vperm.xlane v0, v2;
	p1 =	sne.s32 @!p0 s0, s2;
	v1 =	vperm.xlane v1, v3  }
0x188: {  	vm0 =	vcmask $0x3F04;
	s6 =	simm.s32 $0xF208;
	s0 =	simm.s32 @!p0 $0x1;
	p1 =	por !p1, p0  }
0x189: {  	s3 =	sshll.u32 s16, $0x1;
	s2 =	sshll.u32 @!p0 s4, $0x9;
	s0 =	simm.s32 @p1 $0x0;
	v0 =	vsel vm0, v1, v0  }
0x18a: {  	s5 =	sor.u32 $0x1000, s3;
	s2 =	sshra.s32 @!p0 s2, $0x2;
	s0 =	sor.u32 @!p0 s0, s3;
	[tilespmem:$0xF208] =	vst v0  }
0x18b: {  	[spmem:s5] =	stream.linear.scatter [tilespmem:s6], [sflag:$0x1], $0x2, $0x38;
	[tilespmem:$0x1F6F8] =	vst v63  }
0x18c: {  	s2 =	sadd.s32 @!p0 $0x108, s2;
	s0 =	sshll.u32 @!p0 s0, $0x7  }
0x18d: {  	[spmem:s0] =	stream.linear.scatter @!p0 [tilespmem:s2], [sflag:$0x1], $0x80, $0x38;
	[tilespmem:$0x1F6F8] =	vst v63  }
0x18e: {  	s0 =	simm.s32 @!p0 $0x82  }
0x18f: {  	s28 =	simm.s32 $0x1;
	s0 =	simm.s32 @p0 $0x2  }
0x190: {  	_ =	swait.ge [sflag:s28], s0  }
0x191: {  	s0 =	ssub.s32 $0x0, s0;
	[sflag:s28] =	ssyncset.done $0x0  }
0x192: {  	p0 =	sne.s32 s16, $0x0;
	[sflag:s28] =	ssyncadd.s32 s0  }
.Ltmp22:
0x193: {  	_ =	sfence.stream.spmem;
	(pc) =	sbr.rel @p0 .LBB3_39-.Ltmp22, $4  }
0x194: {  	s29 =	simm.s32 $0x3;
	[bflag:$0x0] =	sbarrier.arrive $0xFFFF  }
0x195: {  	s30 =	simm.s32 $0x4;
	[sflag:s29] =	ssyncpa.u1 $0x1  }
0x196: {  	s31 =	simm.s32 $0x3C;
	[sflag:s30] =	ssyncpa.u1 $0x1  }
0x197: {  	s15 =	rddreg [dreg:$0x4];
	[sflag:s31] =	ssyncpa.u1 $0x1  }
0x198: {  	_ =	sfence.stream.spmem;
	s0 =	simm.s32 $0x5  }
0x199: {  	s2 =	simm.s32 $0x1000;
	s3 =	simm.s32 $0xF218;
	[sflag:s0] =	ssyncpa.u1 $0x0  }
0x19a: {  	[tilespmem:s3], [sflag:$0x5] =	stream.linear.gather [spmem:s2], $0x20, $0x38;
	[tilespmem:$0x1F6F8] =	vst v63  }
0x19b: {  	s26 =	simm.s32 $0x0;
	s28 =	simm.s32 $0xF238  }
0x19c: {  	[tilespmem:s28], [sflag:$0x5] =	stream.linear.gather [spmem:s26], $0x1000, $0x38;
	[tilespmem:$0x1F6F8] =	vst v63  }
0x19d: {  	_ =	swait.ge [sflag:s0], $0x1020  }
0x19e: {  	[sflag:s0] =	ssyncset.done $0x0  }
0x19f: {  	s29 =	simm.s32 $0x0;
	[sflag:s0] =	ssyncadd.s32 $0xFFFFEFE0  }
0x1a0: {  	v0 =	vld.msk [tilespmem:s29+$0xF218], $0x1;
	_ =	sdelay $0x1  }
0x1a1: {  	s30 =	simm.s32 $0x1  }
0x1a2: {  	v1 =	vld.msk [tilespmem:s30+$0xF218], $0x1;
	_ =	sdelay $0x1  }
0x1a3: {  	(v2sf) =	vpush v0, $0x0;
	_ =	sdelay $0x2  }
0x1a4: {  	(v2sf) =	vpush v1, $0x0;
	_ =	sdelay $0x2  }
0x1a5: {  	s31 =	simm.s32 $0x2  }
0x1a6: {  	v0 =	vld.msk [tilespmem:s31+$0xF218], $0x1;
	_ =	sdelay $0x2  }
0x1a7: {  	s4 =	simm.s32 $0xFFFFFFFF;
	s5 =	simm.s32 $0xFFFFFFFF;
	s0 =	simm.s32 $0xC  }
.LBB3_24:
0x1a8: {  	s2 =	smov.u32 s5;
	s3 =	smov.u32 s4  }
0x1a9: {  	s4 =	sshra.s32 s0, $0x2;
	p1 =	sne.s32 s0, $0x7C;
	s0 =	sadd.s32 $0x4, s0;
	(v2sf) =	vpush v0, $0x0  }
0x1aa: {  	v0 =	vld.msk [tilespmem:s4+$0xF218], $0x1  }
.Ltmp23:
0x1ab: {  	(pc) =	sbr.rel @p1 .LBB3_24-.Ltmp23, $4  }
0x1ac: {  	s5 =	spop (v2sf)  }
0x1ad: {  	p2 =	sne.s32 s3, $0xFFFFFFFF;
	s4 =	smov.u32 s5  }
0x1ae: {  	p3 =	seq.s32 s5, $0xFFFFFFFF;
	s4 =	smov.u32 @p2 s3  }
0x1af: {  	s5 =	smov.u32 @p3 s2;
	s4 =	smov.u32 @p3 s3  }
0x1b0: {  	(v2sf) =	vpush v0, $0x0;
	_ =	sdelay $0x8  }
0x1b1: {  	s0 =	spop (v2sf)  }
0x1b2: {  	p1 =	sne.s32 s4, $0xFFFFFFFF;
	s2 =	smov.u32 s0  }
0x1b3: {  	s9 =	simm.s32 $0x6;
	p2 =	seq.s32 s0, $0xFFFFFFFF;
	s2 =	smov.u32 @p1 s4  }
0x1b4: {  	s6 =	simm.s32 $0x0;
	s2 =	smov.u32 @p2 s4;
	s3 =	spop (v2sf)  }
0x1b5: {  	s0 =	smov.u32 @p2 s5;
	p1 =	sne.s32 s2, $0xFFFFFFFF;
	s4 =	smov.u32 s3  }
.Ltmp24:
0x1b6: {  	p2 =	seq.s32 s3, $0xFFFFFFFF;
	s4 =	smov.u32 @p1 s2;
	(pc) =	sbr.rel .LBB3_26-.Ltmp24, $4  }
0x1b7: {  	s10 =	simm.s32 $0xF188;
	s4 =	smov.u32 @p2 s2;
	s7 =	spop (v2sf)  }
0x1b8: {  	s11 =	simm.s32 $0x0;
	p1 =	sne.s32 s4, $0xFFFFFFFF;
	s8 =	smov.u32 s7  }
0x1b9: {  	s3 =	smov.u32 @p2 s0;
	p2 =	seq.s32 s7, $0xFFFFFFFF;
	s8 =	smov.u32 @p1 s4  }
0x1ba: {  	[sflag:s9] =	ssyncpa.u1 $0x0;
	s7 =	smov.u32 @p2 s3;
	s8 =	smov.u32 @p2 s4  }
.LBB3_32:
0x1bb: {  	p1 =	sgt.u32 s12, $0xFFF0  }
0x1bc: {  	p2 =	seq.s32 @!p1 s12, s8  }
0x1bd: {  	p1 =	por p1, p2  }
0x1be: {  	p2 =	sne.s32 @!p1 s12, s7  }
0x1bf: {  	p1 =	por p1, !p2  }
0x1c0: {  	s0 =	sshll.u32 @p1 s11, $0x9  }
0x1c1: {  	s0 =	sand.u32 @!p1 $0xFFF8, s12  }
0x1c2: {  	s2 =	sand.u32 @!p1 $0x7, s12;
	s0 =	sadd.s32 @!p1 s1, s0  }
0x1c3: {  	[tilespmem:s10], [sflag:$0x6] =	stream.linear.gather @!p1 [hbm4b:s0+s2], $0x80, $0x38;
	[tilespmem:$0x1F6F8] =	vst v63  }
0x1c4: {  	_ =	swait.ge @!p1 [sflag:s9], $0x80  }
0x1c5: {  	[sflag:s9] =	ssyncset.done @!p1 $0x0  }
0x1c6: {  	s0 =	sshll.u32 @!p1 s11, $0x9;
	[sflag:s9] =	ssyncadd.s32 @!p1 $0xFFFFFF80  }
0x1c7: {  	s2 =	sshrl.u32 @!p1 s0, $0x2;
	v1 =	vld @!p1 [tilespmem:$0xF188]  }
0x1c8: {  	v2 =	vld @!p1 [tilespmem:s2+$0xF238];
	_ =	sdelay $0x4  }
0x1c9: {  	v1 =	vmax.f32 @!p1 v1, v2  }
0x1ca: {  	v2 =	vld @!p1 [tilespmem:s2+$0xF248];
	[tilespmem:s2+$0xF238] =	vst @!p1 v1  }
0x1cb: {  	v1 =	vld @!p1 [tilespmem:$0xF198];
	_ =	sdelay $0x4  }
0x1cc: {  	v1 =	vmax.f32 @!p1 v1, v2  }
0x1cd: {  	v2 =	vld @!p1 [tilespmem:s2+$0xF258];
	[tilespmem:s2+$0xF248] =	vst @!p1 v1  }
0x1ce: {  	v1 =	vld @!p1 [tilespmem:$0xF1A8];
	_ =	sdelay $0x4  }
0x1cf: {  	v1 =	vmax.f32 @!p1 v1, v2  }
0x1d0: {  	v2 =	vld @!p1 [tilespmem:s2+$0xF268];
	[tilespmem:s2+$0xF258] =	vst @!p1 v1  }
0x1d1: {  	v1 =	vld @!p1 [tilespmem:$0xF1B8];
	_ =	sdelay $0x4  }
0x1d2: {  	v1 =	vmax.f32 @!p1 v1, v2  }
0x1d3: {  	v2 =	vld @!p1 [tilespmem:s2+$0xF278];
	[tilespmem:s2+$0xF268] =	vst @!p1 v1  }
0x1d4: {  	v1 =	vld @!p1 [tilespmem:$0xF1C8];
	_ =	sdelay $0x4  }
0x1d5: {  	v1 =	vmax.f32 @!p1 v1, v2  }
0x1d6: {  	v2 =	vld @!p1 [tilespmem:s2+$0xF288];
	[tilespmem:s2+$0xF278] =	vst @!p1 v1  }
0x1d7: {  	v1 =	vld @!p1 [tilespmem:$0xF1D8];
	_ =	sdelay $0x4  }
0x1d8: {  	v1 =	vmax.f32 @!p1 v1, v2  }
0x1d9: {  	v2 =	vld @!p1 [tilespmem:s2+$0xF298];
	[tilespmem:s2+$0xF288] =	vst @!p1 v1  }
0x1da: {  	v1 =	vld @!p1 [tilespmem:$0xF1E8];
	_ =	sdelay $0x4  }
0x1db: {  	v1 =	vmax.f32 @!p1 v1, v2  }
0x1dc: {  	v2 =	vld @!p1 [tilespmem:s2+$0xF2A8];
	[tilespmem:s2+$0xF298] =	vst @!p1 v1  }
0x1dd: {  	v1 =	vld @!p1 [tilespmem:$0xF1F8];
	_ =	sdelay $0x4  }
0x1de: {  	v1 =	vmax.f32 @!p1 v1, v2  }
0x1df: {  	[tilespmem:s2+$0xF2A8] =	vst @!p1 v1  }
0x1e0: {  	s0 =	sshrl.u32 s0, $0x2;
	[tilespmem:s6+$0xF218] =	vst.msk $0x1, v0  }
0x1e1: {  	v0 =	vld [tilespmem:s0+$0xF238];
	_ =	sdelay $0x2  }
0x1e2: {  	s31 =	sshll.u32 s6, $0x9  }
0x1e3: {  	s2 =	sshra.s32 s31, $0x2  }
0x1e4: {  	[tilespmem:s2+$0xF238] =	vst v0  }
0x1e5: {  	v0 =	vld [tilespmem:s0+$0xF248];
	_ =	sdelay $0x4  }
0x1e6: {  	[tilespmem:s2+$0xF248] =	vst v0  }
0x1e7: {  	v0 =	vld [tilespmem:s0+$0xF258];
	_ =	sdelay $0x4  }
0x1e8: {  	[tilespmem:s2+$0xF258] =	vst v0  }
0x1e9: {  	v0 =	vld [tilespmem:s0+$0xF268];
	_ =	sdelay $0x4  }
0x1ea: {  	[tilespmem:s2+$0xF268] =	vst v0  }
0x1eb: {  	v0 =	vld [tilespmem:s0+$0xF278];
	_ =	sdelay $0x4  }
0x1ec: {  	[tilespmem:s2+$0xF278] =	vst v0  }
0x1ed: {  	v0 =	vld [tilespmem:s0+$0xF288];
	_ =	sdelay $0x4  }
0x1ee: {  	[tilespmem:s2+$0xF288] =	vst v0  }
0x1ef: {  	v0 =	vld [tilespmem:s0+$0xF298];
	_ =	sdelay $0x4  }
0x1f0: {  	[tilespmem:s2+$0xF298] =	vst v0  }
0x1f1: {  	v0 =	vld [tilespmem:s0+$0xF2A8];
	_ =	sdelay $0x4  }
0x1f2: {  	s6 =	sadd.s32 $0x1, s6;
	[tilespmem:s2+$0xF2A8] =	vst v0  }
.LBB3_33:
0x1f3: {  	s11 =	sadd.s32 $0x1, s11  }
0x1f4: {  	p1 =	sne.s32 s11, $0x20  }
.Ltmp25:
0x1f5: {  	_ = 	snop;
	(pc) =	sbr.rel @!p1 .LBB3_34-.Ltmp25, $1  }
0x1f6: {  	_ =	sdelay $0x3  }
.LBB3_26:
0x1f7: {  	v0 =	vld.msk [tilespmem:s11+$0xF218], $0x1;
	_ =	sdelay $0x4  }
0x1f8: {  	(v2sf) =	vpush v0, $0x0;
	_ =	sdelay $0xe  }
0x1f9: {  	s12 =	spop (v2sf)  }
0x1fa: {  	p1 =	seq.s32 s12, $0xFFFFFFFF  }
.Ltmp26:
0x1fb: {  	_ = 	snop;
	(pc) =	sbr.rel @p1 .LBB3_33-.Ltmp26, $1  }
0x1fc: {  	_ =	sdelay $0x3  }
0x1fd: {  	p1 =	slt.s32 s6, $0x1  }
.Ltmp27:
0x1fe: {  	_ = 	snop;
	(pc) =	sbr.rel @p1 .LBB3_32-.Ltmp27, $1  }
0x1ff: {  	_ =	sdelay $0x3  }
0x200: {  	s13 =	simm.s32 $0xF218;
	p1 =	por $0x0, $0x0  }
0x201: {  	v1 =	vld.msk @!p1 [tilespmem:s13+$0x0], $0x1;
	_ =	sdelay $0x4  }
0x202: {  	(v2sf) =	vpush @!p1 v1, $0x0;
	_ =	sdelay $0xd  }
0x203: {  	p3 =	sne.s32 s6, $0x1  }
.Ltmp28:
0x204: {  	s0 =	spop @!p1 (v2sf);
	(pc) =	sbr.rel @!p3 .LBB3_30-.Ltmp28, $4  }
0x205: {  	p2 =	seq.s32 @!p1 s12, s0  }
0x206: {  	s14 =	simm.s32 $0x0;
	p2 =	por !p2, p1  }
0x207: {  	s2 =	simm.s32 $0xFFFFFFFF;
	s14 =	simm.s32 @p2 $0xFFFFFFFF  }
0x208: {  	s0 =	simm.s32 $0x1;
	s14 =	smov.u32 @p1 s2  }
.LBB3_29:
0x209: {  	s2 =	smov.u32 s14;
	p1 =	sne.s32 s14, $0xFFFFFFFF  }
0x20a: {  	s13 =	sadd.s32 $0x1, s13;
	s14 =	smov.u32 s0;
	s0 =	sadd.s32 $0x1, s0  }
0x20b: {  	p2 =	sne.s32 s6, s0;
	v1 =	vld.msk @!p1 [tilespmem:s13+$0x0], $0x1;
	_ =	sdelay $0x4  }
0x20c: {  	(v2sf) =	vpush @!p1 v1, $0x0;
	_ =	sdelay $0xe  }
.Ltmp29:
0x20d: {  	s3 =	spop @!p1 (v2sf);
	(pc) =	sbr.rel @p2 .LBB3_29-.Ltmp29, $4  }
0x20e: {  	p3 =	seq.s32 @!p1 s12, s3  }
0x20f: {  	p3 =	por !p3, p1  }
0x210: {  	s14 =	simm.s32 @p3 $0xFFFFFFFF  }
0x211: {  	s14 =	smov.u32 @p1 s2  }
.LBB3_30:
0x212: {  	p1 =	seq.s32 s14, $0xFFFFFFFF  }
.Ltmp30:
0x213: {  	_ = 	snop;
	(pc) =	sbr.rel @p1 .LBB3_32-.Ltmp30, $1  }
0x214: {  	_ =	sdelay $0x3  }
0x215: {  	s0 =	sshll.u32 s11, $0x7  }
0x216: {  	s2 =	sshll.u32 s14, $0x9;
	s0 =	sand.u32 $0x3FFFFF80, s0  }
0x217: {  	s2 =	sshra.s32 s2, $0x2;
	v0 =	vld [tilespmem:s0+$0xF238]  }
0x218: {  	v1 =	vld [tilespmem:s2+$0xF238];
	_ =	sdelay $0x4  }
0x219: {  	v0 =	vmax.f32 v0, v1  }
0x21a: {  	v57 =	vld [tilespmem:s2+$0xF248];
	[tilespmem:s2+$0xF238] =	vst v0  }
0x21b: {  	v0 =	vld [tilespmem:s0+$0xF248];
	_ =	sdelay $0x4  }
0x21c: {  	v0 =	vmax.f32 v0, v57  }
0x21d: {  	v58 =	vld [tilespmem:s2+$0xF258];
	[tilespmem:s2+$0xF248] =	vst v0  }
0x21e: {  	v0 =	vld [tilespmem:s0+$0xF258];
	_ =	sdelay $0x4  }
0x21f: {  	v0 =	vmax.f32 v0, v58  }
0x220: {  	v59 =	vld [tilespmem:s2+$0xF268];
	[tilespmem:s2+$0xF258] =	vst v0  }
0x221: {  	v0 =	vld [tilespmem:s0+$0xF268];
	_ =	sdelay $0x4  }
0x222: {  	v0 =	vmax.f32 v0, v59  }
0x223: {  	v60 =	vld [tilespmem:s2+$0xF278];
	[tilespmem:s2+$0xF268] =	vst v0  }
0x224: {  	v0 =	vld [tilespmem:s0+$0xF278];
	_ =	sdelay $0x4  }
0x225: {  	v0 =	vmax.f32 v0, v60  }
0x226: {  	v61 =	vld [tilespmem:s2+$0xF288];
	[tilespmem:s2+$0xF278] =	vst v0  }
0x227: {  	v0 =	vld [tilespmem:s0+$0xF288];
	_ =	sdelay $0x4  }
0x228: {  	v0 =	vmax.f32 v0, v61  }
0x229: {  	v62 =	vld [tilespmem:s2+$0xF298];
	[tilespmem:s2+$0xF288] =	vst v0  }
0x22a: {  	v0 =	vld [tilespmem:s0+$0xF298];
	_ =	sdelay $0x4  }
0x22b: {  	v0 =	vmax.f32 v0, v62  }
0x22c: {  	v63 =	vld [tilespmem:s2+$0xF2A8];
	[tilespmem:s2+$0xF298] =	vst v0  }
0x22d: {  	v0 =	vld [tilespmem:s0+$0xF2A8];
	_ =	sdelay $0x1  }
.Ltmp31:
0x22e: {  	_ = 	snop;
	(pc) =	sbr.rel .LBB3_33-.Ltmp31, $3  }
0x22f: {  	_ =	sdelay $0x1  }
0x230: {  	v0 =	vmax.f32 v0, v63  }
0x231: {  	[tilespmem:s2+$0xF2A8] =	vst v0  }
.LBB3_34:
0x232: {  	s0 =	simm.s32 $0x6;
	p1 =	seq.s32 s6, $0x0  }
0x233: {  	[sflag:s0] =	ssyncpa.u1 $0x1;
	v0 =	vimm.s32 @p1 $0xFFFFFFFF  }
0x234: {  	s9 =	sadd.s32 $0xFFFFFFFF, s6;
	[tilespmem:$0x10238] =	vst @p1 v0  }
0x235: {  	v0 =	vld.msk @!p1 [tilespmem:s9+$0xF218], $0x1;
	_ =	sdelay $0x1  }
0x236: {  	v1 =	vld.msk @!p1 [tilespmem:$0xF218], $0x1;
	_ =	sdelay $0x2  }
0x237: {  	p2 =	seq.s32 @!p1 s9, $0x0;
	v0 =	vbroadcast @!p1 v0, $0x0  }
0x238: {  	vm0 =	vmmov @!p1 $0x1;
	p2 =	por !p2, p1  }
0x239: {  	v1 =	vnsel @!p1 vm0, $0xFFFFFFFF, v1;
	vm0 =	vcmask @!p1 $0x308;
	v0 =	vpsel !p2, $0xFFFFFFFF, v0  }
0x23a: {  	p2 =	sne.s32 @!p1 s8, s7;
	v0 =	vsel @!p1 vm0, v1, v0  }
0x23b: {  	s0 =	simm.s32 @!p1 $0xF238;
	s2 =	simm.s32 @!p1 $0x0;
	p3 =	por !p2, p1;
	[tilespmem:$0x10238] =	vst @!p1 v0  }
0x23c: {  	[spmem:s2] =	stream.linear.scatter @!p1 [tilespmem:s0], [sflag:$0x1], $0x80, $0x38;
	[tilespmem:$0x1F6F8] =	vst v63  }
0x23d: {  	s0 =	sshll.u32 @!p3 s9, $0x9  }
0x23e: {  	s0 =	sshra.s32 @!p3 s0, $0x2  }
0x23f: {  	s2 =	simm.s32 @!p3 $0x80;
	s0 =	sadd.s32 @!p3 $0xF238, s0  }
0x240: {  	[spmem:s2] =	stream.linear.scatter @!p3 [tilespmem:s0], [sflag:$0x1], $0x80, $0x38;
	[tilespmem:$0x1F6F8] =	vst v63  }
0x241: {  	s0 =	simm.s32 @!p3 $0x1  }
0x242: {  	_ =	swait.ge @!p3 [sflag:s0], $0x100  }
0x243: {  	p1 =	por p2, p1;
	[sflag:s0] =	ssyncset.done @!p3 $0x0  }
0x244: {  	[sflag:s0] =	ssyncadd.s32 @!p3 $0xFFFFFF00;
	s0 =	simm.s32 @!p1 $0x1  }
0x245: {  	_ =	swait.ge @!p1 [sflag:s0], $0x80  }
0x246: {  	s29 =	simm.s32 $0x10238;
	[sflag:s0] =	ssyncset.done @!p1 $0x0  }
0x247: {  	s30 =	simm.s32 $0x1000;
	s31 =	simm.s32 $0x1;
	[sflag:s0] =	ssyncadd.s32 @!p1 $0xFFFFFF80  }
0x248: {  	[spmem:s30] =	stream.linear.scatter [tilespmem:s29], [sflag:$0x1], $0x10, $0x38;
	[tilespmem:$0x1F6F8] =	vst v63  }
0x249: {  	_ =	swait.ge [sflag:s31], $0x10  }
0x24a: {  	[sflag:s31] =	ssyncset.done $0x0  }
0x24b: {  	p1 =	seq.s32 s15, $0x0;
	s8 =	rddreg [dreg:$0x1];
	[sflag:s31] =	ssyncadd.s32 $0xFFFFFFF0  }
0x24c: {  	s2 =	sshll.u32 @p1 s8, $0xE;
	s7 =	rddreg [dreg:$0x2]  }
0x24d: {  	s0 =	sadd.s32 @p1 $0x15C3C, s2;
	s2 =	sshll.u32 @p1 s7, $0x11  }
0x24e: {  	_ =	sfence.stream.spmem;
	s0 =	sor.u32 @p1 s2, s0  }
0x24f: {  	[sflag:s0] =	ssyncadd.remote.s32 @p1 $0x1;
	s0 =	simm.s32 @p1 $0x4  }
0x250: {  	s3 =	simm.s32 @!p1 $0x3C;
	s2 =	sand.u32 $0xFFFFFFFE, s8;
	_ =	swait.ge @p1 [sflag:s0], $0x22  }
0x251: {  	s4 =	simm.s32 @!p1 $0x0;
	s2 =	sadd.s32 @!p1 $0x4, s2;
	[sflag:s0] =	ssyncset.done @p1 $0x0  }
0x252: {  	s5 =	simm.s32 @!p1 $0x100;
	[sflag:s0] =	ssyncadd.s32 @p1 $0xFFFFFFDE;
	s0 =	sshll.u32 @!p1 s2, $0x1A  }
0x253: {  	s2 =	sshll.u32 @!p1 s2, $0xD;
	s0 =	sor.u32 @!p1 s0, s7;
	_ =	swait.eq @!p1 [sflag:s3], $0x1  }
0x254: {  	s2 =	sor.u32 @!p1 $0x1C04, s2;
	s3 =	simm.s32 @!p1 $0x1C03;
	s0 =	sor.u32 @!p1 $0x80004000, s0  }
0x255: {  	[spmem:s5], [sflag:s2] =	dma.general @!p1 [spmem:s4], [sflag:s3], length:$0x20, [dreg:$0x0], stride_count:$0x0, ici_dest:s0, dma_misc:DstOpCode:WRITE  }
0x256: {  	p2 =	slt.s32 s9, $0x2;
	s4 =	simm.s32 @!p1 $0x200;
	s5 =	simm.s32 @!p1 $0x202  }
0x257: {  	[spmem:s5], [sflag:s2] =	dma.general @!p1 [spmem:s4], [sflag:s3], length:$0x2, [dreg:$0x0], stride_count:$0x0, ici_dest:s0, dma_misc:DstOpCode:WRITE  }
.Ltmp32:
0x258: {  	s0 =	simm.s32 @!p1 $0x3;
	(pc) =	sbr.rel @p2 .LBB3_38-.Ltmp32, $4  }
0x259: {  	s2 =	sshll.u32 @!p1 s8, $0xE;
	_ =	swait.ge @!p1 [sflag:s0], $0x22  }
0x25a: {  	s3 =	sshll.u32 @!p1 s7, $0x11;
	s2 =	sadd.s32 @!p1 $0x11C3C, s2;
	[sflag:s0] =	ssyncset.done @!p1 $0x0  }
0x25b: {  	[sflag:s0] =	ssyncadd.s32 @!p1 $0xFFFFFFDE;
	s0 =	sor.u32 @!p1 s3, s2  }
0x25c: {  	[sflag:s0] =	ssyncadd.remote.s32 @!p1 $0xFFFFFFFF;
	s0 =	simm.s32 $0x0  }
0x25d: {  	s0 =	simm.s32 $0xF219  }
0x25e: {  	v0 =	vld.msk [tilespmem:s0+$0x0], $0x1;
	_ =	sdelay $0x4  }
0x25f: {  	(v2sf) =	vpush v0, $0x0;
	_ =	sdelay $0xb  }
0x260: {  	s31 =	sadd.s32 $0xFFFFFFFE, s6  }
0x261: {  	s0 =	sadd.s32 $0xFFFFFFFF, s31  }
0x262: {  	p2 =	sne.s32 s0, $0x0  }
.Ltmp33:
0x263: {  	s2 =	spop (v2sf);
	(pc) =	sbr.rel @!p2 .LBB3_37-.Ltmp33, $4  }
0x264: {  	s4 =	simm.s32 $0xF2B8;
	s7 =	simm.s32 $0x0;
	p1 =	sgt.u32 s2, $0xFFF0  }
0x265: {  	s5 =	simm.s32 $0x0;
	s6 =	simm.s32 $0xF21A;
	s3 =	sand.u32 @!p1 $0xFFF8, s2  }
0x266: {  	s2 =	sand.u32 @!p1 $0x7, s2;
	s7 =	simm.s32 @!p1 $0x200;
	s3 =	sadd.s32 @!p1 s1, s3  }
0x267: {  	[hbm4b:s3+s2] =	stream.linear.scatter @!p1 [tilespmem:s4], [sflag:$0x5], $0x80, $0x38;
	[tilespmem:$0x1F6F8] =	vst v63  }
.LBB3_36:
0x268: {  	v0 =	vld.msk [tilespmem:s6+$0x0], $0x1;
	s0 =	sadd.s32 $0xFFFFFFFF, s0;
	s5 =	sadd.s32 s5, s7  }
0x269: {  	p1 =	sne.s32 s0, $0x0;
	_ =	sdelay $0x3  }
0x26a: {  	(v2sf) =	vpush v0, $0x0;
	_ =	sdelay $0xe  }
.Ltmp34:
0x26b: {  	s2 =	spop (v2sf);
	(pc) =	sbr.rel @p1 .LBB3_36-.Ltmp34, $4  }
0x26c: {  	s7 =	simm.s32 $0x0;
	p2 =	sgt.u32 s2, $0xFFF0  }
0x26d: {  	s4 =	sadd.s32 $0x80, s4;
	s7 =	simm.s32 @!p2 $0x200;
	s3 =	sand.u32 @!p2 $0xFFF8, s2  }
0x26e: {  	s6 =	sadd.s32 $0x1, s6;
	s2 =	sand.u32 @!p2 $0x7, s2;
	s3 =	sadd.s32 @!p2 s1, s3  }
0x26f: {  	[hbm4b:s3+s2] =	stream.linear.scatter @!p2 [tilespmem:s4], [sflag:$0x5], $0x80, $0x38;
	[tilespmem:$0x1F6F8] =	vst v63  }
.LBB3_37:
0x270: {  	s0 =	sadd.s32 s5, s7  }
0x271: {  	s0 =	sshrl.u32 s0, $0x2  }
.LBB3_38:
0x272: {  	s2 =	simm.s32 $0x5  }
0x273: {  	_ =	swait.ge [sflag:s2], s0  }
0x274: {  	s31 =	ssub.s32 $0x0, s0;
	[sflag:s2] =	ssyncset.done $0x0  }
0x275: {  	[sflag:s2] =	ssyncadd.s32 s31  }
0x276: {  	[sflag:s2] =	ssyncpa.u1 $0x1  }
.LBB3_39:
0x277: {  	s0 =	sor.u32 s15, s16  }
0x278: {  	p1 =	sne.s32 s0, $0x0  }
.Ltmp35:
0x279: {  	_ = 	snop;
	(pc) =	sbr.rel @p1 .LBB3_54-.Ltmp35, $3  }
0x27a: {  	_ =	sdelay $0x1  }
0x27b: {  	[bflag:$0x0] =	sbarrier.arrive $0xFFFF  }
0x27c: {  	_ =	sfence  }
0x27d: {  	s0 =	simm.s32 $0x7  }
0x27e: {  	s2 =	simm.s32 $0x1000;
	s3 =	simm.s32 $0xF218;
	[sflag:s0] =	ssyncpa.u1 $0x0  }
0x27f: {  	[tilespmem:s3], [sflag:$0x7] =	stream.linear.gather [spmem:s2], $0x20, $0x38;
	[tilespmem:$0x1F6F8] =	vst v63  }
0x280: {  	s30 =	simm.s32 $0xF238;
	s2 =	simm.s32 $0x0  }
0x281: {  	[tilespmem:s30], [sflag:$0x7] =	stream.linear.gather [spmem:s2], $0x1000, $0x38;
	[tilespmem:$0x1F6F8] =	vst v63  }
.Ltmp36:
0x282: {  	_ = 	snop;
	(pc) =	sbr.rel .LBB3_41-.Ltmp36, $4  }
0x283: {  	_ =	swait.ge [sflag:s0], $0x1020  }
0x284: {  	[sflag:s0] =	ssyncset.done $0x0  }
0x285: {  	s31 =	simm.s32 $0x8;
	[sflag:s0] =	ssyncadd.s32 $0xFFFFEFE0  }
0x286: {  	s3 =	simm.s32 $0x0;
	[sflag:s31] =	ssyncpa.u1 $0x0  }
.LBB3_47:
0x287: {  	p1 =	slt.u32 s4, $0xFFF1  }
0x288: {  	s0 =	sand.u32 @p1 $0xFFF8, s4  }
0x289: {  	s4 =	sand.u32 @p1 $0x7, s4;
	s5 =	simm.s32 @p1 $0xF188;
	s0 =	sadd.s32 @p1 s1, s0  }
0x28a: {  	[tilespmem:s5], [sflag:$0x8] =	stream.linear.gather @p1 [hbm4b:s0+s4], $0x80, $0x38;
	[tilespmem:$0x1F6F8] =	vst v63  }
0x28b: {  	s0 =	simm.s32 @p1 $0x8  }
0x28c: {  	_ =	swait.ge @p1 [sflag:s0], $0x80  }
0x28d: {  	[sflag:s0] =	ssyncset.done @p1 $0x0  }
0x28e: {  	[sflag:s0] =	ssyncadd.s32 @p1 $0xFFFFFF80;
	s0 =	sshll.u32 @p1 s3, $0x9  }
0x28f: {  	s4 =	sshrl.u32 @p1 s0, $0x2;
	v1 =	vld @p1 [tilespmem:$0xF188]  }
0x290: {  	v2 =	vld @p1 [tilespmem:s4+$0xF238];
	_ =	sdelay $0x4  }
0x291: {  	v1 =	vmax.f32 @p1 v1, v2  }
0x292: {  	v2 =	vld @p1 [tilespmem:s4+$0xF248];
	[tilespmem:s4+$0xF238] =	vst @p1 v1  }
0x293: {  	v1 =	vld @p1 [tilespmem:$0xF198];
	_ =	sdelay $0x4  }
0x294: {  	v1 =	vmax.f32 @p1 v1, v2  }
0x295: {  	v2 =	vld @p1 [tilespmem:s4+$0xF258];
	[tilespmem:s4+$0xF248] =	vst @p1 v1  }
0x296: {  	v1 =	vld @p1 [tilespmem:$0xF1A8];
	_ =	sdelay $0x4  }
0x297: {  	v1 =	vmax.f32 @p1 v1, v2  }
0x298: {  	v2 =	vld @p1 [tilespmem:s4+$0xF268];
	[tilespmem:s4+$0xF258] =	vst @p1 v1  }
0x299: {  	v1 =	vld @p1 [tilespmem:$0xF1B8];
	_ =	sdelay $0x4  }
0x29a: {  	v1 =	vmax.f32 @p1 v1, v2  }
0x29b: {  	v2 =	vld @p1 [tilespmem:s4+$0xF278];
	[tilespmem:s4+$0xF268] =	vst @p1 v1  }
0x29c: {  	v1 =	vld @p1 [tilespmem:$0xF1C8];
	_ =	sdelay $0x4  }
0x29d: {  	v1 =	vmax.f32 @p1 v1, v2  }
0x29e: {  	v2 =	vld @p1 [tilespmem:s4+$0xF288];
	[tilespmem:s4+$0xF278] =	vst @p1 v1  }
0x29f: {  	v1 =	vld @p1 [tilespmem:$0xF1D8];
	_ =	sdelay $0x4  }
0x2a0: {  	v1 =	vmax.f32 @p1 v1, v2  }
0x2a1: {  	v2 =	vld @p1 [tilespmem:s4+$0xF298];
	[tilespmem:s4+$0xF288] =	vst @p1 v1  }
0x2a2: {  	v1 =	vld @p1 [tilespmem:$0xF1E8];
	_ =	sdelay $0x4  }
0x2a3: {  	v1 =	vmax.f32 @p1 v1, v2  }
0x2a4: {  	v2 =	vld @p1 [tilespmem:s4+$0xF2A8];
	[tilespmem:s4+$0xF298] =	vst @p1 v1  }
0x2a5: {  	v1 =	vld @p1 [tilespmem:$0xF1F8];
	_ =	sdelay $0x4  }
0x2a6: {  	s5 =	sshll.u32 @!p1 s3, $0x9;
	v1 =	vmax.f32 @p1 v1, v2  }
0x2a7: {  	s5 =	smov.u32 @p1 s0;
	[tilespmem:s4+$0xF2A8] =	vst @p1 v1  }
0x2a8: {  	s0 =	sshrl.u32 s5, $0x2;
	[tilespmem:s2+$0xF218] =	vst.msk $0x1, v0  }
0x2a9: {  	v0 =	vld [tilespmem:s0+$0xF238];
	_ =	sdelay $0x2  }
0x2aa: {  	s31 =	sshll.u32 s2, $0x9  }
0x2ab: {  	s4 =	sshra.s32 s31, $0x2  }
0x2ac: {  	[tilespmem:s4+$0xF238] =	vst v0  }
0x2ad: {  	v0 =	vld [tilespmem:s0+$0xF248];
	_ =	sdelay $0x4  }
0x2ae: {  	[tilespmem:s4+$0xF248] =	vst v0  }
0x2af: {  	v0 =	vld [tilespmem:s0+$0xF258];
	_ =	sdelay $0x4  }
0x2b0: {  	[tilespmem:s4+$0xF258] =	vst v0  }
0x2b1: {  	v0 =	vld [tilespmem:s0+$0xF268];
	_ =	sdelay $0x4  }
0x2b2: {  	[tilespmem:s4+$0xF268] =	vst v0  }
0x2b3: {  	v0 =	vld [tilespmem:s0+$0xF278];
	_ =	sdelay $0x4  }
0x2b4: {  	[tilespmem:s4+$0xF278] =	vst v0  }
0x2b5: {  	v0 =	vld [tilespmem:s0+$0xF288];
	_ =	sdelay $0x4  }
0x2b6: {  	[tilespmem:s4+$0xF288] =	vst v0  }
0x2b7: {  	v0 =	vld [tilespmem:s0+$0xF298];
	_ =	sdelay $0x4  }
0x2b8: {  	[tilespmem:s4+$0xF298] =	vst v0  }
0x2b9: {  	v0 =	vld [tilespmem:s0+$0xF2A8];
	_ =	sdelay $0x4  }
0x2ba: {  	s2 =	sadd.s32 $0x1, s2;
	[tilespmem:s4+$0xF2A8] =	vst v0  }
.LBB3_48:
0x2bb: {  	s3 =	sadd.s32 $0x1, s3  }
0x2bc: {  	p1 =	sne.s32 s3, $0x20  }
.Ltmp37:
0x2bd: {  	_ = 	snop;
	(pc) =	sbr.rel @!p1 .LBB3_49-.Ltmp37, $1  }
0x2be: {  	_ =	sdelay $0x3  }
.LBB3_41:
0x2bf: {  	v0 =	vld.msk [tilespmem:s3+$0xF218], $0x1;
	_ =	sdelay $0x4  }
0x2c0: {  	(v2sf) =	vpush v0, $0x0;
	_ =	sdelay $0xe  }
0x2c1: {  	s4 =	spop (v2sf)  }
0x2c2: {  	p1 =	seq.s32 s4, $0xFFFFFFFF  }
.Ltmp38:
0x2c3: {  	_ = 	snop;
	(pc) =	sbr.rel @p1 .LBB3_48-.Ltmp38, $1  }
0x2c4: {  	_ =	sdelay $0x3  }
0x2c5: {  	p1 =	slt.s32 s2, $0x1  }
.Ltmp39:
0x2c6: {  	_ = 	snop;
	(pc) =	sbr.rel @p1 .LBB3_47-.Ltmp39, $1  }
0x2c7: {  	_ =	sdelay $0x3  }
0x2c8: {  	s5 =	simm.s32 $0xF218;
	p1 =	por $0x0, $0x0  }
0x2c9: {  	v1 =	vld.msk @!p1 [tilespmem:s5+$0x0], $0x1;
	_ =	sdelay $0x4  }
0x2ca: {  	(v2sf) =	vpush @!p1 v1, $0x0;
	_ =	sdelay $0xd  }
0x2cb: {  	p3 =	sne.s32 s2, $0x1  }
.Ltmp40:
0x2cc: {  	s0 =	spop @!p1 (v2sf);
	(pc) =	sbr.rel @!p3 .LBB3_45-.Ltmp40, $4  }
0x2cd: {  	p2 =	seq.s32 @!p1 s4, s0  }
0x2ce: {  	s6 =	simm.s32 $0x0;
	p2 =	por !p2, p1  }
0x2cf: {  	s7 =	simm.s32 $0xFFFFFFFF;
	s6 =	simm.s32 @p2 $0xFFFFFFFF  }
0x2d0: {  	s0 =	simm.s32 $0x1;
	s6 =	smov.u32 @p1 s7  }
.LBB3_44:
0x2d1: {  	s7 =	smov.u32 s6;
	p1 =	sne.s32 s6, $0xFFFFFFFF  }
0x2d2: {  	s5 =	sadd.s32 $0x1, s5;
	s6 =	smov.u32 s0;
	s0 =	sadd.s32 $0x1, s0  }
0x2d3: {  	p2 =	sne.s32 s2, s0;
	v1 =	vld.msk @!p1 [tilespmem:s5+$0x0], $0x1;
	_ =	sdelay $0x4  }
0x2d4: {  	(v2sf) =	vpush @!p1 v1, $0x0;
	_ =	sdelay $0xe  }
.Ltmp41:
0x2d5: {  	s8 =	spop @!p1 (v2sf);
	(pc) =	sbr.rel @p2 .LBB3_44-.Ltmp41, $4  }
0x2d6: {  	p3 =	seq.s32 @!p1 s4, s8  }
0x2d7: {  	p3 =	por !p3, p1  }
0x2d8: {  	s6 =	simm.s32 @p3 $0xFFFFFFFF  }
0x2d9: {  	s6 =	smov.u32 @p1 s7  }
.LBB3_45:
0x2da: {  	p1 =	seq.s32 s6, $0xFFFFFFFF  }
.Ltmp42:
0x2db: {  	_ = 	snop;
	(pc) =	sbr.rel @p1 .LBB3_47-.Ltmp42, $1  }
0x2dc: {  	_ =	sdelay $0x3  }
0x2dd: {  	s0 =	sshll.u32 s3, $0x7  }
0x2de: {  	s4 =	sshll.u32 s6, $0x9;
	s0 =	sand.u32 $0x3FFFFF80, s0  }
0x2df: {  	s4 =	sshra.s32 s4, $0x2;
	v0 =	vld [tilespmem:s0+$0xF238]  }
0x2e0: {  	v1 =	vld [tilespmem:s4+$0xF238];
	_ =	sdelay $0x4  }
0x2e1: {  	v0 =	vmax.f32 v0, v1  }
0x2e2: {  	v57 =	vld [tilespmem:s4+$0xF248];
	[tilespmem:s4+$0xF238] =	vst v0  }
0x2e3: {  	v0 =	vld [tilespmem:s0+$0xF248];
	_ =	sdelay $0x4  }
0x2e4: {  	v0 =	vmax.f32 v0, v57  }
0x2e5: {  	v58 =	vld [tilespmem:s4+$0xF258];
	[tilespmem:s4+$0xF248] =	vst v0  }
0x2e6: {  	v0 =	vld [tilespmem:s0+$0xF258];
	_ =	sdelay $0x4  }
0x2e7: {  	v0 =	vmax.f32 v0, v58  }
0x2e8: {  	v59 =	vld [tilespmem:s4+$0xF268];
	[tilespmem:s4+$0xF258] =	vst v0  }
0x2e9: {  	v0 =	vld [tilespmem:s0+$0xF268];
	_ =	sdelay $0x4  }
0x2ea: {  	v0 =	vmax.f32 v0, v59  }
0x2eb: {  	v60 =	vld [tilespmem:s4+$0xF278];
	[tilespmem:s4+$0xF268] =	vst v0  }
0x2ec: {  	v0 =	vld [tilespmem:s0+$0xF278];
	_ =	sdelay $0x4  }
0x2ed: {  	v0 =	vmax.f32 v0, v60  }
0x2ee: {  	v61 =	vld [tilespmem:s4+$0xF288];
	[tilespmem:s4+$0xF278] =	vst v0  }
0x2ef: {  	v0 =	vld [tilespmem:s0+$0xF288];
	_ =	sdelay $0x4  }
0x2f0: {  	v0 =	vmax.f32 v0, v61  }
0x2f1: {  	v62 =	vld [tilespmem:s4+$0xF298];
	[tilespmem:s4+$0xF288] =	vst v0  }
0x2f2: {  	v0 =	vld [tilespmem:s0+$0xF298];
	_ =	sdelay $0x4  }
0x2f3: {  	v0 =	vmax.f32 v0, v62  }
0x2f4: {  	v63 =	vld [tilespmem:s4+$0xF2A8];
	[tilespmem:s4+$0xF298] =	vst v0  }
0x2f5: {  	v0 =	vld [tilespmem:s0+$0xF2A8];
	_ =	sdelay $0x1  }
.Ltmp43:
0x2f6: {  	_ = 	snop;
	(pc) =	sbr.rel .LBB3_48-.Ltmp43, $3  }
0x2f7: {  	_ =	sdelay $0x1  }
0x2f8: {  	v0 =	vmax.f32 v0, v63  }
0x2f9: {  	[tilespmem:s4+$0xF2A8] =	vst v0  }
.LBB3_49:
0x2fa: {  	p1 =	slt.s32 s2, $0x1  }
.Ltmp44:
0x2fb: {  	_ = 	snop;
	(pc) =	sbr.rel @p1 .LBB3_53-.Ltmp44, $3  }
0x2fc: {  	_ =	sdelay $0x1  }
0x2fd: {  	s0 =	simm.s32 $0x8  }
0x2fe: {  	s3 =	simm.s32 $0x0;
	[sflag:s0] =	ssyncpa.u1 $0x1  }
0x2ff: {  	s0 =	simm.s32 $0xF218  }
0x300: {  	v0 =	vld.msk [tilespmem:s0+$0x0], $0x1;
	_ =	sdelay $0x4  }
0x301: {  	(v2sf) =	vpush v0, $0x0;
	_ =	sdelay $0xe  }
0x302: {  	s0 =	sadd.s32 $0xFFFFFFFF, s2;
	s5 =	spop (v2sf)  }
0x303: {  	p2 =	sne.s32 s0, $0x0;
	p1 =	sgt.u32 s5, $0xFFF0  }
.Ltmp45:
0x304: {  	s6 =	sand.u32 @!p1 $0xFFF8, s5;
	(pc) =	sbr.rel @!p2 .LBB3_52-.Ltmp45, $4  }
0x305: {  	s4 =	simm.s32 $0xF238;
	s5 =	sand.u32 @!p1 $0x7, s5;
	s2 =	sadd.s32 @!p1 s1, s6  }
0x306: {  	[hbm4b:s2+s5] =	stream.linear.scatter @!p1 [tilespmem:s4], [sflag:$0x7], $0x80, $0x38;
	[tilespmem:$0x1F6F8] =	vst v63  }
0x307: {  	s5 =	simm.s32 $0x0  }
0x308: {  	s2 =	simm.s32 $0xF219;
	s5 =	simm.s32 @!p1 $0x200  }
.LBB3_51:
0x309: {  	v0 =	vld.msk [tilespmem:s2+$0x0], $0x1;
	s0 =	sadd.s32 $0xFFFFFFFF, s0;
	s3 =	sadd.s32 s3, s5  }
0x30a: {  	p1 =	sne.s32 s0, $0x0;
	_ =	sdelay $0x3  }
0x30b: {  	(v2sf) =	vpush v0, $0x0;
	_ =	sdelay $0xe  }
.Ltmp46:
0x30c: {  	s6 =	spop (v2sf);
	(pc) =	sbr.rel @p1 .LBB3_51-.Ltmp46, $4  }
0x30d: {  	s5 =	simm.s32 $0x0;
	p2 =	sgt.u32 s6, $0xFFF0  }
0x30e: {  	s4 =	sadd.s32 $0x80, s4;
	s5 =	simm.s32 @!p2 $0x200;
	s7 =	sand.u32 @!p2 $0xFFF8, s6  }
0x30f: {  	s2 =	sadd.s32 $0x1, s2;
	s6 =	sand.u32 @!p2 $0x7, s6;
	s7 =	sadd.s32 @!p2 s1, s7  }
0x310: {  	[hbm4b:s7+s6] =	stream.linear.scatter @!p2 [tilespmem:s4], [sflag:$0x7], $0x80, $0x38;
	[tilespmem:$0x1F6F8] =	vst v63  }
.LBB3_52:
0x311: {  	s0 =	sadd.s32 s3, s5  }
0x312: {  	s3 =	sshrl.u32 s0, $0x2  }
.LBB3_53:
0x313: {  	s0 =	simm.s32 $0x7  }
0x314: {  	_ =	swait.ge [sflag:s0], s3  }
0x315: {  	s1 =	ssub.s32 $0x0, s3;
	[sflag:s0] =	ssyncset.done $0x0  }
0x316: {  	[sflag:s0] =	ssyncadd.s32 s1  }
0x317: {  	[sflag:s0] =	ssyncpa.u1 $0x1  }
.LBB3_54:
0x318: {  	_ =	sfence;
	s0 =	simm.s32 $0x1  }
0x319: {  	[sflag:s0] =	ssyncpa.u1 $0x1  }
0x31a: {  	_ =	strace $0x90000056  }
0x31b: {  	[bflag:$0x2] =	sbarrier.arrive $0xFFFF  }
0x31c: {  	s0 =	rddreg [dreg:$0x3]  }
0x31d: {  	s0 =	sadd.s32 @!p0 $0x100000, s0  }
0x31e: {  	[sflag:s0] =	ssyncadd.tile.s32 @!p0 $0x1;
	_ =	shalt  }
.Lfunc_end3:
_tile_overlayer_lowered:
.L_overlay_start_3:
0x31f: {  	(tag) =	ssettag $0x3  }
0x320: {  	s0 =	rddreg [dreg:$0x0];
	s2 =	stileid.u32  }
0x321: {  	s1 =	rddreg [dreg:$0x1];
	p0 =	sne.s32 s2, $0x0  }
0x322: {  	s3 =	rddreg [dreg:$0x2];
	[bflag:$0x3] =	sbarrier.arrive $0xFFFF;
	s2 =	simm.s32 @!p0 $0x1C01  }
0x323: {  	[timem:s3], [sflag:s2] =	dma.local @!p0 [hbm:s0], s1  }
0x324: {  	s0 =	simm.s32 @!p0 $0x1  }
0x325: {  	_ =	swait.ge @!p0 [sflag:s0], s1  }
0x326: {  	s1 =	ssub.s32 @!p0 $0x0, s1;
	[sflag:s0] =	ssyncset.done @!p0 $0x0  }
0x327: {  	[sflag:s0] =	ssyncadd.s32 @!p0 s1  }
0x328: {  	[bflag:$0x3] =	sbarrier.arrive $0xFFFF  }
0x329: {  	_ =	shalt  }

// kernel: scatter_offload_async_start.3
scs
__scs_entry_jumppad:
0x0: {  	(pc) =	sbr.rel $0x88, $3  }
0x1: {  	(tag) =	ssettag $0x0;
	lr =	simm.s32 $0x1  }
0x2: {  	[smem:$0x3F90] =	sst lr;
	_ =	strace $0xD0000000  }
0x3: {  	_ = 	snop  }
0x4: {  	_ = 	snop  }
0x5: {  	_ = 	snop  }
0x6: {  	_ = 	snop  }
0x7: {  	_ = 	snop  }
__scs_overlays_trampoline_lowered:
0x8: {  	[smem:$0x3F9F] =	sst s0  }
0x9: {  	[smem:$0x3FA0] =	sst s1  }
0xa: {  	[smem:$0x3FA1] =	sst s2  }
0xb: {  	[smem:$0x3FA2] =	sst s3  }
0xc: {  	[smem:$0x3FA3] =	sst s4  }
0xd: {  	[smem:$0x3FA4] =	sst s5  }
0xe: {  	[smem:$0x3FA5] =	sst s6  }
0xf: {  	[smem:$0x3FA6] =	sst s7  }
0x10: {  	[smem:$0x3FA7] =	sst s8  }
0x11: {  	[smem:$0x3FA8] =	sst s9;
	s0 =	simm.s32 @!p0 $0x0  }
0x12: {  	s1 =	sld [smem:$0x3F8E];
	s0 =	simm.s32 @p0 $0x1  }
0x13: {  	[smem:$0x3FA9] =	sst s0;
	s0 =	simm.s32 @!p1 $0x0  }
0x14: {  	s2 =	sld [smem:$0x3F8D];
	s0 =	simm.s32 @p1 $0x1  }
0x15: {  	[smem:$0x3FAA] =	sst s0;
	s0 =	simm.s32 @!p2 $0x0  }
0x16: {  	s3 =	sld [smem:$0x3FDB];
	s0 =	simm.s32 @p2 $0x1  }
0x17: {  	s4 =	simm.s32 $0x1BF5;
	[smem:$0x3FAC] =	sst s0  }
0x18: {  	s0 =	sld [smem:$0x3F8F];
	_ =	swait.ge [sflag:s4], $0x0  }
0x19: {  	s7 =	sld [smem:$0x3F90]  }
0x1a: {  	s8 =	sadd.s32 $0xFFFFE003, lr  }
0x1b: {  	s9 =	sadd.s32 $0xFFFFFEF7, lr;
	s5 =	simm.s32 $0xFFFFFFFF;
	p2 =	slt.u32 s8, $0xFFFFF086  }
0x1c: {  	p1 =	slt.u32 s9, $0xF7A;
	s5 =	simm.s32 @!p2 $0x0  }
0x1d: {  	s5 =	simm.s32 @p1 $0x1;
	p0 =	seq.s32 s7, s2  }
0x1e: {  	s7 =	smul.u32 @!p0 $0xF7A, s2;
	p2 =	seq.s32 @!p0 s5, $0x0  }
0x1f: {  	s9 =	smul.u32 $0xF7A, s1;
	s8 =	simm.s32 @!p0 $0x1BF5;
	p2 =	por !p2, p0  }
0x20: {  	[sflag:s8] =	ssyncset.s32 @!p0 $0xFFFFF086;
	s6 =	sadd.s32 @!p0 s3, s7;
	s7 =	simm.s32 @!p0 $0x108  }
0x21: {  	s3 =	sadd.s32 s3, s9;
	s6 =	sadd.s32 @!p0 $0x88, s6;
	s7 =	simm.s32 @p2 $0x1082  }
0x22: {  	[simem:s7], [sflag:s8] =	dma.local @!p0 [hbm:s6], $0xF7A  }
0x23: {  	s9 =	sor.u32 $0xD0000000, s2;
	s6 =	simm.s32 $0x108;
	_ =	swait.ge @!p0 [sflag:s8], $0x0  }
0x24: {  	s3 =	sadd.s32 $0x88, s3;
	s6 =	simm.s32 @!p1 $0x1082;
	[sflag:s4] =	ssyncset.s32 $0xFFFFF086  }
0x25: {  	[simem:s6], [sflag:s4] =	dma.local [hbm:s3], $0xF7A  }
0x26: {  	[smem:$0x3F90] =	sst s1;
	(tag) =	ssettag s2;
	_ =	strace s9  }
0x27: {  	s1 =	sld [smem:$0x3FA0]  }
0x28: {  	s2 =	sld [smem:$0x3FA1]  }
0x29: {  	s4 =	sld [smem:$0x3FA3]  }
0x2a: {  	p0 =	seq.s32 s5, $0x0;
	s5 =	sld [smem:$0x3FA4]  }
0x2b: {  	s6 =	sld [smem:$0x3FA5]  }
0x2c: {  	s7 =	sld [smem:$0x3FA6]  }
0x2d: {  	s3 =	simm.s32 $0x108;
	s8 =	sld [smem:$0x3FA7]  }
0x2e: {  	s3 =	simm.s32 @!p0 $0x1082;
	s9 =	sld [smem:$0x3FA8]  }
0x2f: {  	lr =	sadd.s32 s0, s3;
	s0 =	sld [smem:$0x3F9F]  }
0x30: {  	s3 =	sld [smem:$0x3FA2]  }
0x31: {  	[smem:$0x3FAB] =	sst s10  }
0x32: {  	s10 =	sld [smem:$0x3FA9];
	_ =	sdelay $0x3  }
0x33: {  	p0 =	seq.s32 s10, $0x1;
	s10 =	sld [smem:$0x3FAB];
	_ =	sdelay $0x3  }
0x34: {  	[smem:$0x3FAB] =	sst s10  }
0x35: {  	s10 =	sld [smem:$0x3FAA];
	_ =	sdelay $0x3  }
0x36: {  	p1 =	seq.s32 s10, $0x1;
	s10 =	sld [smem:$0x3FAB];
	_ =	sdelay $0x3  }
0x37: {  	[smem:$0x3FAB] =	sst s10  }
0x38: {  	s10 =	sld [smem:$0x3FAC]  }
0x39: {  	_ = 	snop;
	(pc) =	sbr.ind lr, $3  }
0x3a: {  	_ = 	snop  }
0x3b: {  	_ = 	snop  }
0x3c: {  	p2 =	seq.s32 s10, $0x1;
	s10 =	sld [smem:$0x3FAB]  }
0x3d: {  	_ =	shalt  }
0x3e: {  	_ =	shalt  }
0x3f: {  	_ =	shalt  }
0x40: {  	_ =	shalt  }
0x41: {  	_ =	shalt  }
0x42: {  	_ =	shalt  }
0x43: {  	_ =	shalt  }
0x44: {  	_ =	shalt  }
0x45: {  	_ =	shalt  }
0x46: {  	_ =	shalt  }
0x47: {  	_ =	shalt  }
0x48: {  	_ =	shalt  }
0x49: {  	_ =	shalt  }
0x4a: {  	_ =	shalt  }
0x4b: {  	_ =	shalt  }
0x4c: {  	_ =	shalt  }
0x4d: {  	_ =	shalt  }
0x4e: {  	_ =	shalt  }
0x4f: {  	_ =	shalt  }
0x50: {  	_ =	shalt  }
0x51: {  	_ =	shalt  }
0x52: {  	_ =	shalt  }
0x53: {  	_ =	shalt  }
0x54: {  	_ =	shalt  }
0x55: {  	_ =	shalt  }
0x56: {  	_ =	shalt  }
0x57: {  	_ =	shalt  }
0x58: {  	_ =	shalt  }
0x59: {  	_ =	shalt  }
0x5a: {  	_ =	shalt  }
0x5b: {  	_ =	shalt  }
0x5c: {  	_ =	shalt  }
0x5d: {  	_ =	shalt  }
0x5e: {  	_ =	shalt  }
0x5f: {  	_ =	shalt  }
0x60: {  	_ =	shalt  }
0x61: {  	_ =	shalt  }
0x62: {  	_ =	shalt  }
0x63: {  	_ =	shalt  }
0x64: {  	_ =	shalt  }
0x65: {  	_ =	shalt  }
0x66: {  	_ =	shalt  }
0x67: {  	_ =	shalt  }
0x68: {  	_ =	shalt  }
0x69: {  	_ =	shalt  }
0x6a: {  	_ =	shalt  }
0x6b: {  	_ =	shalt  }
0x6c: {  	_ =	shalt  }
0x6d: {  	_ =	shalt  }
0x6e: {  	_ =	shalt  }
0x6f: {  	_ =	shalt  }
0x70: {  	_ =	shalt  }
0x71: {  	_ =	shalt  }
0x72: {  	_ =	shalt  }
0x73: {  	_ =	shalt  }
0x74: {  	_ =	shalt  }
0x75: {  	_ =	shalt  }
0x76: {  	_ =	shalt  }
0x77: {  	_ =	shalt  }
0x78: {  	_ =	shalt  }
0x79: {  	_ =	shalt  }
0x7a: {  	_ =	shalt  }
0x7b: {  	_ =	shalt  }
0x7c: {  	_ =	shalt  }
0x7d: {  	_ =	shalt  }
0x7e: {  	_ =	shalt  }
0x7f: {  	_ =	shalt  }
0x80: {  	_ =	shalt  }
0x81: {  	_ =	shalt  }
0x82: {  	_ =	shalt  }
0x83: {  	_ =	shalt  }
0x84: {  	_ =	shalt  }
0x85: {  	_ =	shalt  }
0x86: {  	_ =	shalt  }
0x87: {  	_ =	shalt  }
.Lfunc_end0:
.L_simem_size_0:
called_computation.3_lowered:
.L_overlay_start_0:
0x88: {  	s2 =	sld [smem:$0x3FD9]  }
0x89: {  	s3 =	sld [smem:$0x3FFE];
	_ =	sdelay $0x1  }
0x8a: {  	s1 =	srdreg.scid  }
0x8b: {  	s0 =	sand.u32 $0x1, s1  }
0x8c: {  	s13 =	sshll.u32 s0, $0xA;
	s2 =	sadd.s32 s3, s2  }
0x8d: {  	s2 =	sadd.s32 s2, s13  }
0x8e: {  	[smem:$0x3FB7] =	sst s2  }
0x8f: {  	_ = 	snop  }
0x90: {  	s2 =	sld [smem:$0x3FD0];
	_ =	sdelay $0x2  }
0x91: {  	s14 =	simm.s32 $0xB;
	s4 =	simm.s32 $0x10  }
0x92: {  	[smem:s4], [sflag:s14] =	dma.local [hbm:s2], $0x1  }
0x93: {  	_ =	swait.eq [sflag:s14], $0x1  }
0x94: {  	[sflag:s14] =	ssyncset.done $0x0  }
0x95: {  	[sflag:s14] =	ssyncadd.s32 $0xFFFFFFFF  }
0x96: {  	s15 =	sld [smem:$0x10];
	(tm) =	ssettm $0x1  }
0x97: {  	s16 =	sld [smem:$0x3FFB];
	_ =	sdelay $0x3  }
0x98: {  	_ =	strace s16  }
0x99: {  	s3 =	sld [smem:$0x3FFC];
	_ =	sdelay $0x3  }
0x9a: {  	_ =	strace s3  }
0x9b: {  	s3 =	sld [smem:$0x3FFD];
	_ =	sdelay $0x3  }
0x9c: {  	_ =	strace s3  }
0x9d: {  	_ =	strace $0x8FFFFFFF  }
0x9e: {  	s17 =	sld [smem:$0x3FDB];
	_ =	sdelay $0x1  }
0x9f: {  	s18 =	simm.s32 $_scs_section_size  }
0xa0: {  	s5 =	simm.s32 $_size__tile_overlayer_lowered;
	s6 =	simm.s32 $_tile_overlayer_lowered  }
0xa1: {  	s21 =	simm.s32 $0x1BFF;
	s20 =	sshll.u32 s6, $0x1;
	s3 =	sadd.s32 s18, s17  }
0xa2: {  	s7 =	simm.s32 $0x0;
	s19 =	sshll.u32 s5, $0x1;
	s5 =	sadd.s32 s20, s3  }
0xa3: {  	[timem:s7], [sflag:s21] =	dma.local [hbm:s5], s19  }
0xa4: {  	_ =	swait.ge [sflag:s21], s19  }
0xa5: {  	s4 =	ssub.s32 $0x0, s19;
	[sflag:s21] =	ssyncset.done $0x0  }
0xa6: {  	[sflag:s21] =	ssyncadd.s32 s4;
	_ =	sdelay $0x1  }
0xa7: {  	s22 =	simm.s32 $0x1B8B  }
0xa8: {  	_ =	swait.ge [sflag:s22], $0x1  }
0xa9: {  	[sflag:s22] =	ssyncset.done $0x0  }
0xaa: {  	s23 =	sld [smem:$0x3FFE];
	[sflag:s22] =	ssyncadd.s32 $0xFFFFFFFF  }
0xab: {  	s25 =	simm.s32 $0x1B8E;
	s24 =	sld [smem:$0x0]  }
0xac: {  	s26 =	simm.s32 $execute0_lowered;
	[smem:$0x3FD2] =	sst s25  }
0xad: {  	s6 =	sshll.u32 s26, $0x1;
	_ =	strace $0x80000058;
	[dreg:$0x1] =	wrdreg $0xFFFFFFFF  }
0xae: {  	s28 =	simm.s32 $_size_execute0_lowered;
	s3 =	sadd.s32 s3, s6;
	[dreg:$0x0] =	wrdreg $0x0  }
0xaf: {  	s6 =	sshll.u32 s28, $0x1;
	[dreg:$0x2] =	wrdreg s3  }
0xb0: {  	[dreg:$0x3] =	wrdreg s6  }
0xb1: {  	[dreg:$0x4] =	wrdreg $0xC0  }
0xb2: {  	_ =	task [dreg:s7], $0x5FFFF  }
0xb3: {  	[dreg:$0x1] =	wrdreg $0xFFFFFFFF  }
0xb4: {  	[dreg:$0x0] =	wrdreg $0x60  }
0xb5: {  	[dreg:$0x2] =	wrdreg s15  }
0xb6: {  	[dreg:$0x3] =	wrdreg s23  }
0xb7: {  	[dreg:$0x4] =	wrdreg s1  }
0xb8: {  	[dreg:$0x5] =	wrdreg s24  }
0xb9: {  	[dreg:$0x6] =	wrdreg $0x9  }
0xba: {  	_ =	task.clear_ibuf [dreg:s7], $0x7FFFF;
	_ =	strace $0x90000058  }
0xbb: {  	s29 =	simm.s32 $0x9;
	_ =	strace $0x8000005A  }
0xbc: {  	_ =	swait.ge [sflag:s29], $0x1  }
0xbd: {  	[sflag:s29] =	ssyncadd.s32 $0xFFFFFFFF  }
0xbe: {  	_ =	strace $0x9000005A  }
0xbf: {  	_ =	sfence  }
0xc0: {  	s30 =	sld [smem:$0x0];
	_ =	sdelay $0x2  }
0xc1: {  	s31 =	sshll.u32 s1, $0xD;
	s1 =	sshrl.u32 s1, $0x2  }
0xc2: {  	s3 =	sand.u32 $0x4000, s31;
	s1 =	sadd.s32 s1, s30  }
0xc3: {  	s0 =	sor.u32 s3, s0;
	s1 =	sshll.u32 s1, $0x11  }
0xc4: {  	s0 =	sor.u32 s1, s0  }
0xc5: {  	s0 =	sadd.s32 $0x8F2B, s0  }
0xc6: {  	[sflag:s0] =	ssyncadd.remote.s32 $0x1  }
0xc7: {  	_ =	sfence.sel $0xFFFF  }
0xc8: {  	[dreg:$0x0] =	wrdreg $0xFFFFFFFF;
	(pc) =	sbr.abs _section_cstart, $3  }
0xc9: {  	[dreg:$0x1] =	wrdreg $0xFFFFFFFF  }
0xca: {  	_ =	task.clear_ibuf [dreg:s7], $0x2FFFF;
	_ =	strace $0x9FFFFFFF  }
0xcb: {  	(tm) =	ssettm $0x7FFFFFFF  }
tec
execute0_lowered:
.L_overlay_start_1:
0x0: {  	(tag) =	ssettag $0x1  }
0x1: {  	s1 =	rddreg [dreg:$0x0]  }
0x2: {  	s2 =	rddreg [dreg:$0x1]  }
0x3: {  	s3 =	rddreg [dreg:$0x2];
	_ =	strace $0x80000059;
	s0 =	simm.s32 $0x1  }
0x4: {  	v0 =	vimm.s32 $0x0;
	[sflag:s0] =	ssyncpa.u1 $0x0;
	s0 =	simm.s32 $0x108  }
0x5: {  	[tilespmem:s0+$0x70] =	vst v0  }
0x6: {  	[tilespmem:s0+$0x60] =	vst v0  }
0x7: {  	[tilespmem:s0+$0x50] =	vst v0  }
0x8: {  	[tilespmem:s0+$0x40] =	vst v0  }
0x9: {  	[tilespmem:s0+$0x30] =	vst v0  }
0xa: {  	s15 =	sadd.s32 $0x10000, s2;
	s6 =	sadd.s32 $0x35000, s2;
	[tilespmem:s0+$0x20] =	vst v0  }
0xb: {  	s14 =	sadd.s32 $0x12800, s2;
	s5 =	sand.u32 $0x1, s3;
	s3 =	simm.s32 $0x40;
	[tilespmem:s0+$0x10] =	vst v0  }
.LBB2_1:
0xc: {  	s3 =	sadd.s32 $0x40, s3;
	[tilespmem:s0+$0x0] =	vst v0;
	s0 =	sadd.s32 $0x80, s0  }
0xd: {  	p0 =	slt.u32 s3, $0x3C40;
	[tilespmem:s0+$0x70] =	vst v0  }
0xe: {  	[tilespmem:s0+$0x60] =	vst v0  }
.Ltmp0:
0xf: {  	[tilespmem:s0+$0x50] =	vst v0;
	(pc) =	sbr.rel @p0 .LBB2_1-.Ltmp0, $4  }
0x10: {  	[tilespmem:s0+$0x40] =	vst v0  }
0x11: {  	[tilespmem:s0+$0x30] =	vst v0  }
0x12: {  	[tilespmem:s0+$0x20] =	vst v0  }
0x13: {  	[tilespmem:s0+$0x10] =	vst v0  }
0x14: {  	s9 =	stileid.u32  }
0x15: {  	s2 =	smul.u32 $0xA, s9  }
0x16: {  	s3 =	smin.u32 s9, $0xB  }
0x17: {  	s2 =	sadd.s32 s3, s2  }
0x18: {  	p0 =	slt.u32 s9, $0xB;
	s7 =	smul.u32 $0xF0, s2;
	s2 =	simm.s32 $0xA50  }
0x19: {  	s2 =	simm.s32 @!p0 $0x960  }
0x1a: {  	s2 =	sadd.s32 s2, s7  }
0x1b: {  	s8 =	smin.u32 s2, $0xA000  }
0x1c: {  	s2 =	ssub.s32 s8, s7  }
0x1d: {  	p0 =	sgt.s32 s2, $0x0  }
0x1e: {  	s29 =	simm.s32 $0x2;
	s10 =	simm.s32 $0x9;
	s2 =	simm.s32 @!p0 $0x0  }
0x1f: {  	s4 =	simm.s32 $0xA;
	s11 =	simm.s32 $0xB;
	s28 =	smul.u32 $0x8889, s2  }
0x20: {  	[dreg:$0x5] =	wrdreg s5;
	s31 =	smul.u32 $0x1400, s5;
	s12 =	simm.s32 $0x1  }
0x21: {  	s22 =	simm.s32 $0x0;
	s18 =	simm.s32 $0xC;
	s30 =	sshrl.u32 s28, $0x17  }
0x22: {  	s20 =	simm.s32 $0x0;
	s21 =	simm.s32 $0x0;
	s3 =	smul.u32 $0xF0, s30  }
.Ltmp1:
0x23: {  	[tilespmem:s0+$0x0] =	vst v0;
	v0 =	vimm.s32 $0xFFFFFFFF;
	[sflag:s29] =	ssyncpa.u1 $0x0;
	s16 =	sshll.u32 s9, $0x8;
	(pc) =	sbr.rel .LBB2_3-.Ltmp1, $4  }
0x24: {  	[tilespmem:$0xF208] =	vst v0;
	[sflag:s10] =	ssyncpa.u1 $0x0;
	p0 =	sne.s32 s2, s3;
	s2 =	simm.s32 $0x1  }
0x25: {  	s14 =	sadd.s32 s31, s14;
	[sflag:s4] =	ssyncpa.u1 $0x0;
	s2 =	simm.s32 @!p0 $0x0  }
0x26: {  	s15 =	sadd.s32 s31, s15;
	[sflag:s11] =	ssyncpa.u1 $0x0;
	s13 =	sadd.s32 s30, s2  }
0x27: {  	v0 =	vlaneseq.u32;
	s19 =	smov.u32 s7;
	p0 =	por $0x0, $0x0;
	s17 =	sadd.s32 $0x1, s13  }
.LBB2_18:
0x28: {  	s0 =	sshrl.u32 s31, $0x2  }
.LBB2_20:
0x29: {  	_ =	swait.ge [sflag:s18], s0  }
0x2a: {  	s31 =	ssub.s32 $0x0, s0;
	v1 =	vmov s24;
	vm0 =	veq.s32 v0, $0x0;
	[sflag:s18] =	ssyncset.done $0x0  }
0x2b: {  	vm15 =	veq.s32 v0, $0x2;
	v1 =	vsel vm0, s30, v1;
	[sflag:s18] =	ssyncadd.s32 s31  }
0x2c: {  	v1 =	vsel vm15, s22, v1;
	[sflag:s18] =	ssyncpa.u1 $0x1  }
0x2d: {  	[tilespmem:$0xF208] =	vst v1  }
.LBB2_21:
0x2e: {  	s0 =	sadd.s32 $0xF0, s19  }
0x2f: {  	s2 =	smov.u32 s7;
	p1 =	slt.s32 s0, s8  }
0x30: {  	s2 =	smov.u32 @p1 s0;
	p1 =	sne.s32 s21, s17  }
.Ltmp2:
0x31: {  	_ = 	snop;
	(pc) =	sbr.rel @!p1 .LBB2_22-.Ltmp2, $3  }
0x32: {  	_ =	sdelay $0x1  }
0x33: {  	s22 =	smov.u32 s20;
	s31 =	sadd.s32 $0x1, s21;
	s20 =	smov.u32 s19  }
0x34: {  	p0 =	por !p0, !p0;
	s21 =	smov.u32 s31;
	s19 =	smov.u32 s2  }
.LBB2_3:
0x35: {  	p1 =	sge.u32 s21, s13  }
0x36: {  	s0 =	smulhi.u32 @!p1 $0xAAAAAAAB, s21  }
0x37: {  	s2 =	smov.u32 s19;
	p2 =	sgt.s32 @!p1 s19, $0x9F10  }
0x38: {  	s3 =	sshra.s32 @!p1 s19, $0x1F;
	p2 =	por !p2, p1;
	s0 =	sshrl.u32 @!p1 s0, $0x1  }
0x39: {  	s3 =	sand.u32 @!p1 s3, s19;
	s2 =	simm.s32 @p2 $0x9F10;
	s0 =	smul.u32 @!p1 $0x3, s0  }
0x3a: {  	s2 =	ssub.s32 @!p1 s2, s3  }
0x3b: {  	s2 =	sadd.s32 @!p1 $0xFFFF60F0, s2;
	s0 =	ssub.s32 @!p1 s21, s0  }
0x3c: {  	s3 =	sshll.u32 @!p1 s2, $0x2;
	p2 =	sgt.s32 @!p1 s2, $0xEF;
	s0 =	smul.u32 @!p1 $0x3C0, s0  }
0x3d: {  	s4 =	sand.u32 @!p1 $0x7, s19;
	s2 =	ssub.s32 @!p1 $0x3C0, s3;
	p2 =	por !p2, p1  }
0x3e: {  	s3 =	sshrl.u32 @!p1 s19, $0x3;
	s2 =	sshrl.u32 @!p1 s2, $0x2;
	s0 =	sshrl.u32 @!p1 s0, $0x2  }
0x3f: {  	s3 =	sadd.s32 @!p1 s3, s14;
	s2 =	simm.s32 @!p2 $0x0;
	s0 =	sadd.s32 @!p1 $0x10248, s0  }
0x40: {  	[tilespmem:s0], [sflag:$0xA] =	stream.linear.gather @!p1 [hbm4b:s3+s4], s2, $0x38;
	[tilespmem:$0x1F6F8] =	vst v63  }
0x41: {  	s0 =	sadd.s32 $0xFFFFFFFF, s21  }
0x42: {  	p1 =	sge.u32 s0, s13  }
0x43: {  	p2 =	sgt.s32 @!p1 s20, $0x9F10  }
0x44: {  	s2 =	smov.u32 s20;
	s3 =	sshra.s32 @!p1 s20, $0x1F;
	p2 =	por !p2, p1  }
0x45: {  	s3 =	sand.u32 @!p1 s3, s20;
	s2 =	simm.s32 @p2 $0x9F10  }
0x46: {  	s2 =	ssub.s32 @!p1 s2, s3  }
0x47: {  	s2 =	sadd.s32 @!p1 $0xFFFF60F0, s2  }
0x48: {  	s4 =	sand.u32 @!p1 $0x1, s0;
	s3 =	sshll.u32 @!p1 s2, $0x2  }
0x49: {  	p2 =	sgt.s32 @!p1 s2, $0xEF;
	s2 =	ssub.s32 @!p1 $0x3C0, s3;
	s3 =	smulhi.u32 @!p1 $0xAAAAAAAB, s0  }
0x4a: {  	s23 =	smul.u32 @!p1 $0x3C0, s4;
	p2 =	por !p2, p1;
	s2 =	sshrl.u32 @!p1 s2, $0x2  }
0x4b: {  	s5 =	simm.s32 @!p1 $0xA;
	s2 =	simm.s32 @!p2 $0x0;
	s3 =	sshrl.u32 @!p1 s3, $0x1  }
0x4c: {  	s23 =	sshrl.u32 @!p1 s23, $0x2;
	_ =	swait.ge @!p1 [sflag:s5], s2;
	s3 =	smul.u32 @!p1 $0x3, s3  }
0x4d: {  	s23 =	sadd.s32 @!p1 $0x10518, s23;
	s24 =	ssub.s32 @!p1 $0x0, s2;
	[sflag:s5] =	ssyncset.done @!p1 $0x0  }
0x4e: {  	[sflag:s5] =	ssyncadd.s32 @!p1 s24;
	s5 =	sshrl.u32 @!p1 s20, $0x3;
	s0 =	ssub.s32 @!p1 s0, s3  }
0x4f: {  	s24 =	sand.u32 @!p1 $0x7, s20;
	s5 =	sadd.s32 @!p1 s5, s15;
	s0 =	smul.u32 @!p1 $0x3C0, s0  }
0x50: {  	[tilespmem:s23], [sflag:$0xB] =	stream.linear.gather @!p1 [hbm4b:s5+s24], s2, $0x38;
	[tilespmem:$0x1F6F8] =	vst v63  }
0x51: {  	s3 =	ssub.s32 @!p1 $0xA000, s20;
	s2 =	smul.u32 @!p1 $0x1E000, s4  }
0x52: {  	p2 =	slt.s32 @!p1 s3, $0xF0  }
0x53: {  	p2 =	por !p2, p1;
	s0 =	sshrl.u32 @!p1 s0, $0x2;
	s2 =	sshrl.u32 @!p1 s2, $0x2  }
0x54: {  	s3 =	simm.s32 @p2 $0xF0;
	s0 =	sadd.s32 @!p1 $0x10248, s0;
	s2 =	sor.u32 @!p1 $0x106F8, s2  }
0x55: {  	[tilespmem:s2], [sflag:$0x9] =	stream.indirect.gather @!p1 [hbm4b:s6+s3], $0x80, s0, s3, $0xb8;
	[tilespmem:$0x1F6F8] =	vst v63  }
0x56: {  	p1 =	slt.u32 s21, $0x2  }
.Ltmp3:
0x57: {  	_ = 	snop;
	(pc) =	sbr.rel @p1 .LBB2_21-.Ltmp3, $1  }
0x58: {  	_ =	sdelay $0x3  }
0x59: {  	p1 =	sgt.s32 s22, $0x9F10  }
0x5a: {  	s0 =	smov.u32 s22;
	s2 =	sshra.s32 s22, $0x1F;
	s3 =	ssub.s32 $0xA000, s22  }
0x5b: {  	s0 =	simm.s32 @!p1 $0x9F10;
	s2 =	sand.u32 s2, s22;
	p1 =	slt.s32 s3, $0xF0  }
0x5c: {  	s0 =	ssub.s32 s0, s2;
	s3 =	simm.s32 @!p1 $0xF0  }
0x5d: {  	s0 =	sadd.s32 $0xFFFF60F0, s0;
	s25 =	sshll.u32 s3, $0x7  }
0x5e: {  	s26 =	sshll.u32 s0, $0x2;
	s2 =	sand.u32 $0x3FFFFF80, s25  }
0x5f: {  	p1 =	sgt.s32 s0, $0xEF;
	s29 =	ssub.s32 $0x3C0, s26;
	_ =	swait.ge [sflag:s10], s2  }
0x60: {  	s2 =	ssub.s32 $0x0, s2;
	[sflag:s10] =	ssyncset.done $0x0;
	s0 =	sshrl.u32 s29, $0x2  }
0x61: {  	[sflag:s10] =	ssyncadd.s32 s2;
	s0 =	simm.s32 @p1 $0x0  }
0x62: {  	_ =	swait.ge [sflag:s11], s0  }
0x63: {  	s0 =	ssub.s32 $0x0, s0;
	[sflag:s11] =	ssyncset.done $0x0  }
0x64: {  	[sflag:s11] =	ssyncadd.s32 s0  }
0x65: {  	v1 =	vld [tilespmem:$0xF208];
	_ =	sdelay $0x4  }
0x66: {  	(v2sf) =	vpush v1, $0x0  }
0x67: {  	(v2sf) =	vpush v1, $0x1  }
0x68: {  	(v2sf) =	vpush v1, $0x2;
	_ =	sdelay $0x3  }
0x69: {  	s0 =	sadd.s32 $0xF0, s22  }
0x6a: {  	s2 =	ssub.s32 $0x14000, s22;
	p1 =	slt.s32 s8, s0  }
0x6b: {  	s0 =	smov.u32 @p1 s8;
	p1 =	sgt.s32 s2, $0x0  }
0x6c: {  	s26 =	ssub.s32 s0, s22;
	s2 =	simm.s32 @!p1 $0x0  }
0x6d: {  	p1 =	slt.s32 s2, s26  }
0x6e: {  	s26 =	smov.u32 @p1 s2  }
0x6f: {  	s25 =	simm.s32 $0x1;
	p1 =	slt.s32 s26, $0x1  }
.Ltmp4:
0x70: {  	s25 =	simm.s32 @!p0 $0x0;
	(pc) =	sbr.rel @p1 .LBB2_8-.Ltmp4, $4  }
0x71: {  	s31 =	smul.u32 $0x3C0, s25  }
0x72: {  	s28 =	spop (v2sf)  }
0x73: {  	s0 =	sshrl.u32 s31, $0x2;
	s30 =	spop (v2sf)  }
0x74: {  	s23 =	sadd.s32 $0x10518, s0;
	s22 =	spop (v2sf)  }
0x75: {  	s0 =	smin.u32 s26, $0x10  }
0x76: {  	v1 =	vmov s0  }
0x77: {  	p2 =	sgt.s32 s26, $0x10;
	vm1 =	vgt.u32 v1, v0  }
.Ltmp5:
0x78: {  	_ = 	snop;
	(pc) =	sbr.rel @!p2 .LBB2_7-.Ltmp5, $2  }
0x79: {  	_ =	sdelay $0x2  }
0x7a: {  	s4 =	simm.s32 $0x10;
	s24 =	sadd.s32 $0xFFFFFFF0, s26;
	s0 =	smov.u32 s23;
	vm0 =	vmmov vm1  }
.LBB2_6:
0x7b: {  	s2 =	smin.u32 s24, $0x10;
	s4 =	sadd.s32 $0x10, s4;
	v1 =	vld.msk [tilespmem:s0+$0x0 ss:$0x1], vm1  }
0x7c: {  	v2 =	vmov s2;
	p2 =	slt.s32 s4, s26  }
0x7d: {  	vm1 =	vgt.u32 v2, v0  }
.Ltmp6:
0x7e: {  	(pc) =	sbr.rel @p2 .LBB2_6-.Ltmp6, $3  }
0x7f: {  	_ =	sdelay $0x1  }
0x80: {  	v1 =	vshll.u32 v1, $0x4  }
0x81: {  	s24 =	sadd.s32 $0xFFFFFFF0, s24;
	[tilespmem:s0+$0x0] =	vst.msk vm0, v1;
	s0 =	sadd.s32 $0x10, s0;
	vm0 =	vmmov vm1  }
.LBB2_7:
0x82: {  	_ =	sdelay $0x4  }
0x83: {  	v1 =	vld.msk [tilespmem:s0+$0x0 ss:$0x1], vm1;
	_ =	sdelay $0x4  }
0x84: {  	v1 =	vshll.u32 v1, $0x4  }
0x85: {  	[tilespmem:s0+$0x0] =	vst.msk vm0, v1  }
.LBB2_8:
0x86: {  	s0 =	sand.u32 $0x1, s21  }
0x87: {  	s2 =	smul.u32 $0x7800, s0  }
0x88: {  	p2 =	sne.s32 s30, $0xFFFFFFFF  }
0x89: {  	v1 =	vld @!p2 [tilespmem:s2+$0x106F8];
	_ =	sdelay $0x2  }
0x8a: {  	s0 =	smul.u32 $0xF0, s0;
	_ =	sdelay $0x1  }
0x8b: {  	v2 =	vld.msk @!p2 [tilespmem:s0+$0x10518], $0x1;
	[tilespmem:$0x108] =	vst @!p2 v1  }
0x8c: {  	v1 =	vld @!p2 [tilespmem:s2+$0x10708];
	_ =	sdelay $0x4  }
0x8d: {  	[tilespmem:$0x118] =	vst @!p2 v1  }
0x8e: {  	v1 =	vld @!p2 [tilespmem:s2+$0x10718];
	_ =	sdelay $0x4  }
0x8f: {  	[tilespmem:$0x128] =	vst @!p2 v1  }
0x90: {  	v1 =	vld @!p2 [tilespmem:s2+$0x10728];
	_ =	sdelay $0x4  }
0x91: {  	[tilespmem:$0x138] =	vst @!p2 v1  }
0x92: {  	v1 =	vld @!p2 [tilespmem:s2+$0x10738];
	_ =	sdelay $0x4  }
0x93: {  	[tilespmem:$0x148] =	vst @!p2 v1  }
0x94: {  	(v2sf) =	vpush @!p2 v2, $0x0;
	v1 =	vld @!p2 [tilespmem:s2+$0x10748];
	_ =	sdelay $0x4  }
0x95: {  	[tilespmem:$0x158] =	vst @!p2 v1  }
0x96: {  	v1 =	vld @!p2 [tilespmem:s2+$0x10758];
	_ =	sdelay $0x4  }
0x97: {  	[tilespmem:$0x168] =	vst @!p2 v1  }
0x98: {  	v1 =	vld @!p2 [tilespmem:s2+$0x10768]  }
.Ltmp7:
0x99: {  	_ = 	snop;
	(pc) =	sbr.rel @p1 .LBB2_19-.Ltmp7, $4  }
0x9a: {  	_ = 	snop  }
0x9b: {  	s29 =	spop @!p2 (v2sf)  }
0x9c: {  	s22 =	simm.s32 @!p2 $0x0;
	s24 =	smov.u32 s29  }
0x9d: {  	s29 =	smov.u32 @p2 s28;
	s24 =	smov.u32 @p2 s30;
	[tilespmem:$0x178] =	vst @!p2 v1;
	[sflag:s18] =	ssyncpa.u1 $0x0  }
0x9e: {  	v1 =	vld.msk [tilespmem:s23+$0x0], $0x1;
	_ =	sdelay $0x4  }
0x9f: {  	(v2sf) =	vpush v1, $0x0;
	_ =	sdelay $0xe  }
0xa0: {  	s2 =	smul.u32 $0x1E000, s25;
	s0 =	spop (v2sf)  }
0xa1: {  	s26 =	ssub.s32 $0x0, s26;
	p1 =	seq.s32 s29, s0  }
0xa2: {  	s30 =	sadd.s32 $0x1, s26;
	s2 =	sshrl.u32 s2, $0x2;
	p2 =	sgt.s32 @!p1 s29, $0x0  }
0xa3: {  	s25 =	sor.u32 $0x10738, s2;
	s2 =	smov.u32 s29;
	p2 =	por !p2, p1  }
0xa4: {  	s2 =	simm.s32 @p2 $0x0;
	p2 =	seq.s32 s30, $0x0  }
.Ltmp8:
0xa5: {  	_ = 	snop;
	(pc) =	sbr.rel @p2 .LBB2_11-.Ltmp8, $4  }
0xa6: {  	_ = 	snop  }
0xa7: {  	s28 =	simm.s32 $0x0;
	s31 =	sadd.s32 $0x1, s23;
	s2 =	smin.u32 @!p1 s2, $0xFFF0  }
0xa8: {  	s4 =	simm.s32 @!p1 $0x1;
	s5 =	simm.s32 @!p1 $0x7988;
	s3 =	sand.u32 @!p1 $0xFFF8, s2  }
0xa9: {  	s4 =	smov.u32 @p1 s28;
	s2 =	sand.u32 @!p1 $0x7, s2;
	s3 =	sadd.s32 @!p1 s1, s3  }
.LBB2_10:
0xaa: {  	s9 =	smov.u32 s4  }
0xab: {  	[tilespmem:s5], [sflag:$0x2] =	stream.linear.gather @!p1 [hbm4b:s3+s2], $0x80, $0x38;
	[tilespmem:$0x1F6F8] =	vst v63  }
0xac: {  	s30 =	sadd.s32 $0x1, s30;
	s2 =	smov.u32 s0;
	v1 =	vld.msk [tilespmem:s31+$0x0], $0x1  }
0xad: {  	p2 =	seq.s32 s30, $0x0;
	_ =	sdelay $0x3  }
0xae: {  	(v2sf) =	vpush v1, $0x0;
	_ =	sdelay $0xe  }
0xaf: {  	s0 =	spop (v2sf)  }
0xb0: {  	p1 =	seq.s32 s2, s0  }
0xb1: {  	p3 =	sgt.s32 @!p1 s2, $0x0;
	s3 =	sshll.u32 @!p1 s4, $0x9;
	s4 =	sadd.s32 @!p1 $0x1, s4  }
.Ltmp9:
0xb2: {  	p3 =	por !p3, p1;
	s3 =	sshra.s32 @!p1 s3, $0x2;
	(pc) =	sbr.rel @!p2 .LBB2_10-.Ltmp9, $4  }
0xb3: {  	s4 =	smov.u32 @p1 s9;
	s2 =	simm.s32 @p3 $0x0;
	s5 =	sadd.s32 @!p1 $0x7988, s3  }
0xb4: {  	s2 =	smin.u32 @!p1 s2, $0xFFF0  }
0xb5: {  	s3 =	sand.u32 @!p1 $0xFFF8, s2;
	s2 =	sand.u32 @!p1 $0x7, s2  }
0xb6: {  	s31 =	sadd.s32 $0x1, s31;
	s3 =	sadd.s32 @!p1 s1, s3  }
.LBB2_11:
0xb7: {  	[tilespmem:s5], [sflag:$0x2] =	stream.linear.gather @!p1 [hbm4b:s3+s2], $0x80, $0x38;
	[tilespmem:$0x1F6F8] =	vst v63  }
.Ltmp10:
0xb8: {  	s0 =	sshll.u32 s4, $0x7;
	(pc) =	sbr.rel .LBB2_12-.Ltmp10, $4  }
0xb9: {  	s30 =	simm.s32 $0x2;
	s0 =	sand.u32 $0x3FFFFF80, s0  }
0xba: {  	_ =	swait.ge [sflag:s30], s0  }
0xbb: {  	s0 =	ssub.s32 $0x0, s0;
	[sflag:s30] =	ssyncset.done $0x0  }
0xbc: {  	s31 =	simm.s32 $0x0;
	[sflag:s30] =	ssyncadd.s32 s0  }
.LBB2_13:
0xbd: {  	s0 =	sshra.s32 s0, $0x2;
	v1 =	vld [tilespmem:s25+$0xFFFFFFC0]  }
0xbe: {  	v2 =	vld [tilespmem:s0+$0x108];
	_ =	sdelay $0x4  }
0xbf: {  	v1 =	vmax.f32 v1, v2  }
0xc0: {  	v2 =	vld [tilespmem:s0+$0x118];
	[tilespmem:s0+$0x108] =	vst v1  }
0xc1: {  	v1 =	vld [tilespmem:s25+$0xFFFFFFD0];
	_ =	sdelay $0x4  }
0xc2: {  	v1 =	vmax.f32 v1, v2  }
0xc3: {  	v2 =	vld [tilespmem:s0+$0x128];
	[tilespmem:s0+$0x118] =	vst v1  }
0xc4: {  	v1 =	vld [tilespmem:s25+$0xFFFFFFE0];
	_ =	sdelay $0x4  }
0xc5: {  	v1 =	vmax.f32 v1, v2  }
0xc6: {  	v2 =	vld [tilespmem:s0+$0x138];
	[tilespmem:s0+$0x128] =	vst v1  }
0xc7: {  	v1 =	vld [tilespmem:s25+$0xFFFFFFF0];
	_ =	sdelay $0x4  }
0xc8: {  	v1 =	vmax.f32 v1, v2  }
0xc9: {  	v2 =	vld [tilespmem:s0+$0x148];
	[tilespmem:s0+$0x138] =	vst v1  }
0xca: {  	v1 =	vld [tilespmem:s25+$0x0];
	_ =	sdelay $0x4  }
0xcb: {  	v1 =	vmax.f32 v1, v2  }
0xcc: {  	v2 =	vld [tilespmem:s0+$0x158];
	[tilespmem:s0+$0x148] =	vst v1  }
0xcd: {  	v1 =	vld [tilespmem:s25+$0x10];
	_ =	sdelay $0x4  }
0xce: {  	v1 =	vmax.f32 v1, v2  }
0xcf: {  	v2 =	vld [tilespmem:s0+$0x168];
	[tilespmem:s0+$0x158] =	vst v1  }
0xd0: {  	v1 =	vld [tilespmem:s25+$0x20];
	_ =	sdelay $0x4  }
0xd1: {  	v1 =	vmax.f32 v1, v2  }
0xd2: {  	v2 =	vld [tilespmem:s0+$0x178];
	[tilespmem:s0+$0x168] =	vst v1  }
0xd3: {  	v1 =	vld [tilespmem:s25+$0x30];
	_ =	sdelay $0x4  }
0xd4: {  	v1 =	vmax.f32 v1, v2  }
0xd5: {  	[tilespmem:s0+$0x178] =	vst v1  }
.LBB2_17:
0xd6: {  	s26 =	sadd.s32 $0x1, s26  }
0xd7: {  	p1 =	seq.s32 s26, $0x0  }
.Ltmp11:
0xd8: {  	_ = 	snop;
	(pc) =	sbr.rel @p1 .LBB2_18-.Ltmp11, $2  }
0xd9: {  	_ =	sdelay $0x2  }
0xda: {  	s23 =	sadd.s32 $0x1, s23;
	s25 =	sadd.s32 $0x80, s25;
	s29 =	smov.u32 s30  }
.LBB2_12:
0xdb: {  	v1 =	vld.msk [tilespmem:s23+$0x0], $0x1;
	_ =	sdelay $0x4  }
0xdc: {  	(v2sf) =	vpush v1, $0x0;
	_ =	sdelay $0xe  }
0xdd: {  	s30 =	spop (v2sf)  }
0xde: {  	p1 =	sne.s32 s29, s30  }
.Ltmp12:
0xdf: {  	_ = 	snop;
	(pc) =	sbr.rel @!p1 .LBB2_13-.Ltmp12, $2  }
0xe0: {  	_ =	sdelay $0x2  }
0xe1: {  	s0 =	sshll.u32 s22, $0x9  }
0xe2: {  	p1 =	seq.s32 s29, s24  }
.Ltmp13:
0xe3: {  	_ = 	snop;
	(pc) =	sbr.rel @!p1 .LBB2_15-.Ltmp13, $1  }
0xe4: {  	_ =	sdelay $0x3  }
0xe5: {  	s0 =	sshra.s32 s0, $0x2  }
.Ltmp14:
0xe6: {  	s0 =	sadd.s32 $0x108, s0;
	(pc) =	sbr.rel .LBB2_16-.Ltmp14, $4  }
0xe7: {  	[spmem:s16] =	stream.linear.scatter [tilespmem:s0], [sflag:$0x1], $0x80, $0x38;
	[tilespmem:$0x1F6F8] =	vst v63  }
0xe8: {  	_ =	swait.ge [sflag:s12], $0x80  }
0xe9: {  	[sflag:s12] =	ssyncset.done $0x0  }
0xea: {  	[sflag:s12] =	ssyncadd.s32 $0xFFFFFF80  }
.LBB2_15:
0xeb: {  	s2 =	sshll.u32 s28, $0x9;
	s0 =	sshra.s32 s0, $0x2  }
0xec: {  	s2 =	sshra.s32 s2, $0x2;
	v2 =	vld [tilespmem:s0+$0x108]  }
0xed: {  	v1 =	vld [tilespmem:s2+$0x7988];
	_ =	sdelay $0x4  }
0xee: {  	v1 =	vmax.f32 v1, v2  }
0xef: {  	v2 =	vld [tilespmem:s0+$0x118];
	[tilespmem:s0+$0x108] =	vst v1  }
0xf0: {  	v1 =	vld [tilespmem:s2+$0x7998];
	_ =	sdelay $0x4  }
0xf1: {  	v1 =	vmax.f32 v1, v2  }
0xf2: {  	v2 =	vld [tilespmem:s0+$0x128];
	[tilespmem:s0+$0x118] =	vst v1  }
0xf3: {  	v1 =	vld [tilespmem:s2+$0x79A8];
	_ =	sdelay $0x4  }
0xf4: {  	v1 =	vmax.f32 v1, v2  }
0xf5: {  	v2 =	vld [tilespmem:s0+$0x138];
	[tilespmem:s0+$0x128] =	vst v1  }
0xf6: {  	v1 =	vld [tilespmem:s2+$0x79B8];
	_ =	sdelay $0x4  }
0xf7: {  	v1 =	vmax.f32 v1, v2  }
0xf8: {  	v2 =	vld [tilespmem:s0+$0x148];
	[tilespmem:s0+$0x138] =	vst v1  }
0xf9: {  	v1 =	vld [tilespmem:s2+$0x79C8];
	_ =	sdelay $0x4  }
0xfa: {  	v1 =	vmax.f32 v1, v2  }
0xfb: {  	v2 =	vld [tilespmem:s0+$0x158];
	[tilespmem:s0+$0x148] =	vst v1  }
0xfc: {  	v1 =	vld [tilespmem:s2+$0x79D8];
	_ =	sdelay $0x4  }
0xfd: {  	v1 =	vmax.f32 v1, v2  }
0xfe: {  	v2 =	vld [tilespmem:s0+$0x168];
	[tilespmem:s0+$0x158] =	vst v1  }
0xff: {  	v1 =	vld [tilespmem:s2+$0x79E8];
	_ =	sdelay $0x4  }
0x100: {  	v1 =	vmax.f32 v1, v2  }
0x101: {  	v2 =	vld [tilespmem:s0+$0x178];
	[tilespmem:s0+$0x168] =	vst v1  }
0x102: {  	v1 =	vld [tilespmem:s2+$0x79F8];
	_ =	sdelay $0x3  }
0x103: {  	p1 =	sgt.u32 s29, $0xFFF0  }
0x104: {  	s2 =	sand.u32 @!p1 $0xFFF8, s29;
	v1 =	vmax.f32 v1, v2  }
0x105: {  	s3 =	sadd.s32 $0x108, s0;
	[tilespmem:s0+$0x178] =	vst v1;
	s0 =	sadd.s32 @!p1 s1, s2;
	s2 =	sand.u32 @!p1 $0x7, s29  }
0x106: {  	[hbm4b:s0+s2] =	stream.linear.scatter @!p1 [tilespmem:s3], [sflag:$0xC], $0x80, $0x38;
	[tilespmem:$0x1F6F8] =	vst v63  }
0x107: {  	s0 =	simm.s32 $0x0  }
0x108: {  	s0 =	simm.s32 @!p1 $0x200  }
0x109: {  	s31 =	sadd.s32 s0, s31  }
.LBB2_16:
0x10a: {  	s0 =	sadd.s32 $0x1, s22  }
0x10b: {  	s2 =	smulhi.u32 $0x88888889, s0;
	_ =	sdelay $0x1  }
0x10c: {  	v1 =	vld [tilespmem:s25+$0xFFFFFFC0];
	s2 =	sshrl.u32 s2, $0x7  }
0x10d: {  	s2 =	smul.u32 $0xF0, s2;
	_ =	sdelay $0x1  }
0x10e: {  	s22 =	ssub.s32 s0, s2  }
0x10f: {  	s0 =	sshll.u32 s22, $0x7  }
0x110: {  	[tilespmem:s0+$0x108] =	vst v1  }
0x111: {  	v1 =	vld [tilespmem:s25+$0xFFFFFFD0];
	_ =	sdelay $0x4  }
0x112: {  	[tilespmem:s0+$0x118] =	vst v1  }
0x113: {  	v1 =	vld [tilespmem:s25+$0xFFFFFFE0];
	_ =	sdelay $0x4  }
0x114: {  	[tilespmem:s0+$0x128] =	vst v1  }
0x115: {  	v1 =	vld [tilespmem:s25+$0xFFFFFFF0];
	_ =	sdelay $0x4  }
0x116: {  	[tilespmem:s0+$0x138] =	vst v1  }
0x117: {  	v1 =	vld [tilespmem:s25+$0x0];
	_ =	sdelay $0x4  }
0x118: {  	[tilespmem:s0+$0x148] =	vst v1  }
0x119: {  	v1 =	vld [tilespmem:s25+$0x10];
	_ =	sdelay $0x4  }
0x11a: {  	[tilespmem:s0+$0x158] =	vst v1  }
0x11b: {  	v1 =	vld [tilespmem:s25+$0x20];
	_ =	sdelay $0x4  }
0x11c: {  	[tilespmem:s0+$0x168] =	vst v1  }
0x11d: {  	v1 =	vld [tilespmem:s25+$0x30]  }
.Ltmp15:
0x11e: {  	_ = 	snop;
	(pc) =	sbr.rel .LBB2_17-.Ltmp15, $2  }
0x11f: {  	_ =	sdelay $0x2  }
0x120: {  	s28 =	sadd.s32 $0x1, s28;
	[tilespmem:s0+$0x178] =	vst v1  }
.LBB2_19:
.Ltmp16:
0x121: {  	(pc) =	sbr.rel .LBB2_20-.Ltmp16, $4  }
0x122: {  	_ = 	snop  }
0x123: {  	s0 =	simm.s32 $0x2  }
0x124: {  	_ =	swait.ge [sflag:s0], $0x0  }
0x125: {  	s30 =	smov.u32 s29;
	[sflag:s0] =	ssyncset.done $0x0;
	s0 =	simm.s32 $0x0  }
.LBB2_22:
0x126: {  	_ =	sfence.sel $0x180000  }
0x127: {  	s0 =	simm.s32 $0x9;
	[bflag:$0x0] =	sbarrier.arrive $0xFFFF  }
0x128: {  	s24 =	simm.s32 $0xA;
	[sflag:s0] =	ssyncpa.u1 $0x1  }
0x129: {  	s25 =	simm.s32 $0xB;
	[sflag:s24] =	ssyncpa.u1 $0x1  }
0x12a: {  	s26 =	simm.s32 $0x2;
	[sflag:s25] =	ssyncpa.u1 $0x1  }
0x12b: {  	[sflag:s26] =	ssyncpa.u1 $0x1  }
0x12c: {  	v0 =	vld [tilespmem:$0xF208];
	_ =	sdelay $0x4  }
0x12d: {  	(v2sf) =	vpush v0, $0x0  }
0x12e: {  	(v2sf) =	vpush v0, $0x1;
	_ =	sdelay $0x1  }
0x12f: {  	(v2sf) =	vpush v0, $0x2;
	_ =	sdelay $0xb  }
0x130: {  	s0 =	spop (v2sf)  }
0x131: {  	s2 =	spop (v2sf)  }
0x132: {  	s3 =	smov.u32 s0;
	p0 =	sne.s32 s0, s2  }
0x133: {  	s4 =	spop (v2sf);
	s3 =	simm.s32 @!p0 $0xFFFFFFFF  }
0x134: {  	v2 =	vimm.s32 $0x1;
	v3 =	vlaneseq.u32;
	p0 =	seq.s32 s4, $0xFFFFFFFF;
	v1 =	vmov s3  }
0x135: {  	s16 =	stileid.u32;
	v0 =	vperm.xlane v0, v2;
	p1 =	sne.s32 @!p0 s0, s2;
	v1 =	vperm.xlane v1, v3  }
0x136: {  	vm0 =	vcmask $0x3F04;
	s6 =	simm.s32 $0xF208;
	s0 =	simm.s32 @!p0 $0x1;
	p1 =	por !p1, p0  }
0x137: {  	s3 =	sshll.u32 s16, $0x1;
	s2 =	sshll.u32 @!p0 s4, $0x9;
	s0 =	simm.s32 @p1 $0x0;
	v0 =	vsel vm0, v1, v0  }
0x138: {  	s5 =	sor.u32 $0x1000, s3;
	s2 =	sshra.s32 @!p0 s2, $0x2;
	s0 =	sor.u32 @!p0 s0, s3;
	[tilespmem:$0xF208] =	vst v0  }
0x139: {  	[spmem:s5] =	stream.linear.scatter [tilespmem:s6], [sflag:$0x1], $0x2, $0x38;
	[tilespmem:$0x1F6F8] =	vst v63  }
0x13a: {  	s2 =	sadd.s32 @!p0 $0x108, s2;
	s0 =	sshll.u32 @!p0 s0, $0x7  }
0x13b: {  	[spmem:s0] =	stream.linear.scatter @!p0 [tilespmem:s2], [sflag:$0x1], $0x80, $0x38;
	[tilespmem:$0x1F6F8] =	vst v63  }
0x13c: {  	s0 =	simm.s32 @!p0 $0x82  }
0x13d: {  	s28 =	simm.s32 $0x1;
	s0 =	simm.s32 @p0 $0x2  }
0x13e: {  	_ =	swait.ge [sflag:s28], s0  }
0x13f: {  	s0 =	ssub.s32 $0x0, s0;
	[sflag:s28] =	ssyncset.done $0x0  }
0x140: {  	p0 =	sne.s32 s16, $0x0;
	[sflag:s28] =	ssyncadd.s32 s0  }
.Ltmp17:
0x141: {  	_ =	sfence.stream.spmem;
	(pc) =	sbr.rel @p0 .LBB2_39-.Ltmp17, $4  }
0x142: {  	s29 =	simm.s32 $0x3;
	[bflag:$0x0] =	sbarrier.arrive $0xFFFF  }
0x143: {  	s30 =	simm.s32 $0x4;
	[sflag:s29] =	ssyncpa.u1 $0x1  }
0x144: {  	s31 =	simm.s32 $0x3C;
	[sflag:s30] =	ssyncpa.u1 $0x1  }
0x145: {  	s15 =	rddreg [dreg:$0x5];
	[sflag:s31] =	ssyncpa.u1 $0x1  }
0x146: {  	_ =	sfence.stream.spmem;
	s0 =	simm.s32 $0x5  }
0x147: {  	s2 =	simm.s32 $0x1000;
	s3 =	simm.s32 $0xF218;
	[sflag:s0] =	ssyncpa.u1 $0x0  }
0x148: {  	[tilespmem:s3], [sflag:$0x5] =	stream.linear.gather [spmem:s2], $0x20, $0x38;
	[tilespmem:$0x1F6F8] =	vst v63  }
0x149: {  	s26 =	simm.s32 $0x0;
	s28 =	simm.s32 $0xF238  }
0x14a: {  	[tilespmem:s28], [sflag:$0x5] =	stream.linear.gather [spmem:s26], $0x1000, $0x38;
	[tilespmem:$0x1F6F8] =	vst v63  }
0x14b: {  	_ =	swait.ge [sflag:s0], $0x1020  }
0x14c: {  	[sflag:s0] =	ssyncset.done $0x0  }
0x14d: {  	s29 =	simm.s32 $0x0;
	[sflag:s0] =	ssyncadd.s32 $0xFFFFEFE0  }
0x14e: {  	v0 =	vld.msk [tilespmem:s29+$0xF218], $0x1;
	_ =	sdelay $0x1  }
0x14f: {  	s30 =	simm.s32 $0x1  }
0x150: {  	v1 =	vld.msk [tilespmem:s30+$0xF218], $0x1;
	_ =	sdelay $0x1  }
0x151: {  	(v2sf) =	vpush v0, $0x0;
	_ =	sdelay $0x2  }
0x152: {  	(v2sf) =	vpush v1, $0x0;
	_ =	sdelay $0x2  }
0x153: {  	s31 =	simm.s32 $0x2  }
0x154: {  	v0 =	vld.msk [tilespmem:s31+$0xF218], $0x1;
	_ =	sdelay $0x2  }
0x155: {  	s4 =	simm.s32 $0xFFFFFFFF;
	s5 =	simm.s32 $0xFFFFFFFF;
	s0 =	simm.s32 $0xC  }
.LBB2_24:
0x156: {  	s2 =	smov.u32 s5;
	s3 =	smov.u32 s4  }
0x157: {  	s4 =	sshra.s32 s0, $0x2;
	p1 =	sne.s32 s0, $0x7C;
	s0 =	sadd.s32 $0x4, s0;
	(v2sf) =	vpush v0, $0x0  }
0x158: {  	v0 =	vld.msk [tilespmem:s4+$0xF218], $0x1  }
.Ltmp18:
0x159: {  	(pc) =	sbr.rel @p1 .LBB2_24-.Ltmp18, $4  }
0x15a: {  	s5 =	spop (v2sf)  }
0x15b: {  	p2 =	sne.s32 s3, $0xFFFFFFFF;
	s4 =	smov.u32 s5  }
0x15c: {  	p3 =	seq.s32 s5, $0xFFFFFFFF;
	s4 =	smov.u32 @p2 s3  }
0x15d: {  	s5 =	smov.u32 @p3 s2;
	s4 =	smov.u32 @p3 s3  }
0x15e: {  	(v2sf) =	vpush v0, $0x0;
	_ =	sdelay $0x8  }
0x15f: {  	s0 =	spop (v2sf)  }
0x160: {  	p1 =	sne.s32 s4, $0xFFFFFFFF;
	s2 =	smov.u32 s0  }
0x161: {  	s9 =	simm.s32 $0x6;
	p2 =	seq.s32 s0, $0xFFFFFFFF;
	s2 =	smov.u32 @p1 s4  }
0x162: {  	s6 =	simm.s32 $0x0;
	s2 =	smov.u32 @p2 s4;
	s3 =	spop (v2sf)  }
0x163: {  	s0 =	smov.u32 @p2 s5;
	p1 =	sne.s32 s2, $0xFFFFFFFF;
	s4 =	smov.u32 s3  }
.Ltmp19:
0x164: {  	p2 =	seq.s32 s3, $0xFFFFFFFF;
	s4 =	smov.u32 @p1 s2;
	(pc) =	sbr.rel .LBB2_26-.Ltmp19, $4  }
0x165: {  	s10 =	simm.s32 $0xF188;
	s4 =	smov.u32 @p2 s2;
	s7 =	spop (v2sf)  }
0x166: {  	s11 =	simm.s32 $0x0;
	p1 =	sne.s32 s4, $0xFFFFFFFF;
	s8 =	smov.u32 s7  }
0x167: {  	s3 =	smov.u32 @p2 s0;
	p2 =	seq.s32 s7, $0xFFFFFFFF;
	s8 =	smov.u32 @p1 s4  }
0x168: {  	[sflag:s9] =	ssyncpa.u1 $0x0;
	s7 =	smov.u32 @p2 s3;
	s8 =	smov.u32 @p2 s4  }
.LBB2_32:
0x169: {  	p1 =	sgt.u32 s12, $0xFFF0  }
0x16a: {  	p2 =	seq.s32 @!p1 s12, s8  }
0x16b: {  	p1 =	por p1, p2  }
0x16c: {  	p2 =	sne.s32 @!p1 s12, s7  }
0x16d: {  	p1 =	por p1, !p2  }
0x16e: {  	s0 =	sshll.u32 @p1 s11, $0x9  }
0x16f: {  	s0 =	sand.u32 @!p1 $0xFFF8, s12  }
0x170: {  	s2 =	sand.u32 @!p1 $0x7, s12;
	s0 =	sadd.s32 @!p1 s1, s0  }
0x171: {  	[tilespmem:s10], [sflag:$0x6] =	stream.linear.gather @!p1 [hbm4b:s0+s2], $0x80, $0x38;
	[tilespmem:$0x1F6F8] =	vst v63  }
0x172: {  	_ =	swait.ge @!p1 [sflag:s9], $0x80  }
0x173: {  	[sflag:s9] =	ssyncset.done @!p1 $0x0  }
0x174: {  	s0 =	sshll.u32 @!p1 s11, $0x9;
	[sflag:s9] =	ssyncadd.s32 @!p1 $0xFFFFFF80  }
0x175: {  	s2 =	sshrl.u32 @!p1 s0, $0x2;
	v1 =	vld @!p1 [tilespmem:$0xF188]  }
0x176: {  	v2 =	vld @!p1 [tilespmem:s2+$0xF238];
	_ =	sdelay $0x4  }
0x177: {  	v1 =	vmax.f32 @!p1 v1, v2  }
0x178: {  	v2 =	vld @!p1 [tilespmem:s2+$0xF248];
	[tilespmem:s2+$0xF238] =	vst @!p1 v1  }
0x179: {  	v1 =	vld @!p1 [tilespmem:$0xF198];
	_ =	sdelay $0x4  }
0x17a: {  	v1 =	vmax.f32 @!p1 v1, v2  }
0x17b: {  	v2 =	vld @!p1 [tilespmem:s2+$0xF258];
	[tilespmem:s2+$0xF248] =	vst @!p1 v1  }
0x17c: {  	v1 =	vld @!p1 [tilespmem:$0xF1A8];
	_ =	sdelay $0x4  }
0x17d: {  	v1 =	vmax.f32 @!p1 v1, v2  }
0x17e: {  	v2 =	vld @!p1 [tilespmem:s2+$0xF268];
	[tilespmem:s2+$0xF258] =	vst @!p1 v1  }
0x17f: {  	v1 =	vld @!p1 [tilespmem:$0xF1B8];
	_ =	sdelay $0x4  }
0x180: {  	v1 =	vmax.f32 @!p1 v1, v2  }
0x181: {  	v2 =	vld @!p1 [tilespmem:s2+$0xF278];
	[tilespmem:s2+$0xF268] =	vst @!p1 v1  }
0x182: {  	v1 =	vld @!p1 [tilespmem:$0xF1C8];
	_ =	sdelay $0x4  }
0x183: {  	v1 =	vmax.f32 @!p1 v1, v2  }
0x184: {  	v2 =	vld @!p1 [tilespmem:s2+$0xF288];
	[tilespmem:s2+$0xF278] =	vst @!p1 v1  }
0x185: {  	v1 =	vld @!p1 [tilespmem:$0xF1D8];
	_ =	sdelay $0x4  }
0x186: {  	v1 =	vmax.f32 @!p1 v1, v2  }
0x187: {  	v2 =	vld @!p1 [tilespmem:s2+$0xF298];
	[tilespmem:s2+$0xF288] =	vst @!p1 v1  }
0x188: {  	v1 =	vld @!p1 [tilespmem:$0xF1E8];
	_ =	sdelay $0x4  }
0x189: {  	v1 =	vmax.f32 @!p1 v1, v2  }
0x18a: {  	v2 =	vld @!p1 [tilespmem:s2+$0xF2A8];
	[tilespmem:s2+$0xF298] =	vst @!p1 v1  }
0x18b: {  	v1 =	vld @!p1 [tilespmem:$0xF1F8];
	_ =	sdelay $0x4  }
0x18c: {  	v1 =	vmax.f32 @!p1 v1, v2  }
0x18d: {  	[tilespmem:s2+$0xF2A8] =	vst @!p1 v1  }
0x18e: {  	s0 =	sshrl.u32 s0, $0x2;
	[tilespmem:s6+$0xF218] =	vst.msk $0x1, v0  }
0x18f: {  	v0 =	vld [tilespmem:s0+$0xF238];
	_ =	sdelay $0x2  }
0x190: {  	s31 =	sshll.u32 s6, $0x9  }
0x191: {  	s2 =	sshra.s32 s31, $0x2  }
0x192: {  	[tilespmem:s2+$0xF238] =	vst v0  }
0x193: {  	v0 =	vld [tilespmem:s0+$0xF248];
	_ =	sdelay $0x4  }
0x194: {  	[tilespmem:s2+$0xF248] =	vst v0  }
0x195: {  	v0 =	vld [tilespmem:s0+$0xF258];
	_ =	sdelay $0x4  }
0x196: {  	[tilespmem:s2+$0xF258] =	vst v0  }
0x197: {  	v0 =	vld [tilespmem:s0+$0xF268];
	_ =	sdelay $0x4  }
0x198: {  	[tilespmem:s2+$0xF268] =	vst v0  }
0x199: {  	v0 =	vld [tilespmem:s0+$0xF278];
	_ =	sdelay $0x4  }
0x19a: {  	[tilespmem:s2+$0xF278] =	vst v0  }
0x19b: {  	v0 =	vld [tilespmem:s0+$0xF288];
	_ =	sdelay $0x4  }
0x19c: {  	[tilespmem:s2+$0xF288] =	vst v0  }
0x19d: {  	v0 =	vld [tilespmem:s0+$0xF298];
	_ =	sdelay $0x4  }
0x19e: {  	[tilespmem:s2+$0xF298] =	vst v0  }
0x19f: {  	v0 =	vld [tilespmem:s0+$0xF2A8];
	_ =	sdelay $0x4  }
0x1a0: {  	s6 =	sadd.s32 $0x1, s6;
	[tilespmem:s2+$0xF2A8] =	vst v0  }
.LBB2_33:
0x1a1: {  	s11 =	sadd.s32 $0x1, s11  }
0x1a2: {  	p1 =	sne.s32 s11, $0x20  }
.Ltmp20:
0x1a3: {  	_ = 	snop;
	(pc) =	sbr.rel @!p1 .LBB2_34-.Ltmp20, $1  }
0x1a4: {  	_ =	sdelay $0x3  }
.LBB2_26:
0x1a5: {  	v0 =	vld.msk [tilespmem:s11+$0xF218], $0x1;
	_ =	sdelay $0x4  }
0x1a6: {  	(v2sf) =	vpush v0, $0x0;
	_ =	sdelay $0xe  }
0x1a7: {  	s12 =	spop (v2sf)  }
0x1a8: {  	p1 =	seq.s32 s12, $0xFFFFFFFF  }
.Ltmp21:
0x1a9: {  	_ = 	snop;
	(pc) =	sbr.rel @p1 .LBB2_33-.Ltmp21, $1  }
0x1aa: {  	_ =	sdelay $0x3  }
0x1ab: {  	p1 =	slt.s32 s6, $0x1  }
.Ltmp22:
0x1ac: {  	_ = 	snop;
	(pc) =	sbr.rel @p1 .LBB2_32-.Ltmp22, $1  }
0x1ad: {  	_ =	sdelay $0x3  }
0x1ae: {  	s13 =	simm.s32 $0xF218;
	p1 =	por $0x0, $0x0  }
0x1af: {  	v1 =	vld.msk @!p1 [tilespmem:s13+$0x0], $0x1;
	_ =	sdelay $0x4  }
0x1b0: {  	(v2sf) =	vpush @!p1 v1, $0x0;
	_ =	sdelay $0xd  }
0x1b1: {  	p3 =	sne.s32 s6, $0x1  }
.Ltmp23:
0x1b2: {  	s0 =	spop @!p1 (v2sf);
	(pc) =	sbr.rel @!p3 .LBB2_30-.Ltmp23, $4  }
0x1b3: {  	p2 =	seq.s32 @!p1 s12, s0  }
0x1b4: {  	s14 =	simm.s32 $0x0;
	p2 =	por !p2, p1  }
0x1b5: {  	s2 =	simm.s32 $0xFFFFFFFF;
	s14 =	simm.s32 @p2 $0xFFFFFFFF  }
0x1b6: {  	s0 =	simm.s32 $0x1;
	s14 =	smov.u32 @p1 s2  }
.LBB2_29:
0x1b7: {  	s2 =	smov.u32 s14;
	p1 =	sne.s32 s14, $0xFFFFFFFF  }
0x1b8: {  	s13 =	sadd.s32 $0x1, s13;
	s14 =	smov.u32 s0;
	s0 =	sadd.s32 $0x1, s0  }
0x1b9: {  	p2 =	sne.s32 s6, s0;
	v1 =	vld.msk @!p1 [tilespmem:s13+$0x0], $0x1;
	_ =	sdelay $0x4  }
0x1ba: {  	(v2sf) =	vpush @!p1 v1, $0x0;
	_ =	sdelay $0xe  }
.Ltmp24:
0x1bb: {  	s3 =	spop @!p1 (v2sf);
	(pc) =	sbr.rel @p2 .LBB2_29-.Ltmp24, $4  }
0x1bc: {  	p3 =	seq.s32 @!p1 s12, s3  }
0x1bd: {  	p3 =	por !p3, p1  }
0x1be: {  	s14 =	simm.s32 @p3 $0xFFFFFFFF  }
0x1bf: {  	s14 =	smov.u32 @p1 s2  }
.LBB2_30:
0x1c0: {  	p1 =	seq.s32 s14, $0xFFFFFFFF  }
.Ltmp25:
0x1c1: {  	_ = 	snop;
	(pc) =	sbr.rel @p1 .LBB2_32-.Ltmp25, $1  }
0x1c2: {  	_ =	sdelay $0x3  }
0x1c3: {  	s0 =	sshll.u32 s11, $0x7  }
0x1c4: {  	s2 =	sshll.u32 s14, $0x9;
	s0 =	sand.u32 $0x3FFFFF80, s0  }
0x1c5: {  	s2 =	sshra.s32 s2, $0x2;
	v0 =	vld [tilespmem:s0+$0xF238]  }
0x1c6: {  	v1 =	vld [tilespmem:s2+$0xF238];
	_ =	sdelay $0x4  }
0x1c7: {  	v0 =	vmax.f32 v0, v1  }
0x1c8: {  	v57 =	vld [tilespmem:s2+$0xF248];
	[tilespmem:s2+$0xF238] =	vst v0  }
0x1c9: {  	v0 =	vld [tilespmem:s0+$0xF248];
	_ =	sdelay $0x4  }
0x1ca: {  	v0 =	vmax.f32 v0, v57  }
0x1cb: {  	v58 =	vld [tilespmem:s2+$0xF258];
	[tilespmem:s2+$0xF248] =	vst v0  }
0x1cc: {  	v0 =	vld [tilespmem:s0+$0xF258];
	_ =	sdelay $0x4  }
0x1cd: {  	v0 =	vmax.f32 v0, v58  }
0x1ce: {  	v59 =	vld [tilespmem:s2+$0xF268];
	[tilespmem:s2+$0xF258] =	vst v0  }
0x1cf: {  	v0 =	vld [tilespmem:s0+$0xF268];
	_ =	sdelay $0x4  }
0x1d0: {  	v0 =	vmax.f32 v0, v59  }
0x1d1: {  	v60 =	vld [tilespmem:s2+$0xF278];
	[tilespmem:s2+$0xF268] =	vst v0  }
0x1d2: {  	v0 =	vld [tilespmem:s0+$0xF278];
	_ =	sdelay $0x4  }
0x1d3: {  	v0 =	vmax.f32 v0, v60  }
0x1d4: {  	v61 =	vld [tilespmem:s2+$0xF288];
	[tilespmem:s2+$0xF278] =	vst v0  }
0x1d5: {  	v0 =	vld [tilespmem:s0+$0xF288];
	_ =	sdelay $0x4  }
0x1d6: {  	v0 =	vmax.f32 v0, v61  }
0x1d7: {  	v62 =	vld [tilespmem:s2+$0xF298];
	[tilespmem:s2+$0xF288] =	vst v0  }
0x1d8: {  	v0 =	vld [tilespmem:s0+$0xF298];
	_ =	sdelay $0x4  }
0x1d9: {  	v0 =	vmax.f32 v0, v62  }
0x1da: {  	v63 =	vld [tilespmem:s2+$0xF2A8];
	[tilespmem:s2+$0xF298] =	vst v0  }
0x1db: {  	v0 =	vld [tilespmem:s0+$0xF2A8];
	_ =	sdelay $0x1  }
.Ltmp26:
0x1dc: {  	_ = 	snop;
	(pc) =	sbr.rel .LBB2_33-.Ltmp26, $3  }
0x1dd: {  	_ =	sdelay $0x1  }
0x1de: {  	v0 =	vmax.f32 v0, v63  }
0x1df: {  	[tilespmem:s2+$0xF2A8] =	vst v0  }
.LBB2_34:
0x1e0: {  	s0 =	simm.s32 $0x6;
	p1 =	seq.s32 s6, $0x0  }
0x1e1: {  	[sflag:s0] =	ssyncpa.u1 $0x1;
	v0 =	vimm.s32 @p1 $0xFFFFFFFF  }
0x1e2: {  	s9 =	sadd.s32 $0xFFFFFFFF, s6;
	[tilespmem:$0x10238] =	vst @p1 v0  }
0x1e3: {  	v0 =	vld.msk @!p1 [tilespmem:s9+$0xF218], $0x1;
	_ =	sdelay $0x1  }
0x1e4: {  	v1 =	vld.msk @!p1 [tilespmem:$0xF218], $0x1;
	_ =	sdelay $0x2  }
0x1e5: {  	p2 =	seq.s32 @!p1 s9, $0x0;
	v0 =	vbroadcast @!p1 v0, $0x0  }
0x1e6: {  	vm0 =	vmmov @!p1 $0x1;
	p2 =	por !p2, p1  }
0x1e7: {  	v1 =	vnsel @!p1 vm0, $0xFFFFFFFF, v1;
	vm0 =	vcmask @!p1 $0x308;
	v0 =	vpsel !p2, $0xFFFFFFFF, v0  }
0x1e8: {  	p2 =	sne.s32 @!p1 s8, s7;
	v0 =	vsel @!p1 vm0, v1, v0  }
0x1e9: {  	s0 =	simm.s32 @!p1 $0xF238;
	s2 =	simm.s32 @!p1 $0x0;
	p3 =	por !p2, p1;
	[tilespmem:$0x10238] =	vst @!p1 v0  }
0x1ea: {  	[spmem:s2] =	stream.linear.scatter @!p1 [tilespmem:s0], [sflag:$0x1], $0x80, $0x38;
	[tilespmem:$0x1F6F8] =	vst v63  }
0x1eb: {  	s0 =	sshll.u32 @!p3 s9, $0x9  }
0x1ec: {  	s0 =	sshra.s32 @!p3 s0, $0x2  }
0x1ed: {  	s2 =	simm.s32 @!p3 $0x80;
	s0 =	sadd.s32 @!p3 $0xF238, s0  }
0x1ee: {  	[spmem:s2] =	stream.linear.scatter @!p3 [tilespmem:s0], [sflag:$0x1], $0x80, $0x38;
	[tilespmem:$0x1F6F8] =	vst v63  }
0x1ef: {  	s0 =	simm.s32 @!p3 $0x1  }
0x1f0: {  	_ =	swait.ge @!p3 [sflag:s0], $0x100  }
0x1f1: {  	p1 =	por p2, p1;
	[sflag:s0] =	ssyncset.done @!p3 $0x0  }
0x1f2: {  	[sflag:s0] =	ssyncadd.s32 @!p3 $0xFFFFFF00;
	s0 =	simm.s32 @!p1 $0x1  }
0x1f3: {  	_ =	swait.ge @!p1 [sflag:s0], $0x80  }
0x1f4: {  	s29 =	simm.s32 $0x10238;
	[sflag:s0] =	ssyncset.done @!p1 $0x0  }
0x1f5: {  	s30 =	simm.s32 $0x1000;
	s31 =	simm.s32 $0x1;
	[sflag:s0] =	ssyncadd.s32 @!p1 $0xFFFFFF80  }
0x1f6: {  	[spmem:s30] =	stream.linear.scatter [tilespmem:s29], [sflag:$0x1], $0x10, $0x38;
	[tilespmem:$0x1F6F8] =	vst v63  }
0x1f7: {  	_ =	swait.ge [sflag:s31], $0x10  }
0x1f8: {  	[sflag:s31] =	ssyncset.done $0x0  }
0x1f9: {  	p1 =	seq.s32 s15, $0x0;
	s8 =	rddreg [dreg:$0x2];
	[sflag:s31] =	ssyncadd.s32 $0xFFFFFFF0  }
0x1fa: {  	s2 =	sshll.u32 @p1 s8, $0xE;
	s7 =	rddreg [dreg:$0x3]  }
0x1fb: {  	s0 =	sadd.s32 @p1 $0x15C3C, s2;
	s2 =	sshll.u32 @p1 s7, $0x11  }
0x1fc: {  	_ =	sfence.stream.spmem;
	s0 =	sor.u32 @p1 s2, s0  }
0x1fd: {  	[sflag:s0] =	ssyncadd.remote.s32 @p1 $0x1;
	s0 =	simm.s32 @p1 $0x4  }
0x1fe: {  	s3 =	simm.s32 @!p1 $0x3C;
	s2 =	sand.u32 $0xFFFFFFFE, s8;
	_ =	swait.ge @p1 [sflag:s0], $0x22  }
0x1ff: {  	s4 =	simm.s32 @!p1 $0x0;
	s2 =	sadd.s32 @!p1 $0x4, s2;
	[sflag:s0] =	ssyncset.done @p1 $0x0  }
0x200: {  	s5 =	simm.s32 @!p1 $0x100;
	[sflag:s0] =	ssyncadd.s32 @p1 $0xFFFFFFDE;
	s0 =	sshll.u32 @!p1 s2, $0x1A  }
0x201: {  	s2 =	sshll.u32 @!p1 s2, $0xD;
	s0 =	sor.u32 @!p1 s0, s7;
	_ =	swait.eq @!p1 [sflag:s3], $0x1  }
0x202: {  	s2 =	sor.u32 @!p1 $0x1C04, s2;
	s3 =	simm.s32 @!p1 $0x1C03;
	s0 =	sor.u32 @!p1 $0x80004000, s0  }
0x203: {  	[spmem:s5], [sflag:s2] =	dma.general @!p1 [spmem:s4], [sflag:s3], length:$0x20, [dreg:$0x0], stride_count:$0x0, ici_dest:s0, dma_misc:DstOpCode:WRITE  }
0x204: {  	p2 =	slt.s32 s9, $0x2;
	s4 =	simm.s32 @!p1 $0x200;
	s5 =	simm.s32 @!p1 $0x202  }
0x205: {  	[spmem:s5], [sflag:s2] =	dma.general @!p1 [spmem:s4], [sflag:s3], length:$0x2, [dreg:$0x0], stride_count:$0x0, ici_dest:s0, dma_misc:DstOpCode:WRITE  }
.Ltmp27:
0x206: {  	s0 =	simm.s32 @!p1 $0x3;
	(pc) =	sbr.rel @p2 .LBB2_38-.Ltmp27, $4  }
0x207: {  	s2 =	sshll.u32 @!p1 s8, $0xE;
	_ =	swait.ge @!p1 [sflag:s0], $0x22  }
0x208: {  	s3 =	sshll.u32 @!p1 s7, $0x11;
	s2 =	sadd.s32 @!p1 $0x11C3C, s2;
	[sflag:s0] =	ssyncset.done @!p1 $0x0  }
0x209: {  	[sflag:s0] =	ssyncadd.s32 @!p1 $0xFFFFFFDE;
	s0 =	sor.u32 @!p1 s3, s2  }
0x20a: {  	[sflag:s0] =	ssyncadd.remote.s32 @!p1 $0xFFFFFFFF;
	s0 =	simm.s32 $0x0  }
0x20b: {  	s0 =	simm.s32 $0xF219  }
0x20c: {  	v0 =	vld.msk [tilespmem:s0+$0x0], $0x1;
	_ =	sdelay $0x4  }
0x20d: {  	(v2sf) =	vpush v0, $0x0;
	_ =	sdelay $0xb  }
0x20e: {  	s31 =	sadd.s32 $0xFFFFFFFE, s6  }
0x20f: {  	s0 =	sadd.s32 $0xFFFFFFFF, s31  }
0x210: {  	p2 =	sne.s32 s0, $0x0  }
.Ltmp28:
0x211: {  	s2 =	spop (v2sf);
	(pc) =	sbr.rel @!p2 .LBB2_37-.Ltmp28, $4  }
0x212: {  	s4 =	simm.s32 $0xF2B8;
	s7 =	simm.s32 $0x0;
	p1 =	sgt.u32 s2, $0xFFF0  }
0x213: {  	s5 =	simm.s32 $0x0;
	s6 =	simm.s32 $0xF21A;
	s3 =	sand.u32 @!p1 $0xFFF8, s2  }
0x214: {  	s2 =	sand.u32 @!p1 $0x7, s2;
	s7 =	simm.s32 @!p1 $0x200;
	s3 =	sadd.s32 @!p1 s1, s3  }
0x215: {  	[hbm4b:s3+s2] =	stream.linear.scatter @!p1 [tilespmem:s4], [sflag:$0x5], $0x80, $0x38;
	[tilespmem:$0x1F6F8] =	vst v63  }
.LBB2_36:
0x216: {  	v0 =	vld.msk [tilespmem:s6+$0x0], $0x1;
	s0 =	sadd.s32 $0xFFFFFFFF, s0;
	s5 =	sadd.s32 s5, s7  }
0x217: {  	p1 =	sne.s32 s0, $0x0;
	_ =	sdelay $0x3  }
0x218: {  	(v2sf) =	vpush v0, $0x0;
	_ =	sdelay $0xe  }
.Ltmp29:
0x219: {  	s2 =	spop (v2sf);
	(pc) =	sbr.rel @p1 .LBB2_36-.Ltmp29, $4  }
0x21a: {  	s7 =	simm.s32 $0x0;
	p2 =	sgt.u32 s2, $0xFFF0  }
0x21b: {  	s4 =	sadd.s32 $0x80, s4;
	s7 =	simm.s32 @!p2 $0x200;
	s3 =	sand.u32 @!p2 $0xFFF8, s2  }
0x21c: {  	s6 =	sadd.s32 $0x1, s6;
	s2 =	sand.u32 @!p2 $0x7, s2;
	s3 =	sadd.s32 @!p2 s1, s3  }
0x21d: {  	[hbm4b:s3+s2] =	stream.linear.scatter @!p2 [tilespmem:s4], [sflag:$0x5], $0x80, $0x38;
	[tilespmem:$0x1F6F8] =	vst v63  }
.LBB2_37:
0x21e: {  	s0 =	sadd.s32 s5, s7  }
0x21f: {  	s0 =	sshrl.u32 s0, $0x2  }
.LBB2_38:
0x220: {  	s2 =	simm.s32 $0x5  }
0x221: {  	_ =	swait.ge [sflag:s2], s0  }
0x222: {  	s31 =	ssub.s32 $0x0, s0;
	[sflag:s2] =	ssyncset.done $0x0  }
0x223: {  	[sflag:s2] =	ssyncadd.s32 s31  }
0x224: {  	[sflag:s2] =	ssyncpa.u1 $0x1  }
.LBB2_39:
0x225: {  	s0 =	sor.u32 s15, s16  }
0x226: {  	p1 =	sne.s32 s0, $0x0  }
.Ltmp30:
0x227: {  	_ = 	snop;
	(pc) =	sbr.rel @p1 .LBB2_54-.Ltmp30, $3  }
0x228: {  	_ =	sdelay $0x1  }
0x229: {  	[bflag:$0x0] =	sbarrier.arrive $0xFFFF  }
0x22a: {  	_ =	sfence  }
0x22b: {  	s0 =	simm.s32 $0x7  }
0x22c: {  	s2 =	simm.s32 $0x1000;
	s3 =	simm.s32 $0xF218;
	[sflag:s0] =	ssyncpa.u1 $0x0  }
0x22d: {  	[tilespmem:s3], [sflag:$0x7] =	stream.linear.gather [spmem:s2], $0x20, $0x38;
	[tilespmem:$0x1F6F8] =	vst v63  }
0x22e: {  	s30 =	simm.s32 $0xF238;
	s2 =	simm.s32 $0x0  }
0x22f: {  	[tilespmem:s30], [sflag:$0x7] =	stream.linear.gather [spmem:s2], $0x1000, $0x38;
	[tilespmem:$0x1F6F8] =	vst v63  }
.Ltmp31:
0x230: {  	_ = 	snop;
	(pc) =	sbr.rel .LBB2_41-.Ltmp31, $4  }
0x231: {  	_ =	swait.ge [sflag:s0], $0x1020  }
0x232: {  	[sflag:s0] =	ssyncset.done $0x0  }
0x233: {  	s31 =	simm.s32 $0x8;
	[sflag:s0] =	ssyncadd.s32 $0xFFFFEFE0  }
0x234: {  	s3 =	simm.s32 $0x0;
	[sflag:s31] =	ssyncpa.u1 $0x0  }
.LBB2_47:
0x235: {  	p1 =	slt.u32 s4, $0xFFF1  }
0x236: {  	s0 =	sand.u32 @p1 $0xFFF8, s4  }
0x237: {  	s4 =	sand.u32 @p1 $0x7, s4;
	s5 =	simm.s32 @p1 $0xF188;
	s0 =	sadd.s32 @p1 s1, s0  }
0x238: {  	[tilespmem:s5], [sflag:$0x8] =	stream.linear.gather @p1 [hbm4b:s0+s4], $0x80, $0x38;
	[tilespmem:$0x1F6F8] =	vst v63  }
0x239: {  	s0 =	simm.s32 @p1 $0x8  }
0x23a: {  	_ =	swait.ge @p1 [sflag:s0], $0x80  }
0x23b: {  	[sflag:s0] =	ssyncset.done @p1 $0x0  }
0x23c: {  	[sflag:s0] =	ssyncadd.s32 @p1 $0xFFFFFF80;
	s0 =	sshll.u32 @p1 s3, $0x9  }
0x23d: {  	s4 =	sshrl.u32 @p1 s0, $0x2;
	v1 =	vld @p1 [tilespmem:$0xF188]  }
0x23e: {  	v2 =	vld @p1 [tilespmem:s4+$0xF238];
	_ =	sdelay $0x4  }
0x23f: {  	v1 =	vmax.f32 @p1 v1, v2  }
0x240: {  	v2 =	vld @p1 [tilespmem:s4+$0xF248];
	[tilespmem:s4+$0xF238] =	vst @p1 v1  }
0x241: {  	v1 =	vld @p1 [tilespmem:$0xF198];
	_ =	sdelay $0x4  }
0x242: {  	v1 =	vmax.f32 @p1 v1, v2  }
0x243: {  	v2 =	vld @p1 [tilespmem:s4+$0xF258];
	[tilespmem:s4+$0xF248] =	vst @p1 v1  }
0x244: {  	v1 =	vld @p1 [tilespmem:$0xF1A8];
	_ =	sdelay $0x4  }
0x245: {  	v1 =	vmax.f32 @p1 v1, v2  }
0x246: {  	v2 =	vld @p1 [tilespmem:s4+$0xF268];
	[tilespmem:s4+$0xF258] =	vst @p1 v1  }
0x247: {  	v1 =	vld @p1 [tilespmem:$0xF1B8];
	_ =	sdelay $0x4  }
0x248: {  	v1 =	vmax.f32 @p1 v1, v2  }
0x249: {  	v2 =	vld @p1 [tilespmem:s4+$0xF278];
	[tilespmem:s4+$0xF268] =	vst @p1 v1  }
0x24a: {  	v1 =	vld @p1 [tilespmem:$0xF1C8];
	_ =	sdelay $0x4  }
0x24b: {  	v1 =	vmax.f32 @p1 v1, v2  }
0x24c: {  	v2 =	vld @p1 [tilespmem:s4+$0xF288];
	[tilespmem:s4+$0xF278] =	vst @p1 v1  }
0x24d: {  	v1 =	vld @p1 [tilespmem:$0xF1D8];
	_ =	sdelay $0x4  }
0x24e: {  	v1 =	vmax.f32 @p1 v1, v2  }
0x24f: {  	v2 =	vld @p1 [tilespmem:s4+$0xF298];
	[tilespmem:s4+$0xF288] =	vst @p1 v1  }
0x250: {  	v1 =	vld @p1 [tilespmem:$0xF1E8];
	_ =	sdelay $0x4  }
0x251: {  	v1 =	vmax.f32 @p1 v1, v2  }
0x252: {  	v2 =	vld @p1 [tilespmem:s4+$0xF2A8];
	[tilespmem:s4+$0xF298] =	vst @p1 v1  }
0x253: {  	v1 =	vld @p1 [tilespmem:$0xF1F8];
	_ =	sdelay $0x4  }
0x254: {  	s5 =	sshll.u32 @!p1 s3, $0x9;
	v1 =	vmax.f32 @p1 v1, v2  }
0x255: {  	s5 =	smov.u32 @p1 s0;
	[tilespmem:s4+$0xF2A8] =	vst @p1 v1  }
0x256: {  	s0 =	sshrl.u32 s5, $0x2;
	[tilespmem:s2+$0xF218] =	vst.msk $0x1, v0  }
0x257: {  	v0 =	vld [tilespmem:s0+$0xF238];
	_ =	sdelay $0x2  }
0x258: {  	s31 =	sshll.u32 s2, $0x9  }
0x259: {  	s4 =	sshra.s32 s31, $0x2  }
0x25a: {  	[tilespmem:s4+$0xF238] =	vst v0  }
0x25b: {  	v0 =	vld [tilespmem:s0+$0xF248];
	_ =	sdelay $0x4  }
0x25c: {  	[tilespmem:s4+$0xF248] =	vst v0  }
0x25d: {  	v0 =	vld [tilespmem:s0+$0xF258];
	_ =	sdelay $0x4  }
0x25e: {  	[tilespmem:s4+$0xF258] =	vst v0  }
0x25f: {  	v0 =	vld [tilespmem:s0+$0xF268];
	_ =	sdelay $0x4  }
0x260: {  	[tilespmem:s4+$0xF268] =	vst v0  }
0x261: {  	v0 =	vld [tilespmem:s0+$0xF278];
	_ =	sdelay $0x4  }
0x262: {  	[tilespmem:s4+$0xF278] =	vst v0  }
0x263: {  	v0 =	vld [tilespmem:s0+$0xF288];
	_ =	sdelay $0x4  }
0x264: {  	[tilespmem:s4+$0xF288] =	vst v0  }
0x265: {  	v0 =	vld [tilespmem:s0+$0xF298];
	_ =	sdelay $0x4  }
0x266: {  	[tilespmem:s4+$0xF298] =	vst v0  }
0x267: {  	v0 =	vld [tilespmem:s0+$0xF2A8];
	_ =	sdelay $0x4  }
0x268: {  	s2 =	sadd.s32 $0x1, s2;
	[tilespmem:s4+$0xF2A8] =	vst v0  }
.LBB2_48:
0x269: {  	s3 =	sadd.s32 $0x1, s3  }
0x26a: {  	p1 =	sne.s32 s3, $0x20  }
.Ltmp32:
0x26b: {  	_ = 	snop;
	(pc) =	sbr.rel @!p1 .LBB2_49-.Ltmp32, $1  }
0x26c: {  	_ =	sdelay $0x3  }
.LBB2_41:
0x26d: {  	v0 =	vld.msk [tilespmem:s3+$0xF218], $0x1;
	_ =	sdelay $0x4  }
0x26e: {  	(v2sf) =	vpush v0, $0x0;
	_ =	sdelay $0xe  }
0x26f: {  	s4 =	spop (v2sf)  }
0x270: {  	p1 =	seq.s32 s4, $0xFFFFFFFF  }
.Ltmp33:
0x271: {  	_ = 	snop;
	(pc) =	sbr.rel @p1 .LBB2_48-.Ltmp33, $1  }
0x272: {  	_ =	sdelay $0x3  }
0x273: {  	p1 =	slt.s32 s2, $0x1  }
.Ltmp34:
0x274: {  	_ = 	snop;
	(pc) =	sbr.rel @p1 .LBB2_47-.Ltmp34, $1  }
0x275: {  	_ =	sdelay $0x3  }
0x276: {  	s5 =	simm.s32 $0xF218;
	p1 =	por $0x0, $0x0  }
0x277: {  	v1 =	vld.msk @!p1 [tilespmem:s5+$0x0], $0x1;
	_ =	sdelay $0x4  }
0x278: {  	(v2sf) =	vpush @!p1 v1, $0x0;
	_ =	sdelay $0xd  }
0x279: {  	p3 =	sne.s32 s2, $0x1  }
.Ltmp35:
0x27a: {  	s0 =	spop @!p1 (v2sf);
	(pc) =	sbr.rel @!p3 .LBB2_45-.Ltmp35, $4  }
0x27b: {  	p2 =	seq.s32 @!p1 s4, s0  }
0x27c: {  	s6 =	simm.s32 $0x0;
	p2 =	por !p2, p1  }
0x27d: {  	s7 =	simm.s32 $0xFFFFFFFF;
	s6 =	simm.s32 @p2 $0xFFFFFFFF  }
0x27e: {  	s0 =	simm.s32 $0x1;
	s6 =	smov.u32 @p1 s7  }
.LBB2_44:
0x27f: {  	s7 =	smov.u32 s6;
	p1 =	sne.s32 s6, $0xFFFFFFFF  }
0x280: {  	s5 =	sadd.s32 $0x1, s5;
	s6 =	smov.u32 s0;
	s0 =	sadd.s32 $0x1, s0  }
0x281: {  	p2 =	sne.s32 s2, s0;
	v1 =	vld.msk @!p1 [tilespmem:s5+$0x0], $0x1;
	_ =	sdelay $0x4  }
0x282: {  	(v2sf) =	vpush @!p1 v1, $0x0;
	_ =	sdelay $0xe  }
.Ltmp36:
0x283: {  	s8 =	spop @!p1 (v2sf);
	(pc) =	sbr.rel @p2 .LBB2_44-.Ltmp36, $4  }
0x284: {  	p3 =	seq.s32 @!p1 s4, s8  }
0x285: {  	p3 =	por !p3, p1  }
0x286: {  	s6 =	simm.s32 @p3 $0xFFFFFFFF  }
0x287: {  	s6 =	smov.u32 @p1 s7  }
.LBB2_45:
0x288: {  	p1 =	seq.s32 s6, $0xFFFFFFFF  }
.Ltmp37:
0x289: {  	_ = 	snop;
	(pc) =	sbr.rel @p1 .LBB2_47-.Ltmp37, $1  }
0x28a: {  	_ =	sdelay $0x3  }
0x28b: {  	s0 =	sshll.u32 s3, $0x7  }
0x28c: {  	s4 =	sshll.u32 s6, $0x9;
	s0 =	sand.u32 $0x3FFFFF80, s0  }
0x28d: {  	s4 =	sshra.s32 s4, $0x2;
	v0 =	vld [tilespmem:s0+$0xF238]  }
0x28e: {  	v1 =	vld [tilespmem:s4+$0xF238];
	_ =	sdelay $0x4  }
0x28f: {  	v0 =	vmax.f32 v0, v1  }
0x290: {  	v57 =	vld [tilespmem:s4+$0xF248];
	[tilespmem:s4+$0xF238] =	vst v0  }
0x291: {  	v0 =	vld [tilespmem:s0+$0xF248];
	_ =	sdelay $0x4  }
0x292: {  	v0 =	vmax.f32 v0, v57  }
0x293: {  	v58 =	vld [tilespmem:s4+$0xF258];
	[tilespmem:s4+$0xF248] =	vst v0  }
0x294: {  	v0 =	vld [tilespmem:s0+$0xF258];
	_ =	sdelay $0x4  }
0x295: {  	v0 =	vmax.f32 v0, v58  }
0x296: {  	v59 =	vld [tilespmem:s4+$0xF268];
	[tilespmem:s4+$0xF258] =	vst v0  }
0x297: {  	v0 =	vld [tilespmem:s0+$0xF268];
	_ =	sdelay $0x4  }
0x298: {  	v0 =	vmax.f32 v0, v59  }
0x299: {  	v60 =	vld [tilespmem:s4+$0xF278];
	[tilespmem:s4+$0xF268] =	vst v0  }
0x29a: {  	v0 =	vld [tilespmem:s0+$0xF278];
	_ =	sdelay $0x4  }
0x29b: {  	v0 =	vmax.f32 v0, v60  }
0x29c: {  	v61 =	vld [tilespmem:s4+$0xF288];
	[tilespmem:s4+$0xF278] =	vst v0  }
0x29d: {  	v0 =	vld [tilespmem:s0+$0xF288];
	_ =	sdelay $0x4  }
0x29e: {  	v0 =	vmax.f32 v0, v61  }
0x29f: {  	v62 =	vld [tilespmem:s4+$0xF298];
	[tilespmem:s4+$0xF288] =	vst v0  }
0x2a0: {  	v0 =	vld [tilespmem:s0+$0xF298];
	_ =	sdelay $0x4  }
0x2a1: {  	v0 =	vmax.f32 v0, v62  }
0x2a2: {  	v63 =	vld [tilespmem:s4+$0xF2A8];
	[tilespmem:s4+$0xF298] =	vst v0  }
0x2a3: {  	v0 =	vld [tilespmem:s0+$0xF2A8];
	_ =	sdelay $0x1  }
.Ltmp38:
0x2a4: {  	_ = 	snop;
	(pc) =	sbr.rel .LBB2_48-.Ltmp38, $3  }
0x2a5: {  	_ =	sdelay $0x1  }
0x2a6: {  	v0 =	vmax.f32 v0, v63  }
0x2a7: {  	[tilespmem:s4+$0xF2A8] =	vst v0  }
.LBB2_49:
0x2a8: {  	p1 =	slt.s32 s2, $0x1  }
.Ltmp39:
0x2a9: {  	_ = 	snop;
	(pc) =	sbr.rel @p1 .LBB2_53-.Ltmp39, $3  }
0x2aa: {  	_ =	sdelay $0x1  }
0x2ab: {  	s0 =	simm.s32 $0x8  }
0x2ac: {  	s3 =	simm.s32 $0x0;
	[sflag:s0] =	ssyncpa.u1 $0x1  }
0x2ad: {  	s0 =	simm.s32 $0xF218  }
0x2ae: {  	v0 =	vld.msk [tilespmem:s0+$0x0], $0x1;
	_ =	sdelay $0x4  }
0x2af: {  	(v2sf) =	vpush v0, $0x0;
	_ =	sdelay $0xe  }
0x2b0: {  	s0 =	sadd.s32 $0xFFFFFFFF, s2;
	s5 =	spop (v2sf)  }
0x2b1: {  	p2 =	sne.s32 s0, $0x0;
	p1 =	sgt.u32 s5, $0xFFF0  }
.Ltmp40:
0x2b2: {  	s6 =	sand.u32 @!p1 $0xFFF8, s5;
	(pc) =	sbr.rel @!p2 .LBB2_52-.Ltmp40, $4  }
0x2b3: {  	s4 =	simm.s32 $0xF238;
	s5 =	sand.u32 @!p1 $0x7, s5;
	s2 =	sadd.s32 @!p1 s1, s6  }
0x2b4: {  	[hbm4b:s2+s5] =	stream.linear.scatter @!p1 [tilespmem:s4], [sflag:$0x7], $0x80, $0x38;
	[tilespmem:$0x1F6F8] =	vst v63  }
0x2b5: {  	s5 =	simm.s32 $0x0  }
0x2b6: {  	s2 =	simm.s32 $0xF219;
	s5 =	simm.s32 @!p1 $0x200  }
.LBB2_51:
0x2b7: {  	v0 =	vld.msk [tilespmem:s2+$0x0], $0x1;
	s0 =	sadd.s32 $0xFFFFFFFF, s0;
	s3 =	sadd.s32 s3, s5  }
0x2b8: {  	p1 =	sne.s32 s0, $0x0;
	_ =	sdelay $0x3  }
0x2b9: {  	(v2sf) =	vpush v0, $0x0;
	_ =	sdelay $0xe  }
.Ltmp41:
0x2ba: {  	s6 =	spop (v2sf);
	(pc) =	sbr.rel @p1 .LBB2_51-.Ltmp41, $4  }
0x2bb: {  	s5 =	simm.s32 $0x0;
	p2 =	sgt.u32 s6, $0xFFF0  }
0x2bc: {  	s4 =	sadd.s32 $0x80, s4;
	s5 =	simm.s32 @!p2 $0x200;
	s7 =	sand.u32 @!p2 $0xFFF8, s6  }
0x2bd: {  	s2 =	sadd.s32 $0x1, s2;
	s6 =	sand.u32 @!p2 $0x7, s6;
	s7 =	sadd.s32 @!p2 s1, s7  }
0x2be: {  	[hbm4b:s7+s6] =	stream.linear.scatter @!p2 [tilespmem:s4], [sflag:$0x7], $0x80, $0x38;
	[tilespmem:$0x1F6F8] =	vst v63  }
.LBB2_52:
0x2bf: {  	s0 =	sadd.s32 s3, s5  }
0x2c0: {  	s3 =	sshrl.u32 s0, $0x2  }
.LBB2_53:
0x2c1: {  	s0 =	simm.s32 $0x7  }
0x2c2: {  	_ =	swait.ge [sflag:s0], s3  }
0x2c3: {  	s1 =	ssub.s32 $0x0, s3;
	[sflag:s0] =	ssyncset.done $0x0  }
0x2c4: {  	[sflag:s0] =	ssyncadd.s32 s1  }
0x2c5: {  	[sflag:s0] =	ssyncpa.u1 $0x1  }
.LBB2_54:
0x2c6: {  	_ =	sfence;
	s0 =	simm.s32 $0x1  }
0x2c7: {  	[sflag:s0] =	ssyncpa.u1 $0x1  }
0x2c8: {  	_ =	strace $0x90000059  }
0x2c9: {  	[bflag:$0x2] =	sbarrier.arrive $0xFFFF  }
0x2ca: {  	s0 =	rddreg [dreg:$0x4]  }
0x2cb: {  	s0 =	sadd.s32 @!p0 $0x100000, s0  }
0x2cc: {  	[sflag:s0] =	ssyncadd.tile.s32 @!p0 $0x1;
	_ =	shalt  }
.Lfunc_end2:
_tile_overlayer_lowered:
.L_overlay_start_2:
0x2cd: {  	(tag) =	ssettag $0x2  }
0x2ce: {  	s0 =	rddreg [dreg:$0x0];
	s2 =	stileid.u32  }
0x2cf: {  	s1 =	rddreg [dreg:$0x1];
	p0 =	sne.s32 s2, $0x0  }
0x2d0: {  	s3 =	rddreg [dreg:$0x2];
	[bflag:$0x3] =	sbarrier.arrive $0xFFFF;
	s2 =	simm.s32 @!p0 $0x1C01  }
0x2d1: {  	[timem:s3], [sflag:s2] =	dma.local @!p0 [hbm:s0], s1  }
0x2d2: {  	s0 =	simm.s32 @!p0 $0x1  }
0x2d3: {  	_ =	swait.ge @!p0 [sflag:s0], s1  }
0x2d4: {  	s1 =	ssub.s32 @!p0 $0x0, s1;
	[sflag:s0] =	ssyncset.done @!p0 $0x0  }
0x2d5: {  	[sflag:s0] =	ssyncadd.s32 @!p0 s1  }
0x2d6: {  	[bflag:$0x3] =	sbarrier.arrive $0xFFFF  }
0x2d7: {  	_ =	shalt  }

// kernel: scatter_offload_async_start
scs
__scs_entry_jumppad:
0x0: {  	(pc) =	sbr.rel $0x88, $3  }
0x1: {  	(tag) =	ssettag $0x0;
	lr =	simm.s32 $0x1  }
0x2: {  	[smem:$0x3F90] =	sst lr;
	_ =	strace $0xD0000000  }
0x3: {  	_ = 	snop  }
0x4: {  	_ = 	snop  }
0x5: {  	_ = 	snop  }
0x6: {  	_ = 	snop  }
0x7: {  	_ = 	snop  }
__scs_overlays_trampoline_lowered:
0x8: {  	[smem:$0x3F9F] =	sst s0  }
0x9: {  	[smem:$0x3FA0] =	sst s1  }
0xa: {  	[smem:$0x3FA1] =	sst s2  }
0xb: {  	[smem:$0x3FA2] =	sst s3  }
0xc: {  	[smem:$0x3FA3] =	sst s4  }
0xd: {  	[smem:$0x3FA4] =	sst s5  }
0xe: {  	[smem:$0x3FA5] =	sst s6  }
0xf: {  	[smem:$0x3FA6] =	sst s7  }
0x10: {  	[smem:$0x3FA7] =	sst s8  }
0x11: {  	[smem:$0x3FA8] =	sst s9;
	s0 =	simm.s32 @!p0 $0x0  }
0x12: {  	s1 =	sld [smem:$0x3F8E];
	s0 =	simm.s32 @p0 $0x1  }
0x13: {  	[smem:$0x3FA9] =	sst s0;
	s0 =	simm.s32 @!p1 $0x0  }
0x14: {  	s2 =	sld [smem:$0x3F8D];
	s0 =	simm.s32 @p1 $0x1  }
0x15: {  	[smem:$0x3FAA] =	sst s0;
	s0 =	simm.s32 @!p2 $0x0  }
0x16: {  	s3 =	sld [smem:$0x3FDB];
	s0 =	simm.s32 @p2 $0x1  }
0x17: {  	s4 =	simm.s32 $0x1BF5;
	[smem:$0x3FAC] =	sst s0  }
0x18: {  	s0 =	sld [smem:$0x3F8F];
	_ =	swait.ge [sflag:s4], $0x0  }
0x19: {  	s7 =	sld [smem:$0x3F90]  }
0x1a: {  	s8 =	sadd.s32 $0xFFFFE003, lr  }
0x1b: {  	s9 =	sadd.s32 $0xFFFFFEF7, lr;
	s5 =	simm.s32 $0xFFFFFFFF;
	p2 =	slt.u32 s8, $0xFFFFF086  }
0x1c: {  	p1 =	slt.u32 s9, $0xF7A;
	s5 =	simm.s32 @!p2 $0x0  }
0x1d: {  	s5 =	simm.s32 @p1 $0x1;
	p0 =	seq.s32 s7, s2  }
0x1e: {  	s7 =	smul.u32 @!p0 $0xF7A, s2;
	p2 =	seq.s32 @!p0 s5, $0x0  }
0x1f: {  	s9 =	smul.u32 $0xF7A, s1;
	s8 =	simm.s32 @!p0 $0x1BF5;
	p2 =	por !p2, p0  }
0x20: {  	[sflag:s8] =	ssyncset.s32 @!p0 $0xFFFFF086;
	s6 =	sadd.s32 @!p0 s3, s7;
	s7 =	simm.s32 @!p0 $0x108  }
0x21: {  	s3 =	sadd.s32 s3, s9;
	s6 =	sadd.s32 @!p0 $0x88, s6;
	s7 =	simm.s32 @p2 $0x1082  }
0x22: {  	[simem:s7], [sflag:s8] =	dma.local @!p0 [hbm:s6], $0xF7A  }
0x23: {  	s9 =	sor.u32 $0xD0000000, s2;
	s6 =	simm.s32 $0x108;
	_ =	swait.ge @!p0 [sflag:s8], $0x0  }
0x24: {  	s3 =	sadd.s32 $0x88, s3;
	s6 =	simm.s32 @!p1 $0x1082;
	[sflag:s4] =	ssyncset.s32 $0xFFFFF086  }
0x25: {  	[simem:s6], [sflag:s4] =	dma.local [hbm:s3], $0xF7A  }
0x26: {  	[smem:$0x3F90] =	sst s1;
	(tag) =	ssettag s2;
	_ =	strace s9  }
0x27: {  	s1 =	sld [smem:$0x3FA0]  }
0x28: {  	s2 =	sld [smem:$0x3FA1]  }
0x29: {  	s4 =	sld [smem:$0x3FA3]  }
0x2a: {  	p0 =	seq.s32 s5, $0x0;
	s5 =	sld [smem:$0x3FA4]  }
0x2b: {  	s6 =	sld [smem:$0x3FA5]  }
0x2c: {  	s7 =	sld [smem:$0x3FA6]  }
0x2d: {  	s3 =	simm.s32 $0x108;
	s8 =	sld [smem:$0x3FA7]  }
0x2e: {  	s3 =	simm.s32 @!p0 $0x1082;
	s9 =	sld [smem:$0x3FA8]  }
0x2f: {  	lr =	sadd.s32 s0, s3;
	s0 =	sld [smem:$0x3F9F]  }
0x30: {  	s3 =	sld [smem:$0x3FA2]  }
0x31: {  	[smem:$0x3FAB] =	sst s10  }
0x32: {  	s10 =	sld [smem:$0x3FA9];
	_ =	sdelay $0x3  }
0x33: {  	p0 =	seq.s32 s10, $0x1;
	s10 =	sld [smem:$0x3FAB];
	_ =	sdelay $0x3  }
0x34: {  	[smem:$0x3FAB] =	sst s10  }
0x35: {  	s10 =	sld [smem:$0x3FAA];
	_ =	sdelay $0x3  }
0x36: {  	p1 =	seq.s32 s10, $0x1;
	s10 =	sld [smem:$0x3FAB];
	_ =	sdelay $0x3  }
0x37: {  	[smem:$0x3FAB] =	sst s10  }
0x38: {  	s10 =	sld [smem:$0x3FAC]  }
0x39: {  	_ = 	snop;
	(pc) =	sbr.ind lr, $3  }
0x3a: {  	_ = 	snop  }
0x3b: {  	_ = 	snop  }
0x3c: {  	p2 =	seq.s32 s10, $0x1;
	s10 =	sld [smem:$0x3FAB]  }
0x3d: {  	_ =	shalt  }
0x3e: {  	_ =	shalt  }
0x3f: {  	_ =	shalt  }
0x40: {  	_ =	shalt  }
0x41: {  	_ =	shalt  }
0x42: {  	_ =	shalt  }
0x43: {  	_ =	shalt  }
0x44: {  	_ =	shalt  }
0x45: {  	_ =	shalt  }
0x46: {  	_ =	shalt  }
0x47: {  	_ =	shalt  }
0x48: {  	_ =	shalt  }
0x49: {  	_ =	shalt  }
0x4a: {  	_ =	shalt  }
0x4b: {  	_ =	shalt  }
0x4c: {  	_ =	shalt  }
0x4d: {  	_ =	shalt  }
0x4e: {  	_ =	shalt  }
0x4f: {  	_ =	shalt  }
0x50: {  	_ =	shalt  }
0x51: {  	_ =	shalt  }
0x52: {  	_ =	shalt  }
0x53: {  	_ =	shalt  }
0x54: {  	_ =	shalt  }
0x55: {  	_ =	shalt  }
0x56: {  	_ =	shalt  }
0x57: {  	_ =	shalt  }
0x58: {  	_ =	shalt  }
0x59: {  	_ =	shalt  }
0x5a: {  	_ =	shalt  }
0x5b: {  	_ =	shalt  }
0x5c: {  	_ =	shalt  }
0x5d: {  	_ =	shalt  }
0x5e: {  	_ =	shalt  }
0x5f: {  	_ =	shalt  }
0x60: {  	_ =	shalt  }
0x61: {  	_ =	shalt  }
0x62: {  	_ =	shalt  }
0x63: {  	_ =	shalt  }
0x64: {  	_ =	shalt  }
0x65: {  	_ =	shalt  }
0x66: {  	_ =	shalt  }
0x67: {  	_ =	shalt  }
0x68: {  	_ =	shalt  }
0x69: {  	_ =	shalt  }
0x6a: {  	_ =	shalt  }
0x6b: {  	_ =	shalt  }
0x6c: {  	_ =	shalt  }
0x6d: {  	_ =	shalt  }
0x6e: {  	_ =	shalt  }
0x6f: {  	_ =	shalt  }
0x70: {  	_ =	shalt  }
0x71: {  	_ =	shalt  }
0x72: {  	_ =	shalt  }
0x73: {  	_ =	shalt  }
0x74: {  	_ =	shalt  }
0x75: {  	_ =	shalt  }
0x76: {  	_ =	shalt  }
0x77: {  	_ =	shalt  }
0x78: {  	_ =	shalt  }
0x79: {  	_ =	shalt  }
0x7a: {  	_ =	shalt  }
0x7b: {  	_ =	shalt  }
0x7c: {  	_ =	shalt  }
0x7d: {  	_ =	shalt  }
0x7e: {  	_ =	shalt  }
0x7f: {  	_ =	shalt  }
0x80: {  	_ =	shalt  }
0x81: {  	_ =	shalt  }
0x82: {  	_ =	shalt  }
0x83: {  	_ =	shalt  }
0x84: {  	_ =	shalt  }
0x85: {  	_ =	shalt  }
0x86: {  	_ =	shalt  }
0x87: {  	_ =	shalt  }
.Lfunc_end0:
.L_simem_size_0:
called_computation_lowered:
.L_overlay_start_0:
0x88: {  	s2 =	sld [smem:$0x3FD9]  }
0x89: {  	s3 =	sld [smem:$0x3FFE];
	_ =	sdelay $0x1  }
0x8a: {  	s1 =	srdreg.scid  }
0x8b: {  	s0 =	sand.u32 $0x1, s1  }
0x8c: {  	s13 =	sshll.u32 s0, $0xA;
	s2 =	sadd.s32 s3, s2  }
0x8d: {  	s2 =	sadd.s32 s2, s13  }
0x8e: {  	[smem:$0x3FB7] =	sst s2  }
0x8f: {  	_ = 	snop  }
0x90: {  	s2 =	sld [smem:$0x3FD0];
	_ =	sdelay $0x2  }
0x91: {  	s14 =	simm.s32 $0xB;
	s4 =	simm.s32 $0x10  }
0x92: {  	[smem:s4], [sflag:s14] =	dma.local [hbm:s2], $0x1  }
0x93: {  	_ =	swait.eq [sflag:s14], $0x1  }
0x94: {  	[sflag:s14] =	ssyncset.done $0x0  }
0x95: {  	[sflag:s14] =	ssyncadd.s32 $0xFFFFFFFF  }
0x96: {  	s15 =	sld [smem:$0x10];
	(tm) =	ssettm $0x1  }
0x97: {  	s16 =	sld [smem:$0x3FFB];
	_ =	sdelay $0x3  }
0x98: {  	_ =	strace s16  }
0x99: {  	s2 =	sld [smem:$0x3FFC];
	_ =	sdelay $0x3  }
0x9a: {  	_ =	strace s2  }
0x9b: {  	s2 =	sld [smem:$0x3FFD];
	_ =	sdelay $0x3  }
0x9c: {  	_ =	strace s2  }
0x9d: {  	_ =	strace $0x8FFFFFFF  }
0x9e: {  	s17 =	sld [smem:$0x3FDB];
	_ =	sdelay $0x1  }
0x9f: {  	s18 =	simm.s32 $_scs_section_size  }
0xa0: {  	s5 =	simm.s32 $_size__tile_overlayer_lowered;
	s6 =	simm.s32 $_tile_overlayer_lowered  }
0xa1: {  	s7 =	simm.s32 $0x1BFF;
	s19 =	sshll.u32 s6, $0x1;
	s4 =	sadd.s32 s18, s17  }
0xa2: {  	s20 =	simm.s32 $0x0;
	s5 =	sshll.u32 s5, $0x1;
	s6 =	sadd.s32 s19, s4  }
0xa3: {  	[timem:s20], [sflag:s7] =	dma.local [hbm:s6], s5  }
0xa4: {  	_ =	swait.ge [sflag:s7], s5  }
0xa5: {  	s5 =	ssub.s32 $0x0, s5;
	[sflag:s7] =	ssyncset.done $0x0  }
0xa6: {  	[sflag:s7] =	ssyncadd.s32 s5;
	_ =	sdelay $0x1  }
0xa7: {  	s21 =	simm.s32 $0x1B8B  }
0xa8: {  	_ =	swait.ge [sflag:s21], $0x1  }
0xa9: {  	[sflag:s21] =	ssyncset.done $0x0  }
0xaa: {  	s22 =	sld [smem:$0x3FFE];
	[sflag:s21] =	ssyncadd.s32 $0xFFFFFFFF  }
0xab: {  	s24 =	simm.s32 $0x1B8E;
	s23 =	sld [smem:$0x0]  }
0xac: {  	s25 =	simm.s32 $execute0_lowered;
	[smem:$0x3FD2] =	sst s24  }
0xad: {  	s7 =	sshll.u32 s25, $0x1;
	_ =	strace $0x80000046;
	[dreg:$0x1] =	wrdreg $0xFFFFFFFF  }
0xae: {  	s8 =	simm.s32 $_size_execute0_lowered;
	s7 =	sadd.s32 s4, s7;
	[dreg:$0x0] =	wrdreg $0x0  }
0xaf: {  	s8 =	sshll.u32 s8, $0x1;
	[dreg:$0x2] =	wrdreg s7  }
0xb0: {  	[dreg:$0x3] =	wrdreg s8  }
0xb1: {  	[dreg:$0x4] =	wrdreg $0xC0  }
0xb2: {  	s26 =	simm.s32 $execute1_lowered;
	_ =	task [dreg:s20], $0x5FFFF  }
0xb3: {  	s7 =	sshll.u32 s26, $0x1;
	[dreg:$0x1] =	wrdreg $0xFFFFFFFF  }
0xb4: {  	s4 =	sadd.s32 s4, s7;
	[dreg:$0x0] =	wrdreg $0x60  }
0xb5: {  	[dreg:$0x2] =	wrdreg s4  }
0xb6: {  	[dreg:$0x3] =	wrdreg s15  }
0xb7: {  	[dreg:$0x4] =	wrdreg s22  }
0xb8: {  	[dreg:$0x5] =	wrdreg $0x9  }
0xb9: {  	_ =	task.clear_ibuf [dreg:s20], $0x6FFFF;
	_ =	strace $0x90000046  }
0xba: {  	s28 =	simm.s32 $0x9;
	_ =	strace $0x80000048  }
0xbb: {  	_ =	swait.ge [sflag:s28], $0x1  }
0xbc: {  	[sflag:s28] =	ssyncadd.s32 $0xFFFFFFFF  }
0xbd: {  	_ =	strace $0x90000048  }
0xbe: {  	s3 =	sld [smem:$0x0]  }
0xbf: {  	s4 =	sand.u32 $0xFFFFFFFE, s1  }
0xc0: {  	p0 =	sne.s32 s1, s4  }
0xc1: {  	s4 =	sshll.u32 @p0 s4, $0xE  }
0xc2: {  	s4 =	sadd.s32 @p0 $0x11BF3, s4;
	s7 =	sshll.u32 @p0 s3, $0x11  }
0xc3: {  	s4 =	sor.u32 @p0 s7, s4  }
0xc4: {  	[sflag:s4] =	ssyncadd.remote.s32 @p0 $0x1;
	_ =	sdelay $0x1  }
0xc5: {  	s4 =	simm.s32 @p0 $0x1BF3  }
0xc6: {  	_ =	swait.eq @p0 [sflag:s4], $0x1  }
0xc7: {  	[sflag:s4] =	ssyncadd.s32 @p0 $0xFFFFFFFF  }
0xc8: {  	s7 =	sshll.u32 @!p0 s1, $0xE  }
0xc9: {  	s7 =	sor.u32 @!p0 $0x4000, s7;
	s4 =	simm.s32 @!p0 $0x1BF3  }
0xca: {  	s3 =	sshll.u32 @!p0 s3, $0x11;
	s7 =	sadd.s32 @!p0 $0x11BF3, s7;
	_ =	swait.eq @!p0 [sflag:s4], $0x1  }
0xcb: {  	s3 =	sor.u32 @!p0 s3, s7;
	[sflag:s4] =	ssyncadd.s32 @!p0 $0xFFFFFFFF  }
0xcc: {  	[sflag:s3] =	ssyncadd.remote.s32 @!p0 $0x1  }
0xcd: {  	_ =	strace $0x80000049;
	[dreg:$0x1] =	wrdreg $0xFFFFFFFF  }
0xce: {  	[dreg:$0x0] =	wrdreg $0x2030  }
0xcf: {  	[dreg:$0x2] =	wrdreg s22  }
0xd0: {  	[dreg:$0x3] =	wrdreg s1  }
0xd1: {  	[dreg:$0x4] =	wrdreg s23  }
0xd2: {  	[dreg:$0x5] =	wrdreg $0xA  }
0xd3: {  	_ =	task.clear_ibuf [dreg:s20], $0x6FFFF;
	_ =	strace $0x90000049  }
0xd4: {  	s29 =	simm.s32 $0xA;
	_ =	strace $0x8000004B  }
0xd5: {  	_ =	swait.ge [sflag:s29], $0x1  }
0xd6: {  	[sflag:s29] =	ssyncadd.s32 $0xFFFFFFFF  }
0xd7: {  	_ =	strace $0x9000004B  }
0xd8: {  	_ =	sfence  }
0xd9: {  	s30 =	sld [smem:$0x0];
	_ =	sdelay $0x2  }
0xda: {  	s31 =	sshll.u32 s1, $0xD;
	s1 =	sshrl.u32 s1, $0x2  }
0xdb: {  	s4 =	sand.u32 $0x4000, s31;
	s1 =	sadd.s32 s1, s30  }
0xdc: {  	s0 =	sor.u32 s4, s0;
	s1 =	sshll.u32 s1, $0x11  }
0xdd: {  	s0 =	sor.u32 s1, s0  }
0xde: {  	s0 =	sadd.s32 $0x8F2B, s0  }
0xdf: {  	[sflag:s0] =	ssyncadd.remote.s32 $0x1  }
0xe0: {  	_ =	sfence.sel $0xFFFF  }
0xe1: {  	[dreg:$0x0] =	wrdreg $0xFFFFFFFF;
	(pc) =	sbr.abs _section_cstart, $3  }
0xe2: {  	[dreg:$0x1] =	wrdreg $0xFFFFFFFF  }
0xe3: {  	_ =	task.clear_ibuf [dreg:s20], $0x2FFFF;
	_ =	strace $0x9FFFFFFF  }
0xe4: {  	(tm) =	ssettm $0x7FFFFFFF  }
0xe5: {  	_ =	shalt  }
tec
execute0_lowered:
.L_overlay_start_1:
0x0: {  	(tag) =	ssettag $0x1  }
0x1: {  	s2 =	rddreg [dreg:$0x0]  }
0x2: {  	s6 =	rddreg [dreg:$0x1]  }
0x3: {  	s3 =	rddreg [dreg:$0x2]  }
0x4: {  	s0 =	rddreg [dreg:$0x3];
	s4 =	stileid.u32;
	[bflag:$0x3] =	sbarrier.arrive $0xFFFF  }
0x5: {  	s1 =	simm.s32 $_size_execute1_lowered;
	s28 =	srdreg.scid;
	p0 =	sne.s32 s4, $0x0  }
0x6: {  	s1 =	sshll.u32 s1, $0x1;
	s5 =	simm.s32 @!p0 $0x1C3F;
	s7 =	simm.s32 @!p0 $0x4060  }
0x7: {  	[timem:s7], [sflag:s5] =	dma.local @!p0 [hbm:s2], s1  }
0x8: {  	s2 =	sshll.u32 s28, $0x7  }
0x9: {  	s8 =	simm.s32 $0x2;
	s4 =	sshll.u32 s4, $0x8;
	s2 =	sand.u32 $0x80, s2  }
0xa: {  	s9 =	simm.s32 $0x0;
	s11 =	simm.s32 $0x0;
	s2 =	sor.u32 s4, s2  }
0xb: {  	s10 =	simm.s32 $0x0;
	s3 =	sadd.s32 $0x5000, s3;
	s29 =	ssub.s32 $0x1000, s2  }
.Ltmp0:
0xc: {  	s7 =	simm.s32 $0x1;
	s30 =	sand.u32 $0xF80, s29;
	(pc) =	sbr.rel .LBB2_1-.Ltmp0, $4  }
0xd: {  	_ =	strace $0x80000047;
	s4 =	simm.s32 $0x1;
	p1 =	sne.s32 s30, $0x0  }
0xe: {  	[sflag:s4] =	ssyncpa.u1 $0x0;
	s5 =	sshrl.u32 s29, $0xC;
	s7 =	simm.s32 @!p1 $0x0  }
0xf: {  	s31 =	sshll.u32 s2, $0x4;
	[sflag:s8] =	ssyncpa.u1 $0x0;
	s5 =	sadd.s32 s7, s5  }
0x10: {  	s6 =	sadd.s32 s6, s31;
	s8 =	simm.s32 $0x0;
	s7 =	sadd.s32 $0x1, s5  }
.LBB2_4:
0x11: {  	_ =	sdelay $0x3  }
0x12: {  	[tilespmem:v0+s13+$0xFFFFFFA0 ss:$0x1] =	vst.idx.msk $0xffff, v6  }
0x13: {  	v56 =	vld.idx.msk [tilespmem:v1+s14+$0x30 ss:$0x1], $0xffff;
	[tilespmem:v0+s13+$0xFFFFFFB0 ss:$0x1] =	vst.idx.msk $0xffff, v4  }
0x14: {  	v57 =	vld.idx.msk [tilespmem:v1+s14+$0xFFFFFFC0 ss:$0x1], $0xffff;
	[tilespmem:v0+s13+$0xFFFFFFC0 ss:$0x1] =	vst.idx.msk $0xffff, v2  }
0x15: {  	v58 =	vld.idx.msk [tilespmem:v1+s14+$0xFFFFFFD0 ss:$0x1], $0xffff;
	[tilespmem:v0+s13+$0xFFFFFFD0 ss:$0x1] =	vst.idx.msk $0xffff, v3  }
0x16: {  	v59 =	vld.idx.msk [tilespmem:v1+s14+$0xFFFFFFE0 ss:$0x1], $0xffff;
	[tilespmem:v0+s13+$0xFFFFFFE0 ss:$0x1] =	vst.idx.msk $0xffff, v5  }
0x17: {  	v60 =	vld.idx.msk [tilespmem:v1+s14+$0xFFFFFFF0 ss:$0x1], $0xffff;
	[tilespmem:v0+s13+$0xFFFFFFF0 ss:$0x1] =	vst.idx.msk $0xffff, v7  }
0x18: {  	v61 =	vld.idx.msk [tilespmem:v1+s14+$0x0 ss:$0x1], $0xffff;
	[tilespmem:v0+s14+$0x0 ss:$0x1] =	vst.idx.msk $0xffff, v56  }
0x19: {  	v62 =	vld.idx.msk [tilespmem:v1+s14+$0x10 ss:$0x1], $0xffff;
	[tilespmem:v0+s14+$0xFFFFFF90 ss:$0x1] =	vst.idx.msk $0xffff, v57  }
0x1a: {  	v63 =	vld.idx.msk [tilespmem:v1+s14+$0x20 ss:$0x1], $0xffff;
	[tilespmem:v0+s14+$0xFFFFFFA0 ss:$0x1] =	vst.idx.msk $0xffff, v58  }
0x1b: {  	[tilespmem:v0+s14+$0xFFFFFFB0 ss:$0x1] =	vst.idx.msk $0xffff, v59  }
0x1c: {  	[tilespmem:v0+s14+$0xFFFFFFC0 ss:$0x1] =	vst.idx.msk $0xffff, v60  }
0x1d: {  	s11 =	sshll.u32 s11, $0x4;
	[tilespmem:v0+s14+$0xFFFFFFD0 ss:$0x1] =	vst.idx.msk $0xffff, v61  }
0x1e: {  	s11 =	sand.u32 $0xFFF0, s11;
	[tilespmem:v0+s14+$0xFFFFFFE0 ss:$0x1] =	vst.idx.msk $0xffff, v62  }
0x1f: {  	s11 =	sadd.s32 s3, s11;
	[tilespmem:v0+s14+$0xFFFFFFF0 ss:$0x1] =	vst.idx.msk $0xffff, v63  }
0x20: {  	[hbm4b:s11+s8] =	stream.linear.scatter [tilespmem:s12], [sflag:$0x2], $0x4000, $0x38;
	[tilespmem:$0x10000] =	vst v63  }
.LBB2_5:
0x21: {  	p2 =	sne.s32 s10, s7  }
.Ltmp1:
0x22: {  	p1 =	slt.u32 s10, $0x2;
	(pc) =	sbr.rel @!p2 .LBB2_6-.Ltmp1, $4  }
0x23: {  	s11 =	simm.s32 @!p1 $0x2  }
0x24: {  	_ =	swait.ge @!p1 [sflag:s11], $0x4000  }
0x25: {  	s12 =	sadd.s32 $0x1, s10;
	s9 =	sadd.s32 $0x4000, s9;
	[sflag:s11] =	ssyncset.done @!p1 $0x0  }
0x26: {  	s10 =	smov.u32 s12;
	[sflag:s11] =	ssyncadd.s32 @!p1 $0xFFFFC000;
	s11 =	smov.u32 s2  }
.LBB2_1:
0x27: {  	p1 =	sge.u32 s10, s5  }
0x28: {  	s12 =	sxor.u32 @!p1 $0xFFFFFFFF, s10  }
0x29: {  	s12 =	sshll.u32 @!p1 s12, $0xE  }
0x2a: {  	s31 =	sadd.s32 $0xFFFFFFFF, s10;
	s13 =	simm.s32 @!p1 $0x0;
	s12 =	sand.u32 @!p1 $0x4000, s12  }
0x2b: {  	[tilespmem:s12], [sflag:$0x1] =	stream.linear.gather @!p1 [hbm4b:s6+s13], $0x4000, $0x38;
	[tilespmem:$0x10000] =	vst v63  }
0x2c: {  	p1 =	sge.u32 s31, s5  }
.Ltmp2:
0x2d: {  	_ = 	snop;
	(pc) =	sbr.rel @p1 .LBB2_5-.Ltmp2, $1  }
0x2e: {  	_ =	sdelay $0x3  }
0x2f: {  	s12 =	sand.u32 $0x4000, s9  }
0x30: {  	s13 =	sor.u32 $0x40, s12  }
0x31: {  	v1 =	vmov s13;
	_ =	sdelay $0x1  }
0x32: {  	_ =	swait.ge [sflag:s4], $0x4000  }
0x33: {  	[sflag:s4] =	ssyncset.done $0x0  }
0x34: {  	[sflag:s4] =	ssyncadd.s32 $0xFFFFC000;
	s13 =	simm.s32 $0x0  }
0x35: {  	s12 =	sor.u32 $0x8070, s12;
	v7 =	vld.idx.msk [tilespmem:v1+s13+$0x30 ss:$0x1], $0xffff  }
0x36: {  	v0 =	vmov s12;
	v8 =	vld.idx.msk [tilespmem:v1+s13+$0xFFFFFFC0 ss:$0x1], $0xffff  }
0x37: {  	v6 =	vld.idx.msk [tilespmem:v1+s13+$0xFFFFFFD0 ss:$0x1], $0xffff  }
0x38: {  	v4 =	vld.idx.msk [tilespmem:v1+s13+$0xFFFFFFE0 ss:$0x1], $0xffff  }
0x39: {  	v2 =	vld.idx.msk [tilespmem:v1+s13+$0xFFFFFFF0 ss:$0x1], $0xffff  }
0x3a: {  	s31 =	sshll.u32 s10, $0xE;
	v3 =	vld.idx.msk [tilespmem:v1+s13+$0x0 ss:$0x1], $0xffff  }
0x3b: {  	s12 =	sand.u32 $0x4000, s31;
	v5 =	vld.idx.msk [tilespmem:v1+s13+$0x10 ss:$0x1], $0xffff;
	[tilespmem:v0+s13+$0x0 ss:$0x1] =	vst.idx.msk $0xffff, v7  }
0x3c: {  	s14 =	simm.s32 $0x80;
	s15 =	simm.s32 $0x400;
	s12 =	sor.u32 $0x8000, s12;
	[tilespmem:v0+s13+$0xFFFFFF90 ss:$0x1] =	vst.idx.msk $0xffff, v8;
	v7 =	vld.idx.msk [tilespmem:v1+s13+$0x20 ss:$0x1], $0xffff  }
.LBB2_3:
0x3d: {  	p1 =	sne.s32 s15, $0xFE00;
	v8 =	vld.idx.msk [tilespmem:v1+s14+$0x30 ss:$0x1], $0xffff;
	[tilespmem:v0+s13+$0xFFFFFFA0 ss:$0x1] =	vst.idx.msk $0xffff, v6  }
0x3e: {  	v9 =	vld.idx.msk [tilespmem:v1+s14+$0xFFFFFFC0 ss:$0x1], $0xffff;
	[tilespmem:v0+s13+$0xFFFFFFB0 ss:$0x1] =	vst.idx.msk $0xffff, v4  }
0x3f: {  	v6 =	vld.idx.msk [tilespmem:v1+s14+$0xFFFFFFD0 ss:$0x1], $0xffff;
	[tilespmem:v0+s13+$0xFFFFFFC0 ss:$0x1] =	vst.idx.msk $0xffff, v2  }
.Ltmp3:
0x40: {  	v4 =	vld.idx.msk [tilespmem:v1+s14+$0xFFFFFFE0 ss:$0x1], $0xffff;
	[tilespmem:v0+s13+$0xFFFFFFD0 ss:$0x1] =	vst.idx.msk $0xffff, v3;
	(pc) =	sbr.rel @p1 .LBB2_3-.Ltmp3, $4  }
0x41: {  	v2 =	vld.idx.msk [tilespmem:v1+s14+$0xFFFFFFF0 ss:$0x1], $0xffff;
	[tilespmem:v0+s13+$0xFFFFFFE0 ss:$0x1] =	vst.idx.msk $0xffff, v5  }
0x42: {  	v3 =	vld.idx.msk [tilespmem:v1+s14+$0x0 ss:$0x1], $0xffff;
	[tilespmem:v0+s13+$0xFFFFFFF0 ss:$0x1] =	vst.idx.msk $0xffff, v7;
	s13 =	smov.u32 s14  }
0x43: {  	v5 =	vld.idx.msk [tilespmem:v1+s13+$0x10 ss:$0x1], $0xffff;
	[tilespmem:v0+s13+$0x0 ss:$0x1] =	vst.idx.msk $0xffff, v8  }
0x44: {  	s14 =	sshra.s32 s15, $0x2;
	s15 =	sadd.s32 $0x200, s15;
	[tilespmem:v0+s13+$0xFFFFFF90 ss:$0x1] =	vst.idx.msk $0xffff, v9;
	v7 =	vld.idx.msk [tilespmem:v1+s13+$0x20 ss:$0x1], $0xffff  }
.Ltmp4:
0x45: {  	_ = 	snop;
	(pc) =	sbr.rel .LBB2_4-.Ltmp4, $1  }
0x46: {  	_ =	sdelay $0x3  }
.LBB2_6:
0x47: {  	_ =	sfence.sel $0x180000  }
0x48: {  	s2 =	simm.s32 $0x1;
	[bflag:$0x0] =	sbarrier.arrive $0xFFFF  }
0x49: {  	s31 =	simm.s32 $0x2;
	[sflag:s2] =	ssyncpa.u1 $0x1  }
0x4a: {  	[sflag:s31] =	ssyncpa.u1 $0x1  }
0x4b: {  	_ =	strace $0x90000047  }
0x4c: {  	s0 =	sadd.s32 @!p0 $0x100000, s0;
	[bflag:$0x2] =	sbarrier.arrive $0xFFFF  }
0x4d: {  	[sflag:s0] =	ssyncadd.tile.s32 @!p0 $0x1;
	s0 =	simm.s32 @!p0 $0x3F  }
0x4e: {  	_ =	swait.ge @!p0 [sflag:s0], s1  }
0x4f: {  	s1 =	ssub.s32 @!p0 $0x0, s1;
	[sflag:s0] =	ssyncset.done @!p0 $0x0  }
0x50: {  	[sflag:s0] =	ssyncadd.s32 @!p0 s1  }
0x51: {  	[bflag:$0x3] =	sbarrier.arrive $0xFFFF  }
0x52: {  	_ =	shalt  }
.Lfunc_end2:
execute1_lowered:
.L_overlay_start_2:
0x53: {  	(tag) =	ssettag $0x2  }
0x54: {  	s15 =	rddreg [dreg:$0x0]  }
0x55: {  	s2 =	rddreg [dreg:$0x1];
	_ =	strace $0x8000004A;
	s0 =	simm.s32 $0x1  }
0x56: {  	v0 =	vimm.s32 $0x0;
	[sflag:s0] =	ssyncpa.u1 $0x0;
	s0 =	simm.s32 $0x108  }
0x57: {  	[tilespmem:s0+$0x70] =	vst v0  }
0x58: {  	[tilespmem:s0+$0x60] =	vst v0  }
0x59: {  	[tilespmem:s0+$0x50] =	vst v0  }
0x5a: {  	[tilespmem:s0+$0x40] =	vst v0  }
0x5b: {  	[tilespmem:s0+$0x30] =	vst v0  }
0x5c: {  	s3 =	simm.s32 $0x40;
	s1 =	sadd.s32 $0x5000, s15;
	[tilespmem:s0+$0x20] =	vst v0  }
0x5d: {  	s6 =	sadd.s32 $0x280000, s15;
	s14 =	sadd.s32 $0x2800, s15;
	s5 =	sand.u32 $0x1, s2;
	[tilespmem:s0+$0x10] =	vst v0  }
.LBB3_1:
0x5e: {  	s3 =	sadd.s32 $0x40, s3;
	[tilespmem:s0+$0x0] =	vst v0;
	s0 =	sadd.s32 $0x80, s0  }
0x5f: {  	p0 =	slt.u32 s3, $0x3C40;
	[tilespmem:s0+$0x70] =	vst v0  }
0x60: {  	[tilespmem:s0+$0x60] =	vst v0  }
.Ltmp5:
0x61: {  	[tilespmem:s0+$0x50] =	vst v0;
	(pc) =	sbr.rel @p0 .LBB3_1-.Ltmp5, $4  }
0x62: {  	[tilespmem:s0+$0x40] =	vst v0  }
0x63: {  	[tilespmem:s0+$0x30] =	vst v0  }
0x64: {  	[tilespmem:s0+$0x20] =	vst v0  }
0x65: {  	[tilespmem:s0+$0x10] =	vst v0  }
0x66: {  	s9 =	stileid.u32  }
0x67: {  	s2 =	smul.u32 $0xA, s9  }
0x68: {  	s3 =	smin.u32 s9, $0xB  }
0x69: {  	s2 =	sadd.s32 s3, s2  }
0x6a: {  	p0 =	slt.u32 s9, $0xB;
	s7 =	smul.u32 $0xF0, s2;
	s2 =	simm.s32 $0xA50  }
0x6b: {  	s2 =	simm.s32 @!p0 $0x960  }
0x6c: {  	s2 =	sadd.s32 s2, s7  }
0x6d: {  	s8 =	smin.u32 s2, $0xA000  }
0x6e: {  	s2 =	ssub.s32 s8, s7  }
0x6f: {  	p0 =	sgt.s32 s2, $0x0  }
0x70: {  	s29 =	simm.s32 $0x2;
	s10 =	simm.s32 $0x9;
	s2 =	simm.s32 @!p0 $0x0  }
0x71: {  	s4 =	simm.s32 $0xA;
	s11 =	simm.s32 $0xB;
	s28 =	smul.u32 $0x8889, s2  }
0x72: {  	[dreg:$0x4] =	wrdreg s5;
	s31 =	smul.u32 $0x1400, s5;
	s12 =	simm.s32 $0x1  }
0x73: {  	s22 =	simm.s32 $0x0;
	s18 =	simm.s32 $0xC;
	s30 =	sshrl.u32 s28, $0x17  }
0x74: {  	s20 =	simm.s32 $0x0;
	s21 =	simm.s32 $0x0;
	s3 =	smul.u32 $0xF0, s30  }
.Ltmp6:
0x75: {  	[tilespmem:s0+$0x0] =	vst v0;
	v0 =	vimm.s32 $0xFFFFFFFF;
	[sflag:s29] =	ssyncpa.u1 $0x0;
	s16 =	sshll.u32 s9, $0x8;
	(pc) =	sbr.rel .LBB3_3-.Ltmp6, $4  }
0x76: {  	[tilespmem:$0xF208] =	vst v0;
	[sflag:s10] =	ssyncpa.u1 $0x0;
	p0 =	sne.s32 s2, s3;
	s2 =	simm.s32 $0x1  }
0x77: {  	s14 =	sadd.s32 s31, s14;
	[sflag:s4] =	ssyncpa.u1 $0x0;
	s2 =	simm.s32 @!p0 $0x0  }
0x78: {  	s15 =	sadd.s32 s31, s15;
	[sflag:s11] =	ssyncpa.u1 $0x0;
	s13 =	sadd.s32 s30, s2  }
0x79: {  	v0 =	vlaneseq.u32;
	s19 =	smov.u32 s7;
	p0 =	por $0x0, $0x0;
	s17 =	sadd.s32 $0x1, s13  }
.LBB3_18:
0x7a: {  	s0 =	sshrl.u32 s31, $0x2  }
.LBB3_20:
0x7b: {  	_ =	swait.ge [sflag:s18], s0  }
0x7c: {  	s31 =	ssub.s32 $0x0, s0;
	v1 =	vmov s24;
	vm0 =	veq.s32 v0, $0x0;
	[sflag:s18] =	ssyncset.done $0x0  }
0x7d: {  	vm15 =	veq.s32 v0, $0x2;
	v1 =	vsel vm0, s30, v1;
	[sflag:s18] =	ssyncadd.s32 s31  }
0x7e: {  	v1 =	vsel vm15, s22, v1;
	[sflag:s18] =	ssyncpa.u1 $0x1  }
0x7f: {  	[tilespmem:$0xF208] =	vst v1  }
.LBB3_21:
0x80: {  	s0 =	sadd.s32 $0xF0, s19  }
0x81: {  	s2 =	smov.u32 s7;
	p1 =	slt.s32 s0, s8  }
0x82: {  	s2 =	smov.u32 @p1 s0;
	p1 =	sne.s32 s21, s17  }
.Ltmp7:
0x83: {  	_ = 	snop;
	(pc) =	sbr.rel @!p1 .LBB3_22-.Ltmp7, $3  }
0x84: {  	_ =	sdelay $0x1  }
0x85: {  	s22 =	smov.u32 s20;
	s31 =	sadd.s32 $0x1, s21;
	s20 =	smov.u32 s19  }
0x86: {  	p0 =	por !p0, !p0;
	s21 =	smov.u32 s31;
	s19 =	smov.u32 s2  }
.LBB3_3:
0x87: {  	p1 =	sge.u32 s21, s13  }
0x88: {  	s0 =	smulhi.u32 @!p1 $0xAAAAAAAB, s21  }
0x89: {  	s2 =	smov.u32 s19;
	p2 =	sgt.s32 @!p1 s19, $0x9F10  }
0x8a: {  	s3 =	sshra.s32 @!p1 s19, $0x1F;
	p2 =	por !p2, p1;
	s0 =	sshrl.u32 @!p1 s0, $0x1  }
0x8b: {  	s3 =	sand.u32 @!p1 s3, s19;
	s2 =	simm.s32 @p2 $0x9F10;
	s0 =	smul.u32 @!p1 $0x3, s0  }
0x8c: {  	s2 =	ssub.s32 @!p1 s2, s3  }
0x8d: {  	s2 =	sadd.s32 @!p1 $0xFFFF60F0, s2;
	s0 =	ssub.s32 @!p1 s21, s0  }
0x8e: {  	s3 =	sshll.u32 @!p1 s2, $0x2;
	p2 =	sgt.s32 @!p1 s2, $0xEF;
	s0 =	smul.u32 @!p1 $0x3C0, s0  }
0x8f: {  	s4 =	sand.u32 @!p1 $0x7, s19;
	s2 =	ssub.s32 @!p1 $0x3C0, s3;
	p2 =	por !p2, p1  }
0x90: {  	s3 =	sshrl.u32 @!p1 s19, $0x3;
	s2 =	sshrl.u32 @!p1 s2, $0x2;
	s0 =	sshrl.u32 @!p1 s0, $0x2  }
0x91: {  	s3 =	sadd.s32 @!p1 s3, s14;
	s2 =	simm.s32 @!p2 $0x0;
	s0 =	sadd.s32 @!p1 $0x10248, s0  }
0x92: {  	[tilespmem:s0], [sflag:$0xA] =	stream.linear.gather @!p1 [hbm4b:s3+s4], s2, $0x38;
	[tilespmem:$0x1F6F8] =	vst v63  }
0x93: {  	s0 =	sadd.s32 $0xFFFFFFFF, s21  }
0x94: {  	p1 =	sge.u32 s0, s13  }
0x95: {  	p2 =	sgt.s32 @!p1 s20, $0x9F10  }
0x96: {  	s2 =	smov.u32 s20;
	s3 =	sshra.s32 @!p1 s20, $0x1F;
	p2 =	por !p2, p1  }
0x97: {  	s3 =	sand.u32 @!p1 s3, s20;
	s2 =	simm.s32 @p2 $0x9F10  }
0x98: {  	s2 =	ssub.s32 @!p1 s2, s3  }
0x99: {  	s2 =	sadd.s32 @!p1 $0xFFFF60F0, s2  }
0x9a: {  	s4 =	sand.u32 @!p1 $0x1, s0;
	s3 =	sshll.u32 @!p1 s2, $0x2  }
0x9b: {  	p2 =	sgt.s32 @!p1 s2, $0xEF;
	s2 =	ssub.s32 @!p1 $0x3C0, s3;
	s3 =	smulhi.u32 @!p1 $0xAAAAAAAB, s0  }
0x9c: {  	s23 =	smul.u32 @!p1 $0x3C0, s4;
	p2 =	por !p2, p1;
	s2 =	sshrl.u32 @!p1 s2, $0x2  }
0x9d: {  	s5 =	simm.s32 @!p1 $0xA;
	s2 =	simm.s32 @!p2 $0x0;
	s3 =	sshrl.u32 @!p1 s3, $0x1  }
0x9e: {  	s23 =	sshrl.u32 @!p1 s23, $0x2;
	_ =	swait.ge @!p1 [sflag:s5], s2;
	s3 =	smul.u32 @!p1 $0x3, s3  }
0x9f: {  	s23 =	sadd.s32 @!p1 $0x10518, s23;
	s24 =	ssub.s32 @!p1 $0x0, s2;
	[sflag:s5] =	ssyncset.done @!p1 $0x0  }
0xa0: {  	[sflag:s5] =	ssyncadd.s32 @!p1 s24;
	s5 =	sshrl.u32 @!p1 s20, $0x3;
	s0 =	ssub.s32 @!p1 s0, s3  }
0xa1: {  	s24 =	sand.u32 @!p1 $0x7, s20;
	s5 =	sadd.s32 @!p1 s5, s15;
	s0 =	smul.u32 @!p1 $0x3C0, s0  }
0xa2: {  	[tilespmem:s23], [sflag:$0xB] =	stream.linear.gather @!p1 [hbm4b:s5+s24], s2, $0x38;
	[tilespmem:$0x1F6F8] =	vst v63  }
0xa3: {  	s3 =	ssub.s32 @!p1 $0xA000, s20;
	s2 =	smul.u32 @!p1 $0x1E000, s4  }
0xa4: {  	p2 =	slt.s32 @!p1 s3, $0xF0  }
0xa5: {  	p2 =	por !p2, p1;
	s0 =	sshrl.u32 @!p1 s0, $0x2;
	s2 =	sshrl.u32 @!p1 s2, $0x2  }
0xa6: {  	s3 =	simm.s32 @p2 $0xF0;
	s0 =	sadd.s32 @!p1 $0x10248, s0;
	s2 =	sor.u32 @!p1 $0x106F8, s2  }
0xa7: {  	[tilespmem:s2], [sflag:$0x9] =	stream.indirect.gather @!p1 [hbm4b:s6+s3], $0x80, s0, s3, $0xb8;
	[tilespmem:$0x1F6F8] =	vst v63  }
0xa8: {  	p1 =	slt.u32 s21, $0x2  }
.Ltmp8:
0xa9: {  	_ = 	snop;
	(pc) =	sbr.rel @p1 .LBB3_21-.Ltmp8, $1  }
0xaa: {  	_ =	sdelay $0x3  }
0xab: {  	p1 =	sgt.s32 s22, $0x9F10  }
0xac: {  	s0 =	smov.u32 s22;
	s2 =	sshra.s32 s22, $0x1F;
	s3 =	ssub.s32 $0xA000, s22  }
0xad: {  	s0 =	simm.s32 @!p1 $0x9F10;
	s2 =	sand.u32 s2, s22;
	p1 =	slt.s32 s3, $0xF0  }
0xae: {  	s0 =	ssub.s32 s0, s2;
	s3 =	simm.s32 @!p1 $0xF0  }
0xaf: {  	s0 =	sadd.s32 $0xFFFF60F0, s0;
	s25 =	sshll.u32 s3, $0x7  }
0xb0: {  	s26 =	sshll.u32 s0, $0x2;
	s2 =	sand.u32 $0x3FFFFF80, s25  }
0xb1: {  	p1 =	sgt.s32 s0, $0xEF;
	s29 =	ssub.s32 $0x3C0, s26;
	_ =	swait.ge [sflag:s10], s2  }
0xb2: {  	s2 =	ssub.s32 $0x0, s2;
	[sflag:s10] =	ssyncset.done $0x0;
	s0 =	sshrl.u32 s29, $0x2  }
0xb3: {  	[sflag:s10] =	ssyncadd.s32 s2;
	s0 =	simm.s32 @p1 $0x0  }
0xb4: {  	_ =	swait.ge [sflag:s11], s0  }
0xb5: {  	s0 =	ssub.s32 $0x0, s0;
	[sflag:s11] =	ssyncset.done $0x0  }
0xb6: {  	[sflag:s11] =	ssyncadd.s32 s0  }
0xb7: {  	v1 =	vld [tilespmem:$0xF208];
	_ =	sdelay $0x4  }
0xb8: {  	(v2sf) =	vpush v1, $0x0  }
0xb9: {  	(v2sf) =	vpush v1, $0x1  }
0xba: {  	(v2sf) =	vpush v1, $0x2;
	_ =	sdelay $0x3  }
0xbb: {  	s0 =	sadd.s32 $0xF0, s22  }
0xbc: {  	s2 =	ssub.s32 $0x14000, s22;
	p1 =	slt.s32 s8, s0  }
0xbd: {  	s0 =	smov.u32 @p1 s8;
	p1 =	sgt.s32 s2, $0x0  }
0xbe: {  	s26 =	ssub.s32 s0, s22;
	s2 =	simm.s32 @!p1 $0x0  }
0xbf: {  	p1 =	slt.s32 s2, s26  }
0xc0: {  	s26 =	smov.u32 @p1 s2  }
0xc1: {  	s25 =	simm.s32 $0x1;
	p1 =	slt.s32 s26, $0x1  }
.Ltmp9:
0xc2: {  	s25 =	simm.s32 @!p0 $0x0;
	(pc) =	sbr.rel @p1 .LBB3_8-.Ltmp9, $4  }
0xc3: {  	s31 =	smul.u32 $0x3C0, s25  }
0xc4: {  	s28 =	spop (v2sf)  }
0xc5: {  	s0 =	sshrl.u32 s31, $0x2;
	s30 =	spop (v2sf)  }
0xc6: {  	s23 =	sadd.s32 $0x10518, s0;
	s22 =	spop (v2sf)  }
0xc7: {  	s0 =	smin.u32 s26, $0x10  }
0xc8: {  	v1 =	vmov s0  }
0xc9: {  	p2 =	sgt.s32 s26, $0x10;
	vm1 =	vgt.u32 v1, v0  }
.Ltmp10:
0xca: {  	_ = 	snop;
	(pc) =	sbr.rel @!p2 .LBB3_7-.Ltmp10, $2  }
0xcb: {  	_ =	sdelay $0x2  }
0xcc: {  	s4 =	simm.s32 $0x10;
	s24 =	sadd.s32 $0xFFFFFFF0, s26;
	s0 =	smov.u32 s23;
	vm0 =	vmmov vm1  }
.LBB3_6:
0xcd: {  	s2 =	smin.u32 s24, $0x10;
	s4 =	sadd.s32 $0x10, s4;
	v1 =	vld.msk [tilespmem:s0+$0x0 ss:$0x1], vm1  }
0xce: {  	v2 =	vmov s2;
	p2 =	slt.s32 s4, s26  }
0xcf: {  	vm1 =	vgt.u32 v2, v0  }
.Ltmp11:
0xd0: {  	(pc) =	sbr.rel @p2 .LBB3_6-.Ltmp11, $3  }
0xd1: {  	_ =	sdelay $0x1  }
0xd2: {  	v1 =	vshll.u32 v1, $0x4  }
0xd3: {  	s24 =	sadd.s32 $0xFFFFFFF0, s24;
	[tilespmem:s0+$0x0] =	vst.msk vm0, v1;
	s0 =	sadd.s32 $0x10, s0;
	vm0 =	vmmov vm1  }
.LBB3_7:
0xd4: {  	_ =	sdelay $0x4  }
0xd5: {  	v1 =	vld.msk [tilespmem:s0+$0x0 ss:$0x1], vm1;
	_ =	sdelay $0x4  }
0xd6: {  	v1 =	vshll.u32 v1, $0x4  }
0xd7: {  	[tilespmem:s0+$0x0] =	vst.msk vm0, v1  }
.LBB3_8:
0xd8: {  	s0 =	sand.u32 $0x1, s21  }
0xd9: {  	s2 =	smul.u32 $0x7800, s0  }
0xda: {  	p2 =	sne.s32 s30, $0xFFFFFFFF  }
0xdb: {  	v1 =	vld @!p2 [tilespmem:s2+$0x106F8];
	_ =	sdelay $0x2  }
0xdc: {  	s0 =	smul.u32 $0xF0, s0;
	_ =	sdelay $0x1  }
0xdd: {  	v2 =	vld.msk @!p2 [tilespmem:s0+$0x10518], $0x1;
	[tilespmem:$0x108] =	vst @!p2 v1  }
0xde: {  	v1 =	vld @!p2 [tilespmem:s2+$0x10708];
	_ =	sdelay $0x4  }
0xdf: {  	[tilespmem:$0x118] =	vst @!p2 v1  }
0xe0: {  	v1 =	vld @!p2 [tilespmem:s2+$0x10718];
	_ =	sdelay $0x4  }
0xe1: {  	[tilespmem:$0x128] =	vst @!p2 v1  }
0xe2: {  	v1 =	vld @!p2 [tilespmem:s2+$0x10728];
	_ =	sdelay $0x4  }
0xe3: {  	[tilespmem:$0x138] =	vst @!p2 v1  }
0xe4: {  	v1 =	vld @!p2 [tilespmem:s2+$0x10738];
	_ =	sdelay $0x4  }
0xe5: {  	[tilespmem:$0x148] =	vst @!p2 v1  }
0xe6: {  	(v2sf) =	vpush @!p2 v2, $0x0;
	v1 =	vld @!p2 [tilespmem:s2+$0x10748];
	_ =	sdelay $0x4  }
0xe7: {  	[tilespmem:$0x158] =	vst @!p2 v1  }
0xe8: {  	v1 =	vld @!p2 [tilespmem:s2+$0x10758];
	_ =	sdelay $0x4  }
0xe9: {  	[tilespmem:$0x168] =	vst @!p2 v1  }
0xea: {  	v1 =	vld @!p2 [tilespmem:s2+$0x10768]  }
.Ltmp12:
0xeb: {  	_ = 	snop;
	(pc) =	sbr.rel @p1 .LBB3_19-.Ltmp12, $4  }
0xec: {  	_ = 	snop  }
0xed: {  	s29 =	spop @!p2 (v2sf)  }
0xee: {  	s22 =	simm.s32 @!p2 $0x0;
	s24 =	smov.u32 s29  }
0xef: {  	s29 =	smov.u32 @p2 s28;
	s24 =	smov.u32 @p2 s30;
	[tilespmem:$0x178] =	vst @!p2 v1;
	[sflag:s18] =	ssyncpa.u1 $0x0  }
0xf0: {  	v1 =	vld.msk [tilespmem:s23+$0x0], $0x1;
	_ =	sdelay $0x4  }
0xf1: {  	(v2sf) =	vpush v1, $0x0;
	_ =	sdelay $0xe  }
0xf2: {  	s2 =	smul.u32 $0x1E000, s25;
	s0 =	spop (v2sf)  }
0xf3: {  	s26 =	ssub.s32 $0x0, s26;
	p1 =	seq.s32 s29, s0  }
0xf4: {  	s30 =	sadd.s32 $0x1, s26;
	s2 =	sshrl.u32 s2, $0x2;
	p2 =	sgt.s32 @!p1 s29, $0x0  }
0xf5: {  	s25 =	sor.u32 $0x10738, s2;
	s2 =	smov.u32 s29;
	p2 =	por !p2, p1  }
0xf6: {  	s2 =	simm.s32 @p2 $0x0;
	p2 =	seq.s32 s30, $0x0  }
.Ltmp13:
0xf7: {  	_ = 	snop;
	(pc) =	sbr.rel @p2 .LBB3_11-.Ltmp13, $4  }
0xf8: {  	_ = 	snop  }
0xf9: {  	s28 =	simm.s32 $0x0;
	s31 =	sadd.s32 $0x1, s23;
	s2 =	smin.u32 @!p1 s2, $0xFFF0  }
0xfa: {  	s4 =	simm.s32 @!p1 $0x1;
	s5 =	simm.s32 @!p1 $0x7988;
	s3 =	sand.u32 @!p1 $0xFFF8, s2  }
0xfb: {  	s4 =	smov.u32 @p1 s28;
	s2 =	sand.u32 @!p1 $0x7, s2;
	s3 =	sadd.s32 @!p1 s1, s3  }
.LBB3_10:
0xfc: {  	s9 =	smov.u32 s4  }
0xfd: {  	[tilespmem:s5], [sflag:$0x2] =	stream.linear.gather @!p1 [hbm4b:s3+s2], $0x80, $0x38;
	[tilespmem:$0x1F6F8] =	vst v63  }
0xfe: {  	s30 =	sadd.s32 $0x1, s30;
	s2 =	smov.u32 s0;
	v1 =	vld.msk [tilespmem:s31+$0x0], $0x1  }
0xff: {  	p2 =	seq.s32 s30, $0x0;
	_ =	sdelay $0x3  }
0x100: {  	(v2sf) =	vpush v1, $0x0;
	_ =	sdelay $0xe  }
0x101: {  	s0 =	spop (v2sf)  }
0x102: {  	p1 =	seq.s32 s2, s0  }
0x103: {  	p3 =	sgt.s32 @!p1 s2, $0x0;
	s3 =	sshll.u32 @!p1 s4, $0x9;
	s4 =	sadd.s32 @!p1 $0x1, s4  }
.Ltmp14:
0x104: {  	p3 =	por !p3, p1;
	s3 =	sshra.s32 @!p1 s3, $0x2;
	(pc) =	sbr.rel @!p2 .LBB3_10-.Ltmp14, $4  }
0x105: {  	s4 =	smov.u32 @p1 s9;
	s2 =	simm.s32 @p3 $0x0;
	s5 =	sadd.s32 @!p1 $0x7988, s3  }
0x106: {  	s2 =	smin.u32 @!p1 s2, $0xFFF0  }
0x107: {  	s3 =	sand.u32 @!p1 $0xFFF8, s2;
	s2 =	sand.u32 @!p1 $0x7, s2  }
0x108: {  	s31 =	sadd.s32 $0x1, s31;
	s3 =	sadd.s32 @!p1 s1, s3  }
.LBB3_11:
0x109: {  	[tilespmem:s5], [sflag:$0x2] =	stream.linear.gather @!p1 [hbm4b:s3+s2], $0x80, $0x38;
	[tilespmem:$0x1F6F8] =	vst v63  }
.Ltmp15:
0x10a: {  	s0 =	sshll.u32 s4, $0x7;
	(pc) =	sbr.rel .LBB3_12-.Ltmp15, $4  }
0x10b: {  	s30 =	simm.s32 $0x2;
	s0 =	sand.u32 $0x3FFFFF80, s0  }
0x10c: {  	_ =	swait.ge [sflag:s30], s0  }
0x10d: {  	s0 =	ssub.s32 $0x0, s0;
	[sflag:s30] =	ssyncset.done $0x0  }
0x10e: {  	s31 =	simm.s32 $0x0;
	[sflag:s30] =	ssyncadd.s32 s0  }
.LBB3_13:
0x10f: {  	s0 =	sshra.s32 s0, $0x2;
	v1 =	vld [tilespmem:s25+$0xFFFFFFC0]  }
0x110: {  	v2 =	vld [tilespmem:s0+$0x108];
	_ =	sdelay $0x4  }
0x111: {  	v1 =	vmax.f32 v1, v2  }
0x112: {  	v2 =	vld [tilespmem:s0+$0x118];
	[tilespmem:s0+$0x108] =	vst v1  }
0x113: {  	v1 =	vld [tilespmem:s25+$0xFFFFFFD0];
	_ =	sdelay $0x4  }
0x114: {  	v1 =	vmax.f32 v1, v2  }
0x115: {  	v2 =	vld [tilespmem:s0+$0x128];
	[tilespmem:s0+$0x118] =	vst v1  }
0x116: {  	v1 =	vld [tilespmem:s25+$0xFFFFFFE0];
	_ =	sdelay $0x4  }
0x117: {  	v1 =	vmax.f32 v1, v2  }
0x118: {  	v2 =	vld [tilespmem:s0+$0x138];
	[tilespmem:s0+$0x128] =	vst v1  }
0x119: {  	v1 =	vld [tilespmem:s25+$0xFFFFFFF0];
	_ =	sdelay $0x4  }
0x11a: {  	v1 =	vmax.f32 v1, v2  }
0x11b: {  	v2 =	vld [tilespmem:s0+$0x148];
	[tilespmem:s0+$0x138] =	vst v1  }
0x11c: {  	v1 =	vld [tilespmem:s25+$0x0];
	_ =	sdelay $0x4  }
0x11d: {  	v1 =	vmax.f32 v1, v2  }
0x11e: {  	v2 =	vld [tilespmem:s0+$0x158];
	[tilespmem:s0+$0x148] =	vst v1  }
0x11f: {  	v1 =	vld [tilespmem:s25+$0x10];
	_ =	sdelay $0x4  }
0x120: {  	v1 =	vmax.f32 v1, v2  }
0x121: {  	v2 =	vld [tilespmem:s0+$0x168];
	[tilespmem:s0+$0x158] =	vst v1  }
0x122: {  	v1 =	vld [tilespmem:s25+$0x20];
	_ =	sdelay $0x4  }
0x123: {  	v1 =	vmax.f32 v1, v2  }
0x124: {  	v2 =	vld [tilespmem:s0+$0x178];
	[tilespmem:s0+$0x168] =	vst v1  }
0x125: {  	v1 =	vld [tilespmem:s25+$0x30];
	_ =	sdelay $0x4  }
0x126: {  	v1 =	vmax.f32 v1, v2  }
0x127: {  	[tilespmem:s0+$0x178] =	vst v1  }
.LBB3_17:
0x128: {  	s26 =	sadd.s32 $0x1, s26  }
0x129: {  	p1 =	seq.s32 s26, $0x0  }
.Ltmp16:
0x12a: {  	_ = 	snop;
	(pc) =	sbr.rel @p1 .LBB3_18-.Ltmp16, $2  }
0x12b: {  	_ =	sdelay $0x2  }
0x12c: {  	s23 =	sadd.s32 $0x1, s23;
	s25 =	sadd.s32 $0x80, s25;
	s29 =	smov.u32 s30  }
.LBB3_12:
0x12d: {  	v1 =	vld.msk [tilespmem:s23+$0x0], $0x1;
	_ =	sdelay $0x4  }
0x12e: {  	(v2sf) =	vpush v1, $0x0;
	_ =	sdelay $0xe  }
0x12f: {  	s30 =	spop (v2sf)  }
0x130: {  	p1 =	sne.s32 s29, s30  }
.Ltmp17:
0x131: {  	_ = 	snop;
	(pc) =	sbr.rel @!p1 .LBB3_13-.Ltmp17, $2  }
0x132: {  	_ =	sdelay $0x2  }
0x133: {  	s0 =	sshll.u32 s22, $0x9  }
0x134: {  	p1 =	seq.s32 s29, s24  }
.Ltmp18:
0x135: {  	_ = 	snop;
	(pc) =	sbr.rel @!p1 .LBB3_15-.Ltmp18, $1  }
0x136: {  	_ =	sdelay $0x3  }
0x137: {  	s0 =	sshra.s32 s0, $0x2  }
.Ltmp19:
0x138: {  	s0 =	sadd.s32 $0x108, s0;
	(pc) =	sbr.rel .LBB3_16-.Ltmp19, $4  }
0x139: {  	[spmem:s16] =	stream.linear.scatter [tilespmem:s0], [sflag:$0x1], $0x80, $0x38;
	[tilespmem:$0x1F6F8] =	vst v63  }
0x13a: {  	_ =	swait.ge [sflag:s12], $0x80  }
0x13b: {  	[sflag:s12] =	ssyncset.done $0x0  }
0x13c: {  	[sflag:s12] =	ssyncadd.s32 $0xFFFFFF80  }
.LBB3_15:
0x13d: {  	s2 =	sshll.u32 s28, $0x9;
	s0 =	sshra.s32 s0, $0x2  }
0x13e: {  	s2 =	sshra.s32 s2, $0x2;
	v2 =	vld [tilespmem:s0+$0x108]  }
0x13f: {  	v1 =	vld [tilespmem:s2+$0x7988];
	_ =	sdelay $0x4  }
0x140: {  	v1 =	vmax.f32 v1, v2  }
0x141: {  	v2 =	vld [tilespmem:s0+$0x118];
	[tilespmem:s0+$0x108] =	vst v1  }
0x142: {  	v1 =	vld [tilespmem:s2+$0x7998];
	_ =	sdelay $0x4  }
0x143: {  	v1 =	vmax.f32 v1, v2  }
0x144: {  	v2 =	vld [tilespmem:s0+$0x128];
	[tilespmem:s0+$0x118] =	vst v1  }
0x145: {  	v1 =	vld [tilespmem:s2+$0x79A8];
	_ =	sdelay $0x4  }
0x146: {  	v1 =	vmax.f32 v1, v2  }
0x147: {  	v2 =	vld [tilespmem:s0+$0x138];
	[tilespmem:s0+$0x128] =	vst v1  }
0x148: {  	v1 =	vld [tilespmem:s2+$0x79B8];
	_ =	sdelay $0x4  }
0x149: {  	v1 =	vmax.f32 v1, v2  }
0x14a: {  	v2 =	vld [tilespmem:s0+$0x148];
	[tilespmem:s0+$0x138] =	vst v1  }
0x14b: {  	v1 =	vld [tilespmem:s2+$0x79C8];
	_ =	sdelay $0x4  }
0x14c: {  	v1 =	vmax.f32 v1, v2  }
0x14d: {  	v2 =	vld [tilespmem:s0+$0x158];
	[tilespmem:s0+$0x148] =	vst v1  }
0x14e: {  	v1 =	vld [tilespmem:s2+$0x79D8];
	_ =	sdelay $0x4  }
0x14f: {  	v1 =	vmax.f32 v1, v2  }
0x150: {  	v2 =	vld [tilespmem:s0+$0x168];
	[tilespmem:s0+$0x158] =	vst v1  }
0x151: {  	v1 =	vld [tilespmem:s2+$0x79E8];
	_ =	sdelay $0x4  }
0x152: {  	v1 =	vmax.f32 v1, v2  }
0x153: {  	v2 =	vld [tilespmem:s0+$0x178];
	[tilespmem:s0+$0x168] =	vst v1  }
0x154: {  	v1 =	vld [tilespmem:s2+$0x79F8];
	_ =	sdelay $0x3  }
0x155: {  	p1 =	sgt.u32 s29, $0xFFF0  }
0x156: {  	s2 =	sand.u32 @!p1 $0xFFF8, s29;
	v1 =	vmax.f32 v1, v2  }
0x157: {  	s3 =	sadd.s32 $0x108, s0;
	[tilespmem:s0+$0x178] =	vst v1;
	s0 =	sadd.s32 @!p1 s1, s2;
	s2 =	sand.u32 @!p1 $0x7, s29  }
0x158: {  	[hbm4b:s0+s2] =	stream.linear.scatter @!p1 [tilespmem:s3], [sflag:$0xC], $0x80, $0x38;
	[tilespmem:$0x1F6F8] =	vst v63  }
0x159: {  	s0 =	simm.s32 $0x0  }
0x15a: {  	s0 =	simm.s32 @!p1 $0x200  }
0x15b: {  	s31 =	sadd.s32 s0, s31  }
.LBB3_16:
0x15c: {  	s0 =	sadd.s32 $0x1, s22  }
0x15d: {  	s2 =	smulhi.u32 $0x88888889, s0;
	_ =	sdelay $0x1  }
0x15e: {  	v1 =	vld [tilespmem:s25+$0xFFFFFFC0];
	s2 =	sshrl.u32 s2, $0x7  }
0x15f: {  	s2 =	smul.u32 $0xF0, s2;
	_ =	sdelay $0x1  }
0x160: {  	s22 =	ssub.s32 s0, s2  }
0x161: {  	s0 =	sshll.u32 s22, $0x7  }
0x162: {  	[tilespmem:s0+$0x108] =	vst v1  }
0x163: {  	v1 =	vld [tilespmem:s25+$0xFFFFFFD0];
	_ =	sdelay $0x4  }
0x164: {  	[tilespmem:s0+$0x118] =	vst v1  }
0x165: {  	v1 =	vld [tilespmem:s25+$0xFFFFFFE0];
	_ =	sdelay $0x4  }
0x166: {  	[tilespmem:s0+$0x128] =	vst v1  }
0x167: {  	v1 =	vld [tilespmem:s25+$0xFFFFFFF0];
	_ =	sdelay $0x4  }
0x168: {  	[tilespmem:s0+$0x138] =	vst v1  }
0x169: {  	v1 =	vld [tilespmem:s25+$0x0];
	_ =	sdelay $0x4  }
0x16a: {  	[tilespmem:s0+$0x148] =	vst v1  }
0x16b: {  	v1 =	vld [tilespmem:s25+$0x10];
	_ =	sdelay $0x4  }
0x16c: {  	[tilespmem:s0+$0x158] =	vst v1  }
0x16d: {  	v1 =	vld [tilespmem:s25+$0x20];
	_ =	sdelay $0x4  }
0x16e: {  	[tilespmem:s0+$0x168] =	vst v1  }
0x16f: {  	v1 =	vld [tilespmem:s25+$0x30]  }
.Ltmp20:
0x170: {  	_ = 	snop;
	(pc) =	sbr.rel .LBB3_17-.Ltmp20, $2  }
0x171: {  	_ =	sdelay $0x2  }
0x172: {  	s28 =	sadd.s32 $0x1, s28;
	[tilespmem:s0+$0x178] =	vst v1  }
.LBB3_19:
.Ltmp21:
0x173: {  	(pc) =	sbr.rel .LBB3_20-.Ltmp21, $4  }
0x174: {  	_ = 	snop  }
0x175: {  	s0 =	simm.s32 $0x2  }
0x176: {  	_ =	swait.ge [sflag:s0], $0x0  }
0x177: {  	s30 =	smov.u32 s29;
	[sflag:s0] =	ssyncset.done $0x0;
	s0 =	simm.s32 $0x0  }
.LBB3_22:
0x178: {  	_ =	sfence.sel $0x180000  }
0x179: {  	s0 =	simm.s32 $0x9;
	[bflag:$0x0] =	sbarrier.arrive $0xFFFF  }
0x17a: {  	s24 =	simm.s32 $0xA;
	[sflag:s0] =	ssyncpa.u1 $0x1  }
0x17b: {  	s25 =	simm.s32 $0xB;
	[sflag:s24] =	ssyncpa.u1 $0x1  }
0x17c: {  	s26 =	simm.s32 $0x2;
	[sflag:s25] =	ssyncpa.u1 $0x1  }
0x17d: {  	[sflag:s26] =	ssyncpa.u1 $0x1  }
0x17e: {  	v0 =	vld [tilespmem:$0xF208];
	_ =	sdelay $0x4  }
0x17f: {  	(v2sf) =	vpush v0, $0x0  }
0x180: {  	(v2sf) =	vpush v0, $0x1;
	_ =	sdelay $0x1  }
0x181: {  	(v2sf) =	vpush v0, $0x2;
	_ =	sdelay $0xb  }
0x182: {  	s0 =	spop (v2sf)  }
0x183: {  	s2 =	spop (v2sf)  }
0x184: {  	s3 =	smov.u32 s0;
	p0 =	sne.s32 s0, s2  }
0x185: {  	s4 =	spop (v2sf);
	s3 =	simm.s32 @!p0 $0xFFFFFFFF  }
0x186: {  	v2 =	vimm.s32 $0x1;
	v3 =	vlaneseq.u32;
	p0 =	seq.s32 s4, $0xFFFFFFFF;
	v1 =	vmov s3  }
0x187: {  	s16 =	stileid.u32;
	v0 =	vperm.xlane v0, v2;
	p1 =	sne.s32 @!p0 s0, s2;
	v1 =	vperm.xlane v1, v3  }
0x188: {  	vm0 =	vcmask $0x3F04;
	s6 =	simm.s32 $0xF208;
	s0 =	simm.s32 @!p0 $0x1;
	p1 =	por !p1, p0  }
0x189: {  	s3 =	sshll.u32 s16, $0x1;
	s2 =	sshll.u32 @!p0 s4, $0x9;
	s0 =	simm.s32 @p1 $0x0;
	v0 =	vsel vm0, v1, v0  }
0x18a: {  	s5 =	sor.u32 $0x1000, s3;
	s2 =	sshra.s32 @!p0 s2, $0x2;
	s0 =	sor.u32 @!p0 s0, s3;
	[tilespmem:$0xF208] =	vst v0  }
0x18b: {  	[spmem:s5] =	stream.linear.scatter [tilespmem:s6], [sflag:$0x1], $0x2, $0x38;
	[tilespmem:$0x1F6F8] =	vst v63  }
0x18c: {  	s2 =	sadd.s32 @!p0 $0x108, s2;
	s0 =	sshll.u32 @!p0 s0, $0x7  }
0x18d: {  	[spmem:s0] =	stream.linear.scatter @!p0 [tilespmem:s2], [sflag:$0x1], $0x80, $0x38;
	[tilespmem:$0x1F6F8] =	vst v63  }
0x18e: {  	s0 =	simm.s32 @!p0 $0x82  }
0x18f: {  	s28 =	simm.s32 $0x1;
	s0 =	simm.s32 @p0 $0x2  }
0x190: {  	_ =	swait.ge [sflag:s28], s0  }
0x191: {  	s0 =	ssub.s32 $0x0, s0;
	[sflag:s28] =	ssyncset.done $0x0  }
0x192: {  	p0 =	sne.s32 s16, $0x0;
	[sflag:s28] =	ssyncadd.s32 s0  }
.Ltmp22:
0x193: {  	_ =	sfence.stream.spmem;
	(pc) =	sbr.rel @p0 .LBB3_39-.Ltmp22, $4  }
0x194: {  	s29 =	simm.s32 $0x3;
	[bflag:$0x0] =	sbarrier.arrive $0xFFFF  }
0x195: {  	s30 =	simm.s32 $0x4;
	[sflag:s29] =	ssyncpa.u1 $0x1  }
0x196: {  	s31 =	simm.s32 $0x3C;
	[sflag:s30] =	ssyncpa.u1 $0x1  }
0x197: {  	s15 =	rddreg [dreg:$0x4];
	[sflag:s31] =	ssyncpa.u1 $0x1  }
0x198: {  	_ =	sfence.stream.spmem;
	s0 =	simm.s32 $0x5  }
0x199: {  	s2 =	simm.s32 $0x1000;
	s3 =	simm.s32 $0xF218;
	[sflag:s0] =	ssyncpa.u1 $0x0  }
0x19a: {  	[tilespmem:s3], [sflag:$0x5] =	stream.linear.gather [spmem:s2], $0x20, $0x38;
	[tilespmem:$0x1F6F8] =	vst v63  }
0x19b: {  	s26 =	simm.s32 $0x0;
	s28 =	simm.s32 $0xF238  }
0x19c: {  	[tilespmem:s28], [sflag:$0x5] =	stream.linear.gather [spmem:s26], $0x1000, $0x38;
	[tilespmem:$0x1F6F8] =	vst v63  }
0x19d: {  	_ =	swait.ge [sflag:s0], $0x1020  }
0x19e: {  	[sflag:s0] =	ssyncset.done $0x0  }
0x19f: {  	s29 =	simm.s32 $0x0;
	[sflag:s0] =	ssyncadd.s32 $0xFFFFEFE0  }
0x1a0: {  	v0 =	vld.msk [tilespmem:s29+$0xF218], $0x1;
	_ =	sdelay $0x1  }
0x1a1: {  	s30 =	simm.s32 $0x1  }
0x1a2: {  	v1 =	vld.msk [tilespmem:s30+$0xF218], $0x1;
	_ =	sdelay $0x1  }
0x1a3: {  	(v2sf) =	vpush v0, $0x0;
	_ =	sdelay $0x2  }
0x1a4: {  	(v2sf) =	vpush v1, $0x0;
	_ =	sdelay $0x2  }
0x1a5: {  	s31 =	simm.s32 $0x2  }
0x1a6: {  	v0 =	vld.msk [tilespmem:s31+$0xF218], $0x1;
	_ =	sdelay $0x2  }
0x1a7: {  	s4 =	simm.s32 $0xFFFFFFFF;
	s5 =	simm.s32 $0xFFFFFFFF;
	s0 =	simm.s32 $0xC  }
.LBB3_24:
0x1a8: {  	s2 =	smov.u32 s5;
	s3 =	smov.u32 s4  }
0x1a9: {  	s4 =	sshra.s32 s0, $0x2;
	p1 =	sne.s32 s0, $0x7C;
	s0 =	sadd.s32 $0x4, s0;
	(v2sf) =	vpush v0, $0x0  }
0x1aa: {  	v0 =	vld.msk [tilespmem:s4+$0xF218], $0x1  }
.Ltmp23:
0x1ab: {  	(pc) =	sbr.rel @p1 .LBB3_24-.Ltmp23, $4  }
0x1ac: {  	s5 =	spop (v2sf)  }
0x1ad: {  	p2 =	sne.s32 s3, $0xFFFFFFFF;
	s4 =	smov.u32 s5  }
0x1ae: {  	p3 =	seq.s32 s5, $0xFFFFFFFF;
	s4 =	smov.u32 @p2 s3  }
0x1af: {  	s5 =	smov.u32 @p3 s2;
	s4 =	smov.u32 @p3 s3  }
0x1b0: {  	(v2sf) =	vpush v0, $0x0;
	_ =	sdelay $0x8  }
0x1b1: {  	s0 =	spop (v2sf)  }
0x1b2: {  	p1 =	sne.s32 s4, $0xFFFFFFFF;
	s2 =	smov.u32 s0  }
0x1b3: {  	s9 =	simm.s32 $0x6;
	p2 =	seq.s32 s0, $0xFFFFFFFF;
	s2 =	smov.u32 @p1 s4  }
0x1b4: {  	s6 =	simm.s32 $0x0;
	s2 =	smov.u32 @p2 s4;
	s3 =	spop (v2sf)  }
0x1b5: {  	s0 =	smov.u32 @p2 s5;
	p1 =	sne.s32 s2, $0xFFFFFFFF;
	s4 =	smov.u32 s3  }
.Ltmp24:
0x1b6: {  	p2 =	seq.s32 s3, $0xFFFFFFFF;
	s4 =	smov.u32 @p1 s2;
	(pc) =	sbr.rel .LBB3_26-.Ltmp24, $4  }
0x1b7: {  	s10 =	simm.s32 $0xF188;
	s4 =	smov.u32 @p2 s2;
	s7 =	spop (v2sf)  }
0x1b8: {  	s11 =	simm.s32 $0x0;
	p1 =	sne.s32 s4, $0xFFFFFFFF;
	s8 =	smov.u32 s7  }
0x1b9: {  	s3 =	smov.u32 @p2 s0;
	p2 =	seq.s32 s7, $0xFFFFFFFF;
	s8 =	smov.u32 @p1 s4  }
0x1ba: {  	[sflag:s9] =	ssyncpa.u1 $0x0;
	s7 =	smov.u32 @p2 s3;
	s8 =	smov.u32 @p2 s4  }
.LBB3_32:
0x1bb: {  	p1 =	sgt.u32 s12, $0xFFF0  }
0x1bc: {  	p2 =	seq.s32 @!p1 s12, s8  }
0x1bd: {  	p1 =	por p1, p2  }
0x1be: {  	p2 =	sne.s32 @!p1 s12, s7  }
0x1bf: {  	p1 =	por p1, !p2  }
0x1c0: {  	s0 =	sshll.u32 @p1 s11, $0x9  }
0x1c1: {  	s0 =	sand.u32 @!p1 $0xFFF8, s12  }
0x1c2: {  	s2 =	sand.u32 @!p1 $0x7, s12;
	s0 =	sadd.s32 @!p1 s1, s0  }
0x1c3: {  	[tilespmem:s10], [sflag:$0x6] =	stream.linear.gather @!p1 [hbm4b:s0+s2], $0x80, $0x38;
	[tilespmem:$0x1F6F8] =	vst v63  }
0x1c4: {  	_ =	swait.ge @!p1 [sflag:s9], $0x80  }
0x1c5: {  	[sflag:s9] =	ssyncset.done @!p1 $0x0  }
0x1c6: {  	s0 =	sshll.u32 @!p1 s11, $0x9;
	[sflag:s9] =	ssyncadd.s32 @!p1 $0xFFFFFF80  }
0x1c7: {  	s2 =	sshrl.u32 @!p1 s0, $0x2;
	v1 =	vld @!p1 [tilespmem:$0xF188]  }
0x1c8: {  	v2 =	vld @!p1 [tilespmem:s2+$0xF238];
	_ =	sdelay $0x4  }
0x1c9: {  	v1 =	vmax.f32 @!p1 v1, v2  }
0x1ca: {  	v2 =	vld @!p1 [tilespmem:s2+$0xF248];
	[tilespmem:s2+$0xF238] =	vst @!p1 v1  }
0x1cb: {  	v1 =	vld @!p1 [tilespmem:$0xF198];
	_ =	sdelay $0x4  }
0x1cc: {  	v1 =	vmax.f32 @!p1 v1, v2  }
0x1cd: {  	v2 =	vld @!p1 [tilespmem:s2+$0xF258];
	[tilespmem:s2+$0xF248] =	vst @!p1 v1  }
0x1ce: {  	v1 =	vld @!p1 [tilespmem:$0xF1A8];
	_ =	sdelay $0x4  }
0x1cf: {  	v1 =	vmax.f32 @!p1 v1, v2  }
0x1d0: {  	v2 =	vld @!p1 [tilespmem:s2+$0xF268];
	[tilespmem:s2+$0xF258] =	vst @!p1 v1  }
0x1d1: {  	v1 =	vld @!p1 [tilespmem:$0xF1B8];
	_ =	sdelay $0x4  }
0x1d2: {  	v1 =	vmax.f32 @!p1 v1, v2  }
0x1d3: {  	v2 =	vld @!p1 [tilespmem:s2+$0xF278];
	[tilespmem:s2+$0xF268] =	vst @!p1 v1  }
0x1d4: {  	v1 =	vld @!p1 [tilespmem:$0xF1C8];
	_ =	sdelay $0x4  }
0x1d5: {  	v1 =	vmax.f32 @!p1 v1, v2  }
0x1d6: {  	v2 =	vld @!p1 [tilespmem:s2+$0xF288];
	[tilespmem:s2+$0xF278] =	vst @!p1 v1  }
0x1d7: {  	v1 =	vld @!p1 [tilespmem:$0xF1D8];
	_ =	sdelay $0x4  }
0x1d8: {  	v1 =	vmax.f32 @!p1 v1, v2  }
0x1d9: {  	v2 =	vld @!p1 [tilespmem:s2+$0xF298];
	[tilespmem:s2+$0xF288] =	vst @!p1 v1  }
0x1da: {  	v1 =	vld @!p1 [tilespmem:$0xF1E8];
	_ =	sdelay $0x4  }
0x1db: {  	v1 =	vmax.f32 @!p1 v1, v2  }
0x1dc: {  	v2 =	vld @!p1 [tilespmem:s2+$0xF2A8];
	[tilespmem:s2+$0xF298] =	vst @!p1 v1  }
0x1dd: {  	v1 =	vld @!p1 [tilespmem:$0xF1F8];
	_ =	sdelay $0x4  }
0x1de: {  	v1 =	vmax.f32 @!p1 v1, v2  }
0x1df: {  	[tilespmem:s2+$0xF2A8] =	vst @!p1 v1  }
0x1e0: {  	s0 =	sshrl.u32 s0, $0x2;
	[tilespmem:s6+$0xF218] =	vst.msk $0x1, v0  }
0x1e1: {  	v0 =	vld [tilespmem:s0+$0xF238];
	_ =	sdelay $0x2  }
0x1e2: {  	s31 =	sshll.u32 s6, $0x9  }
0x1e3: {  	s2 =	sshra.s32 s31, $0x2  }
0x1e4: {  	[tilespmem:s2+$0xF238] =	vst v0  }
0x1e5: {  	v0 =	vld [tilespmem:s0+$0xF248];
	_ =	sdelay $0x4  }
0x1e6: {  	[tilespmem:s2+$0xF248] =	vst v0  }
0x1e7: {  	v0 =	vld [tilespmem:s0+$0xF258];
	_ =	sdelay $0x4  }
0x1e8: {  	[tilespmem:s2+$0xF258] =	vst v0  }
0x1e9: {  	v0 =	vld [tilespmem:s0+$0xF268];
	_ =	sdelay $0x4  }
0x1ea: {  	[tilespmem:s2+$0xF268] =	vst v0  }
0x1eb: {  	v0 =	vld [tilespmem:s0+$0xF278];
	_ =	sdelay $0x4  }
0x1ec: {  	[tilespmem:s2+$0xF278] =	vst v0  }
0x1ed: {  	v0 =	vld [tilespmem:s0+$0xF288];
	_ =	sdelay $0x4  }
0x1ee: {  	[tilespmem:s2+$0xF288] =	vst v0  }
0x1ef: {  	v0 =	vld [tilespmem:s0+$0xF298];
	_ =	sdelay $0x4  }
0x1f0: {  	[tilespmem:s2+$0xF298] =	vst v0  }
0x1f1: {  	v0 =	vld [tilespmem:s0+$0xF2A8];
	_ =	sdelay $0x4  }
0x1f2: {  	s6 =	sadd.s32 $0x1, s6;
	[tilespmem:s2+$0xF2A8] =	vst v0  }
.LBB3_33:
0x1f3: {  	s11 =	sadd.s32 $0x1, s11  }
0x1f4: {  	p1 =	sne.s32 s11, $0x20  }
.Ltmp25:
0x1f5: {  	_ = 	snop;
	(pc) =	sbr.rel @!p1 .LBB3_34-.Ltmp25, $1  }
0x1f6: {  	_ =	sdelay $0x3  }
.LBB3_26:
0x1f7: {  	v0 =	vld.msk [tilespmem:s11+$0xF218], $0x1;
	_ =	sdelay $0x4  }
0x1f8: {  	(v2sf) =	vpush v0, $0x0;
	_ =	sdelay $0xe  }
0x1f9: {  	s12 =	spop (v2sf)  }
0x1fa: {  	p1 =	seq.s32 s12, $0xFFFFFFFF  }
.Ltmp26:
0x1fb: {  	_ = 	snop;
	(pc) =	sbr.rel @p1 .LBB3_33-.Ltmp26, $1  }
0x1fc: {  	_ =	sdelay $0x3  }
0x1fd: {  	p1 =	slt.s32 s6, $0x1  }
.Ltmp27:
0x1fe: {  	_ = 	snop;
	(pc) =	sbr.rel @p1 .LBB3_32-.Ltmp27, $1  }
0x1ff: {  	_ =	sdelay $0x3  }
0x200: {  	s13 =	simm.s32 $0xF218;
	p1 =	por $0x0, $0x0  }
0x201: {  	v1 =	vld.msk @!p1 [tilespmem:s13+$0x0], $0x1;
	_ =	sdelay $0x4  }
0x202: {  	(v2sf) =	vpush @!p1 v1, $0x0;
	_ =	sdelay $0xd  }
0x203: {  	p3 =	sne.s32 s6, $0x1  }
.Ltmp28:
0x204: {  	s0 =	spop @!p1 (v2sf);
	(pc) =	sbr.rel @!p3 .LBB3_30-.Ltmp28, $4  }
0x205: {  	p2 =	seq.s32 @!p1 s12, s0  }
0x206: {  	s14 =	simm.s32 $0x0;
	p2 =	por !p2, p1  }
0x207: {  	s2 =	simm.s32 $0xFFFFFFFF;
	s14 =	simm.s32 @p2 $0xFFFFFFFF  }
0x208: {  	s0 =	simm.s32 $0x1;
	s14 =	smov.u32 @p1 s2  }
.LBB3_29:
0x209: {  	s2 =	smov.u32 s14;
	p1 =	sne.s32 s14, $0xFFFFFFFF  }
0x20a: {  	s13 =	sadd.s32 $0x1, s13;
	s14 =	smov.u32 s0;
	s0 =	sadd.s32 $0x1, s0  }
0x20b: {  	p2 =	sne.s32 s6, s0;
	v1 =	vld.msk @!p1 [tilespmem:s13+$0x0], $0x1;
	_ =	sdelay $0x4  }
0x20c: {  	(v2sf) =	vpush @!p1 v1, $0x0;
	_ =	sdelay $0xe  }
.Ltmp29:
0x20d: {  	s3 =	spop @!p1 (v2sf);
	(pc) =	sbr.rel @p2 .LBB3_29-.Ltmp29, $4  }
0x20e: {  	p3 =	seq.s32 @!p1 s12, s3  }
0x20f: {  	p3 =	por !p3, p1  }
0x210: {  	s14 =	simm.s32 @p3 $0xFFFFFFFF  }
0x211: {  	s14 =	smov.u32 @p1 s2  }
.LBB3_30:
0x212: {  	p1 =	seq.s32 s14, $0xFFFFFFFF  }
.Ltmp30:
0x213: {  	_ = 	snop;
	(pc) =	sbr.rel @p1 .LBB3_32-.Ltmp30, $1  }
0x214: {  	_ =	sdelay $0x3  }
0x215: {  	s0 =	sshll.u32 s11, $0x7  }
0x216: {  	s2 =	sshll.u32 s14, $0x9;
	s0 =	sand.u32 $0x3FFFFF80, s0  }
0x217: {  	s2 =	sshra.s32 s2, $0x2;
	v0 =	vld [tilespmem:s0+$0xF238]  }
0x218: {  	v1 =	vld [tilespmem:s2+$0xF238];
	_ =	sdelay $0x4  }
0x219: {  	v0 =	vmax.f32 v0, v1  }
0x21a: {  	v57 =	vld [tilespmem:s2+$0xF248];
	[tilespmem:s2+$0xF238] =	vst v0  }
0x21b: {  	v0 =	vld [tilespmem:s0+$0xF248];
	_ =	sdelay $0x4  }
0x21c: {  	v0 =	vmax.f32 v0, v57  }
0x21d: {  	v58 =	vld [tilespmem:s2+$0xF258];
	[tilespmem:s2+$0xF248] =	vst v0  }
0x21e: {  	v0 =	vld [tilespmem:s0+$0xF258];
	_ =	sdelay $0x4  }
0x21f: {  	v0 =	vmax.f32 v0, v58  }
0x220: {  	v59 =	vld [tilespmem:s2+$0xF268];
	[tilespmem:s2+$0xF258] =	vst v0  }
0x221: {  	v0 =	vld [tilespmem:s0+$0xF268];
	_ =	sdelay $0x4  }
0x222: {  	v0 =	vmax.f32 v0, v59  }
0x223: {  	v60 =	vld [tilespmem:s2+$0xF278];
	[tilespmem:s2+$0xF268] =	vst v0  }
0x224: {  	v0 =	vld [tilespmem:s0+$0xF278];
	_ =	sdelay $0x4  }
0x225: {  	v0 =	vmax.f32 v0, v60  }
0x226: {  	v61 =	vld [tilespmem:s2+$0xF288];
	[tilespmem:s2+$0xF278] =	vst v0  }
0x227: {  	v0 =	vld [tilespmem:s0+$0xF288];
	_ =	sdelay $0x4  }
0x228: {  	v0 =	vmax.f32 v0, v61  }
0x229: {  	v62 =	vld [tilespmem:s2+$0xF298];
	[tilespmem:s2+$0xF288] =	vst v0  }
0x22a: {  	v0 =	vld [tilespmem:s0+$0xF298];
	_ =	sdelay $0x4  }
0x22b: {  	v0 =	vmax.f32 v0, v62  }
0x22c: {  	v63 =	vld [tilespmem:s2+$0xF2A8];
	[tilespmem:s2+$0xF298] =	vst v0  }
0x22d: {  	v0 =	vld [tilespmem:s0+$0xF2A8];
	_ =	sdelay $0x1  }
.Ltmp31:
0x22e: {  	_ = 	snop;
	(pc) =	sbr.rel .LBB3_33-.Ltmp31, $3  }
0x22f: {  	_ =	sdelay $0x1  }
0x230: {  	v0 =	vmax.f32 v0, v63  }
0x231: {  	[tilespmem:s2+$0xF2A8] =	vst v0  }
.LBB3_34:
0x232: {  	s0 =	simm.s32 $0x6;
	p1 =	seq.s32 s6, $0x0  }
0x233: {  	[sflag:s0] =	ssyncpa.u1 $0x1;
	v0 =	vimm.s32 @p1 $0xFFFFFFFF  }
0x234: {  	s9 =	sadd.s32 $0xFFFFFFFF, s6;
	[tilespmem:$0x10238] =	vst @p1 v0  }
0x235: {  	v0 =	vld.msk @!p1 [tilespmem:s9+$0xF218], $0x1;
	_ =	sdelay $0x1  }
0x236: {  	v1 =	vld.msk @!p1 [tilespmem:$0xF218], $0x1;
	_ =	sdelay $0x2  }
0x237: {  	p2 =	seq.s32 @!p1 s9, $0x0;
	v0 =	vbroadcast @!p1 v0, $0x0  }
0x238: {  	vm0 =	vmmov @!p1 $0x1;
	p2 =	por !p2, p1  }
0x239: {  	v1 =	vnsel @!p1 vm0, $0xFFFFFFFF, v1;
	vm0 =	vcmask @!p1 $0x308;
	v0 =	vpsel !p2, $0xFFFFFFFF, v0  }
0x23a: {  	p2 =	sne.s32 @!p1 s8, s7;
	v0 =	vsel @!p1 vm0, v1, v0  }
0x23b: {  	s0 =	simm.s32 @!p1 $0xF238;
	s2 =	simm.s32 @!p1 $0x0;
	p3 =	por !p2, p1;
	[tilespmem:$0x10238] =	vst @!p1 v0  }
0x23c: {  	[spmem:s2] =	stream.linear.scatter @!p1 [tilespmem:s0], [sflag:$0x1], $0x80, $0x38;
	[tilespmem:$0x1F6F8] =	vst v63  }
0x23d: {  	s0 =	sshll.u32 @!p3 s9, $0x9  }
0x23e: {  	s0 =	sshra.s32 @!p3 s0, $0x2  }
0x23f: {  	s2 =	simm.s32 @!p3 $0x80;
	s0 =	sadd.s32 @!p3 $0xF238, s0  }
0x240: {  	[spmem:s2] =	stream.linear.scatter @!p3 [tilespmem:s0], [sflag:$0x1], $0x80, $0x38;
	[tilespmem:$0x1F6F8] =	vst v63  }
0x241: {  	s0 =	simm.s32 @!p3 $0x1  }
0x242: {  	_ =	swait.ge @!p3 [sflag:s0], $0x100  }
0x243: {  	p1 =	por p2, p1;
	[sflag:s0] =	ssyncset.done @!p3 $0x0  }
0x244: {  	[sflag:s0] =	ssyncadd.s32 @!p3 $0xFFFFFF00;
	s0 =	simm.s32 @!p1 $0x1  }
0x245: {  	_ =	swait.ge @!p1 [sflag:s0], $0x80  }
0x246: {  	s29 =	simm.s32 $0x10238;
	[sflag:s0] =	ssyncset.done @!p1 $0x0  }
0x247: {  	s30 =	simm.s32 $0x1000;
	s31 =	simm.s32 $0x1;
	[sflag:s0] =	ssyncadd.s32 @!p1 $0xFFFFFF80  }
0x248: {  	[spmem:s30] =	stream.linear.scatter [tilespmem:s29], [sflag:$0x1], $0x10, $0x38;
	[tilespmem:$0x1F6F8] =	vst v63  }
0x249: {  	_ =	swait.ge [sflag:s31], $0x10  }
0x24a: {  	[sflag:s31] =	ssyncset.done $0x0  }
0x24b: {  	p1 =	seq.s32 s15, $0x0;
	s8 =	rddreg [dreg:$0x1];
	[sflag:s31] =	ssyncadd.s32 $0xFFFFFFF0  }
0x24c: {  	s2 =	sshll.u32 @p1 s8, $0xE;
	s7 =	rddreg [dreg:$0x2]  }
0x24d: {  	s0 =	sadd.s32 @p1 $0x15C3C, s2;
	s2 =	sshll.u32 @p1 s7, $0x11  }
0x24e: {  	_ =	sfence.stream.spmem;
	s0 =	sor.u32 @p1 s2, s0  }
0x24f: {  	[sflag:s0] =	ssyncadd.remote.s32 @p1 $0x1;
	s0 =	simm.s32 @p1 $0x4  }
0x250: {  	s3 =	simm.s32 @!p1 $0x3C;
	s2 =	sand.u32 $0xFFFFFFFE, s8;
	_ =	swait.ge @p1 [sflag:s0], $0x22  }
0x251: {  	s4 =	simm.s32 @!p1 $0x0;
	s2 =	sadd.s32 @!p1 $0x4, s2;
	[sflag:s0] =	ssyncset.done @p1 $0x0  }
0x252: {  	s5 =	simm.s32 @!p1 $0x100;
	[sflag:s0] =	ssyncadd.s32 @p1 $0xFFFFFFDE;
	s0 =	sshll.u32 @!p1 s2, $0x1A  }
0x253: {  	s2 =	sshll.u32 @!p1 s2, $0xD;
	s0 =	sor.u32 @!p1 s0, s7;
	_ =	swait.eq @!p1 [sflag:s3], $0x1  }
0x254: {  	s2 =	sor.u32 @!p1 $0x1C04, s2;
	s3 =	simm.s32 @!p1 $0x1C03;
	s0 =	sor.u32 @!p1 $0x80004000, s0  }
0x255: {  	[spmem:s5], [sflag:s2] =	dma.general @!p1 [spmem:s4], [sflag:s3], length:$0x20, [dreg:$0x0], stride_count:$0x0, ici_dest:s0, dma_misc:DstOpCode:WRITE  }
0x256: {  	p2 =	slt.s32 s9, $0x2;
	s4 =	simm.s32 @!p1 $0x200;
	s5 =	simm.s32 @!p1 $0x202  }
0x257: {  	[spmem:s5], [sflag:s2] =	dma.general @!p1 [spmem:s4], [sflag:s3], length:$0x2, [dreg:$0x0], stride_count:$0x0, ici_dest:s0, dma_misc:DstOpCode:WRITE  }
.Ltmp32:
0x258: {  	s0 =	simm.s32 @!p1 $0x3;
	(pc) =	sbr.rel @p2 .LBB3_38-.Ltmp32, $4  }
0x259: {  	s2 =	sshll.u32 @!p1 s8, $0xE;
	_ =	swait.ge @!p1 [sflag:s0], $0x22  }
0x25a: {  	s3 =	sshll.u32 @!p1 s7, $0x11;
	s2 =	sadd.s32 @!p1 $0x11C3C, s2;
	[sflag:s0] =	ssyncset.done @!p1 $0x0  }
0x25b: {  	[sflag:s0] =	ssyncadd.s32 @!p1 $0xFFFFFFDE;
	s0 =	sor.u32 @!p1 s3, s2  }
0x25c: {  	[sflag:s0] =	ssyncadd.remote.s32 @!p1 $0xFFFFFFFF;
	s0 =	simm.s32 $0x0  }
0x25d: {  	s0 =	simm.s32 $0xF219  }
0x25e: {  	v0 =	vld.msk [tilespmem:s0+$0x0], $0x1;
	_ =	sdelay $0x4  }
0x25f: {  	(v2sf) =	vpush v0, $0x0;
	_ =	sdelay $0xb  }
0x260: {  	s31 =	sadd.s32 $0xFFFFFFFE, s6  }
0x261: {  	s0 =	sadd.s32 $0xFFFFFFFF, s31  }
0x262: {  	p2 =	sne.s32 s0, $0x0  }
.Ltmp33:
0x263: {  	s2 =	spop (v2sf);
	(pc) =	sbr.rel @!p2 .LBB3_37-.Ltmp33, $4  }
0x264: {  	s4 =	simm.s32 $0xF2B8;
	s7 =	simm.s32 $0x0;
	p1 =	sgt.u32 s2, $0xFFF0  }
0x265: {  	s5 =	simm.s32 $0x0;
	s6 =	simm.s32 $0xF21A;
	s3 =	sand.u32 @!p1 $0xFFF8, s2  }
0x266: {  	s2 =	sand.u32 @!p1 $0x7, s2;
	s7 =	simm.s32 @!p1 $0x200;
	s3 =	sadd.s32 @!p1 s1, s3  }
0x267: {  	[hbm4b:s3+s2] =	stream.linear.scatter @!p1 [tilespmem:s4], [sflag:$0x5], $0x80, $0x38;
	[tilespmem:$0x1F6F8] =	vst v63  }
.LBB3_36:
0x268: {  	v0 =	vld.msk [tilespmem:s6+$0x0], $0x1;
	s0 =	sadd.s32 $0xFFFFFFFF, s0;
	s5 =	sadd.s32 s5, s7  }
0x269: {  	p1 =	sne.s32 s0, $0x0;
	_ =	sdelay $0x3  }
0x26a: {  	(v2sf) =	vpush v0, $0x0;
	_ =	sdelay $0xe  }
.Ltmp34:
0x26b: {  	s2 =	spop (v2sf);
	(pc) =	sbr.rel @p1 .LBB3_36-.Ltmp34, $4  }
0x26c: {  	s7 =	simm.s32 $0x0;
	p2 =	sgt.u32 s2, $0xFFF0  }
0x26d: {  	s4 =	sadd.s32 $0x80, s4;
	s7 =	simm.s32 @!p2 $0x200;
	s3 =	sand.u32 @!p2 $0xFFF8, s2  }
0x26e: {  	s6 =	sadd.s32 $0x1, s6;
	s2 =	sand.u32 @!p2 $0x7, s2;
	s3 =	sadd.s32 @!p2 s1, s3  }
0x26f: {  	[hbm4b:s3+s2] =	stream.linear.scatter @!p2 [tilespmem:s4], [sflag:$0x5], $0x80, $0x38;
	[tilespmem:$0x1F6F8] =	vst v63  }
.LBB3_37:
0x270: {  	s0 =	sadd.s32 s5, s7  }
0x271: {  	s0 =	sshrl.u32 s0, $0x2  }
.LBB3_38:
0x272: {  	s2 =	simm.s32 $0x5  }
0x273: {  	_ =	swait.ge [sflag:s2], s0  }
0x274: {  	s31 =	ssub.s32 $0x0, s0;
	[sflag:s2] =	ssyncset.done $0x0  }
0x275: {  	[sflag:s2] =	ssyncadd.s32 s31  }
0x276: {  	[sflag:s2] =	ssyncpa.u1 $0x1  }
.LBB3_39:
0x277: {  	s0 =	sor.u32 s15, s16  }
0x278: {  	p1 =	sne.s32 s0, $0x0  }
.Ltmp35:
0x279: {  	_ = 	snop;
	(pc) =	sbr.rel @p1 .LBB3_54-.Ltmp35, $3  }
0x27a: {  	_ =	sdelay $0x1  }
0x27b: {  	[bflag:$0x0] =	sbarrier.arrive $0xFFFF  }
0x27c: {  	_ =	sfence  }
0x27d: {  	s0 =	simm.s32 $0x7  }
0x27e: {  	s2 =	simm.s32 $0x1000;
	s3 =	simm.s32 $0xF218;
	[sflag:s0] =	ssyncpa.u1 $0x0  }
0x27f: {  	[tilespmem:s3], [sflag:$0x7] =	stream.linear.gather [spmem:s2], $0x20, $0x38;
	[tilespmem:$0x1F6F8] =	vst v63  }
0x280: {  	s30 =	simm.s32 $0xF238;
	s2 =	simm.s32 $0x0  }
0x281: {  	[tilespmem:s30], [sflag:$0x7] =	stream.linear.gather [spmem:s2], $0x1000, $0x38;
	[tilespmem:$0x1F6F8] =	vst v63  }
.Ltmp36:
0x282: {  	_ = 	snop;
	(pc) =	sbr.rel .LBB3_41-.Ltmp36, $4  }
0x283: {  	_ =	swait.ge [sflag:s0], $0x1020  }
0x284: {  	[sflag:s0] =	ssyncset.done $0x0  }
0x285: {  	s31 =	simm.s32 $0x8;
	[sflag:s0] =	ssyncadd.s32 $0xFFFFEFE0  }
0x286: {  	s3 =	simm.s32 $0x0;
	[sflag:s31] =	ssyncpa.u1 $0x0  }
.LBB3_47:
0x287: {  	p1 =	slt.u32 s4, $0xFFF1  }
0x288: {  	s0 =	sand.u32 @p1 $0xFFF8, s4  }
0x289: {  	s4 =	sand.u32 @p1 $0x7, s4;
	s5 =	simm.s32 @p1 $0xF188;
	s0 =	sadd.s32 @p1 s1, s0  }
0x28a: {  	[tilespmem:s5], [sflag:$0x8] =	stream.linear.gather @p1 [hbm4b:s0+s4], $0x80, $0x38;
	[tilespmem:$0x1F6F8] =	vst v63  }
0x28b: {  	s0 =	simm.s32 @p1 $0x8  }
0x28c: {  	_ =	swait.ge @p1 [sflag:s0], $0x80  }
0x28d: {  	[sflag:s0] =	ssyncset.done @p1 $0x0  }
0x28e: {  	[sflag:s0] =	ssyncadd.s32 @p1 $0xFFFFFF80;
	s0 =	sshll.u32 @p1 s3, $0x9  }
0x28f: {  	s4 =	sshrl.u32 @p1 s0, $0x2;
	v1 =	vld @p1 [tilespmem:$0xF188]  }
0x290: {  	v2 =	vld @p1 [tilespmem:s4+$0xF238];
	_ =	sdelay $0x4  }
0x291: {  	v1 =	vmax.f32 @p1 v1, v2  }
0x292: {  	v2 =	vld @p1 [tilespmem:s4+$0xF248];
	[tilespmem:s4+$0xF238] =	vst @p1 v1  }
0x293: {  	v1 =	vld @p1 [tilespmem:$0xF198];
	_ =	sdelay $0x4  }
0x294: {  	v1 =	vmax.f32 @p1 v1, v2  }
0x295: {  	v2 =	vld @p1 [tilespmem:s4+$0xF258];
	[tilespmem:s4+$0xF248] =	vst @p1 v1  }
0x296: {  	v1 =	vld @p1 [tilespmem:$0xF1A8];
	_ =	sdelay $0x4  }
0x297: {  	v1 =	vmax.f32 @p1 v1, v2  }
0x298: {  	v2 =	vld @p1 [tilespmem:s4+$0xF268];
	[tilespmem:s4+$0xF258] =	vst @p1 v1  }
0x299: {  	v1 =	vld @p1 [tilespmem:$0xF1B8];
	_ =	sdelay $0x4  }
0x29a: {  	v1 =	vmax.f32 @p1 v1, v2  }
0x29b: {  	v2 =	vld @p1 [tilespmem:s4+$0xF278];
	[tilespmem:s4+$0xF268] =	vst @p1 v1  }
0x29c: {  	v1 =	vld @p1 [tilespmem:$0xF1C8];
	_ =	sdelay $0x4  }
0x29d: {  	v1 =	vmax.f32 @p1 v1, v2  }
0x29e: {  	v2 =	vld @p1 [tilespmem:s4+$0xF288];
	[tilespmem:s4+$0xF278] =	vst @p1 v1  }
0x29f: {  	v1 =	vld @p1 [tilespmem:$0xF1D8];
	_ =	sdelay $0x4  }
0x2a0: {  	v1 =	vmax.f32 @p1 v1, v2  }
0x2a1: {  	v2 =	vld @p1 [tilespmem:s4+$0xF298];
	[tilespmem:s4+$0xF288] =	vst @p1 v1  }
0x2a2: {  	v1 =	vld @p1 [tilespmem:$0xF1E8];
	_ =	sdelay $0x4  }
0x2a3: {  	v1 =	vmax.f32 @p1 v1, v2  }
0x2a4: {  	v2 =	vld @p1 [tilespmem:s4+$0xF2A8];
	[tilespmem:s4+$0xF298] =	vst @p1 v1  }
0x2a5: {  	v1 =	vld @p1 [tilespmem:$0xF1F8];
	_ =	sdelay $0x4  }
0x2a6: {  	s5 =	sshll.u32 @!p1 s3, $0x9;
	v1 =	vmax.f32 @p1 v1, v2  }
0x2a7: {  	s5 =	smov.u32 @p1 s0;
	[tilespmem:s4+$0xF2A8] =	vst @p1 v1  }
0x2a8: {  	s0 =	sshrl.u32 s5, $0x2;
	[tilespmem:s2+$0xF218] =	vst.msk $0x1, v0  }
0x2a9: {  	v0 =	vld [tilespmem:s0+$0xF238];
	_ =	sdelay $0x2  }
0x2aa: {  	s31 =	sshll.u32 s2, $0x9  }
0x2ab: {  	s4 =	sshra.s32 s31, $0x2  }
0x2ac: {  	[tilespmem:s4+$0xF238] =	vst v0  }
0x2ad: {  	v0 =	vld [tilespmem:s0+$0xF248];
	_ =	sdelay $0x4  }
0x2ae: {  	[tilespmem:s4+$0xF248] =	vst v0  }
0x2af: {  	v0 =	vld [tilespmem:s0+$0xF258];
	_ =	sdelay $0x4  }
0x2b0: {  	[tilespmem:s4+$0xF258] =	vst v0  }
0x2b1: {  	v0 =	vld [tilespmem:s0+$0xF268];
	_ =	sdelay $0x4  }
0x2b2: {  	[tilespmem:s4+$0xF268] =	vst v0  }
0x2b3: {  	v0 =	vld [tilespmem:s0+$0xF278];
	_ =	sdelay $0x4  }
0x2b4: {  	[tilespmem:s4+$0xF278] =	vst v0  }
0x2b5: {  	v0 =	vld [tilespmem:s0+$0xF288];
	_ =	sdelay $0x4  }
0x2b6: {  	[tilespmem:s4+$0xF288] =	vst v0  }
0x2b7: {  	v0 =	vld [tilespmem:s0+$0xF298];
	_ =	sdelay $0x4  }
0x2b8: {  	[tilespmem:s4+$0xF298] =	vst v0  }
0x2b9: {  	v0 =	vld [tilespmem:s0+$0xF2A8];
	_ =	sdelay $0x4  }
0x2ba: {  	s2 =	sadd.s32 $0x1, s2;
	[tilespmem:s4+$0xF2A8] =	vst v0  }
.LBB3_48:
0x2bb: {  	s3 =	sadd.s32 $0x1, s3  }
0x2bc: {  	p1 =	sne.s32 s3, $0x20  }
.Ltmp37:
0x2bd: {  	_ = 	snop;
	(pc) =	sbr.rel @!p1 .LBB3_49-.Ltmp37, $1  }
0x2be: {  	_ =	sdelay $0x3  }
.LBB3_41:
0x2bf: {  	v0 =	vld.msk [tilespmem:s3+$0xF218], $0x1;
	_ =	sdelay $0x4  }
0x2c0: {  	(v2sf) =	vpush v0, $0x0;
	_ =	sdelay $0xe  }
0x2c1: {  	s4 =	spop (v2sf)  }
0x2c2: {  	p1 =	seq.s32 s4, $0xFFFFFFFF  }
.Ltmp38:
0x2c3: {  	_ = 	snop;
	(pc) =	sbr.rel @p1 .LBB3_48-.Ltmp38, $1  }
0x2c4: {  	_ =	sdelay $0x3  }
0x2c5: {  	p1 =	slt.s32 s2, $0x1  }
.Ltmp39:
0x2c6: {  	_ = 	snop;
	(pc) =	sbr.rel @p1 .LBB3_47-.Ltmp39, $1  }
0x2c7: {  	_ =	sdelay $0x3  }
0x2c8: {  	s5 =	simm.s32 $0xF218;
	p1 =	por $0x0, $0x0  }
0x2c9: {  	v1 =	vld.msk @!p1 [tilespmem:s5+$0x0], $0x1;
	_ =	sdelay $0x4  }
0x2ca: {  	(v2sf) =	vpush @!p1 v1, $0x0;
	_ =	sdelay $0xd  }
0x2cb: {  	p3 =	sne.s32 s2, $0x1  }
.Ltmp40:
0x2cc: {  	s0 =	spop @!p1 (v2sf);
	(pc) =	sbr.rel @!p3 .LBB3_45-.Ltmp40, $4  }
0x2cd: {  	p2 =	seq.s32 @!p1 s4, s0  }
0x2ce: {  	s6 =	simm.s32 $0x0;
	p2 =	por !p2, p1  }
0x2cf: {  	s7 =	simm.s32 $0xFFFFFFFF;
	s6 =	simm.s32 @p2 $0xFFFFFFFF  }
0x2d0: {  	s0 =	simm.s32 $0x1;
	s6 =	smov.u32 @p1 s7  }
.LBB3_44:
0x2d1: {  	s7 =	smov.u32 s6;
	p1 =	sne.s32 s6, $0xFFFFFFFF  }
0x2d2: {  	s5 =	sadd.s32 $0x1, s5;
	s6 =	smov.u32 s0;
	s0 =	sadd.s32 $0x1, s0  }
0x2d3: {  	p2 =	sne.s32 s2, s0;
	v1 =	vld.msk @!p1 [tilespmem:s5+$0x0], $0x1;
	_ =	sdelay $0x4  }
0x2d4: {  	(v2sf) =	vpush @!p1 v1, $0x0;
	_ =	sdelay $0xe  }
.Ltmp41:
0x2d5: {  	s8 =	spop @!p1 (v2sf);
	(pc) =	sbr.rel @p2 .LBB3_44-.Ltmp41, $4  }
0x2d6: {  	p3 =	seq.s32 @!p1 s4, s8  }
0x2d7: {  	p3 =	por !p3, p1  }
0x2d8: {  	s6 =	simm.s32 @p3 $0xFFFFFFFF  }
0x2d9: {  	s6 =	smov.u32 @p1 s7  }
.LBB3_45:
0x2da: {  	p1 =	seq.s32 s6, $0xFFFFFFFF  }
.Ltmp42:
0x2db: {  	_ = 	snop;
	(pc) =	sbr.rel @p1 .LBB3_47-.Ltmp42, $1  }
0x2dc: {  	_ =	sdelay $0x3  }
0x2dd: {  	s0 =	sshll.u32 s3, $0x7  }
0x2de: {  	s4 =	sshll.u32 s6, $0x9;
	s0 =	sand.u32 $0x3FFFFF80, s0  }
0x2df: {  	s4 =	sshra.s32 s4, $0x2;
	v0 =	vld [tilespmem:s0+$0xF238]  }
0x2e0: {  	v1 =	vld [tilespmem:s4+$0xF238];
	_ =	sdelay $0x4  }
0x2e1: {  	v0 =	vmax.f32 v0, v1  }
0x2e2: {  	v57 =	vld [tilespmem:s4+$0xF248];
	[tilespmem:s4+$0xF238] =	vst v0  }
0x2e3: {  	v0 =	vld [tilespmem:s0+$0xF248];
	_ =	sdelay $0x4  }
0x2e4: {  	v0 =	vmax.f32 v0, v57  }
0x2e5: {  	v58 =	vld [tilespmem:s4+$0xF258];
	[tilespmem:s4+$0xF248] =	vst v0  }
0x2e6: {  	v0 =	vld [tilespmem:s0+$0xF258];
	_ =	sdelay $0x4  }
0x2e7: {  	v0 =	vmax.f32 v0, v58  }
0x2e8: {  	v59 =	vld [tilespmem:s4+$0xF268];
	[tilespmem:s4+$0xF258] =	vst v0  }
0x2e9: {  	v0 =	vld [tilespmem:s0+$0xF268];
	_ =	sdelay $0x4  }
0x2ea: {  	v0 =	vmax.f32 v0, v59  }
0x2eb: {  	v60 =	vld [tilespmem:s4+$0xF278];
	[tilespmem:s4+$0xF268] =	vst v0  }
0x2ec: {  	v0 =	vld [tilespmem:s0+$0xF278];
	_ =	sdelay $0x4  }
0x2ed: {  	v0 =	vmax.f32 v0, v60  }
0x2ee: {  	v61 =	vld [tilespmem:s4+$0xF288];
	[tilespmem:s4+$0xF278] =	vst v0  }
0x2ef: {  	v0 =	vld [tilespmem:s0+$0xF288];
	_ =	sdelay $0x4  }
0x2f0: {  	v0 =	vmax.f32 v0, v61  }
0x2f1: {  	v62 =	vld [tilespmem:s4+$0xF298];
	[tilespmem:s4+$0xF288] =	vst v0  }
0x2f2: {  	v0 =	vld [tilespmem:s0+$0xF298];
	_ =	sdelay $0x4  }
0x2f3: {  	v0 =	vmax.f32 v0, v62  }
0x2f4: {  	v63 =	vld [tilespmem:s4+$0xF2A8];
	[tilespmem:s4+$0xF298] =	vst v0  }
0x2f5: {  	v0 =	vld [tilespmem:s0+$0xF2A8];
	_ =	sdelay $0x1  }
.Ltmp43:
0x2f6: {  	_ = 	snop;
	(pc) =	sbr.rel .LBB3_48-.Ltmp43, $3  }
0x2f7: {  	_ =	sdelay $0x1  }
0x2f8: {  	v0 =	vmax.f32 v0, v63  }
0x2f9: {  	[tilespmem:s4+$0xF2A8] =	vst v0  }
.LBB3_49:
0x2fa: {  	p1 =	slt.s32 s2, $0x1  }
.Ltmp44:
0x2fb: {  	_ = 	snop;
	(pc) =	sbr.rel @p1 .LBB3_53-.Ltmp44, $3  }
0x2fc: {  	_ =	sdelay $0x1  }
0x2fd: {  	s0 =	simm.s32 $0x8  }
0x2fe: {  	s3 =	simm.s32 $0x0;
	[sflag:s0] =	ssyncpa.u1 $0x1  }
0x2ff: {  	s0 =	simm.s32 $0xF218  }
0x300: {  	v0 =	vld.msk [tilespmem:s0+$0x0], $0x1;
	_ =	sdelay $0x4  }
0x301: {  	(v2sf) =	vpush v0, $0x0;
	_ =	sdelay $0xe  }
0x302: {  	s0 =	sadd.s32 $0xFFFFFFFF, s2;
	s5 =	spop (v2sf)  }
0x303: {  	p2 =	sne.s32 s0, $0x0;
	p1 =	sgt.u32 s5, $0xFFF0  }
.Ltmp45:
0x304: {  	s6 =	sand.u32 @!p1 $0xFFF8, s5;
	(pc) =	sbr.rel @!p2 .LBB3_52-.Ltmp45, $4  }
0x305: {  	s4 =	simm.s32 $0xF238;
	s5 =	sand.u32 @!p1 $0x7, s5;
	s2 =	sadd.s32 @!p1 s1, s6  }
0x306: {  	[hbm4b:s2+s5] =	stream.linear.scatter @!p1 [tilespmem:s4], [sflag:$0x7], $0x80, $0x38;
	[tilespmem:$0x1F6F8] =	vst v63  }
0x307: {  	s5 =	simm.s32 $0x0  }
0x308: {  	s2 =	simm.s32 $0xF219;
	s5 =	simm.s32 @!p1 $0x200  }
.LBB3_51:
0x309: {  	v0 =	vld.msk [tilespmem:s2+$0x0], $0x1;
	s0 =	sadd.s32 $0xFFFFFFFF, s0;
	s3 =	sadd.s32 s3, s5  }
0x30a: {  	p1 =	sne.s32 s0, $0x0;
	_ =	sdelay $0x3  }
0x30b: {  	(v2sf) =	vpush v0, $0x0;
	_ =	sdelay $0xe  }
.Ltmp46:
0x30c: {  	s6 =	spop (v2sf);
	(pc) =	sbr.rel @p1 .LBB3_51-.Ltmp46, $4  }
0x30d: {  	s5 =	simm.s32 $0x0;
	p2 =	sgt.u32 s6, $0xFFF0  }
0x30e: {  	s4 =	sadd.s32 $0x80, s4;
	s5 =	simm.s32 @!p2 $0x200;
	s7 =	sand.u32 @!p2 $0xFFF8, s6  }
0x30f: {  	s2 =	sadd.s32 $0x1, s2;
	s6 =	sand.u32 @!p2 $0x7, s6;
	s7 =	sadd.s32 @!p2 s1, s7  }
0x310: {  	[hbm4b:s7+s6] =	stream.linear.scatter @!p2 [tilespmem:s4], [sflag:$0x7], $0x80, $0x38;
	[tilespmem:$0x1F6F8] =	vst v63  }
.LBB3_52:
0x311: {  	s0 =	sadd.s32 s3, s5  }
0x312: {  	s3 =	sshrl.u32 s0, $0x2  }
.LBB3_53:
0x313: {  	s0 =	simm.s32 $0x7  }
0x314: {  	_ =	swait.ge [sflag:s0], s3  }
0x315: {  	s1 =	ssub.s32 $0x0, s3;
	[sflag:s0] =	ssyncset.done $0x0  }
0x316: {  	[sflag:s0] =	ssyncadd.s32 s1  }
0x317: {  	[sflag:s0] =	ssyncpa.u1 $0x1  }
.LBB3_54:
0x318: {  	_ =	sfence;
	s0 =	simm.s32 $0x1  }
0x319: {  	[sflag:s0] =	ssyncpa.u1 $0x1  }
0x31a: {  	_ =	strace $0x9000004A  }
0x31b: {  	[bflag:$0x2] =	sbarrier.arrive $0xFFFF  }
0x31c: {  	s0 =	rddreg [dreg:$0x3]  }
0x31d: {  	s0 =	sadd.s32 @!p0 $0x100000, s0  }
0x31e: {  	[sflag:s0] =	ssyncadd.tile.s32 @!p0 $0x1;
	_ =	shalt  }
.Lfunc_end3:
_tile_overlayer_lowered:
.L_overlay_start_3:
0x31f: {  	(tag) =	ssettag $0x3  }
0x320: {  	s0 =	rddreg [dreg:$0x0];
	s2 =	stileid.u32  }
0x321: {  	s1 =	rddreg [dreg:$0x1];
	p0 =	sne.s32 s2, $0x0  }
0x322: {  	s3 =	rddreg [dreg:$0x2];
	[bflag:$0x3] =	sbarrier.arrive $0xFFFF;
	s2 =	simm.s32 @!p0 $0x1C01  }
0x323: {  	[timem:s3], [sflag:s2] =	dma.local @!p0 [hbm:s0], s1  }
0x324: {  	s0 =	simm.s32 @!p0 $0x1  }
0x325: {  	_ =	swait.ge @!p0 [sflag:s0], s1  }
0x326: {  	s1 =	ssub.s32 @!p0 $0x0, s1;
	[sflag:s0] =	ssyncset.done @!p0 $0x0  }
0x327: {  	[sflag:s0] =	ssyncadd.s32 @!p0 s1  }
0x328: {  	[bflag:$0x3] =	sbarrier.arrive $0xFFFF  }
0x329: {  	_ =	shalt  }

</sc_bundles>
